<compile_context>
chip_gen: v7x
topology: tpu7x:2x2x1
jax: 0.10.2.dev20260603
libtpu: 0.0.44.dev20260713+nightly
codegen_flags: <defaults>
</compile_context>

<pallas_src>
import functools

import jax
import jax.numpy as jnp
from jax import lax
from jax.experimental import pallas as pl
from jax.experimental.pallas import tpu as pltpu
from jax.experimental.pallas import tpu_sc as plsc

_EPS = 1e-5
_NC = 2
_NS = 16
_NW = _NC * _NS
_K = 80


def _sc_mesh():
    return plsc.VectorSubcoreMesh(core_axis_name="c", subcore_axis_name="s")


def _sc_degree(dst3, ones_blk, zeros_blk, n):
    j = dst3.shape[1]
    d = ones_blk.shape[1]
    rows = n // _NS

    @functools.partial(
        pl.kernel,
        mesh=_sc_mesh(),
        out_type=jax.ShapeDtypeStruct((_NC, _NS, rows, d), jnp.float32),
        scratch_types=[
            pltpu.VMEM((j, _K), jnp.int32),
            pltpu.VMEM((_K, d), jnp.float32),
            pltpu.VMEM_SHARED((n, d), jnp.float32),
            pltpu.SemaphoreType.DMA,
        ],
    )
    def k(dst_hbm, ones_hbm, z_hbm, out_hbm, dst_v, ones_v, acc_sh, sem):
        c = lax.axis_index("c")
        s = lax.axis_index("s")
        wid = c * _NS + s
        pltpu.sync_copy(z_hbm, acc_sh.at[pl.ds(s * rows, rows)])
        pltpu.sync_copy(dst_hbm.at[wid], dst_v)
        pltpu.sync_copy(ones_hbm, ones_v)
        plsc.subcore_barrier()

        def body(i, carry):
            pltpu.async_copy(ones_v, acc_sh.at[dst_v.at[i]], sem, add=True)
            return carry

        lax.fori_loop(0, j, body, 0)

        def drain(i, carry):
            pltpu.make_async_copy(ones_v, acc_sh.at[dst_v.at[i]], sem).wait()
            return carry

        lax.fori_loop(0, j, drain, 0)
        plsc.subcore_barrier()
        pltpu.sync_copy(acc_sh.at[pl.ds(s * rows, rows)], out_hbm.at[c, s])

    return k(dst3, ones_blk, zeros_blk).reshape(_NC, n, d)


def _sc_scatter(table, src3, dst3, zeros_blk):
    n, d = table.shape
    j = src3.shape[1]
    kk = src3.shape[2]
    phb = 32
    rows = n // _NS
    nb = 4

    @functools.partial(
        pl.kernel,
        mesh=_sc_mesh(),
        out_type=jax.ShapeDtypeStruct((_NC, _NS, rows, d), jnp.float32),
        scratch_types=[
            pltpu.VMEM((phb, kk), jnp.int32),
            pltpu.VMEM((phb, kk), jnp.int32),
            pltpu.VMEM((nb, kk, d), jnp.float32),
            pltpu.VMEM_SHARED((n, d), jnp.float32),
            pltpu.SemaphoreType.DMA,
            pltpu.SemaphoreType.DMA,
            pltpu.SemaphoreType.DMA,
            pltpu.SemaphoreType.DMA,
            pltpu.SemaphoreType.DMA,
        ],
    )
    def k(tab_hbm, src_hbm, dst_hbm, z_hbm, out_hbm,
          src_v, dst_v, rows_v, acc_sh, sg0, sg1, sg2, sg3, sem_s):
        c = lax.axis_index("c")
        s = lax.axis_index("s")
        wid = c * _NS + s
        sg = (sg0, sg1, sg2, sg3)
        pltpu.sync_copy(z_hbm, acc_sh.at[pl.ds(s * rows, rows)])
        plsc.subcore_barrier()

        def chunk(i, b, cnt):
            pltpu.make_async_copy(tab_hbm.at[src_v.at[i]],
                                  rows_v.at[b], sg[b]).wait()
            pltpu.async_copy(rows_v.at[b], acc_sh.at[dst_v.at[i]], sem_s,
                             add=True)

            @pl.when(i + 2 < cnt)
            def _():
                b2 = (b + 2) % nb

                @pl.when(i >= 2)
                def _():
                    pltpu.make_async_copy(rows_v.at[b2],
                                          acc_sh.at[dst_v.at[i]],
                                          sem_s).wait()
                pltpu.async_copy(tab_hbm.at[src_v.at[i + 2]],
                                 rows_v.at[b2], sg[b2])

        base = 0
        while base < j:
            cnt = min(phb, j - base)
            pltpu.sync_copy(src_hbm.at[wid, pl.ds(base, cnt)],
                            src_v.at[pl.ds(0, cnt)])
            pltpu.sync_copy(dst_hbm.at[wid, pl.ds(base, cnt)],
                            dst_v.at[pl.ds(0, cnt)])
            pltpu.async_copy(tab_hbm.at[src_v.at[0]], rows_v.at[0], sg0)
            pltpu.async_copy(tab_hbm.at[src_v.at[1]], rows_v.at[1], sg1)

            def body(i4, carry):
                for b in range(nb):
                    i = i4 * nb + b

                    @pl.when(i < cnt)
                    def _():
                        chunk(i, b, cnt)
                return carry

            lax.fori_loop(0, (cnt + nb - 1) // nb, body, 0)

            def drain(i, carry):
                pltpu.make_async_copy(rows_v.at[0], acc_sh.at[dst_v.at[0]],
                                      sem_s).wait()
                return carry

            lax.fori_loop(0, nb, drain, 0)
            base += phb

        plsc.subcore_barrier()
        pltpu.sync_copy(acc_sh.at[pl.ds(s * rows, rows)], out_hbm.at[c, s])

    return k(table, src3, dst3, zeros_blk).reshape(_NC, n, d)


def _dinv(deg_ref):
    deg = deg_ref[0, :, 0:1] + deg_ref[1, :, 0:1] + 1.0
    return lax.rsqrt(deg)


def _tc_scale_mm(x, w, degp):
    def body(x_ref, w_ref, deg_ref, o_ref):
        o_ref[...] = jnp.dot(x_ref[...], w_ref[...],
                             preferred_element_type=jnp.float32) * _dinv(deg_ref)

    return pl.pallas_call(
        body,
        out_shape=jax.ShapeDtypeStruct((x.shape[0], w.shape[1]), jnp.float32),
    )(x, w, degp)


def _tc_mid(accp, g1, degp, b1, gamma, beta, w2):
    n = g1.shape[0]

    def body(acc_ref, g_ref, deg_ref, b_ref, ga_ref, be_ref, w_ref, o_ref):
        dinv = _dinv(deg_ref)
        m = (acc_ref[0] + acc_ref[1] + g_ref[...]) * dinv + b_ref[...]
        mean = jnp.mean(m, axis=0, keepdims=True)
        cen = m - mean
        var = jnp.mean(cen * cen, axis=0, keepdims=True)
        xn = cen * lax.rsqrt(var + _EPS) * ga_ref[...] + be_ref[...]
        xr = jnp.maximum(xn, 0.0)
        o_ref[...] = jnp.dot(xr, w_ref[...],
                             preferred_element_type=jnp.float32) * dinv

    return pl.pallas_call(
        body,
        out_shape=jax.ShapeDtypeStruct((n, w2.shape[1]), jnp.float32),
    )(accp, g1, degp, b1, gamma, beta, w2)


def _tc_final(accp, g2, degp, b2, d_out):
    n = g2.shape[0]

    def body(acc_ref, g_ref, deg_ref, b_ref, o_ref):
        acc = acc_ref[0, :, :d_out] + acc_ref[1, :, :d_out] + g_ref[:, :d_out]
        o_ref[...] = acc * _dinv(deg_ref) + b_ref[...]

    return pl.pallas_call(
        body,
        out_shape=jax.ShapeDtypeStruct((n, d_out), jnp.float32),
    )(accp, g2, degp, b2)


def kernel(x, edge_index, W1, b1, gamma, beta, W2, b2):
    n, d_in = x.shape
    e = edge_index.shape[1]
    d_hid = W1.shape[1]
    d_out = W2.shape[1]
    j = e // (_NW * _K)
    rows = n // _NS

    src3 = edge_index[0].reshape(_NW, j, _K)
    dst3 = edge_index[1].reshape(_NW, j, _K)
    ones_blk = jnp.ones((_K, d_hid), jnp.float32)
    zh = jnp.zeros((rows, d_hid), jnp.float32)

    w2p = jnp.pad(W2, ((0, 0), (0, d_hid - d_out)))

    degp = _sc_degree(dst3, ones_blk, zh, n)[:, :, :16]
    g1 = _tc_scale_mm(x, W1, degp)
    acc1 = _sc_scatter(g1, src3, dst3, zh)
    g2 = _tc_mid(acc1, g1, degp, b1.reshape(1, -1), gamma.reshape(1, -1),
                 beta.reshape(1, -1), w2p)
    acc2 = _sc_scatter(g2, src3, dst3, zh)
    return _tc_final(acc2, g2, degp, b2.reshape(1, -1), d_out)

# --- scband reference (transcript-rebuilt; emitter-appended) ---
"""Pipeline reference for scband-gnnencoder-31421980737623 (READ-ONLY COPY).

The authoritative reference and input builder live on the scoring server;
editing this copy changes nothing except your own understanding.
"""

import jax, jax.numpy as jnp
import numpy as np

N = 10000
E = 320000
D_IN = 128
D_HID = 128
D_OUT = 64
EPS = 1e-5


def gcn_conv(x, W, b, src, dst, n):
    # PyG GCNConv: add self-loops, symmetric normalization, scatter-add aggregate
    h = x @ W
    loop = jnp.arange(n, dtype=src.dtype)
    src_a = jnp.concatenate([src, loop])
    dst_a = jnp.concatenate([dst, loop])
    deg = jax.ops.segment_sum(jnp.ones(src_a.shape[0], dtype=x.dtype), dst_a, num_segments=n)
    dinv = jnp.where(deg > 0, deg ** -0.5, 0.0)
    norm = dinv[src_a] * dinv[dst_a]
    msg = h[src_a] * norm[:, None]
    out = jax.ops.segment_sum(msg, dst_a, num_segments=n)
    return out + b


def setup_inputs(seed: int = 0) -> dict:
    key = jax.random.key(seed)
    ks = jax.random.split(key, 8)
    x = jax.random.normal(ks[0], (N, D_IN), dtype=jnp.float32)
    edge_index = jax.random.randint(ks[1], (2, E), 0, N, dtype=jnp.int32)
    W1 = jax.random.normal(ks[2], (D_IN, D_HID), dtype=jnp.float32) * (1.0 / np.sqrt(D_IN))
    b1 = jnp.zeros((D_HID,), dtype=jnp.float32)
    gamma = jnp.ones((D_HID,), dtype=jnp.float32)
    beta = jnp.zeros((D_HID,), dtype=jnp.float32)
    W2 = jax.random.normal(ks[3], (D_HID, D_OUT), dtype=jnp.float32) * (1.0 / np.sqrt(D_HID))
    b2 = jnp.zeros((D_OUT,), dtype=jnp.float32)
    return {"x": x, "edge_index": edge_index, "W1": W1, "b1": b1,
            "gamma": gamma, "beta": beta, "W2": W2, "b2": b2}


def reference(x, edge_index, W1, b1, gamma, beta, W2, b2):
    src = edge_index[0]
    dst = edge_index[1]
    n = x.shape[0]
    # layer 1: GCNConv -> BatchNorm1d (batch stats) -> ReLU (dropout = identity in eval)
    h = gcn_conv(x, W1, b1, src, dst, n)
    mean = jnp.mean(h, axis=0)
    var = jnp.var(h, axis=0)
    h = (h - mean) / jnp.sqrt(var + EPS) * gamma + beta
    h = jax.nn.relu(h)
    # layer 2: GCNConv (no BN/act on final layer)
    out = gcn_conv(h, W2, b2, src, dst, n)
    return out

if __name__ == "__main__":
    import jax
    _d = setup_inputs()
    print(jax.jit(kernel)(*tuple(_d.values())))

</pallas_src>

<mosaic_0001>
#map = affine_map<(d0, d1) -> (0, 0)>
#map1 = affine_map<(d0, d1) -> (0, 0, 0)>
#map2 = affine_map<(d0, d1) -> (0, 0, 0, 0)>
module attributes {stable_mosaic.version = 14 : i64} {
  func.func @k(%arg0: i32, %arg1: i32, %arg2: memref<10000x128xf32, #tpu.memory_space<hbm>>, %arg3: memref<32x125x80xi32, #tpu.memory_space<hbm>>, %arg4: memref<32x125x80xi32, #tpu.memory_space<hbm>>, %arg5: memref<625x128xf32, #tpu.memory_space<hbm>>, %arg6: memref<2x16x625x128xf32, #tpu.memory_space<hbm>>, %arg7: memref<32x80xi32, #tpu.memory_space<vmem>>, %arg8: memref<32x80xi32, #tpu.memory_space<vmem>>, %arg9: memref<4x80x128xf32, #tpu.memory_space<vmem>>, %arg10: memref<10000x128xf32, #tpu.memory_space<vmem_shared>>, %arg11: memref<!tpu.dma_semaphore, #tpu.memory_space<semaphore_mem>>, %arg12: memref<!tpu.dma_semaphore, #tpu.memory_space<semaphore_mem>>, %arg13: memref<!tpu.dma_semaphore, #tpu.memory_space<semaphore_mem>>, %arg14: memref<!tpu.dma_semaphore, #tpu.memory_space<semaphore_mem>>, %arg15: memref<!tpu.dma_semaphore, #tpu.memory_space<semaphore_mem>>) attributes {dimension_semantics = [#tpu.dimension_semantics<core_parallel>, #tpu.dimension_semantics<subcore_parallel>], iteration_bounds = array<i64: 2, 16>, scalar_prefetch = 0 : i64, scratch_operands = 9 : i64, tpu.core_type = #tpu.core_type<sc_vector_subcore>, window_params = [{transform_indices = #map}, {transform_indices = #map1}, {transform_indices = #map1}, {transform_indices = #map}, {transform_indices = #map2}]} {
    %mul3A = arith.constant 16 : i32
    %mul3A_0 = arith.muli %arg0, %mul3A : i32
    %add3A = arith.addi %mul3A_0, %arg1 : i32
    %mul3A_1 = arith.constant 625 : i32
    %mul3A_2 = arith.muli %arg1, %mul3A_1 : i32
    "tpu.region"() ({
      %run_scoped3A = tpu.sem_alloc : memref<!tpu.dma_semaphore, #tpu.memory_space<semaphore_mem>>
      %dma_start3A_148 = arith.constant 0 : i32
      %dma_start3A_149 = tpu.memref_slice %arg10[%mul3A_2, %dma_start3A_148] : memref<10000x128xf32, #tpu.memory_space<vmem_shared>> -> memref<625x128xf32, #tpu.memory_space<vmem_shared>>
      tpu.enqueue_dma source(%arg5 : memref<625x128xf32, #tpu.memory_space<hbm>>) target(%dma_start3A_149 : memref<625x128xf32, #tpu.memory_space<vmem_shared>>) target_semaphore(%run_scoped3A : memref<!tpu.dma_semaphore, #tpu.memory_space<semaphore_mem>>)
      %dma_wait3A = arith.constant 0 : i32
      %dma_wait3A_150 = tpu.memref_slice %arg10[%mul3A_2, %dma_wait3A] : memref<10000x128xf32, #tpu.memory_space<vmem_shared>> -> memref<625x128xf32, #tpu.memory_space<vmem_shared>>
      tpu.wait_dma2 semaphore(%run_scoped3A : memref<!tpu.dma_semaphore, #tpu.memory_space<semaphore_mem>>) src(%arg5 : memref<625x128xf32, #tpu.memory_space<hbm>>) dst(%dma_wait3A_150 : memref<625x128xf32, #tpu.memory_space<vmem_shared>>)
      tpu.yield
    }) : () -> ()
    %barrier3A = arith.constant 0 : index
    tpu.barrier barrier_id(%barrier3A)
    "tpu.region"() ({
      %run_scoped3A = tpu.sem_alloc : memref<!tpu.dma_semaphore, #tpu.memory_space<semaphore_mem>>
      %dma_start3A_148 = arith.constant 0 : i32
      %dma_start3A_149 = arith.constant 0 : i32
      %dma_start3A_150 = tpu.memref_slice %arg7[%dma_start3A_148, %dma_start3A_149] : memref<32x80xi32, #tpu.memory_space<vmem>> -> memref<32x80xi32, #tpu.memory_space<vmem>>
      %dma_start3A_151 = arith.constant 0 : i32
      %dma_start3A_152 = arith.constant 0 : i32
      %dma_start3A_153 = tpu.memref_slice %arg3[%add3A, %dma_start3A_151, %dma_start3A_152] : memref<32x125x80xi32, #tpu.memory_space<hbm>> -> memref<1x32x80xi32, #tpu.memory_space<hbm>>
      %dma_start3A_154 = tpu.memref_squeeze %dma_start3A_153 : memref<1x32x80xi32, #tpu.memory_space<hbm>> -> memref<32x80xi32, #tpu.memory_space<hbm>>
      %dma_start3A_155 = arith.constant 0 : i32
      %dma_start3A_156 = arith.constant 0 : i32
      %dma_start3A_157 = tpu.memref_slice %arg7[%dma_start3A_155, %dma_start3A_156] : memref<32x80xi32, #tpu.memory_space<vmem>> -> memref<32x80xi32, #tpu.memory_space<vmem>>
      %dma_start3A_158 = arith.constant 0 : i32
      %dma_start3A_159 = arith.constant 0 : i32
      %dma_start3A_160 = tpu.memref_slice %arg3[%add3A, %dma_start3A_158, %dma_start3A_159] : memref<32x125x80xi32, #tpu.memory_space<hbm>> -> memref<1x32x80xi32, #tpu.memory_space<hbm>>
      %dma_start3A_161 = tpu.memref_squeeze %dma_start3A_160 : memref<1x32x80xi32, #tpu.memory_space<hbm>> -> memref<32x80xi32, #tpu.memory_space<hbm>>
      tpu.enqueue_dma source(%dma_start3A_161 : memref<32x80xi32, #tpu.memory_space<hbm>>) target(%dma_start3A_157 : memref<32x80xi32, #tpu.memory_space<vmem>>) target_semaphore(%run_scoped3A : memref<!tpu.dma_semaphore, #tpu.memory_space<semaphore_mem>>)
      %dma_wait3A = arith.constant 0 : i32
      %dma_wait3A_162 = arith.constant 0 : i32
      %dma_wait3A_163 = tpu.memref_slice %arg7[%dma_wait3A, %dma_wait3A_162] : memref<32x80xi32, #tpu.memory_space<vmem>> -> memref<32x80xi32, #tpu.memory_space<vmem>>
      %dma_wait3A_164 = arith.constant 0 : i32
      %dma_wait3A_165 = arith.constant 0 : i32
      %dma_wait3A_166 = tpu.memref_slice %arg3[%add3A, %dma_wait3A_164, %dma_wait3A_165] : memref<32x125x80xi32, #tpu.memory_space<hbm>> -> memref<1x32x80xi32, #tpu.memory_space<hbm>>
      %dma_wait3A_167 = tpu.memref_squeeze %dma_wait3A_166 : memref<1x32x80xi32, #tpu.memory_space<hbm>> -> memref<32x80xi32, #tpu.memory_space<hbm>>
      %dma_wait3A_168 = arith.constant 0 : i32
      %dma_wait3A_169 = arith.constant 0 : i32
      %dma_wait3A_170 = tpu.memref_slice %arg7[%dma_wait3A_168, %dma_wait3A_169] : memref<32x80xi32, #tpu.memory_space<vmem>> -> memref<32x80xi32, #tpu.memory_space<vmem>>
      %dma_wait3A_171 = arith.constant 0 : i32
      %dma_wait3A_172 = arith.constant 0 : i32
      %dma_wait3A_173 = tpu.memref_slice %arg3[%add3A, %dma_wait3A_171, %dma_wait3A_172] : memref<32x125x80xi32, #tpu.memory_space<hbm>> -> memref<1x32x80xi32, #tpu.memory_space<hbm>>
      %dma_wait3A_174 = tpu.memref_squeeze %dma_wait3A_173 : memref<1x32x80xi32, #tpu.memory_space<hbm>> -> memref<32x80xi32, #tpu.memory_space<hbm>>
      tpu.wait_dma2 semaphore(%run_scoped3A : memref<!tpu.dma_semaphore, #tpu.memory_space<semaphore_mem>>) src(%dma_wait3A_174 : memref<32x80xi32, #tpu.memory_space<hbm>>) dst(%dma_wait3A_170 : memref<32x80xi32, #tpu.memory_space<vmem>>)
      tpu.yield
    }) : () -> ()
    "tpu.region"() ({
      %run_scoped3A = tpu.sem_alloc : memref<!tpu.dma_semaphore, #tpu.memory_space<semaphore_mem>>
      %dma_start3A_148 = arith.constant 0 : i32
      %dma_start3A_149 = arith.constant 0 : i32
      %dma_start3A_150 = tpu.memref_slice %arg8[%dma_start3A_148, %dma_start3A_149] : memref<32x80xi32, #tpu.memory_space<vmem>> -> memref<32x80xi32, #tpu.memory_space<vmem>>
      %dma_start3A_151 = arith.constant 0 : i32
      %dma_start3A_152 = arith.constant 0 : i32
      %dma_start3A_153 = tpu.memref_slice %arg4[%add3A, %dma_start3A_151, %dma_start3A_152] : memref<32x125x80xi32, #tpu.memory_space<hbm>> -> memref<1x32x80xi32, #tpu.memory_space<hbm>>
      %dma_start3A_154 = tpu.memref_squeeze %dma_start3A_153 : memref<1x32x80xi32, #tpu.memory_space<hbm>> -> memref<32x80xi32, #tpu.memory_space<hbm>>
      %dma_start3A_155 = arith.constant 0 : i32
      %dma_start3A_156 = arith.constant 0 : i32
      %dma_start3A_157 = tpu.memref_slice %arg8[%dma_start3A_155, %dma_start3A_156] : memref<32x80xi32, #tpu.memory_space<vmem>> -> memref<32x80xi32, #tpu.memory_space<vmem>>
      %dma_start3A_158 = arith.constant 0 : i32
      %dma_start3A_159 = arith.constant 0 : i32
      %dma_start3A_160 = tpu.memref_slice %arg4[%add3A, %dma_start3A_158, %dma_start3A_159] : memref<32x125x80xi32, #tpu.memory_space<hbm>> -> memref<1x32x80xi32, #tpu.memory_space<hbm>>
      %dma_start3A_161 = tpu.memref_squeeze %dma_start3A_160 : memref<1x32x80xi32, #tpu.memory_space<hbm>> -> memref<32x80xi32, #tpu.memory_space<hbm>>
      tpu.enqueue_dma source(%dma_start3A_161 : memref<32x80xi32, #tpu.memory_space<hbm>>) target(%dma_start3A_157 : memref<32x80xi32, #tpu.memory_space<vmem>>) target_semaphore(%run_scoped3A : memref<!tpu.dma_semaphore, #tpu.memory_space<semaphore_mem>>)
      %dma_wait3A = arith.constant 0 : i32
      %dma_wait3A_162 = arith.constant 0 : i32
      %dma_wait3A_163 = tpu.memref_slice %arg8[%dma_wait3A, %dma_wait3A_162] : memref<32x80xi32, #tpu.memory_space<vmem>> -> memref<32x80xi32, #tpu.memory_space<vmem>>
      %dma_wait3A_164 = arith.constant 0 : i32
      %dma_wait3A_165 = arith.constant 0 : i32
      %dma_wait3A_166 = tpu.memref_slice %arg4[%add3A, %dma_wait3A_164, %dma_wait3A_165] : memref<32x125x80xi32, #tpu.memory_space<hbm>> -> memref<1x32x80xi32, #tpu.memory_space<hbm>>
      %dma_wait3A_167 = tpu.memref_squeeze %dma_wait3A_166 : memref<1x32x80xi32, #tpu.memory_space<hbm>> -> memref<32x80xi32, #tpu.memory_space<hbm>>
      %dma_wait3A_168 = arith.constant 0 : i32
      %dma_wait3A_169 = arith.constant 0 : i32
      %dma_wait3A_170 = tpu.memref_slice %arg8[%dma_wait3A_168, %dma_wait3A_169] : memref<32x80xi32, #tpu.memory_space<vmem>> -> memref<32x80xi32, #tpu.memory_space<vmem>>
      %dma_wait3A_171 = arith.constant 0 : i32
      %dma_wait3A_172 = arith.constant 0 : i32
      %dma_wait3A_173 = tpu.memref_slice %arg4[%add3A, %dma_wait3A_171, %dma_wait3A_172] : memref<32x125x80xi32, #tpu.memory_space<hbm>> -> memref<1x32x80xi32, #tpu.memory_space<hbm>>
      %dma_wait3A_174 = tpu.memref_squeeze %dma_wait3A_173 : memref<1x32x80xi32, #tpu.memory_space<hbm>> -> memref<32x80xi32, #tpu.memory_space<hbm>>
      tpu.wait_dma2 semaphore(%run_scoped3A : memref<!tpu.dma_semaphore, #tpu.memory_space<semaphore_mem>>) src(%dma_wait3A_174 : memref<32x80xi32, #tpu.memory_space<hbm>>) dst(%dma_wait3A_170 : memref<32x80xi32, #tpu.memory_space<vmem>>)
      tpu.yield
    }) : () -> ()
    %dma_start3A = arith.constant 0 : i32
    %dma_start3A_3 = arith.constant 0 : i32
    %dma_start3A_4 = arith.constant 0 : i32
    %dma_start3A_5 = arith.constant 0 : i32
    %dma_start3A_6 = tpu.memref_slice %arg9[%dma_start3A_3, %dma_start3A_4, %dma_start3A_5] : memref<4x80x128xf32, #tpu.memory_space<vmem>> -> memref<1x80x128xf32, #tpu.memory_space<vmem>>
    %dma_start3A_7 = tpu.memref_squeeze %dma_start3A_6 : memref<1x80x128xf32, #tpu.memory_space<vmem>> -> memref<80x128xf32, #tpu.memory_space<vmem>>
    %dma_start3A_8 = arith.constant 0 : i32
    %dma_start3A_9 = tpu.memref_slice %arg7[%dma_start3A, %dma_start3A_8] : memref<32x80xi32, #tpu.memory_space<vmem>> -> memref<1x80xi32, #tpu.memory_space<vmem>>
    %dma_start3A_10 = tpu.memref_squeeze %dma_start3A_9 : memref<1x80xi32, #tpu.memory_space<vmem>> -> memref<80xi32, #tpu.memory_space<vmem>>
    %dma_start3A_11 = arith.constant 0 : i32
    %dma_start3A_12 = arith.constant 0 : i32
    %dma_start3A_13 = tpu.memref_slice %arg2[%dma_start3A_11, %dma_start3A_12] : memref<10000x128xf32, #tpu.memory_space<hbm>> -> memref<10000x128xf32, #tpu.memory_space<hbm>>
    tpu.enqueue_indirect_dma source(%dma_start3A_13 : memref<10000x128xf32, #tpu.memory_space<hbm>>) target(%dma_start3A_7 : memref<80x128xf32, #tpu.memory_space<vmem>>) offsets(%dma_start3A_10 : memref<80xi32, #tpu.memory_space<vmem>>) semaphore(%arg11 : memref<!tpu.dma_semaphore, #tpu.memory_space<semaphore_mem>>)
    %dma_start3A_14 = arith.constant 1 : i32
    %dma_start3A_15 = arith.constant 1 : i32
    %dma_start3A_16 = arith.constant 0 : i32
    %dma_start3A_17 = arith.constant 0 : i32
    %dma_start3A_18 = tpu.memref_slice %arg9[%dma_start3A_15, %dma_start3A_16, %dma_start3A_17] : memref<4x80x128xf32, #tpu.memory_space<vmem>> -> memref<1x80x128xf32, #tpu.memory_space<vmem>>
    %dma_start3A_19 = tpu.memref_squeeze %dma_start3A_18 : memref<1x80x128xf32, #tpu.memory_space<vmem>> -> memref<80x128xf32, #tpu.memory_space<vmem>>
    %dma_start3A_20 = arith.constant 0 : i32
    %dma_start3A_21 = tpu.memref_slice %arg7[%dma_start3A_14, %dma_start3A_20] : memref<32x80xi32, #tpu.memory_space<vmem>> -> memref<1x80xi32, #tpu.memory_space<vmem>>
    %dma_start3A_22 = tpu.memref_squeeze %dma_start3A_21 : memref<1x80xi32, #tpu.memory_space<vmem>> -> memref<80xi32, #tpu.memory_space<vmem>>
    %dma_start3A_23 = arith.constant 0 : i32
    %dma_start3A_24 = arith.constant 0 : i32
    %dma_start3A_25 = tpu.memref_slice %arg2[%dma_start3A_23, %dma_start3A_24] : memref<10000x128xf32, #tpu.memory_space<hbm>> -> memref<10000x128xf32, #tpu.memory_space<hbm>>
    tpu.enqueue_indirect_dma source(%dma_start3A_25 : memref<10000x128xf32, #tpu.memory_space<hbm>>) target(%dma_start3A_19 : memref<80x128xf32, #tpu.memory_space<vmem>>) offsets(%dma_start3A_22 : memref<80xi32, #tpu.memory_space<vmem>>) semaphore(%arg12 : memref<!tpu.dma_semaphore, #tpu.memory_space<semaphore_mem>>)
    %scan3A = arith.constant 0 : i32
    %scan3A_26 = arith.constant 0 : i32
    %scan3A_27 = arith.constant 8 : i32
    %scan3A_28 = arith.addi %scan3A_26, %scan3A_27 : i32
    %scan3A_29 = arith.constant 1 : i32
    scf.for %scan3A_148 = %scan3A_26 to %scan3A_28 step %scan3A_29  : i32 {
      %mul3A_149 = arith.constant 4 : i32
      %mul3A_150 = arith.muli %scan3A_148, %mul3A_149 : i32
      %add3A_151 = arith.constant 0 : i32
      %add3A_152 = arith.addi %mul3A_150, %add3A_151 : i32
      %lt3A = arith.constant 32 : i32
      %lt3A_153 = arith.cmpi slt, %add3A_152, %lt3A : i32
      %convert_element_type3A = arith.extui %lt3A_153 : i1 to i32
      %cond3A = arith.constant 0 : i32
      %cond3A_154 = arith.cmpi ne, %convert_element_type3A, %cond3A : i32
      scf.if %cond3A_154 {
        %dma_wait3A = arith.constant 0 : i32
        %dma_wait3A_182 = arith.constant 0 : i32
        %dma_wait3A_183 = arith.constant 0 : i32
        %dma_wait3A_184 = tpu.memref_slice %arg9[%dma_wait3A, %dma_wait3A_182, %dma_wait3A_183] : memref<4x80x128xf32, #tpu.memory_space<vmem>> -> memref<1x80x128xf32, #tpu.memory_space<vmem>>
        %dma_wait3A_185 = tpu.memref_squeeze %dma_wait3A_184 : memref<1x80x128xf32, #tpu.memory_space<vmem>> -> memref<80x128xf32, #tpu.memory_space<vmem>>
        %dma_wait3A_186 = arith.constant 0 : i32
        %dma_wait3A_187 = tpu.memref_slice %arg7[%add3A_152, %dma_wait3A_186] : memref<32x80xi32, #tpu.memory_space<vmem>> -> memref<1x80xi32, #tpu.memory_space<vmem>>
        %dma_wait3A_188 = tpu.memref_squeeze %dma_wait3A_187 : memref<1x80xi32, #tpu.memory_space<vmem>> -> memref<80xi32, #tpu.memory_space<vmem>>
        %dma_wait3A_189 = arith.constant 0 : i32
        %dma_wait3A_190 = arith.constant 0 : i32
        %dma_wait3A_191 = tpu.memref_slice %arg2[%dma_wait3A_189, %dma_wait3A_190] : memref<10000x128xf32, #tpu.memory_space<hbm>> -> memref<10000x128xf32, #tpu.memory_space<hbm>>
        tpu.wait_indirect_dma semaphore(%arg11 : memref<!tpu.dma_semaphore, #tpu.memory_space<semaphore_mem>>) src(%dma_wait3A_191 : memref<10000x128xf32, #tpu.memory_space<hbm>>) dst(%dma_wait3A_185 : memref<80x128xf32, #tpu.memory_space<vmem>>)
        %dma_start3A_192 = arith.constant 0 : i32
        %dma_start3A_193 = arith.constant 0 : i32
        %dma_start3A_194 = arith.constant 0 : i32
        %dma_start3A_195 = tpu.memref_slice %arg9[%dma_start3A_192, %dma_start3A_193, %dma_start3A_194] : memref<4x80x128xf32, #tpu.memory_space<vmem>> -> memref<1x80x128xf32, #tpu.memory_space<vmem>>
        %dma_start3A_196 = tpu.memref_squeeze %dma_start3A_195 : memref<1x80x128xf32, #tpu.memory_space<vmem>> -> memref<80x128xf32, #tpu.memory_space<vmem>>
        %dma_start3A_197 = arith.constant 0 : i32
        %dma_start3A_198 = tpu.memref_slice %arg8[%add3A_152, %dma_start3A_197] : memref<32x80xi32, #tpu.memory_space<vmem>> -> memref<1x80xi32, #tpu.memory_space<vmem>>
        %dma_start3A_199 = tpu.memref_squeeze %dma_start3A_198 : memref<1x80xi32, #tpu.memory_space<vmem>> -> memref<80xi32, #tpu.memory_space<vmem>>
        %dma_start3A_200 = arith.constant 0 : i32
        %dma_start3A_201 = arith.constant 0 : i32
        %dma_start3A_202 = tpu.memref_slice %arg10[%dma_start3A_200, %dma_start3A_201] : memref<10000x128xf32, #tpu.memory_space<vmem_shared>> -> memref<10000x128xf32, #tpu.memory_space<vmem_shared>>
        tpu.enqueue_indirect_dma source(%dma_start3A_196 : memref<80x128xf32, #tpu.memory_space<vmem>>) target(%dma_start3A_202 : memref<10000x128xf32, #tpu.memory_space<vmem_shared>>) offsets(%dma_start3A_199 : memref<80xi32, #tpu.memory_space<vmem>>) semaphore(%arg15 : memref<!tpu.dma_semaphore, #tpu.memory_space<semaphore_mem>>) {add = true}
        %add3A_203 = arith.constant 2 : i32
        %add3A_204 = arith.addi %add3A_152, %add3A_203 : i32
        %lt3A_205 = arith.constant 32 : i32
        %lt3A_206 = arith.cmpi slt, %add3A_204, %lt3A_205 : i32
        %convert_element_type3A_207 = arith.extui %lt3A_206 : i1 to i32
        %cond3A_208 = arith.constant 0 : i32
        %cond3A_209 = arith.cmpi ne, %convert_element_type3A_207, %cond3A_208 : i32
        scf.if %cond3A_209 {
          %ge3A = arith.constant 2 : i32
          %ge3A_210 = arith.cmpi sge, %add3A_152, %ge3A : i32
          %convert_element_type3A_211 = arith.extui %ge3A_210 : i1 to i32
          %cond3A_212 = arith.constant 0 : i32
          %cond3A_213 = arith.cmpi ne, %convert_element_type3A_211, %cond3A_212 : i32
          scf.if %cond3A_213 {
            %dma_wait3A_227 = arith.constant 2 : i32
            %dma_wait3A_228 = arith.constant 0 : i32
            %dma_wait3A_229 = arith.constant 0 : i32
            %dma_wait3A_230 = tpu.memref_slice %arg9[%dma_wait3A_227, %dma_wait3A_228, %dma_wait3A_229] : memref<4x80x128xf32, #tpu.memory_space<vmem>> -> memref<1x80x128xf32, #tpu.memory_space<vmem>>
            %dma_wait3A_231 = tpu.memref_squeeze %dma_wait3A_230 : memref<1x80x128xf32, #tpu.memory_space<vmem>> -> memref<80x128xf32, #tpu.memory_space<vmem>>
            %dma_wait3A_232 = arith.constant 0 : i32
            %dma_wait3A_233 = tpu.memref_slice %arg8[%add3A_152, %dma_wait3A_232] : memref<32x80xi32, #tpu.memory_space<vmem>> -> memref<1x80xi32, #tpu.memory_space<vmem>>
            %dma_wait3A_234 = tpu.memref_squeeze %dma_wait3A_233 : memref<1x80xi32, #tpu.memory_space<vmem>> -> memref<80xi32, #tpu.memory_space<vmem>>
            %dma_wait3A_235 = arith.constant 0 : i32
            %dma_wait3A_236 = arith.constant 0 : i32
            %dma_wait3A_237 = tpu.memref_slice %arg10[%dma_wait3A_235, %dma_wait3A_236] : memref<10000x128xf32, #tpu.memory_space<vmem_shared>> -> memref<10000x128xf32, #tpu.memory_space<vmem_shared>>
            tpu.wait_indirect_dma semaphore(%arg15 : memref<!tpu.dma_semaphore, #tpu.memory_space<semaphore_mem>>) src(%dma_wait3A_231 : memref<80x128xf32, #tpu.memory_space<vmem>>) dst(%dma_wait3A_237 : memref<10000x128xf32, #tpu.memory_space<vmem_shared>>)
          } else {
          }
          %add3A_214 = arith.constant 2 : i32
          %add3A_215 = arith.addi %add3A_152, %add3A_214 : i32
          %dma_start3A_216 = arith.constant 2 : i32
          %dma_start3A_217 = arith.constant 0 : i32
          %dma_start3A_218 = arith.constant 0 : i32
          %dma_start3A_219 = tpu.memref_slice %arg9[%dma_start3A_216, %dma_start3A_217, %dma_start3A_218] : memref<4x80x128xf32, #tpu.memory_space<vmem>> -> memref<1x80x128xf32, #tpu.memory_space<vmem>>
          %dma_start3A_220 = tpu.memref_squeeze %dma_start3A_219 : memref<1x80x128xf32, #tpu.memory_space<vmem>> -> memref<80x128xf32, #tpu.memory_space<vmem>>
          %dma_start3A_221 = arith.constant 0 : i32
          %dma_start3A_222 = tpu.memref_slice %arg7[%add3A_215, %dma_start3A_221] : memref<32x80xi32, #tpu.memory_space<vmem>> -> memref<1x80xi32, #tpu.memory_space<vmem>>
          %dma_start3A_223 = tpu.memref_squeeze %dma_start3A_222 : memref<1x80xi32, #tpu.memory_space<vmem>> -> memref<80xi32, #tpu.memory_space<vmem>>
          %dma_start3A_224 = arith.constant 0 : i32
          %dma_start3A_225 = arith.constant 0 : i32
          %dma_start3A_226 = tpu.memref_slice %arg2[%dma_start3A_224, %dma_start3A_225] : memref<10000x128xf32, #tpu.memory_space<hbm>> -> memref<10000x128xf32, #tpu.memory_space<hbm>>
          tpu.enqueue_indirect_dma source(%dma_start3A_226 : memref<10000x128xf32, #tpu.memory_space<hbm>>) target(%dma_start3A_220 : memref<80x128xf32, #tpu.memory_space<vmem>>) offsets(%dma_start3A_223 : memref<80xi32, #tpu.memory_space<vmem>>) semaphore(%arg13 : memref<!tpu.dma_semaphore, #tpu.memory_space<semaphore_mem>>)
        } else {
        }
      } else {
      }
      %mul3A_155 = arith.constant 4 : i32
      %mul3A_156 = arith.muli %scan3A_148, %mul3A_155 : i32
      %add3A_157 = arith.constant 1 : i32
      %add3A_158 = arith.addi %mul3A_156, %add3A_157 : i32
      %lt3A_159 = arith.constant 32 : i32
      %lt3A_160 = arith.cmpi slt, %add3A_158, %lt3A_159 : i32
      %convert_element_type3A_161 = arith.extui %lt3A_160 : i1 to i32
      %cond3A_162 = arith.constant 0 : i32
      %cond3A_163 = arith.cmpi ne, %convert_element_type3A_161, %cond3A_162 : i32
      scf.if %cond3A_163 {
        %dma_wait3A = arith.constant 1 : i32
        %dma_wait3A_182 = arith.constant 0 : i32
        %dma_wait3A_183 = arith.constant 0 : i32
        %dma_wait3A_184 = tpu.memref_slice %arg9[%dma_wait3A, %dma_wait3A_182, %dma_wait3A_183] : memref<4x80x128xf32, #tpu.memory_space<vmem>> -> memref<1x80x128xf32, #tpu.memory_space<vmem>>
        %dma_wait3A_185 = tpu.memref_squeeze %dma_wait3A_184 : memref<1x80x128xf32, #tpu.memory_space<vmem>> -> memref<80x128xf32, #tpu.memory_space<vmem>>
        %dma_wait3A_186 = arith.constant 0 : i32
        %dma_wait3A_187 = tpu.memref_slice %arg7[%add3A_158, %dma_wait3A_186] : memref<32x80xi32, #tpu.memory_space<vmem>> -> memref<1x80xi32, #tpu.memory_space<vmem>>
        %dma_wait3A_188 = tpu.memref_squeeze %dma_wait3A_187 : memref<1x80xi32, #tpu.memory_space<vmem>> -> memref<80xi32, #tpu.memory_space<vmem>>
        %dma_wait3A_189 = arith.constant 0 : i32
        %dma_wait3A_190 = arith.constant 0 : i32
        %dma_wait3A_191 = tpu.memref_slice %arg2[%dma_wait3A_189, %dma_wait3A_190] : memref<10000x128xf32, #tpu.memory_space<hbm>> -> memref<10000x128xf32, #tpu.memory_space<hbm>>
        tpu.wait_indirect_dma semaphore(%arg12 : memref<!tpu.dma_semaphore, #tpu.memory_space<semaphore_mem>>) src(%dma_wait3A_191 : memref<10000x128xf32, #tpu.memory_space<hbm>>) dst(%dma_wait3A_185 : memref<80x128xf32, #tpu.memory_space<vmem>>)
        %dma_start3A_192 = arith.constant 1 : i32
        %dma_start3A_193 = arith.constant 0 : i32
        %dma_start3A_194 = arith.constant 0 : i32
        %dma_start3A_195 = tpu.memref_slice %arg9[%dma_start3A_192, %dma_start3A_193, %dma_start3A_194] : memref<4x80x128xf32, #tpu.memory_space<vmem>> -> memref<1x80x128xf32, #tpu.memory_space<vmem>>
        %dma_start3A_196 = tpu.memref_squeeze %dma_start3A_195 : memref<1x80x128xf32, #tpu.memory_space<vmem>> -> memref<80x128xf32, #tpu.memory_space<vmem>>
        %dma_start3A_197 = arith.constant 0 : i32
        %dma_start3A_198 = tpu.memref_slice %arg8[%add3A_158, %dma_start3A_197] : memref<32x80xi32, #tpu.memory_space<vmem>> -> memref<1x80xi32, #tpu.memory_space<vmem>>
        %dma_start3A_199 = tpu.memref_squeeze %dma_start3A_198 : memref<1x80xi32, #tpu.memory_space<vmem>> -> memref<80xi32, #tpu.memory_space<vmem>>
        %dma_start3A_200 = arith.constant 0 : i32
        %dma_start3A_201 = arith.constant 0 : i32
        %dma_start3A_202 = tpu.memref_slice %arg10[%dma_start3A_200, %dma_start3A_201] : memref<10000x128xf32, #tpu.memory_space<vmem_shared>> -> memref<10000x128xf32, #tpu.memory_space<vmem_shared>>
        tpu.enqueue_indirect_dma source(%dma_start3A_196 : memref<80x128xf32, #tpu.memory_space<vmem>>) target(%dma_start3A_202 : memref<10000x128xf32, #tpu.memory_space<vmem_shared>>) offsets(%dma_start3A_199 : memref<80xi32, #tpu.memory_space<vmem>>) semaphore(%arg15 : memref<!tpu.dma_semaphore, #tpu.memory_space<semaphore_mem>>) {add = true}
        %add3A_203 = arith.constant 2 : i32
        %add3A_204 = arith.addi %add3A_158, %add3A_203 : i32
        %lt3A_205 = arith.constant 32 : i32
        %lt3A_206 = arith.cmpi slt, %add3A_204, %lt3A_205 : i32
        %convert_element_type3A_207 = arith.extui %lt3A_206 : i1 to i32
        %cond3A_208 = arith.constant 0 : i32
        %cond3A_209 = arith.cmpi ne, %convert_element_type3A_207, %cond3A_208 : i32
        scf.if %cond3A_209 {
          %ge3A = arith.constant 2 : i32
          %ge3A_210 = arith.cmpi sge, %add3A_158, %ge3A : i32
          %convert_element_type3A_211 = arith.extui %ge3A_210 : i1 to i32
          %cond3A_212 = arith.constant 0 : i32
          %cond3A_213 = arith.cmpi ne, %convert_element_type3A_211, %cond3A_212 : i32
          scf.if %cond3A_213 {
            %dma_wait3A_227 = arith.constant 3 : i32
            %dma_wait3A_228 = arith.constant 0 : i32
            %dma_wait3A_229 = arith.constant 0 : i32
            %dma_wait3A_230 = tpu.memref_slice %arg9[%dma_wait3A_227, %dma_wait3A_228, %dma_wait3A_229] : memref<4x80x128xf32, #tpu.memory_space<vmem>> -> memref<1x80x128xf32, #tpu.memory_space<vmem>>
            %dma_wait3A_231 = tpu.memref_squeeze %dma_wait3A_230 : memref<1x80x128xf32, #tpu.memory_space<vmem>> -> memref<80x128xf32, #tpu.memory_space<vmem>>
            %dma_wait3A_232 = arith.constant 0 : i32
            %dma_wait3A_233 = tpu.memref_slice %arg8[%add3A_158, %dma_wait3A_232] : memref<32x80xi32, #tpu.memory_space<vmem>> -> memref<1x80xi32, #tpu.memory_space<vmem>>
            %dma_wait3A_234 = tpu.memref_squeeze %dma_wait3A_233 : memref<1x80xi32, #tpu.memory_space<vmem>> -> memref<80xi32, #tpu.memory_space<vmem>>
            %dma_wait3A_235 = arith.constant 0 : i32
            %dma_wait3A_236 = arith.constant 0 : i32
            %dma_wait3A_237 = tpu.memref_slice %arg10[%dma_wait3A_235, %dma_wait3A_236] : memref<10000x128xf32, #tpu.memory_space<vmem_shared>> -> memref<10000x128xf32, #tpu.memory_space<vmem_shared>>
            tpu.wait_indirect_dma semaphore(%arg15 : memref<!tpu.dma_semaphore, #tpu.memory_space<semaphore_mem>>) src(%dma_wait3A_231 : memref<80x128xf32, #tpu.memory_space<vmem>>) dst(%dma_wait3A_237 : memref<10000x128xf32, #tpu.memory_space<vmem_shared>>)
          } else {
          }
          %add3A_214 = arith.constant 2 : i32
          %add3A_215 = arith.addi %add3A_158, %add3A_214 : i32
          %dma_start3A_216 = arith.constant 3 : i32
          %dma_start3A_217 = arith.constant 0 : i32
          %dma_start3A_218 = arith.constant 0 : i32
          %dma_start3A_219 = tpu.memref_slice %arg9[%dma_start3A_216, %dma_start3A_217, %dma_start3A_218] : memref<4x80x128xf32, #tpu.memory_space<vmem>> -> memref<1x80x128xf32, #tpu.memory_space<vmem>>
          %dma_start3A_220 = tpu.memref_squeeze %dma_start3A_219 : memref<1x80x128xf32, #tpu.memory_space<vmem>> -> memref<80x128xf32, #tpu.memory_space<vmem>>
          %dma_start3A_221 = arith.constant 0 : i32
          %dma_start3A_222 = tpu.memref_slice %arg7[%add3A_215, %dma_start3A_221] : memref<32x80xi32, #tpu.memory_space<vmem>> -> memref<1x80xi32, #tpu.memory_space<vmem>>
          %dma_start3A_223 = tpu.memref_squeeze %dma_start3A_222 : memref<1x80xi32, #tpu.memory_space<vmem>> -> memref<80xi32, #tpu.memory_space<vmem>>
          %dma_start3A_224 = arith.constant 0 : i32
          %dma_start3A_225 = arith.constant 0 : i32
          %dma_start3A_226 = tpu.memref_slice %arg2[%dma_start3A_224, %dma_start3A_225] : memref<10000x128xf32, #tpu.memory_space<hbm>> -> memref<10000x128xf32, #tpu.memory_space<hbm>>
          tpu.enqueue_indirect_dma source(%dma_start3A_226 : memref<10000x128xf32, #tpu.memory_space<hbm>>) target(%dma_start3A_220 : memref<80x128xf32, #tpu.memory_space<vmem>>) offsets(%dma_start3A_223 : memref<80xi32, #tpu.memory_space<vmem>>) semaphore(%arg14 : memref<!tpu.dma_semaphore, #tpu.memory_space<semaphore_mem>>)
        } else {
        }
      } else {
      }
      %mul3A_164 = arith.constant 4 : i32
      %mul3A_165 = arith.muli %scan3A_148, %mul3A_164 : i32
      %add3A_166 = arith.constant 2 : i32
      %add3A_167 = arith.addi %mul3A_165, %add3A_166 : i32
      %lt3A_168 = arith.constant 32 : i32
      %lt3A_169 = arith.cmpi slt, %add3A_167, %lt3A_168 : i32
      %convert_element_type3A_170 = arith.extui %lt3A_169 : i1 to i32
      %cond3A_171 = arith.constant 0 : i32
      %cond3A_172 = arith.cmpi ne, %convert_element_type3A_170, %cond3A_171 : i32
      scf.if %cond3A_172 {
        %dma_wait3A = arith.constant 2 : i32
        %dma_wait3A_182 = arith.constant 0 : i32
        %dma_wait3A_183 = arith.constant 0 : i32
        %dma_wait3A_184 = tpu.memref_slice %arg9[%dma_wait3A, %dma_wait3A_182, %dma_wait3A_183] : memref<4x80x128xf32, #tpu.memory_space<vmem>> -> memref<1x80x128xf32, #tpu.memory_space<vmem>>
        %dma_wait3A_185 = tpu.memref_squeeze %dma_wait3A_184 : memref<1x80x128xf32, #tpu.memory_space<vmem>> -> memref<80x128xf32, #tpu.memory_space<vmem>>
        %dma_wait3A_186 = arith.constant 0 : i32
        %dma_wait3A_187 = tpu.memref_slice %arg7[%add3A_167, %dma_wait3A_186] : memref<32x80xi32, #tpu.memory_space<vmem>> -> memref<1x80xi32, #tpu.memory_space<vmem>>
        %dma_wait3A_188 = tpu.memref_squeeze %dma_wait3A_187 : memref<1x80xi32, #tpu.memory_space<vmem>> -> memref<80xi32, #tpu.memory_space<vmem>>
        %dma_wait3A_189 = arith.constant 0 : i32
        %dma_wait3A_190 = arith.constant 0 : i32
        %dma_wait3A_191 = tpu.memref_slice %arg2[%dma_wait3A_189, %dma_wait3A_190] : memref<10000x128xf32, #tpu.memory_space<hbm>> -> memref<10000x128xf32, #tpu.memory_space<hbm>>
        tpu.wait_indirect_dma semaphore(%arg13 : memref<!tpu.dma_semaphore, #tpu.memory_space<semaphore_mem>>) src(%dma_wait3A_191 : memref<10000x128xf32, #tpu.memory_space<hbm>>) dst(%dma_wait3A_185 : memref<80x128xf32, #tpu.memory_space<vmem>>)
        %dma_start3A_192 = arith.constant 2 : i32
        %dma_start3A_193 = arith.constant 0 : i32
        %dma_start3A_194 = arith.constant 0 : i32
        %dma_start3A_195 = tpu.memref_slice %arg9[%dma_start3A_192, %dma_start3A_193, %dma_start3A_194] : memref<4x80x128xf32, #tpu.memory_space<vmem>> -> memref<1x80x128xf32, #tpu.memory_space<vmem>>
        %dma_start3A_196 = tpu.memref_squeeze %dma_start3A_195 : memref<1x80x128xf32, #tpu.memory_space<vmem>> -> memref<80x128xf32, #tpu.memory_space<vmem>>
        %dma_start3A_197 = arith.constant 0 : i32
        %dma_start3A_198 = tpu.memref_slice %arg8[%add3A_167, %dma_start3A_197] : memref<32x80xi32, #tpu.memory_space<vmem>> -> memref<1x80xi32, #tpu.memory_space<vmem>>
        %dma_start3A_199 = tpu.memref_squeeze %dma_start3A_198 : memref<1x80xi32, #tpu.memory_space<vmem>> -> memref<80xi32, #tpu.memory_space<vmem>>
        %dma_start3A_200 = arith.constant 0 : i32
        %dma_start3A_201 = arith.constant 0 : i32
        %dma_start3A_202 = tpu.memref_slice %arg10[%dma_start3A_200, %dma_start3A_201] : memref<10000x128xf32, #tpu.memory_space<vmem_shared>> -> memref<10000x128xf32, #tpu.memory_space<vmem_shared>>
        tpu.enqueue_indirect_dma source(%dma_start3A_196 : memref<80x128xf32, #tpu.memory_space<vmem>>) target(%dma_start3A_202 : memref<10000x128xf32, #tpu.memory_space<vmem_shared>>) offsets(%dma_start3A_199 : memref<80xi32, #tpu.memory_space<vmem>>) semaphore(%arg15 : memref<!tpu.dma_semaphore, #tpu.memory_space<semaphore_mem>>) {add = true}
        %add3A_203 = arith.constant 2 : i32
        %add3A_204 = arith.addi %add3A_167, %add3A_203 : i32
        %lt3A_205 = arith.constant 32 : i32
        %lt3A_206 = arith.cmpi slt, %add3A_204, %lt3A_205 : i32
        %convert_element_type3A_207 = arith.extui %lt3A_206 : i1 to i32
        %cond3A_208 = arith.constant 0 : i32
        %cond3A_209 = arith.cmpi ne, %convert_element_type3A_207, %cond3A_208 : i32
        scf.if %cond3A_209 {
          %ge3A = arith.constant 2 : i32
          %ge3A_210 = arith.cmpi sge, %add3A_167, %ge3A : i32
          %convert_element_type3A_211 = arith.extui %ge3A_210 : i1 to i32
          %cond3A_212 = arith.constant 0 : i32
          %cond3A_213 = arith.cmpi ne, %convert_element_type3A_211, %cond3A_212 : i32
          scf.if %cond3A_213 {
            %dma_wait3A_227 = arith.constant 0 : i32
            %dma_wait3A_228 = arith.constant 0 : i32
            %dma_wait3A_229 = arith.constant 0 : i32
            %dma_wait3A_230 = tpu.memref_slice %arg9[%dma_wait3A_227, %dma_wait3A_228, %dma_wait3A_229] : memref<4x80x128xf32, #tpu.memory_space<vmem>> -> memref<1x80x128xf32, #tpu.memory_space<vmem>>
            %dma_wait3A_231 = tpu.memref_squeeze %dma_wait3A_230 : memref<1x80x128xf32, #tpu.memory_space<vmem>> -> memref<80x128xf32, #tpu.memory_space<vmem>>
            %dma_wait3A_232 = arith.constant 0 : i32
            %dma_wait3A_233 = tpu.memref_slice %arg8[%add3A_167, %dma_wait3A_232] : memref<32x80xi32, #tpu.memory_space<vmem>> -> memref<1x80xi32, #tpu.memory_space<vmem>>
            %dma_wait3A_234 = tpu.memref_squeeze %dma_wait3A_233 : memref<1x80xi32, #tpu.memory_space<vmem>> -> memref<80xi32, #tpu.memory_space<vmem>>
            %dma_wait3A_235 = arith.constant 0 : i32
            %dma_wait3A_236 = arith.constant 0 : i32
            %dma_wait3A_237 = tpu.memref_slice %arg10[%dma_wait3A_235, %dma_wait3A_236] : memref<10000x128xf32, #tpu.memory_space<vmem_shared>> -> memref<10000x128xf32, #tpu.memory_space<vmem_shared>>
            tpu.wait_indirect_dma semaphore(%arg15 : memref<!tpu.dma_semaphore, #tpu.memory_space<semaphore_mem>>) src(%dma_wait3A_231 : memref<80x128xf32, #tpu.memory_space<vmem>>) dst(%dma_wait3A_237 : memref<10000x128xf32, #tpu.memory_space<vmem_shared>>)
          } else {
          }
          %add3A_214 = arith.constant 2 : i32
          %add3A_215 = arith.addi %add3A_167, %add3A_214 : i32
          %dma_start3A_216 = arith.constant 0 : i32
          %dma_start3A_217 = arith.constant 0 : i32
          %dma_start3A_218 = arith.constant 0 : i32
          %dma_start3A_219 = tpu.memref_slice %arg9[%dma_start3A_216, %dma_start3A_217, %dma_start3A_218] : memref<4x80x128xf32, #tpu.memory_space<vmem>> -> memref<1x80x128xf32, #tpu.memory_space<vmem>>
          %dma_start3A_220 = tpu.memref_squeeze %dma_start3A_219 : memref<1x80x128xf32, #tpu.memory_space<vmem>> -> memref<80x128xf32, #tpu.memory_space<vmem>>
          %dma_start3A_221 = arith.constant 0 : i32
          %dma_start3A_222 = tpu.memref_slice %arg7[%add3A_215, %dma_start3A_221] : memref<32x80xi32, #tpu.memory_space<vmem>> -> memref<1x80xi32, #tpu.memory_space<vmem>>
          %dma_start3A_223 = tpu.memref_squeeze %dma_start3A_222 : memref<1x80xi32, #tpu.memory_space<vmem>> -> memref<80xi32, #tpu.memory_space<vmem>>
          %dma_start3A_224 = arith.constant 0 : i32
          %dma_start3A_225 = arith.constant 0 : i32
          %dma_start3A_226 = tpu.memref_slice %arg2[%dma_start3A_224, %dma_start3A_225] : memref<10000x128xf32, #tpu.memory_space<hbm>> -> memref<10000x128xf32, #tpu.memory_space<hbm>>
          tpu.enqueue_indirect_dma source(%dma_start3A_226 : memref<10000x128xf32, #tpu.memory_space<hbm>>) target(%dma_start3A_220 : memref<80x128xf32, #tpu.memory_space<vmem>>) offsets(%dma_start3A_223 : memref<80xi32, #tpu.memory_space<vmem>>) semaphore(%arg11 : memref<!tpu.dma_semaphore, #tpu.memory_space<semaphore_mem>>)
        } else {
        }
      } else {
      }
      %mul3A_173 = arith.constant 4 : i32
      %mul3A_174 = arith.muli %scan3A_148, %mul3A_173 : i32
      %add3A_175 = arith.constant 3 : i32
      %add3A_176 = arith.addi %mul3A_174, %add3A_175 : i32
      %lt3A_177 = arith.constant 32 : i32
      %lt3A_178 = arith.cmpi slt, %add3A_176, %lt3A_177 : i32
      %convert_element_type3A_179 = arith.extui %lt3A_178 : i1 to i32
      %cond3A_180 = arith.constant 0 : i32
      %cond3A_181 = arith.cmpi ne, %convert_element_type3A_179, %cond3A_180 : i32
      scf.if %cond3A_181 {
        %dma_wait3A = arith.constant 3 : i32
        %dma_wait3A_182 = arith.constant 0 : i32
        %dma_wait3A_183 = arith.constant 0 : i32
        %dma_wait3A_184 = tpu.memref_slice %arg9[%dma_wait3A, %dma_wait3A_182, %dma_wait3A_183] : memref<4x80x128xf32, #tpu.memory_space<vmem>> -> memref<1x80x128xf32, #tpu.memory_space<vmem>>
        %dma_wait3A_185 = tpu.memref_squeeze %dma_wait3A_184 : memref<1x80x128xf32, #tpu.memory_space<vmem>> -> memref<80x128xf32, #tpu.memory_space<vmem>>
        %dma_wait3A_186 = arith.constant 0 : i32
        %dma_wait3A_187 = tpu.memref_slice %arg7[%add3A_176, %dma_wait3A_186] : memref<32x80xi32, #tpu.memory_space<vmem>> -> memref<1x80xi32, #tpu.memory_space<vmem>>
        %dma_wait3A_188 = tpu.memref_squeeze %dma_wait3A_187 : memref<1x80xi32, #tpu.memory_space<vmem>> -> memref<80xi32, #tpu.memory_space<vmem>>
        %dma_wait3A_189 = arith.constant 0 : i32
        %dma_wait3A_190 = arith.constant 0 : i32
        %dma_wait3A_191 = tpu.memref_slice %arg2[%dma_wait3A_189, %dma_wait3A_190] : memref<10000x128xf32, #tpu.memory_space<hbm>> -> memref<10000x128xf32, #tpu.memory_space<hbm>>
        tpu.wait_indirect_dma semaphore(%arg14 : memref<!tpu.dma_semaphore, #tpu.memory_space<semaphore_mem>>) src(%dma_wait3A_191 : memref<10000x128xf32, #tpu.memory_space<hbm>>) dst(%dma_wait3A_185 : memref<80x128xf32, #tpu.memory_space<vmem>>)
        %dma_start3A_192 = arith.constant 3 : i32
        %dma_start3A_193 = arith.constant 0 : i32
        %dma_start3A_194 = arith.constant 0 : i32
        %dma_start3A_195 = tpu.memref_slice %arg9[%dma_start3A_192, %dma_start3A_193, %dma_start3A_194] : memref<4x80x128xf32, #tpu.memory_space<vmem>> -> memref<1x80x128xf32, #tpu.memory_space<vmem>>
        %dma_start3A_196 = tpu.memref_squeeze %dma_start3A_195 : memref<1x80x128xf32, #tpu.memory_space<vmem>> -> memref<80x128xf32, #tpu.memory_space<vmem>>
        %dma_start3A_197 = arith.constant 0 : i32
        %dma_start3A_198 = tpu.memref_slice %arg8[%add3A_176, %dma_start3A_197] : memref<32x80xi32, #tpu.memory_space<vmem>> -> memref<1x80xi32, #tpu.memory_space<vmem>>
        %dma_start3A_199 = tpu.memref_squeeze %dma_start3A_198 : memref<1x80xi32, #tpu.memory_space<vmem>> -> memref<80xi32, #tpu.memory_space<vmem>>
        %dma_start3A_200 = arith.constant 0 : i32
        %dma_start3A_201 = arith.constant 0 : i32
        %dma_start3A_202 = tpu.memref_slice %arg10[%dma_start3A_200, %dma_start3A_201] : memref<10000x128xf32, #tpu.memory_space<vmem_shared>> -> memref<10000x128xf32, #tpu.memory_space<vmem_shared>>
        tpu.enqueue_indirect_dma source(%dma_start3A_196 : memref<80x128xf32, #tpu.memory_space<vmem>>) target(%dma_start3A_202 : memref<10000x128xf32, #tpu.memory_space<vmem_shared>>) offsets(%dma_start3A_199 : memref<80xi32, #tpu.memory_space<vmem>>) semaphore(%arg15 : memref<!tpu.dma_semaphore, #tpu.memory_space<semaphore_mem>>) {add = true}
        %add3A_203 = arith.constant 2 : i32
        %add3A_204 = arith.addi %add3A_176, %add3A_203 : i32
        %lt3A_205 = arith.constant 32 : i32
        %lt3A_206 = arith.cmpi slt, %add3A_204, %lt3A_205 : i32
        %convert_element_type3A_207 = arith.extui %lt3A_206 : i1 to i32
        %cond3A_208 = arith.constant 0 : i32
        %cond3A_209 = arith.cmpi ne, %convert_element_type3A_207, %cond3A_208 : i32
        scf.if %cond3A_209 {
          %ge3A = arith.constant 2 : i32
          %ge3A_210 = arith.cmpi sge, %add3A_176, %ge3A : i32
          %convert_element_type3A_211 = arith.extui %ge3A_210 : i1 to i32
          %cond3A_212 = arith.constant 0 : i32
          %cond3A_213 = arith.cmpi ne, %convert_element_type3A_211, %cond3A_212 : i32
          scf.if %cond3A_213 {
            %dma_wait3A_227 = arith.constant 1 : i32
            %dma_wait3A_228 = arith.constant 0 : i32
            %dma_wait3A_229 = arith.constant 0 : i32
            %dma_wait3A_230 = tpu.memref_slice %arg9[%dma_wait3A_227, %dma_wait3A_228, %dma_wait3A_229] : memref<4x80x128xf32, #tpu.memory_space<vmem>> -> memref<1x80x128xf32, #tpu.memory_space<vmem>>
            %dma_wait3A_231 = tpu.memref_squeeze %dma_wait3A_230 : memref<1x80x128xf32, #tpu.memory_space<vmem>> -> memref<80x128xf32, #tpu.memory_space<vmem>>
            %dma_wait3A_232 = arith.constant 0 : i32
            %dma_wait3A_233 = tpu.memref_slice %arg8[%add3A_176, %dma_wait3A_232] : memref<32x80xi32, #tpu.memory_space<vmem>> -> memref<1x80xi32, #tpu.memory_space<vmem>>
            %dma_wait3A_234 = tpu.memref_squeeze %dma_wait3A_233 : memref<1x80xi32, #tpu.memory_space<vmem>> -> memref<80xi32, #tpu.memory_space<vmem>>
            %dma_wait3A_235 = arith.constant 0 : i32
            %dma_wait3A_236 = arith.constant 0 : i32
            %dma_wait3A_237 = tpu.memref_slice %arg10[%dma_wait3A_235, %dma_wait3A_236] : memref<10000x128xf32, #tpu.memory_space<vmem_shared>> -> memref<10000x128xf32, #tpu.memory_space<vmem_shared>>
            tpu.wait_indirect_dma semaphore(%arg15 : memref<!tpu.dma_semaphore, #tpu.memory_space<semaphore_mem>>) src(%dma_wait3A_231 : memref<80x128xf32, #tpu.memory_space<vmem>>) dst(%dma_wait3A_237 : memref<10000x128xf32, #tpu.memory_space<vmem_shared>>)
          } else {
          }
          %add3A_214 = arith.constant 2 : i32
          %add3A_215 = arith.addi %add3A_176, %add3A_214 : i32
          %dma_start3A_216 = arith.constant 1 : i32
          %dma_start3A_217 = arith.constant 0 : i32
          %dma_start3A_218 = arith.constant 0 : i32
          %dma_start3A_219 = tpu.memref_slice %arg9[%dma_start3A_216, %dma_start3A_217, %dma_start3A_218] : memref<4x80x128xf32, #tpu.memory_space<vmem>> -> memref<1x80x128xf32, #tpu.memory_space<vmem>>
          %dma_start3A_220 = tpu.memref_squeeze %dma_start3A_219 : memref<1x80x128xf32, #tpu.memory_space<vmem>> -> memref<80x128xf32, #tpu.memory_space<vmem>>
          %dma_start3A_221 = arith.constant 0 : i32
          %dma_start3A_222 = tpu.memref_slice %arg7[%add3A_215, %dma_start3A_221] : memref<32x80xi32, #tpu.memory_space<vmem>> -> memref<1x80xi32, #tpu.memory_space<vmem>>
          %dma_start3A_223 = tpu.memref_squeeze %dma_start3A_222 : memref<1x80xi32, #tpu.memory_space<vmem>> -> memref<80xi32, #tpu.memory_space<vmem>>
          %dma_start3A_224 = arith.constant 0 : i32
          %dma_start3A_225 = arith.constant 0 : i32
          %dma_start3A_226 = tpu.memref_slice %arg2[%dma_start3A_224, %dma_start3A_225] : memref<10000x128xf32, #tpu.memory_space<hbm>> -> memref<10000x128xf32, #tpu.memory_space<hbm>>
          tpu.enqueue_indirect_dma source(%dma_start3A_226 : memref<10000x128xf32, #tpu.memory_space<hbm>>) target(%dma_start3A_220 : memref<80x128xf32, #tpu.memory_space<vmem>>) offsets(%dma_start3A_223 : memref<80xi32, #tpu.memory_space<vmem>>) semaphore(%arg12 : memref<!tpu.dma_semaphore, #tpu.memory_space<semaphore_mem>>)
        } else {
        }
      } else {
      }
    }
    %scan3A_30 = arith.constant 8 : i32
    %scan3A_31 = arith.constant 0 : i32
    %scan3A_32 = arith.constant 0 : i32
    %scan3A_33 = arith.constant 4 : i32
    %scan3A_34 = arith.addi %scan3A_32, %scan3A_33 : i32
    %scan3A_35 = arith.constant 1 : i32
    scf.for %scan3A_148 = %scan3A_32 to %scan3A_34 step %scan3A_35  : i32 {
      %dma_wait3A = arith.constant 0 : i32
      %dma_wait3A_149 = arith.constant 0 : i32
      %dma_wait3A_150 = arith.constant 0 : i32
      %dma_wait3A_151 = arith.constant 0 : i32
      %dma_wait3A_152 = tpu.memref_slice %arg9[%dma_wait3A, %dma_wait3A_150, %dma_wait3A_151] : memref<4x80x128xf32, #tpu.memory_space<vmem>> -> memref<1x80x128xf32, #tpu.memory_space<vmem>>
      %dma_wait3A_153 = tpu.memref_squeeze %dma_wait3A_152 : memref<1x80x128xf32, #tpu.memory_space<vmem>> -> memref<80x128xf32, #tpu.memory_space<vmem>>
      %dma_wait3A_154 = arith.constant 0 : i32
      %dma_wait3A_155 = tpu.memref_slice %arg8[%dma_wait3A_149, %dma_wait3A_154] : memref<32x80xi32, #tpu.memory_space<vmem>> -> memref<1x80xi32, #tpu.memory_space<vmem>>
      %dma_wait3A_156 = tpu.memref_squeeze %dma_wait3A_155 : memref<1x80xi32, #tpu.memory_space<vmem>> -> memref<80xi32, #tpu.memory_space<vmem>>
      %dma_wait3A_157 = arith.constant 0 : i32
      %dma_wait3A_158 = arith.constant 0 : i32
      %dma_wait3A_159 = tpu.memref_slice %arg10[%dma_wait3A_157, %dma_wait3A_158] : memref<10000x128xf32, #tpu.memory_space<vmem_shared>> -> memref<10000x128xf32, #tpu.memory_space<vmem_shared>>
      tpu.wait_indirect_dma semaphore(%arg15 : memref<!tpu.dma_semaphore, #tpu.memory_space<semaphore_mem>>) src(%dma_wait3A_153 : memref<80x128xf32, #tpu.memory_space<vmem>>) dst(%dma_wait3A_159 : memref<10000x128xf32, #tpu.memory_space<vmem_shared>>)
    }
    %scan3A_36 = arith.constant 4 : i32
    "tpu.region"() ({
      %run_scoped3A = tpu.sem_alloc : memref<!tpu.dma_semaphore, #tpu.memory_space<semaphore_mem>>
      %dma_start3A_148 = arith.constant 0 : i32
      %dma_start3A_149 = arith.constant 0 : i32
      %dma_start3A_150 = tpu.memref_slice %arg7[%dma_start3A_148, %dma_start3A_149] : memref<32x80xi32, #tpu.memory_space<vmem>> -> memref<32x80xi32, #tpu.memory_space<vmem>>
      %dma_start3A_151 = arith.constant 32 : i32
      %dma_start3A_152 = arith.constant 0 : i32
      %dma_start3A_153 = tpu.memref_slice %arg3[%add3A, %dma_start3A_151, %dma_start3A_152] : memref<32x125x80xi32, #tpu.memory_space<hbm>> -> memref<1x32x80xi32, #tpu.memory_space<hbm>>
      %dma_start3A_154 = tpu.memref_squeeze %dma_start3A_153 : memref<1x32x80xi32, #tpu.memory_space<hbm>> -> memref<32x80xi32, #tpu.memory_space<hbm>>
      %dma_start3A_155 = arith.constant 0 : i32
      %dma_start3A_156 = arith.constant 0 : i32
      %dma_start3A_157 = tpu.memref_slice %arg7[%dma_start3A_155, %dma_start3A_156] : memref<32x80xi32, #tpu.memory_space<vmem>> -> memref<32x80xi32, #tpu.memory_space<vmem>>
      %dma_start3A_158 = arith.constant 32 : i32
      %dma_start3A_159 = arith.constant 0 : i32
      %dma_start3A_160 = tpu.memref_slice %arg3[%add3A, %dma_start3A_158, %dma_start3A_159] : memref<32x125x80xi32, #tpu.memory_space<hbm>> -> memref<1x32x80xi32, #tpu.memory_space<hbm>>
      %dma_start3A_161 = tpu.memref_squeeze %dma_start3A_160 : memref<1x32x80xi32, #tpu.memory_space<hbm>> -> memref<32x80xi32, #tpu.memory_space<hbm>>
      tpu.enqueue_dma source(%dma_start3A_161 : memref<32x80xi32, #tpu.memory_space<hbm>>) target(%dma_start3A_157 : memref<32x80xi32, #tpu.memory_space<vmem>>) target_semaphore(%run_scoped3A : memref<!tpu.dma_semaphore, #tpu.memory_space<semaphore_mem>>)
      %dma_wait3A = arith.constant 0 : i32
      %dma_wait3A_162 = arith.constant 0 : i32
      %dma_wait3A_163 = tpu.memref_slice %arg7[%dma_wait3A, %dma_wait3A_162] : memref<32x80xi32, #tpu.memory_space<vmem>> -> memref<32x80xi32, #tpu.memory_space<vmem>>
      %dma_wait3A_164 = arith.constant 32 : i32
      %dma_wait3A_165 = arith.constant 0 : i32
      %dma_wait3A_166 = tpu.memref_slice %arg3[%add3A, %dma_wait3A_164, %dma_wait3A_165] : memref<32x125x80xi32, #tpu.memory_space<hbm>> -> memref<1x32x80xi32, #tpu.memory_space<hbm>>
      %dma_wait3A_167 = tpu.memref_squeeze %dma_wait3A_166 : memref<1x32x80xi32, #tpu.memory_space<hbm>> -> memref<32x80xi32, #tpu.memory_space<hbm>>
      %dma_wait3A_168 = arith.constant 0 : i32
      %dma_wait3A_169 = arith.constant 0 : i32
      %dma_wait3A_170 = tpu.memref_slice %arg7[%dma_wait3A_168, %dma_wait3A_169] : memref<32x80xi32, #tpu.memory_space<vmem>> -> memref<32x80xi32, #tpu.memory_space<vmem>>
      %dma_wait3A_171 = arith.constant 32 : i32
      %dma_wait3A_172 = arith.constant 0 : i32
      %dma_wait3A_173 = tpu.memref_slice %arg3[%add3A, %dma_wait3A_171, %dma_wait3A_172] : memref<32x125x80xi32, #tpu.memory_space<hbm>> -> memref<1x32x80xi32, #tpu.memory_space<hbm>>
      %dma_wait3A_174 = tpu.memref_squeeze %dma_wait3A_173 : memref<1x32x80xi32, #tpu.memory_space<hbm>> -> memref<32x80xi32, #tpu.memory_space<hbm>>
      tpu.wait_dma2 semaphore(%run_scoped3A : memref<!tpu.dma_semaphore, #tpu.memory_space<semaphore_mem>>) src(%dma_wait3A_174 : memref<32x80xi32, #tpu.memory_space<hbm>>) dst(%dma_wait3A_170 : memref<32x80xi32, #tpu.memory_space<vmem>>)
      tpu.yield
    }) : () -> ()
    "tpu.region"() ({
      %run_scoped3A = tpu.sem_alloc : memref<!tpu.dma_semaphore, #tpu.memory_space<semaphore_mem>>
      %dma_start3A_148 = arith.constant 0 : i32
      %dma_start3A_149 = arith.constant 0 : i32
      %dma_start3A_150 = tpu.memref_slice %arg8[%dma_start3A_148, %dma_start3A_149] : memref<32x80xi32, #tpu.memory_space<vmem>> -> memref<32x80xi32, #tpu.memory_space<vmem>>
      %dma_start3A_151 = arith.constant 32 : i32
      %dma_start3A_152 = arith.constant 0 : i32
      %dma_start3A_153 = tpu.memref_slice %arg4[%add3A, %dma_start3A_151, %dma_start3A_152] : memref<32x125x80xi32, #tpu.memory_space<hbm>> -> memref<1x32x80xi32, #tpu.memory_space<hbm>>
      %dma_start3A_154 = tpu.memref_squeeze %dma_start3A_153 : memref<1x32x80xi32, #tpu.memory_space<hbm>> -> memref<32x80xi32, #tpu.memory_space<hbm>>
      %dma_start3A_155 = arith.constant 0 : i32
      %dma_start3A_156 = arith.constant 0 : i32
      %dma_start3A_157 = tpu.memref_slice %arg8[%dma_start3A_155, %dma_start3A_156] : memref<32x80xi32, #tpu.memory_space<vmem>> -> memref<32x80xi32, #tpu.memory_space<vmem>>
      %dma_start3A_158 = arith.constant 32 : i32
      %dma_start3A_159 = arith.constant 0 : i32
      %dma_start3A_160 = tpu.memref_slice %arg4[%add3A, %dma_start3A_158, %dma_start3A_159] : memref<32x125x80xi32, #tpu.memory_space<hbm>> -> memref<1x32x80xi32, #tpu.memory_space<hbm>>
      %dma_start3A_161 = tpu.memref_squeeze %dma_start3A_160 : memref<1x32x80xi32, #tpu.memory_space<hbm>> -> memref<32x80xi32, #tpu.memory_space<hbm>>
      tpu.enqueue_dma source(%dma_start3A_161 : memref<32x80xi32, #tpu.memory_space<hbm>>) target(%dma_start3A_157 : memref<32x80xi32, #tpu.memory_space<vmem>>) target_semaphore(%run_scoped3A : memref<!tpu.dma_semaphore, #tpu.memory_space<semaphore_mem>>)
      %dma_wait3A = arith.constant 0 : i32
      %dma_wait3A_162 = arith.constant 0 : i32
      %dma_wait3A_163 = tpu.memref_slice %arg8[%dma_wait3A, %dma_wait3A_162] : memref<32x80xi32, #tpu.memory_space<vmem>> -> memref<32x80xi32, #tpu.memory_space<vmem>>
      %dma_wait3A_164 = arith.constant 32 : i32
      %dma_wait3A_165 = arith.constant 0 : i32
      %dma_wait3A_166 = tpu.memref_slice %arg4[%add3A, %dma_wait3A_164, %dma_wait3A_165] : memref<32x125x80xi32, #tpu.memory_space<hbm>> -> memref<1x32x80xi32, #tpu.memory_space<hbm>>
      %dma_wait3A_167 = tpu.memref_squeeze %dma_wait3A_166 : memref<1x32x80xi32, #tpu.memory_space<hbm>> -> memref<32x80xi32, #tpu.memory_space<hbm>>
      %dma_wait3A_168 = arith.constant 0 : i32
      %dma_wait3A_169 = arith.constant 0 : i32
      %dma_wait3A_170 = tpu.memref_slice %arg8[%dma_wait3A_168, %dma_wait3A_169] : memref<32x80xi32, #tpu.memory_space<vmem>> -> memref<32x80xi32, #tpu.memory_space<vmem>>
      %dma_wait3A_171 = arith.constant 32 : i32
      %dma_wait3A_172 = arith.constant 0 : i32
      %dma_wait3A_173 = tpu.memref_slice %arg4[%add3A, %dma_wait3A_171, %dma_wait3A_172] : memref<32x125x80xi32, #tpu.memory_space<hbm>> -> memref<1x32x80xi32, #tpu.memory_space<hbm>>
      %dma_wait3A_174 = tpu.memref_squeeze %dma_wait3A_173 : memref<1x32x80xi32, #tpu.memory_space<hbm>> -> memref<32x80xi32, #tpu.memory_space<hbm>>
      tpu.wait_dma2 semaphore(%run_scoped3A : memref<!tpu.dma_semaphore, #tpu.memory_space<semaphore_mem>>) src(%dma_wait3A_174 : memref<32x80xi32, #tpu.memory_space<hbm>>) dst(%dma_wait3A_170 : memref<32x80xi32, #tpu.memory_space<vmem>>)
      tpu.yield
    }) : () -> ()
    %dma_start3A_37 = arith.constant 0 : i32
    %dma_start3A_38 = arith.constant 0 : i32
    %dma_start3A_39 = arith.constant 0 : i32
    %dma_start3A_40 = arith.constant 0 : i32
    %dma_start3A_41 = tpu.memref_slice %arg9[%dma_start3A_38, %dma_start3A_39, %dma_start3A_40] : memref<4x80x128xf32, #tpu.memory_space<vmem>> -> memref<1x80x128xf32, #tpu.memory_space<vmem>>
    %dma_start3A_42 = tpu.memref_squeeze %dma_start3A_41 : memref<1x80x128xf32, #tpu.memory_space<vmem>> -> memref<80x128xf32, #tpu.memory_space<vmem>>
    %dma_start3A_43 = arith.constant 0 : i32
    %dma_start3A_44 = tpu.memref_slice %arg7[%dma_start3A_37, %dma_start3A_43] : memref<32x80xi32, #tpu.memory_space<vmem>> -> memref<1x80xi32, #tpu.memory_space<vmem>>
    %dma_start3A_45 = tpu.memref_squeeze %dma_start3A_44 : memref<1x80xi32, #tpu.memory_space<vmem>> -> memref<80xi32, #tpu.memory_space<vmem>>
    %dma_start3A_46 = arith.constant 0 : i32
    %dma_start3A_47 = arith.constant 0 : i32
    %dma_start3A_48 = tpu.memref_slice %arg2[%dma_start3A_46, %dma_start3A_47] : memref<10000x128xf32, #tpu.memory_space<hbm>> -> memref<10000x128xf32, #tpu.memory_space<hbm>>
    tpu.enqueue_indirect_dma source(%dma_start3A_48 : memref<10000x128xf32, #tpu.memory_space<hbm>>) target(%dma_start3A_42 : memref<80x128xf32, #tpu.memory_space<vmem>>) offsets(%dma_start3A_45 : memref<80xi32, #tpu.memory_space<vmem>>) semaphore(%arg11 : memref<!tpu.dma_semaphore, #tpu.memory_space<semaphore_mem>>)
    %dma_start3A_49 = arith.constant 1 : i32
    %dma_start3A_50 = arith.constant 1 : i32
    %dma_start3A_51 = arith.constant 0 : i32
    %dma_start3A_52 = arith.constant 0 : i32
    %dma_start3A_53 = tpu.memref_slice %arg9[%dma_start3A_50, %dma_start3A_51, %dma_start3A_52] : memref<4x80x128xf32, #tpu.memory_space<vmem>> -> memref<1x80x128xf32, #tpu.memory_space<vmem>>
    %dma_start3A_54 = tpu.memref_squeeze %dma_start3A_53 : memref<1x80x128xf32, #tpu.memory_space<vmem>> -> memref<80x128xf32, #tpu.memory_space<vmem>>
    %dma_start3A_55 = arith.constant 0 : i32
    %dma_start3A_56 = tpu.memref_slice %arg7[%dma_start3A_49, %dma_start3A_55] : memref<32x80xi32, #tpu.memory_space<vmem>> -> memref<1x80xi32, #tpu.memory_space<vmem>>
    %dma_start3A_57 = tpu.memref_squeeze %dma_start3A_56 : memref<1x80xi32, #tpu.memory_space<vmem>> -> memref<80xi32, #tpu.memory_space<vmem>>
    %dma_start3A_58 = arith.constant 0 : i32
    %dma_start3A_59 = arith.constant 0 : i32
    %dma_start3A_60 = tpu.memref_slice %arg2[%dma_start3A_58, %dma_start3A_59] : memref<10000x128xf32, #tpu.memory_space<hbm>> -> memref<10000x128xf32, #tpu.memory_space<hbm>>
    tpu.enqueue_indirect_dma source(%dma_start3A_60 : memref<10000x128xf32, #tpu.memory_space<hbm>>) target(%dma_start3A_54 : memref<80x128xf32, #tpu.memory_space<vmem>>) offsets(%dma_start3A_57 : memref<80xi32, #tpu.memory_space<vmem>>) semaphore(%arg12 : memref<!tpu.dma_semaphore, #tpu.memory_space<semaphore_mem>>)
    %scan3A_61 = arith.constant 0 : i32
    %scan3A_62 = arith.constant 0 : i32
    %scan3A_63 = arith.constant 8 : i32
    %scan3A_64 = arith.addi %scan3A_62, %scan3A_63 : i32
    %scan3A_65 = arith.constant 1 : i32
    scf.for %scan3A_148 = %scan3A_62 to %scan3A_64 step %scan3A_65  : i32 {
      %mul3A_149 = arith.constant 4 : i32
      %mul3A_150 = arith.muli %scan3A_148, %mul3A_149 : i32
      %add3A_151 = arith.constant 0 : i32
      %add3A_152 = arith.addi %mul3A_150, %add3A_151 : i32
      %lt3A = arith.constant 32 : i32
      %lt3A_153 = arith.cmpi slt, %add3A_152, %lt3A : i32
      %convert_element_type3A = arith.extui %lt3A_153 : i1 to i32
      %cond3A = arith.constant 0 : i32
      %cond3A_154 = arith.cmpi ne, %convert_element_type3A, %cond3A : i32
      scf.if %cond3A_154 {
        %dma_wait3A = arith.constant 0 : i32
        %dma_wait3A_182 = arith.constant 0 : i32
        %dma_wait3A_183 = arith.constant 0 : i32
        %dma_wait3A_184 = tpu.memref_slice %arg9[%dma_wait3A, %dma_wait3A_182, %dma_wait3A_183] : memref<4x80x128xf32, #tpu.memory_space<vmem>> -> memref<1x80x128xf32, #tpu.memory_space<vmem>>
        %dma_wait3A_185 = tpu.memref_squeeze %dma_wait3A_184 : memref<1x80x128xf32, #tpu.memory_space<vmem>> -> memref<80x128xf32, #tpu.memory_space<vmem>>
        %dma_wait3A_186 = arith.constant 0 : i32
        %dma_wait3A_187 = tpu.memref_slice %arg7[%add3A_152, %dma_wait3A_186] : memref<32x80xi32, #tpu.memory_space<vmem>> -> memref<1x80xi32, #tpu.memory_space<vmem>>
        %dma_wait3A_188 = tpu.memref_squeeze %dma_wait3A_187 : memref<1x80xi32, #tpu.memory_space<vmem>> -> memref<80xi32, #tpu.memory_space<vmem>>
        %dma_wait3A_189 = arith.constant 0 : i32
        %dma_wait3A_190 = arith.constant 0 : i32
        %dma_wait3A_191 = tpu.memref_slice %arg2[%dma_wait3A_189, %dma_wait3A_190] : memref<10000x128xf32, #tpu.memory_space<hbm>> -> memref<10000x128xf32, #tpu.memory_space<hbm>>
        tpu.wait_indirect_dma semaphore(%arg11 : memref<!tpu.dma_semaphore, #tpu.memory_space<semaphore_mem>>) src(%dma_wait3A_191 : memref<10000x128xf32, #tpu.memory_space<hbm>>) dst(%dma_wait3A_185 : memref<80x128xf32, #tpu.memory_space<vmem>>)
        %dma_start3A_192 = arith.constant 0 : i32
        %dma_start3A_193 = arith.constant 0 : i32
        %dma_start3A_194 = arith.constant 0 : i32
        %dma_start3A_195 = tpu.memref_slice %arg9[%dma_start3A_192, %dma_start3A_193, %dma_start3A_194] : memref<4x80x128xf32, #tpu.memory_space<vmem>> -> memref<1x80x128xf32, #tpu.memory_space<vmem>>
        %dma_start3A_196 = tpu.memref_squeeze %dma_start3A_195 : memref<1x80x128xf32, #tpu.memory_space<vmem>> -> memref<80x128xf32, #tpu.memory_space<vmem>>
        %dma_start3A_197 = arith.constant 0 : i32
        %dma_start3A_198 = tpu.memref_slice %arg8[%add3A_152, %dma_start3A_197] : memref<32x80xi32, #tpu.memory_space<vmem>> -> memref<1x80xi32, #tpu.memory_space<vmem>>
        %dma_start3A_199 = tpu.memref_squeeze %dma_start3A_198 : memref<1x80xi32, #tpu.memory_space<vmem>> -> memref<80xi32, #tpu.memory_space<vmem>>
        %dma_start3A_200 = arith.constant 0 : i32
        %dma_start3A_201 = arith.constant 0 : i32
        %dma_start3A_202 = tpu.memref_slice %arg10[%dma_start3A_200, %dma_start3A_201] : memref<10000x128xf32, #tpu.memory_space<vmem_shared>> -> memref<10000x128xf32, #tpu.memory_space<vmem_shared>>
        tpu.enqueue_indirect_dma source(%dma_start3A_196 : memref<80x128xf32, #tpu.memory_space<vmem>>) target(%dma_start3A_202 : memref<10000x128xf32, #tpu.memory_space<vmem_shared>>) offsets(%dma_start3A_199 : memref<80xi32, #tpu.memory_space<vmem>>) semaphore(%arg15 : memref<!tpu.dma_semaphore, #tpu.memory_space<semaphore_mem>>) {add = true}
        %add3A_203 = arith.constant 2 : i32
        %add3A_204 = arith.addi %add3A_152, %add3A_203 : i32
        %lt3A_205 = arith.constant 32 : i32
        %lt3A_206 = arith.cmpi slt, %add3A_204, %lt3A_205 : i32
        %convert_element_type3A_207 = arith.extui %lt3A_206 : i1 to i32
        %cond3A_208 = arith.constant 0 : i32
        %cond3A_209 = arith.cmpi ne, %convert_element_type3A_207, %cond3A_208 : i32
        scf.if %cond3A_209 {
          %ge3A = arith.constant 2 : i32
          %ge3A_210 = arith.cmpi sge, %add3A_152, %ge3A : i32
          %convert_element_type3A_211 = arith.extui %ge3A_210 : i1 to i32
          %cond3A_212 = arith.constant 0 : i32
          %cond3A_213 = arith.cmpi ne, %convert_element_type3A_211, %cond3A_212 : i32
          scf.if %cond3A_213 {
            %dma_wait3A_227 = arith.constant 2 : i32
            %dma_wait3A_228 = arith.constant 0 : i32
            %dma_wait3A_229 = arith.constant 0 : i32
            %dma_wait3A_230 = tpu.memref_slice %arg9[%dma_wait3A_227, %dma_wait3A_228, %dma_wait3A_229] : memref<4x80x128xf32, #tpu.memory_space<vmem>> -> memref<1x80x128xf32, #tpu.memory_space<vmem>>
            %dma_wait3A_231 = tpu.memref_squeeze %dma_wait3A_230 : memref<1x80x128xf32, #tpu.memory_space<vmem>> -> memref<80x128xf32, #tpu.memory_space<vmem>>
            %dma_wait3A_232 = arith.constant 0 : i32
            %dma_wait3A_233 = tpu.memref_slice %arg8[%add3A_152, %dma_wait3A_232] : memref<32x80xi32, #tpu.memory_space<vmem>> -> memref<1x80xi32, #tpu.memory_space<vmem>>
            %dma_wait3A_234 = tpu.memref_squeeze %dma_wait3A_233 : memref<1x80xi32, #tpu.memory_space<vmem>> -> memref<80xi32, #tpu.memory_space<vmem>>
            %dma_wait3A_235 = arith.constant 0 : i32
            %dma_wait3A_236 = arith.constant 0 : i32
            %dma_wait3A_237 = tpu.memref_slice %arg10[%dma_wait3A_235, %dma_wait3A_236] : memref<10000x128xf32, #tpu.memory_space<vmem_shared>> -> memref<10000x128xf32, #tpu.memory_space<vmem_shared>>
            tpu.wait_indirect_dma semaphore(%arg15 : memref<!tpu.dma_semaphore, #tpu.memory_space<semaphore_mem>>) src(%dma_wait3A_231 : memref<80x128xf32, #tpu.memory_space<vmem>>) dst(%dma_wait3A_237 : memref<10000x128xf32, #tpu.memory_space<vmem_shared>>)
          } else {
          }
          %add3A_214 = arith.constant 2 : i32
          %add3A_215 = arith.addi %add3A_152, %add3A_214 : i32
          %dma_start3A_216 = arith.constant 2 : i32
          %dma_start3A_217 = arith.constant 0 : i32
          %dma_start3A_218 = arith.constant 0 : i32
          %dma_start3A_219 = tpu.memref_slice %arg9[%dma_start3A_216, %dma_start3A_217, %dma_start3A_218] : memref<4x80x128xf32, #tpu.memory_space<vmem>> -> memref<1x80x128xf32, #tpu.memory_space<vmem>>
          %dma_start3A_220 = tpu.memref_squeeze %dma_start3A_219 : memref<1x80x128xf32, #tpu.memory_space<vmem>> -> memref<80x128xf32, #tpu.memory_space<vmem>>
          %dma_start3A_221 = arith.constant 0 : i32
          %dma_start3A_222 = tpu.memref_slice %arg7[%add3A_215, %dma_start3A_221] : memref<32x80xi32, #tpu.memory_space<vmem>> -> memref<1x80xi32, #tpu.memory_space<vmem>>
          %dma_start3A_223 = tpu.memref_squeeze %dma_start3A_222 : memref<1x80xi32, #tpu.memory_space<vmem>> -> memref<80xi32, #tpu.memory_space<vmem>>
          %dma_start3A_224 = arith.constant 0 : i32
          %dma_start3A_225 = arith.constant 0 : i32
          %dma_start3A_226 = tpu.memref_slice %arg2[%dma_start3A_224, %dma_start3A_225] : memref<10000x128xf32, #tpu.memory_space<hbm>> -> memref<10000x128xf32, #tpu.memory_space<hbm>>
          tpu.enqueue_indirect_dma source(%dma_start3A_226 : memref<10000x128xf32, #tpu.memory_space<hbm>>) target(%dma_start3A_220 : memref<80x128xf32, #tpu.memory_space<vmem>>) offsets(%dma_start3A_223 : memref<80xi32, #tpu.memory_space<vmem>>) semaphore(%arg13 : memref<!tpu.dma_semaphore, #tpu.memory_space<semaphore_mem>>)
        } else {
        }
      } else {
      }
      %mul3A_155 = arith.constant 4 : i32
      %mul3A_156 = arith.muli %scan3A_148, %mul3A_155 : i32
      %add3A_157 = arith.constant 1 : i32
      %add3A_158 = arith.addi %mul3A_156, %add3A_157 : i32
      %lt3A_159 = arith.constant 32 : i32
      %lt3A_160 = arith.cmpi slt, %add3A_158, %lt3A_159 : i32
      %convert_element_type3A_161 = arith.extui %lt3A_160 : i1 to i32
      %cond3A_162 = arith.constant 0 : i32
      %cond3A_163 = arith.cmpi ne, %convert_element_type3A_161, %cond3A_162 : i32
      scf.if %cond3A_163 {
        %dma_wait3A = arith.constant 1 : i32
        %dma_wait3A_182 = arith.constant 0 : i32
        %dma_wait3A_183 = arith.constant 0 : i32
        %dma_wait3A_184 = tpu.memref_slice %arg9[%dma_wait3A, %dma_wait3A_182, %dma_wait3A_183] : memref<4x80x128xf32, #tpu.memory_space<vmem>> -> memref<1x80x128xf32, #tpu.memory_space<vmem>>
        %dma_wait3A_185 = tpu.memref_squeeze %dma_wait3A_184 : memref<1x80x128xf32, #tpu.memory_space<vmem>> -> memref<80x128xf32, #tpu.memory_space<vmem>>
        %dma_wait3A_186 = arith.constant 0 : i32
        %dma_wait3A_187 = tpu.memref_slice %arg7[%add3A_158, %dma_wait3A_186] : memref<32x80xi32, #tpu.memory_space<vmem>> -> memref<1x80xi32, #tpu.memory_space<vmem>>
        %dma_wait3A_188 = tpu.memref_squeeze %dma_wait3A_187 : memref<1x80xi32, #tpu.memory_space<vmem>> -> memref<80xi32, #tpu.memory_space<vmem>>
        %dma_wait3A_189 = arith.constant 0 : i32
        %dma_wait3A_190 = arith.constant 0 : i32
        %dma_wait3A_191 = tpu.memref_slice %arg2[%dma_wait3A_189, %dma_wait3A_190] : memref<10000x128xf32, #tpu.memory_space<hbm>> -> memref<10000x128xf32, #tpu.memory_space<hbm>>
        tpu.wait_indirect_dma semaphore(%arg12 : memref<!tpu.dma_semaphore, #tpu.memory_space<semaphore_mem>>) src(%dma_wait3A_191 : memref<10000x128xf32, #tpu.memory_space<hbm>>) dst(%dma_wait3A_185 : memref<80x128xf32, #tpu.memory_space<vmem>>)
        %dma_start3A_192 = arith.constant 1 : i32
        %dma_start3A_193 = arith.constant 0 : i32
        %dma_start3A_194 = arith.constant 0 : i32
        %dma_start3A_195 = tpu.memref_slice %arg9[%dma_start3A_192, %dma_start3A_193, %dma_start3A_194] : memref<4x80x128xf32, #tpu.memory_space<vmem>> -> memref<1x80x128xf32, #tpu.memory_space<vmem>>
        %dma_start3A_196 = tpu.memref_squeeze %dma_start3A_195 : memref<1x80x128xf32, #tpu.memory_space<vmem>> -> memref<80x128xf32, #tpu.memory_space<vmem>>
        %dma_start3A_197 = arith.constant 0 : i32
        %dma_start3A_198 = tpu.memref_slice %arg8[%add3A_158, %dma_start3A_197] : memref<32x80xi32, #tpu.memory_space<vmem>> -> memref<1x80xi32, #tpu.memory_space<vmem>>
        %dma_start3A_199 = tpu.memref_squeeze %dma_start3A_198 : memref<1x80xi32, #tpu.memory_space<vmem>> -> memref<80xi32, #tpu.memory_space<vmem>>
        %dma_start3A_200 = arith.constant 0 : i32
        %dma_start3A_201 = arith.constant 0 : i32
        %dma_start3A_202 = tpu.memref_slice %arg10[%dma_start3A_200, %dma_start3A_201] : memref<10000x128xf32, #tpu.memory_space<vmem_shared>> -> memref<10000x128xf32, #tpu.memory_space<vmem_shared>>
        tpu.enqueue_indirect_dma source(%dma_start3A_196 : memref<80x128xf32, #tpu.memory_space<vmem>>) target(%dma_start3A_202 : memref<10000x128xf32, #tpu.memory_space<vmem_shared>>) offsets(%dma_start3A_199 : memref<80xi32, #tpu.memory_space<vmem>>) semaphore(%arg15 : memref<!tpu.dma_semaphore, #tpu.memory_space<semaphore_mem>>) {add = true}
        %add3A_203 = arith.constant 2 : i32
        %add3A_204 = arith.addi %add3A_158, %add3A_203 : i32
        %lt3A_205 = arith.constant 32 : i32
        %lt3A_206 = arith.cmpi slt, %add3A_204, %lt3A_205 : i32
        %convert_element_type3A_207 = arith.extui %lt3A_206 : i1 to i32
        %cond3A_208 = arith.constant 0 : i32
        %cond3A_209 = arith.cmpi ne, %convert_element_type3A_207, %cond3A_208 : i32
        scf.if %cond3A_209 {
          %ge3A = arith.constant 2 : i32
          %ge3A_210 = arith.cmpi sge, %add3A_158, %ge3A : i32
          %convert_element_type3A_211 = arith.extui %ge3A_210 : i1 to i32
          %cond3A_212 = arith.constant 0 : i32
          %cond3A_213 = arith.cmpi ne, %convert_element_type3A_211, %cond3A_212 : i32
          scf.if %cond3A_213 {
            %dma_wait3A_227 = arith.constant 3 : i32
            %dma_wait3A_228 = arith.constant 0 : i32
            %dma_wait3A_229 = arith.constant 0 : i32
            %dma_wait3A_230 = tpu.memref_slice %arg9[%dma_wait3A_227, %dma_wait3A_228, %dma_wait3A_229] : memref<4x80x128xf32, #tpu.memory_space<vmem>> -> memref<1x80x128xf32, #tpu.memory_space<vmem>>
            %dma_wait3A_231 = tpu.memref_squeeze %dma_wait3A_230 : memref<1x80x128xf32, #tpu.memory_space<vmem>> -> memref<80x128xf32, #tpu.memory_space<vmem>>
            %dma_wait3A_232 = arith.constant 0 : i32
            %dma_wait3A_233 = tpu.memref_slice %arg8[%add3A_158, %dma_wait3A_232] : memref<32x80xi32, #tpu.memory_space<vmem>> -> memref<1x80xi32, #tpu.memory_space<vmem>>
            %dma_wait3A_234 = tpu.memref_squeeze %dma_wait3A_233 : memref<1x80xi32, #tpu.memory_space<vmem>> -> memref<80xi32, #tpu.memory_space<vmem>>
            %dma_wait3A_235 = arith.constant 0 : i32
            %dma_wait3A_236 = arith.constant 0 : i32
            %dma_wait3A_237 = tpu.memref_slice %arg10[%dma_wait3A_235, %dma_wait3A_236] : memref<10000x128xf32, #tpu.memory_space<vmem_shared>> -> memref<10000x128xf32, #tpu.memory_space<vmem_shared>>
            tpu.wait_indirect_dma semaphore(%arg15 : memref<!tpu.dma_semaphore, #tpu.memory_space<semaphore_mem>>) src(%dma_wait3A_231 : memref<80x128xf32, #tpu.memory_space<vmem>>) dst(%dma_wait3A_237 : memref<10000x128xf32, #tpu.memory_space<vmem_shared>>)
          } else {
          }
          %add3A_214 = arith.constant 2 : i32
          %add3A_215 = arith.addi %add3A_158, %add3A_214 : i32
          %dma_start3A_216 = arith.constant 3 : i32
          %dma_start3A_217 = arith.constant 0 : i32
          %dma_start3A_218 = arith.constant 0 : i32
          %dma_start3A_219 = tpu.memref_slice %arg9[%dma_start3A_216, %dma_start3A_217, %dma_start3A_218] : memref<4x80x128xf32, #tpu.memory_space<vmem>> -> memref<1x80x128xf32, #tpu.memory_space<vmem>>
          %dma_start3A_220 = tpu.memref_squeeze %dma_start3A_219 : memref<1x80x128xf32, #tpu.memory_space<vmem>> -> memref<80x128xf32, #tpu.memory_space<vmem>>
          %dma_start3A_221 = arith.constant 0 : i32
          %dma_start3A_222 = tpu.memref_slice %arg7[%add3A_215, %dma_start3A_221] : memref<32x80xi32, #tpu.memory_space<vmem>> -> memref<1x80xi32, #tpu.memory_space<vmem>>
          %dma_start3A_223 = tpu.memref_squeeze %dma_start3A_222 : memref<1x80xi32, #tpu.memory_space<vmem>> -> memref<80xi32, #tpu.memory_space<vmem>>
          %dma_start3A_224 = arith.constant 0 : i32
          %dma_start3A_225 = arith.constant 0 : i32
          %dma_start3A_226 = tpu.memref_slice %arg2[%dma_start3A_224, %dma_start3A_225] : memref<10000x128xf32, #tpu.memory_space<hbm>> -> memref<10000x128xf32, #tpu.memory_space<hbm>>
          tpu.enqueue_indirect_dma source(%dma_start3A_226 : memref<10000x128xf32, #tpu.memory_space<hbm>>) target(%dma_start3A_220 : memref<80x128xf32, #tpu.memory_space<vmem>>) offsets(%dma_start3A_223 : memref<80xi32, #tpu.memory_space<vmem>>) semaphore(%arg14 : memref<!tpu.dma_semaphore, #tpu.memory_space<semaphore_mem>>)
        } else {
        }
      } else {
      }
      %mul3A_164 = arith.constant 4 : i32
      %mul3A_165 = arith.muli %scan3A_148, %mul3A_164 : i32
      %add3A_166 = arith.constant 2 : i32
      %add3A_167 = arith.addi %mul3A_165, %add3A_166 : i32
      %lt3A_168 = arith.constant 32 : i32
      %lt3A_169 = arith.cmpi slt, %add3A_167, %lt3A_168 : i32
      %convert_element_type3A_170 = arith.extui %lt3A_169 : i1 to i32
      %cond3A_171 = arith.constant 0 : i32
      %cond3A_172 = arith.cmpi ne, %convert_element_type3A_170, %cond3A_171 : i32
      scf.if %cond3A_172 {
        %dma_wait3A = arith.constant 2 : i32
        %dma_wait3A_182 = arith.constant 0 : i32
        %dma_wait3A_183 = arith.constant 0 : i32
        %dma_wait3A_184 = tpu.memref_slice %arg9[%dma_wait3A, %dma_wait3A_182, %dma_wait3A_183] : memref<4x80x128xf32, #tpu.memory_space<vmem>> -> memref<1x80x128xf32, #tpu.memory_space<vmem>>
        %dma_wait3A_185 = tpu.memref_squeeze %dma_wait3A_184 : memref<1x80x128xf32, #tpu.memory_space<vmem>> -> memref<80x128xf32, #tpu.memory_space<vmem>>
        %dma_wait3A_186 = arith.constant 0 : i32
        %dma_wait3A_187 = tpu.memref_slice %arg7[%add3A_167, %dma_wait3A_186] : memref<32x80xi32, #tpu.memory_space<vmem>> -> memref<1x80xi32, #tpu.memory_space<vmem>>
        %dma_wait3A_188 = tpu.memref_squeeze %dma_wait3A_187 : memref<1x80xi32, #tpu.memory_space<vmem>> -> memref<80xi32, #tpu.memory_space<vmem>>
        %dma_wait3A_189 = arith.constant 0 : i32
        %dma_wait3A_190 = arith.constant 0 : i32
        %dma_wait3A_191 = tpu.memref_slice %arg2[%dma_wait3A_189, %dma_wait3A_190] : memref<10000x128xf32, #tpu.memory_space<hbm>> -> memref<10000x128xf32, #tpu.memory_space<hbm>>
        tpu.wait_indirect_dma semaphore(%arg13 : memref<!tpu.dma_semaphore, #tpu.memory_space<semaphore_mem>>) src(%dma_wait3A_191 : memref<10000x128xf32, #tpu.memory_space<hbm>>) dst(%dma_wait3A_185 : memref<80x128xf32, #tpu.memory_space<vmem>>)
        %dma_start3A_192 = arith.constant 2 : i32
        %dma_start3A_193 = arith.constant 0 : i32
        %dma_start3A_194 = arith.constant 0 : i32
        %dma_start3A_195 = tpu.memref_slice %arg9[%dma_start3A_192, %dma_start3A_193, %dma_start3A_194] : memref<4x80x128xf32, #tpu.memory_space<vmem>> -> memref<1x80x128xf32, #tpu.memory_space<vmem>>
        %dma_start3A_196 = tpu.memref_squeeze %dma_start3A_195 : memref<1x80x128xf32, #tpu.memory_space<vmem>> -> memref<80x128xf32, #tpu.memory_space<vmem>>
        %dma_start3A_197 = arith.constant 0 : i32
        %dma_start3A_198 = tpu.memref_slice %arg8[%add3A_167, %dma_start3A_197] : memref<32x80xi32, #tpu.memory_space<vmem>> -> memref<1x80xi32, #tpu.memory_space<vmem>>
        %dma_start3A_199 = tpu.memref_squeeze %dma_start3A_198 : memref<1x80xi32, #tpu.memory_space<vmem>> -> memref<80xi32, #tpu.memory_space<vmem>>
        %dma_start3A_200 = arith.constant 0 : i32
        %dma_start3A_201 = arith.constant 0 : i32
        %dma_start3A_202 = tpu.memref_slice %arg10[%dma_start3A_200, %dma_start3A_201] : memref<10000x128xf32, #tpu.memory_space<vmem_shared>> -> memref<10000x128xf32, #tpu.memory_space<vmem_shared>>
        tpu.enqueue_indirect_dma source(%dma_start3A_196 : memref<80x128xf32, #tpu.memory_space<vmem>>) target(%dma_start3A_202 : memref<10000x128xf32, #tpu.memory_space<vmem_shared>>) offsets(%dma_start3A_199 : memref<80xi32, #tpu.memory_space<vmem>>) semaphore(%arg15 : memref<!tpu.dma_semaphore, #tpu.memory_space<semaphore_mem>>) {add = true}
        %add3A_203 = arith.constant 2 : i32
        %add3A_204 = arith.addi %add3A_167, %add3A_203 : i32
        %lt3A_205 = arith.constant 32 : i32
        %lt3A_206 = arith.cmpi slt, %add3A_204, %lt3A_205 : i32
        %convert_element_type3A_207 = arith.extui %lt3A_206 : i1 to i32
        %cond3A_208 = arith.constant 0 : i32
        %cond3A_209 = arith.cmpi ne, %convert_element_type3A_207, %cond3A_208 : i32
        scf.if %cond3A_209 {
          %ge3A = arith.constant 2 : i32
          %ge3A_210 = arith.cmpi sge, %add3A_167, %ge3A : i32
          %convert_element_type3A_211 = arith.extui %ge3A_210 : i1 to i32
          %cond3A_212 = arith.constant 0 : i32
          %cond3A_213 = arith.cmpi ne, %convert_element_type3A_211, %cond3A_212 : i32
          scf.if %cond3A_213 {
            %dma_wait3A_227 = arith.constant 0 : i32
            %dma_wait3A_228 = arith.constant 0 : i32
            %dma_wait3A_229 = arith.constant 0 : i32
            %dma_wait3A_230 = tpu.memref_slice %arg9[%dma_wait3A_227, %dma_wait3A_228, %dma_wait3A_229] : memref<4x80x128xf32, #tpu.memory_space<vmem>> -> memref<1x80x128xf32, #tpu.memory_space<vmem>>
            %dma_wait3A_231 = tpu.memref_squeeze %dma_wait3A_230 : memref<1x80x128xf32, #tpu.memory_space<vmem>> -> memref<80x128xf32, #tpu.memory_space<vmem>>
            %dma_wait3A_232 = arith.constant 0 : i32
            %dma_wait3A_233 = tpu.memref_slice %arg8[%add3A_167, %dma_wait3A_232] : memref<32x80xi32, #tpu.memory_space<vmem>> -> memref<1x80xi32, #tpu.memory_space<vmem>>
            %dma_wait3A_234 = tpu.memref_squeeze %dma_wait3A_233 : memref<1x80xi32, #tpu.memory_space<vmem>> -> memref<80xi32, #tpu.memory_space<vmem>>
            %dma_wait3A_235 = arith.constant 0 : i32
            %dma_wait3A_236 = arith.constant 0 : i32
            %dma_wait3A_237 = tpu.memref_slice %arg10[%dma_wait3A_235, %dma_wait3A_236] : memref<10000x128xf32, #tpu.memory_space<vmem_shared>> -> memref<10000x128xf32, #tpu.memory_space<vmem_shared>>
            tpu.wait_indirect_dma semaphore(%arg15 : memref<!tpu.dma_semaphore, #tpu.memory_space<semaphore_mem>>) src(%dma_wait3A_231 : memref<80x128xf32, #tpu.memory_space<vmem>>) dst(%dma_wait3A_237 : memref<10000x128xf32, #tpu.memory_space<vmem_shared>>)
          } else {
          }
          %add3A_214 = arith.constant 2 : i32
          %add3A_215 = arith.addi %add3A_167, %add3A_214 : i32
          %dma_start3A_216 = arith.constant 0 : i32
          %dma_start3A_217 = arith.constant 0 : i32
          %dma_start3A_218 = arith.constant 0 : i32
          %dma_start3A_219 = tpu.memref_slice %arg9[%dma_start3A_216, %dma_start3A_217, %dma_start3A_218] : memref<4x80x128xf32, #tpu.memory_space<vmem>> -> memref<1x80x128xf32, #tpu.memory_space<vmem>>
          %dma_start3A_220 = tpu.memref_squeeze %dma_start3A_219 : memref<1x80x128xf32, #tpu.memory_space<vmem>> -> memref<80x128xf32, #tpu.memory_space<vmem>>
          %dma_start3A_221 = arith.constant 0 : i32
          %dma_start3A_222 = tpu.memref_slice %arg7[%add3A_215, %dma_start3A_221] : memref<32x80xi32, #tpu.memory_space<vmem>> -> memref<1x80xi32, #tpu.memory_space<vmem>>
          %dma_start3A_223 = tpu.memref_squeeze %dma_start3A_222 : memref<1x80xi32, #tpu.memory_space<vmem>> -> memref<80xi32, #tpu.memory_space<vmem>>
          %dma_start3A_224 = arith.constant 0 : i32
          %dma_start3A_225 = arith.constant 0 : i32
          %dma_start3A_226 = tpu.memref_slice %arg2[%dma_start3A_224, %dma_start3A_225] : memref<10000x128xf32, #tpu.memory_space<hbm>> -> memref<10000x128xf32, #tpu.memory_space<hbm>>
          tpu.enqueue_indirect_dma source(%dma_start3A_226 : memref<10000x128xf32, #tpu.memory_space<hbm>>) target(%dma_start3A_220 : memref<80x128xf32, #tpu.memory_space<vmem>>) offsets(%dma_start3A_223 : memref<80xi32, #tpu.memory_space<vmem>>) semaphore(%arg11 : memref<!tpu.dma_semaphore, #tpu.memory_space<semaphore_mem>>)
        } else {
        }
      } else {
      }
      %mul3A_173 = arith.constant 4 : i32
      %mul3A_174 = arith.muli %scan3A_148, %mul3A_173 : i32
      %add3A_175 = arith.constant 3 : i32
      %add3A_176 = arith.addi %mul3A_174, %add3A_175 : i32
      %lt3A_177 = arith.constant 32 : i32
      %lt3A_178 = arith.cmpi slt, %add3A_176, %lt3A_177 : i32
      %convert_element_type3A_179 = arith.extui %lt3A_178 : i1 to i32
      %cond3A_180 = arith.constant 0 : i32
      %cond3A_181 = arith.cmpi ne, %convert_element_type3A_179, %cond3A_180 : i32
      scf.if %cond3A_181 {
        %dma_wait3A = arith.constant 3 : i32
        %dma_wait3A_182 = arith.constant 0 : i32
        %dma_wait3A_183 = arith.constant 0 : i32
        %dma_wait3A_184 = tpu.memref_slice %arg9[%dma_wait3A, %dma_wait3A_182, %dma_wait3A_183] : memref<4x80x128xf32, #tpu.memory_space<vmem>> -> memref<1x80x128xf32, #tpu.memory_space<vmem>>
        %dma_wait3A_185 = tpu.memref_squeeze %dma_wait3A_184 : memref<1x80x128xf32, #tpu.memory_space<vmem>> -> memref<80x128xf32, #tpu.memory_space<vmem>>
        %dma_wait3A_186 = arith.constant 0 : i32
        %dma_wait3A_187 = tpu.memref_slice %arg7[%add3A_176, %dma_wait3A_186] : memref<32x80xi32, #tpu.memory_space<vmem>> -> memref<1x80xi32, #tpu.memory_space<vmem>>
        %dma_wait3A_188 = tpu.memref_squeeze %dma_wait3A_187 : memref<1x80xi32, #tpu.memory_space<vmem>> -> memref<80xi32, #tpu.memory_space<vmem>>
        %dma_wait3A_189 = arith.constant 0 : i32
        %dma_wait3A_190 = arith.constant 0 : i32
        %dma_wait3A_191 = tpu.memref_slice %arg2[%dma_wait3A_189, %dma_wait3A_190] : memref<10000x128xf32, #tpu.memory_space<hbm>> -> memref<10000x128xf32, #tpu.memory_space<hbm>>
        tpu.wait_indirect_dma semaphore(%arg14 : memref<!tpu.dma_semaphore, #tpu.memory_space<semaphore_mem>>) src(%dma_wait3A_191 : memref<10000x128xf32, #tpu.memory_space<hbm>>) dst(%dma_wait3A_185 : memref<80x128xf32, #tpu.memory_space<vmem>>)
        %dma_start3A_192 = arith.constant 3 : i32
        %dma_start3A_193 = arith.constant 0 : i32
        %dma_start3A_194 = arith.constant 0 : i32
        %dma_start3A_195 = tpu.memref_slice %arg9[%dma_start3A_192, %dma_start3A_193, %dma_start3A_194] : memref<4x80x128xf32, #tpu.memory_space<vmem>> -> memref<1x80x128xf32, #tpu.memory_space<vmem>>
        %dma_start3A_196 = tpu.memref_squeeze %dma_start3A_195 : memref<1x80x128xf32, #tpu.memory_space<vmem>> -> memref<80x128xf32, #tpu.memory_space<vmem>>
        %dma_start3A_197 = arith.constant 0 : i32
        %dma_start3A_198 = tpu.memref_slice %arg8[%add3A_176, %dma_start3A_197] : memref<32x80xi32, #tpu.memory_space<vmem>> -> memref<1x80xi32, #tpu.memory_space<vmem>>
        %dma_start3A_199 = tpu.memref_squeeze %dma_start3A_198 : memref<1x80xi32, #tpu.memory_space<vmem>> -> memref<80xi32, #tpu.memory_space<vmem>>
        %dma_start3A_200 = arith.constant 0 : i32
        %dma_start3A_201 = arith.constant 0 : i32
        %dma_start3A_202 = tpu.memref_slice %arg10[%dma_start3A_200, %dma_start3A_201] : memref<10000x128xf32, #tpu.memory_space<vmem_shared>> -> memref<10000x128xf32, #tpu.memory_space<vmem_shared>>
        tpu.enqueue_indirect_dma source(%dma_start3A_196 : memref<80x128xf32, #tpu.memory_space<vmem>>) target(%dma_start3A_202 : memref<10000x128xf32, #tpu.memory_space<vmem_shared>>) offsets(%dma_start3A_199 : memref<80xi32, #tpu.memory_space<vmem>>) semaphore(%arg15 : memref<!tpu.dma_semaphore, #tpu.memory_space<semaphore_mem>>) {add = true}
        %add3A_203 = arith.constant 2 : i32
        %add3A_204 = arith.addi %add3A_176, %add3A_203 : i32
        %lt3A_205 = arith.constant 32 : i32
        %lt3A_206 = arith.cmpi slt, %add3A_204, %lt3A_205 : i32
        %convert_element_type3A_207 = arith.extui %lt3A_206 : i1 to i32
        %cond3A_208 = arith.constant 0 : i32
        %cond3A_209 = arith.cmpi ne, %convert_element_type3A_207, %cond3A_208 : i32
        scf.if %cond3A_209 {
          %ge3A = arith.constant 2 : i32
          %ge3A_210 = arith.cmpi sge, %add3A_176, %ge3A : i32
          %convert_element_type3A_211 = arith.extui %ge3A_210 : i1 to i32
          %cond3A_212 = arith.constant 0 : i32
          %cond3A_213 = arith.cmpi ne, %convert_element_type3A_211, %cond3A_212 : i32
          scf.if %cond3A_213 {
            %dma_wait3A_227 = arith.constant 1 : i32
            %dma_wait3A_228 = arith.constant 0 : i32
            %dma_wait3A_229 = arith.constant 0 : i32
            %dma_wait3A_230 = tpu.memref_slice %arg9[%dma_wait3A_227, %dma_wait3A_228, %dma_wait3A_229] : memref<4x80x128xf32, #tpu.memory_space<vmem>> -> memref<1x80x128xf32, #tpu.memory_space<vmem>>
            %dma_wait3A_231 = tpu.memref_squeeze %dma_wait3A_230 : memref<1x80x128xf32, #tpu.memory_space<vmem>> -> memref<80x128xf32, #tpu.memory_space<vmem>>
            %dma_wait3A_232 = arith.constant 0 : i32
            %dma_wait3A_233 = tpu.memref_slice %arg8[%add3A_176, %dma_wait3A_232] : memref<32x80xi32, #tpu.memory_space<vmem>> -> memref<1x80xi32, #tpu.memory_space<vmem>>
            %dma_wait3A_234 = tpu.memref_squeeze %dma_wait3A_233 : memref<1x80xi32, #tpu.memory_space<vmem>> -> memref<80xi32, #tpu.memory_space<vmem>>
            %dma_wait3A_235 = arith.constant 0 : i32
            %dma_wait3A_236 = arith.constant 0 : i32
            %dma_wait3A_237 = tpu.memref_slice %arg10[%dma_wait3A_235, %dma_wait3A_236] : memref<10000x128xf32, #tpu.memory_space<vmem_shared>> -> memref<10000x128xf32, #tpu.memory_space<vmem_shared>>
            tpu.wait_indirect_dma semaphore(%arg15 : memref<!tpu.dma_semaphore, #tpu.memory_space<semaphore_mem>>) src(%dma_wait3A_231 : memref<80x128xf32, #tpu.memory_space<vmem>>) dst(%dma_wait3A_237 : memref<10000x128xf32, #tpu.memory_space<vmem_shared>>)
          } else {
          }
          %add3A_214 = arith.constant 2 : i32
          %add3A_215 = arith.addi %add3A_176, %add3A_214 : i32
          %dma_start3A_216 = arith.constant 1 : i32
          %dma_start3A_217 = arith.constant 0 : i32
          %dma_start3A_218 = arith.constant 0 : i32
          %dma_start3A_219 = tpu.memref_slice %arg9[%dma_start3A_216, %dma_start3A_217, %dma_start3A_218] : memref<4x80x128xf32, #tpu.memory_space<vmem>> -> memref<1x80x128xf32, #tpu.memory_space<vmem>>
          %dma_start3A_220 = tpu.memref_squeeze %dma_start3A_219 : memref<1x80x128xf32, #tpu.memory_space<vmem>> -> memref<80x128xf32, #tpu.memory_space<vmem>>
          %dma_start3A_221 = arith.constant 0 : i32
          %dma_start3A_222 = tpu.memref_slice %arg7[%add3A_215, %dma_start3A_221] : memref<32x80xi32, #tpu.memory_space<vmem>> -> memref<1x80xi32, #tpu.memory_space<vmem>>
          %dma_start3A_223 = tpu.memref_squeeze %dma_start3A_222 : memref<1x80xi32, #tpu.memory_space<vmem>> -> memref<80xi32, #tpu.memory_space<vmem>>
          %dma_start3A_224 = arith.constant 0 : i32
          %dma_start3A_225 = arith.constant 0 : i32
          %dma_start3A_226 = tpu.memref_slice %arg2[%dma_start3A_224, %dma_start3A_225] : memref<10000x128xf32, #tpu.memory_space<hbm>> -> memref<10000x128xf32, #tpu.memory_space<hbm>>
          tpu.enqueue_indirect_dma source(%dma_start3A_226 : memref<10000x128xf32, #tpu.memory_space<hbm>>) target(%dma_start3A_220 : memref<80x128xf32, #tpu.memory_space<vmem>>) offsets(%dma_start3A_223 : memref<80xi32, #tpu.memory_space<vmem>>) semaphore(%arg12 : memref<!tpu.dma_semaphore, #tpu.memory_space<semaphore_mem>>)
        } else {
        }
      } else {
      }
    }
    %scan3A_66 = arith.constant 8 : i32
    %scan3A_67 = arith.constant 0 : i32
    %scan3A_68 = arith.constant 0 : i32
    %scan3A_69 = arith.constant 4 : i32
    %scan3A_70 = arith.addi %scan3A_68, %scan3A_69 : i32
    %scan3A_71 = arith.constant 1 : i32
    scf.for %scan3A_148 = %scan3A_68 to %scan3A_70 step %scan3A_71  : i32 {
      %dma_wait3A = arith.constant 0 : i32
      %dma_wait3A_149 = arith.constant 0 : i32
      %dma_wait3A_150 = arith.constant 0 : i32
      %dma_wait3A_151 = arith.constant 0 : i32
      %dma_wait3A_152 = tpu.memref_slice %arg9[%dma_wait3A, %dma_wait3A_150, %dma_wait3A_151] : memref<4x80x128xf32, #tpu.memory_space<vmem>> -> memref<1x80x128xf32, #tpu.memory_space<vmem>>
      %dma_wait3A_153 = tpu.memref_squeeze %dma_wait3A_152 : memref<1x80x128xf32, #tpu.memory_space<vmem>> -> memref<80x128xf32, #tpu.memory_space<vmem>>
      %dma_wait3A_154 = arith.constant 0 : i32
      %dma_wait3A_155 = tpu.memref_slice %arg8[%dma_wait3A_149, %dma_wait3A_154] : memref<32x80xi32, #tpu.memory_space<vmem>> -> memref<1x80xi32, #tpu.memory_space<vmem>>
      %dma_wait3A_156 = tpu.memref_squeeze %dma_wait3A_155 : memref<1x80xi32, #tpu.memory_space<vmem>> -> memref<80xi32, #tpu.memory_space<vmem>>
      %dma_wait3A_157 = arith.constant 0 : i32
      %dma_wait3A_158 = arith.constant 0 : i32
      %dma_wait3A_159 = tpu.memref_slice %arg10[%dma_wait3A_157, %dma_wait3A_158] : memref<10000x128xf32, #tpu.memory_space<vmem_shared>> -> memref<10000x128xf32, #tpu.memory_space<vmem_shared>>
      tpu.wait_indirect_dma semaphore(%arg15 : memref<!tpu.dma_semaphore, #tpu.memory_space<semaphore_mem>>) src(%dma_wait3A_153 : memref<80x128xf32, #tpu.memory_space<vmem>>) dst(%dma_wait3A_159 : memref<10000x128xf32, #tpu.memory_space<vmem_shared>>)
    }
    %scan3A_72 = arith.constant 4 : i32
    "tpu.region"() ({
      %run_scoped3A = tpu.sem_alloc : memref<!tpu.dma_semaphore, #tpu.memory_space<semaphore_mem>>
      %dma_start3A_148 = arith.constant 0 : i32
      %dma_start3A_149 = arith.constant 0 : i32
      %dma_start3A_150 = tpu.memref_slice %arg7[%dma_start3A_148, %dma_start3A_149] : memref<32x80xi32, #tpu.memory_space<vmem>> -> memref<32x80xi32, #tpu.memory_space<vmem>>
      %dma_start3A_151 = arith.constant 64 : i32
      %dma_start3A_152 = arith.constant 0 : i32
      %dma_start3A_153 = tpu.memref_slice %arg3[%add3A, %dma_start3A_151, %dma_start3A_152] : memref<32x125x80xi32, #tpu.memory_space<hbm>> -> memref<1x32x80xi32, #tpu.memory_space<hbm>>
      %dma_start3A_154 = tpu.memref_squeeze %dma_start3A_153 : memref<1x32x80xi32, #tpu.memory_space<hbm>> -> memref<32x80xi32, #tpu.memory_space<hbm>>
      %dma_start3A_155 = arith.constant 0 : i32
      %dma_start3A_156 = arith.constant 0 : i32
      %dma_start3A_157 = tpu.memref_slice %arg7[%dma_start3A_155, %dma_start3A_156] : memref<32x80xi32, #tpu.memory_space<vmem>> -> memref<32x80xi32, #tpu.memory_space<vmem>>
      %dma_start3A_158 = arith.constant 64 : i32
      %dma_start3A_159 = arith.constant 0 : i32
      %dma_start3A_160 = tpu.memref_slice %arg3[%add3A, %dma_start3A_158, %dma_start3A_159] : memref<32x125x80xi32, #tpu.memory_space<hbm>> -> memref<1x32x80xi32, #tpu.memory_space<hbm>>
      %dma_start3A_161 = tpu.memref_squeeze %dma_start3A_160 : memref<1x32x80xi32, #tpu.memory_space<hbm>> -> memref<32x80xi32, #tpu.memory_space<hbm>>
      tpu.enqueue_dma source(%dma_start3A_161 : memref<32x80xi32, #tpu.memory_space<hbm>>) target(%dma_start3A_157 : memref<32x80xi32, #tpu.memory_space<vmem>>) target_semaphore(%run_scoped3A : memref<!tpu.dma_semaphore, #tpu.memory_space<semaphore_mem>>)
      %dma_wait3A = arith.constant 0 : i32
      %dma_wait3A_162 = arith.constant 0 : i32
      %dma_wait3A_163 = tpu.memref_slice %arg7[%dma_wait3A, %dma_wait3A_162] : memref<32x80xi32, #tpu.memory_space<vmem>> -> memref<32x80xi32, #tpu.memory_space<vmem>>
      %dma_wait3A_164 = arith.constant 64 : i32
      %dma_wait3A_165 = arith.constant 0 : i32
      %dma_wait3A_166 = tpu.memref_slice %arg3[%add3A, %dma_wait3A_164, %dma_wait3A_165] : memref<32x125x80xi32, #tpu.memory_space<hbm>> -> memref<1x32x80xi32, #tpu.memory_space<hbm>>
      %dma_wait3A_167 = tpu.memref_squeeze %dma_wait3A_166 : memref<1x32x80xi32, #tpu.memory_space<hbm>> -> memref<32x80xi32, #tpu.memory_space<hbm>>
      %dma_wait3A_168 = arith.constant 0 : i32
      %dma_wait3A_169 = arith.constant 0 : i32
      %dma_wait3A_170 = tpu.memref_slice %arg7[%dma_wait3A_168, %dma_wait3A_169] : memref<32x80xi32, #tpu.memory_space<vmem>> -> memref<32x80xi32, #tpu.memory_space<vmem>>
      %dma_wait3A_171 = arith.constant 64 : i32
      %dma_wait3A_172 = arith.constant 0 : i32
      %dma_wait3A_173 = tpu.memref_slice %arg3[%add3A, %dma_wait3A_171, %dma_wait3A_172] : memref<32x125x80xi32, #tpu.memory_space<hbm>> -> memref<1x32x80xi32, #tpu.memory_space<hbm>>
      %dma_wait3A_174 = tpu.memref_squeeze %dma_wait3A_173 : memref<1x32x80xi32, #tpu.memory_space<hbm>> -> memref<32x80xi32, #tpu.memory_space<hbm>>
      tpu.wait_dma2 semaphore(%run_scoped3A : memref<!tpu.dma_semaphore, #tpu.memory_space<semaphore_mem>>) src(%dma_wait3A_174 : memref<32x80xi32, #tpu.memory_space<hbm>>) dst(%dma_wait3A_170 : memref<32x80xi32, #tpu.memory_space<vmem>>)
      tpu.yield
    }) : () -> ()
    "tpu.region"() ({
      %run_scoped3A = tpu.sem_alloc : memref<!tpu.dma_semaphore, #tpu.memory_space<semaphore_mem>>
      %dma_start3A_148 = arith.constant 0 : i32
      %dma_start3A_149 = arith.constant 0 : i32
      %dma_start3A_150 = tpu.memref_slice %arg8[%dma_start3A_148, %dma_start3A_149] : memref<32x80xi32, #tpu.memory_space<vmem>> -> memref<32x80xi32, #tpu.memory_space<vmem>>
      %dma_start3A_151 = arith.constant 64 : i32
      %dma_start3A_152 = arith.constant 0 : i32
      %dma_start3A_153 = tpu.memref_slice %arg4[%add3A, %dma_start3A_151, %dma_start3A_152] : memref<32x125x80xi32, #tpu.memory_space<hbm>> -> memref<1x32x80xi32, #tpu.memory_space<hbm>>
      %dma_start3A_154 = tpu.memref_squeeze %dma_start3A_153 : memref<1x32x80xi32, #tpu.memory_space<hbm>> -> memref<32x80xi32, #tpu.memory_space<hbm>>
      %dma_start3A_155 = arith.constant 0 : i32
      %dma_start3A_156 = arith.constant 0 : i32
      %dma_start3A_157 = tpu.memref_slice %arg8[%dma_start3A_155, %dma_start3A_156] : memref<32x80xi32, #tpu.memory_space<vmem>> -> memref<32x80xi32, #tpu.memory_space<vmem>>
      %dma_start3A_158 = arith.constant 64 : i32
      %dma_start3A_159 = arith.constant 0 : i32
      %dma_start3A_160 = tpu.memref_slice %arg4[%add3A, %dma_start3A_158, %dma_start3A_159] : memref<32x125x80xi32, #tpu.memory_space<hbm>> -> memref<1x32x80xi32, #tpu.memory_space<hbm>>
      %dma_start3A_161 = tpu.memref_squeeze %dma_start3A_160 : memref<1x32x80xi32, #tpu.memory_space<hbm>> -> memref<32x80xi32, #tpu.memory_space<hbm>>
      tpu.enqueue_dma source(%dma_start3A_161 : memref<32x80xi32, #tpu.memory_space<hbm>>) target(%dma_start3A_157 : memref<32x80xi32, #tpu.memory_space<vmem>>) target_semaphore(%run_scoped3A : memref<!tpu.dma_semaphore, #tpu.memory_space<semaphore_mem>>)
      %dma_wait3A = arith.constant 0 : i32
      %dma_wait3A_162 = arith.constant 0 : i32
      %dma_wait3A_163 = tpu.memref_slice %arg8[%dma_wait3A, %dma_wait3A_162] : memref<32x80xi32, #tpu.memory_space<vmem>> -> memref<32x80xi32, #tpu.memory_space<vmem>>
      %dma_wait3A_164 = arith.constant 64 : i32
      %dma_wait3A_165 = arith.constant 0 : i32
      %dma_wait3A_166 = tpu.memref_slice %arg4[%add3A, %dma_wait3A_164, %dma_wait3A_165] : memref<32x125x80xi32, #tpu.memory_space<hbm>> -> memref<1x32x80xi32, #tpu.memory_space<hbm>>
      %dma_wait3A_167 = tpu.memref_squeeze %dma_wait3A_166 : memref<1x32x80xi32, #tpu.memory_space<hbm>> -> memref<32x80xi32, #tpu.memory_space<hbm>>
      %dma_wait3A_168 = arith.constant 0 : i32
      %dma_wait3A_169 = arith.constant 0 : i32
      %dma_wait3A_170 = tpu.memref_slice %arg8[%dma_wait3A_168, %dma_wait3A_169] : memref<32x80xi32, #tpu.memory_space<vmem>> -> memref<32x80xi32, #tpu.memory_space<vmem>>
      %dma_wait3A_171 = arith.constant 64 : i32
      %dma_wait3A_172 = arith.constant 0 : i32
      %dma_wait3A_173 = tpu.memref_slice %arg4[%add3A, %dma_wait3A_171, %dma_wait3A_172] : memref<32x125x80xi32, #tpu.memory_space<hbm>> -> memref<1x32x80xi32, #tpu.memory_space<hbm>>
      %dma_wait3A_174 = tpu.memref_squeeze %dma_wait3A_173 : memref<1x32x80xi32, #tpu.memory_space<hbm>> -> memref<32x80xi32, #tpu.memory_space<hbm>>
      tpu.wait_dma2 semaphore(%run_scoped3A : memref<!tpu.dma_semaphore, #tpu.memory_space<semaphore_mem>>) src(%dma_wait3A_174 : memref<32x80xi32, #tpu.memory_space<hbm>>) dst(%dma_wait3A_170 : memref<32x80xi32, #tpu.memory_space<vmem>>)
      tpu.yield
    }) : () -> ()
    %dma_start3A_73 = arith.constant 0 : i32
    %dma_start3A_74 = arith.constant 0 : i32
    %dma_start3A_75 = arith.constant 0 : i32
    %dma_start3A_76 = arith.constant 0 : i32
    %dma_start3A_77 = tpu.memref_slice %arg9[%dma_start3A_74, %dma_start3A_75, %dma_start3A_76] : memref<4x80x128xf32, #tpu.memory_space<vmem>> -> memref<1x80x128xf32, #tpu.memory_space<vmem>>
    %dma_start3A_78 = tpu.memref_squeeze %dma_start3A_77 : memref<1x80x128xf32, #tpu.memory_space<vmem>> -> memref<80x128xf32, #tpu.memory_space<vmem>>
    %dma_start3A_79 = arith.constant 0 : i32
    %dma_start3A_80 = tpu.memref_slice %arg7[%dma_start3A_73, %dma_start3A_79] : memref<32x80xi32, #tpu.memory_space<vmem>> -> memref<1x80xi32, #tpu.memory_space<vmem>>
    %dma_start3A_81 = tpu.memref_squeeze %dma_start3A_80 : memref<1x80xi32, #tpu.memory_space<vmem>> -> memref<80xi32, #tpu.memory_space<vmem>>
    %dma_start3A_82 = arith.constant 0 : i32
    %dma_start3A_83 = arith.constant 0 : i32
    %dma_start3A_84 = tpu.memref_slice %arg2[%dma_start3A_82, %dma_start3A_83] : memref<10000x128xf32, #tpu.memory_space<hbm>> -> memref<10000x128xf32, #tpu.memory_space<hbm>>
    tpu.enqueue_indirect_dma source(%dma_start3A_84 : memref<10000x128xf32, #tpu.memory_space<hbm>>) target(%dma_start3A_78 : memref<80x128xf32, #tpu.memory_space<vmem>>) offsets(%dma_start3A_81 : memref<80xi32, #tpu.memory_space<vmem>>) semaphore(%arg11 : memref<!tpu.dma_semaphore, #tpu.memory_space<semaphore_mem>>)
    %dma_start3A_85 = arith.constant 1 : i32
    %dma_start3A_86 = arith.constant 1 : i32
    %dma_start3A_87 = arith.constant 0 : i32
    %dma_start3A_88 = arith.constant 0 : i32
    %dma_start3A_89 = tpu.memref_slice %arg9[%dma_start3A_86, %dma_start3A_87, %dma_start3A_88] : memref<4x80x128xf32, #tpu.memory_space<vmem>> -> memref<1x80x128xf32, #tpu.memory_space<vmem>>
    %dma_start3A_90 = tpu.memref_squeeze %dma_start3A_89 : memref<1x80x128xf32, #tpu.memory_space<vmem>> -> memref<80x128xf32, #tpu.memory_space<vmem>>
    %dma_start3A_91 = arith.constant 0 : i32
    %dma_start3A_92 = tpu.memref_slice %arg7[%dma_start3A_85, %dma_start3A_91] : memref<32x80xi32, #tpu.memory_space<vmem>> -> memref<1x80xi32, #tpu.memory_space<vmem>>
    %dma_start3A_93 = tpu.memref_squeeze %dma_start3A_92 : memref<1x80xi32, #tpu.memory_space<vmem>> -> memref<80xi32, #tpu.memory_space<vmem>>
    %dma_start3A_94 = arith.constant 0 : i32
    %dma_start3A_95 = arith.constant 0 : i32
    %dma_start3A_96 = tpu.memref_slice %arg2[%dma_start3A_94, %dma_start3A_95] : memref<10000x128xf32, #tpu.memory_space<hbm>> -> memref<10000x128xf32, #tpu.memory_space<hbm>>
    tpu.enqueue_indirect_dma source(%dma_start3A_96 : memref<10000x128xf32, #tpu.memory_space<hbm>>) target(%dma_start3A_90 : memref<80x128xf32, #tpu.memory_space<vmem>>) offsets(%dma_start3A_93 : memref<80xi32, #tpu.memory_space<vmem>>) semaphore(%arg12 : memref<!tpu.dma_semaphore, #tpu.memory_space<semaphore_mem>>)
    %scan3A_97 = arith.constant 0 : i32
    %scan3A_98 = arith.constant 0 : i32
    %scan3A_99 = arith.constant 8 : i32
    %scan3A_100 = arith.addi %scan3A_98, %scan3A_99 : i32
    %scan3A_101 = arith.constant 1 : i32
    scf.for %scan3A_148 = %scan3A_98 to %scan3A_100 step %scan3A_101  : i32 {
      %mul3A_149 = arith.constant 4 : i32
      %mul3A_150 = arith.muli %scan3A_148, %mul3A_149 : i32
      %add3A_151 = arith.constant 0 : i32
      %add3A_152 = arith.addi %mul3A_150, %add3A_151 : i32
      %lt3A = arith.constant 32 : i32
      %lt3A_153 = arith.cmpi slt, %add3A_152, %lt3A : i32
      %convert_element_type3A = arith.extui %lt3A_153 : i1 to i32
      %cond3A = arith.constant 0 : i32
      %cond3A_154 = arith.cmpi ne, %convert_element_type3A, %cond3A : i32
      scf.if %cond3A_154 {
        %dma_wait3A = arith.constant 0 : i32
        %dma_wait3A_182 = arith.constant 0 : i32
        %dma_wait3A_183 = arith.constant 0 : i32
        %dma_wait3A_184 = tpu.memref_slice %arg9[%dma_wait3A, %dma_wait3A_182, %dma_wait3A_183] : memref<4x80x128xf32, #tpu.memory_space<vmem>> -> memref<1x80x128xf32, #tpu.memory_space<vmem>>
        %dma_wait3A_185 = tpu.memref_squeeze %dma_wait3A_184 : memref<1x80x128xf32, #tpu.memory_space<vmem>> -> memref<80x128xf32, #tpu.memory_space<vmem>>
        %dma_wait3A_186 = arith.constant 0 : i32
        %dma_wait3A_187 = tpu.memref_slice %arg7[%add3A_152, %dma_wait3A_186] : memref<32x80xi32, #tpu.memory_space<vmem>> -> memref<1x80xi32, #tpu.memory_space<vmem>>
        %dma_wait3A_188 = tpu.memref_squeeze %dma_wait3A_187 : memref<1x80xi32, #tpu.memory_space<vmem>> -> memref<80xi32, #tpu.memory_space<vmem>>
        %dma_wait3A_189 = arith.constant 0 : i32
        %dma_wait3A_190 = arith.constant 0 : i32
        %dma_wait3A_191 = tpu.memref_slice %arg2[%dma_wait3A_189, %dma_wait3A_190] : memref<10000x128xf32, #tpu.memory_space<hbm>> -> memref<10000x128xf32, #tpu.memory_space<hbm>>
        tpu.wait_indirect_dma semaphore(%arg11 : memref<!tpu.dma_semaphore, #tpu.memory_space<semaphore_mem>>) src(%dma_wait3A_191 : memref<10000x128xf32, #tpu.memory_space<hbm>>) dst(%dma_wait3A_185 : memref<80x128xf32, #tpu.memory_space<vmem>>)
        %dma_start3A_192 = arith.constant 0 : i32
        %dma_start3A_193 = arith.constant 0 : i32
        %dma_start3A_194 = arith.constant 0 : i32
        %dma_start3A_195 = tpu.memref_slice %arg9[%dma_start3A_192, %dma_start3A_193, %dma_start3A_194] : memref<4x80x128xf32, #tpu.memory_space<vmem>> -> memref<1x80x128xf32, #tpu.memory_space<vmem>>
        %dma_start3A_196 = tpu.memref_squeeze %dma_start3A_195 : memref<1x80x128xf32, #tpu.memory_space<vmem>> -> memref<80x128xf32, #tpu.memory_space<vmem>>
        %dma_start3A_197 = arith.constant 0 : i32
        %dma_start3A_198 = tpu.memref_slice %arg8[%add3A_152, %dma_start3A_197] : memref<32x80xi32, #tpu.memory_space<vmem>> -> memref<1x80xi32, #tpu.memory_space<vmem>>
        %dma_start3A_199 = tpu.memref_squeeze %dma_start3A_198 : memref<1x80xi32, #tpu.memory_space<vmem>> -> memref<80xi32, #tpu.memory_space<vmem>>
        %dma_start3A_200 = arith.constant 0 : i32
        %dma_start3A_201 = arith.constant 0 : i32
        %dma_start3A_202 = tpu.memref_slice %arg10[%dma_start3A_200, %dma_start3A_201] : memref<10000x128xf32, #tpu.memory_space<vmem_shared>> -> memref<10000x128xf32, #tpu.memory_space<vmem_shared>>
        tpu.enqueue_indirect_dma source(%dma_start3A_196 : memref<80x128xf32, #tpu.memory_space<vmem>>) target(%dma_start3A_202 : memref<10000x128xf32, #tpu.memory_space<vmem_shared>>) offsets(%dma_start3A_199 : memref<80xi32, #tpu.memory_space<vmem>>) semaphore(%arg15 : memref<!tpu.dma_semaphore, #tpu.memory_space<semaphore_mem>>) {add = true}
        %add3A_203 = arith.constant 2 : i32
        %add3A_204 = arith.addi %add3A_152, %add3A_203 : i32
        %lt3A_205 = arith.constant 32 : i32
        %lt3A_206 = arith.cmpi slt, %add3A_204, %lt3A_205 : i32
        %convert_element_type3A_207 = arith.extui %lt3A_206 : i1 to i32
        %cond3A_208 = arith.constant 0 : i32
        %cond3A_209 = arith.cmpi ne, %convert_element_type3A_207, %cond3A_208 : i32
        scf.if %cond3A_209 {
          %ge3A = arith.constant 2 : i32
          %ge3A_210 = arith.cmpi sge, %add3A_152, %ge3A : i32
          %convert_element_type3A_211 = arith.extui %ge3A_210 : i1 to i32
          %cond3A_212 = arith.constant 0 : i32
          %cond3A_213 = arith.cmpi ne, %convert_element_type3A_211, %cond3A_212 : i32
          scf.if %cond3A_213 {
            %dma_wait3A_227 = arith.constant 2 : i32
            %dma_wait3A_228 = arith.constant 0 : i32
            %dma_wait3A_229 = arith.constant 0 : i32
            %dma_wait3A_230 = tpu.memref_slice %arg9[%dma_wait3A_227, %dma_wait3A_228, %dma_wait3A_229] : memref<4x80x128xf32, #tpu.memory_space<vmem>> -> memref<1x80x128xf32, #tpu.memory_space<vmem>>
            %dma_wait3A_231 = tpu.memref_squeeze %dma_wait3A_230 : memref<1x80x128xf32, #tpu.memory_space<vmem>> -> memref<80x128xf32, #tpu.memory_space<vmem>>
            %dma_wait3A_232 = arith.constant 0 : i32
            %dma_wait3A_233 = tpu.memref_slice %arg8[%add3A_152, %dma_wait3A_232] : memref<32x80xi32, #tpu.memory_space<vmem>> -> memref<1x80xi32, #tpu.memory_space<vmem>>
            %dma_wait3A_234 = tpu.memref_squeeze %dma_wait3A_233 : memref<1x80xi32, #tpu.memory_space<vmem>> -> memref<80xi32, #tpu.memory_space<vmem>>
            %dma_wait3A_235 = arith.constant 0 : i32
            %dma_wait3A_236 = arith.constant 0 : i32
            %dma_wait3A_237 = tpu.memref_slice %arg10[%dma_wait3A_235, %dma_wait3A_236] : memref<10000x128xf32, #tpu.memory_space<vmem_shared>> -> memref<10000x128xf32, #tpu.memory_space<vmem_shared>>
            tpu.wait_indirect_dma semaphore(%arg15 : memref<!tpu.dma_semaphore, #tpu.memory_space<semaphore_mem>>) src(%dma_wait3A_231 : memref<80x128xf32, #tpu.memory_space<vmem>>) dst(%dma_wait3A_237 : memref<10000x128xf32, #tpu.memory_space<vmem_shared>>)
          } else {
          }
          %add3A_214 = arith.constant 2 : i32
          %add3A_215 = arith.addi %add3A_152, %add3A_214 : i32
          %dma_start3A_216 = arith.constant 2 : i32
          %dma_start3A_217 = arith.constant 0 : i32
          %dma_start3A_218 = arith.constant 0 : i32
          %dma_start3A_219 = tpu.memref_slice %arg9[%dma_start3A_216, %dma_start3A_217, %dma_start3A_218] : memref<4x80x128xf32, #tpu.memory_space<vmem>> -> memref<1x80x128xf32, #tpu.memory_space<vmem>>
          %dma_start3A_220 = tpu.memref_squeeze %dma_start3A_219 : memref<1x80x128xf32, #tpu.memory_space<vmem>> -> memref<80x128xf32, #tpu.memory_space<vmem>>
          %dma_start3A_221 = arith.constant 0 : i32
          %dma_start3A_222 = tpu.memref_slice %arg7[%add3A_215, %dma_start3A_221] : memref<32x80xi32, #tpu.memory_space<vmem>> -> memref<1x80xi32, #tpu.memory_space<vmem>>
          %dma_start3A_223 = tpu.memref_squeeze %dma_start3A_222 : memref<1x80xi32, #tpu.memory_space<vmem>> -> memref<80xi32, #tpu.memory_space<vmem>>
          %dma_start3A_224 = arith.constant 0 : i32
          %dma_start3A_225 = arith.constant 0 : i32
          %dma_start3A_226 = tpu.memref_slice %arg2[%dma_start3A_224, %dma_start3A_225] : memref<10000x128xf32, #tpu.memory_space<hbm>> -> memref<10000x128xf32, #tpu.memory_space<hbm>>
          tpu.enqueue_indirect_dma source(%dma_start3A_226 : memref<10000x128xf32, #tpu.memory_space<hbm>>) target(%dma_start3A_220 : memref<80x128xf32, #tpu.memory_space<vmem>>) offsets(%dma_start3A_223 : memref<80xi32, #tpu.memory_space<vmem>>) semaphore(%arg13 : memref<!tpu.dma_semaphore, #tpu.memory_space<semaphore_mem>>)
        } else {
        }
      } else {
      }
      %mul3A_155 = arith.constant 4 : i32
      %mul3A_156 = arith.muli %scan3A_148, %mul3A_155 : i32
      %add3A_157 = arith.constant 1 : i32
      %add3A_158 = arith.addi %mul3A_156, %add3A_157 : i32
      %lt3A_159 = arith.constant 32 : i32
      %lt3A_160 = arith.cmpi slt, %add3A_158, %lt3A_159 : i32
      %convert_element_type3A_161 = arith.extui %lt3A_160 : i1 to i32
      %cond3A_162 = arith.constant 0 : i32
      %cond3A_163 = arith.cmpi ne, %convert_element_type3A_161, %cond3A_162 : i32
      scf.if %cond3A_163 {
        %dma_wait3A = arith.constant 1 : i32
        %dma_wait3A_182 = arith.constant 0 : i32
        %dma_wait3A_183 = arith.constant 0 : i32
        %dma_wait3A_184 = tpu.memref_slice %arg9[%dma_wait3A, %dma_wait3A_182, %dma_wait3A_183] : memref<4x80x128xf32, #tpu.memory_space<vmem>> -> memref<1x80x128xf32, #tpu.memory_space<vmem>>
        %dma_wait3A_185 = tpu.memref_squeeze %dma_wait3A_184 : memref<1x80x128xf32, #tpu.memory_space<vmem>> -> memref<80x128xf32, #tpu.memory_space<vmem>>
        %dma_wait3A_186 = arith.constant 0 : i32
        %dma_wait3A_187 = tpu.memref_slice %arg7[%add3A_158, %dma_wait3A_186] : memref<32x80xi32, #tpu.memory_space<vmem>> -> memref<1x80xi32, #tpu.memory_space<vmem>>
        %dma_wait3A_188 = tpu.memref_squeeze %dma_wait3A_187 : memref<1x80xi32, #tpu.memory_space<vmem>> -> memref<80xi32, #tpu.memory_space<vmem>>
        %dma_wait3A_189 = arith.constant 0 : i32
        %dma_wait3A_190 = arith.constant 0 : i32
        %dma_wait3A_191 = tpu.memref_slice %arg2[%dma_wait3A_189, %dma_wait3A_190] : memref<10000x128xf32, #tpu.memory_space<hbm>> -> memref<10000x128xf32, #tpu.memory_space<hbm>>
        tpu.wait_indirect_dma semaphore(%arg12 : memref<!tpu.dma_semaphore, #tpu.memory_space<semaphore_mem>>) src(%dma_wait3A_191 : memref<10000x128xf32, #tpu.memory_space<hbm>>) dst(%dma_wait3A_185 : memref<80x128xf32, #tpu.memory_space<vmem>>)
        %dma_start3A_192 = arith.constant 1 : i32
        %dma_start3A_193 = arith.constant 0 : i32
        %dma_start3A_194 = arith.constant 0 : i32
        %dma_start3A_195 = tpu.memref_slice %arg9[%dma_start3A_192, %dma_start3A_193, %dma_start3A_194] : memref<4x80x128xf32, #tpu.memory_space<vmem>> -> memref<1x80x128xf32, #tpu.memory_space<vmem>>
        %dma_start3A_196 = tpu.memref_squeeze %dma_start3A_195 : memref<1x80x128xf32, #tpu.memory_space<vmem>> -> memref<80x128xf32, #tpu.memory_space<vmem>>
        %dma_start3A_197 = arith.constant 0 : i32
        %dma_start3A_198 = tpu.memref_slice %arg8[%add3A_158, %dma_start3A_197] : memref<32x80xi32, #tpu.memory_space<vmem>> -> memref<1x80xi32, #tpu.memory_space<vmem>>
        %dma_start3A_199 = tpu.memref_squeeze %dma_start3A_198 : memref<1x80xi32, #tpu.memory_space<vmem>> -> memref<80xi32, #tpu.memory_space<vmem>>
        %dma_start3A_200 = arith.constant 0 : i32
        %dma_start3A_201 = arith.constant 0 : i32
        %dma_start3A_202 = tpu.memref_slice %arg10[%dma_start3A_200, %dma_start3A_201] : memref<10000x128xf32, #tpu.memory_space<vmem_shared>> -> memref<10000x128xf32, #tpu.memory_space<vmem_shared>>
        tpu.enqueue_indirect_dma source(%dma_start3A_196 : memref<80x128xf32, #tpu.memory_space<vmem>>) target(%dma_start3A_202 : memref<10000x128xf32, #tpu.memory_space<vmem_shared>>) offsets(%dma_start3A_199 : memref<80xi32, #tpu.memory_space<vmem>>) semaphore(%arg15 : memref<!tpu.dma_semaphore, #tpu.memory_space<semaphore_mem>>) {add = true}
        %add3A_203 = arith.constant 2 : i32
        %add3A_204 = arith.addi %add3A_158, %add3A_203 : i32
        %lt3A_205 = arith.constant 32 : i32
        %lt3A_206 = arith.cmpi slt, %add3A_204, %lt3A_205 : i32
        %convert_element_type3A_207 = arith.extui %lt3A_206 : i1 to i32
        %cond3A_208 = arith.constant 0 : i32
        %cond3A_209 = arith.cmpi ne, %convert_element_type3A_207, %cond3A_208 : i32
        scf.if %cond3A_209 {
          %ge3A = arith.constant 2 : i32
          %ge3A_210 = arith.cmpi sge, %add3A_158, %ge3A : i32
          %convert_element_type3A_211 = arith.extui %ge3A_210 : i1 to i32
          %cond3A_212 = arith.constant 0 : i32
          %cond3A_213 = arith.cmpi ne, %convert_element_type3A_211, %cond3A_212 : i32
          scf.if %cond3A_213 {
            %dma_wait3A_227 = arith.constant 3 : i32
            %dma_wait3A_228 = arith.constant 0 : i32
            %dma_wait3A_229 = arith.constant 0 : i32
            %dma_wait3A_230 = tpu.memref_slice %arg9[%dma_wait3A_227, %dma_wait3A_228, %dma_wait3A_229] : memref<4x80x128xf32, #tpu.memory_space<vmem>> -> memref<1x80x128xf32, #tpu.memory_space<vmem>>
            %dma_wait3A_231 = tpu.memref_squeeze %dma_wait3A_230 : memref<1x80x128xf32, #tpu.memory_space<vmem>> -> memref<80x128xf32, #tpu.memory_space<vmem>>
            %dma_wait3A_232 = arith.constant 0 : i32
            %dma_wait3A_233 = tpu.memref_slice %arg8[%add3A_158, %dma_wait3A_232] : memref<32x80xi32, #tpu.memory_space<vmem>> -> memref<1x80xi32, #tpu.memory_space<vmem>>
            %dma_wait3A_234 = tpu.memref_squeeze %dma_wait3A_233 : memref<1x80xi32, #tpu.memory_space<vmem>> -> memref<80xi32, #tpu.memory_space<vmem>>
            %dma_wait3A_235 = arith.constant 0 : i32
            %dma_wait3A_236 = arith.constant 0 : i32
            %dma_wait3A_237 = tpu.memref_slice %arg10[%dma_wait3A_235, %dma_wait3A_236] : memref<10000x128xf32, #tpu.memory_space<vmem_shared>> -> memref<10000x128xf32, #tpu.memory_space<vmem_shared>>
            tpu.wait_indirect_dma semaphore(%arg15 : memref<!tpu.dma_semaphore, #tpu.memory_space<semaphore_mem>>) src(%dma_wait3A_231 : memref<80x128xf32, #tpu.memory_space<vmem>>) dst(%dma_wait3A_237 : memref<10000x128xf32, #tpu.memory_space<vmem_shared>>)
          } else {
          }
          %add3A_214 = arith.constant 2 : i32
          %add3A_215 = arith.addi %add3A_158, %add3A_214 : i32
          %dma_start3A_216 = arith.constant 3 : i32
          %dma_start3A_217 = arith.constant 0 : i32
          %dma_start3A_218 = arith.constant 0 : i32
          %dma_start3A_219 = tpu.memref_slice %arg9[%dma_start3A_216, %dma_start3A_217, %dma_start3A_218] : memref<4x80x128xf32, #tpu.memory_space<vmem>> -> memref<1x80x128xf32, #tpu.memory_space<vmem>>
          %dma_start3A_220 = tpu.memref_squeeze %dma_start3A_219 : memref<1x80x128xf32, #tpu.memory_space<vmem>> -> memref<80x128xf32, #tpu.memory_space<vmem>>
          %dma_start3A_221 = arith.constant 0 : i32
          %dma_start3A_222 = tpu.memref_slice %arg7[%add3A_215, %dma_start3A_221] : memref<32x80xi32, #tpu.memory_space<vmem>> -> memref<1x80xi32, #tpu.memory_space<vmem>>
          %dma_start3A_223 = tpu.memref_squeeze %dma_start3A_222 : memref<1x80xi32, #tpu.memory_space<vmem>> -> memref<80xi32, #tpu.memory_space<vmem>>
          %dma_start3A_224 = arith.constant 0 : i32
          %dma_start3A_225 = arith.constant 0 : i32
          %dma_start3A_226 = tpu.memref_slice %arg2[%dma_start3A_224, %dma_start3A_225] : memref<10000x128xf32, #tpu.memory_space<hbm>> -> memref<10000x128xf32, #tpu.memory_space<hbm>>
          tpu.enqueue_indirect_dma source(%dma_start3A_226 : memref<10000x128xf32, #tpu.memory_space<hbm>>) target(%dma_start3A_220 : memref<80x128xf32, #tpu.memory_space<vmem>>) offsets(%dma_start3A_223 : memref<80xi32, #tpu.memory_space<vmem>>) semaphore(%arg14 : memref<!tpu.dma_semaphore, #tpu.memory_space<semaphore_mem>>)
        } else {
        }
      } else {
      }
      %mul3A_164 = arith.constant 4 : i32
      %mul3A_165 = arith.muli %scan3A_148, %mul3A_164 : i32
      %add3A_166 = arith.constant 2 : i32
      %add3A_167 = arith.addi %mul3A_165, %add3A_166 : i32
      %lt3A_168 = arith.constant 32 : i32
      %lt3A_169 = arith.cmpi slt, %add3A_167, %lt3A_168 : i32
      %convert_element_type3A_170 = arith.extui %lt3A_169 : i1 to i32
      %cond3A_171 = arith.constant 0 : i32
      %cond3A_172 = arith.cmpi ne, %convert_element_type3A_170, %cond3A_171 : i32
      scf.if %cond3A_172 {
        %dma_wait3A = arith.constant 2 : i32
        %dma_wait3A_182 = arith.constant 0 : i32
        %dma_wait3A_183 = arith.constant 0 : i32
        %dma_wait3A_184 = tpu.memref_slice %arg9[%dma_wait3A, %dma_wait3A_182, %dma_wait3A_183] : memref<4x80x128xf32, #tpu.memory_space<vmem>> -> memref<1x80x128xf32, #tpu.memory_space<vmem>>
        %dma_wait3A_185 = tpu.memref_squeeze %dma_wait3A_184 : memref<1x80x128xf32, #tpu.memory_space<vmem>> -> memref<80x128xf32, #tpu.memory_space<vmem>>
        %dma_wait3A_186 = arith.constant 0 : i32
        %dma_wait3A_187 = tpu.memref_slice %arg7[%add3A_167, %dma_wait3A_186] : memref<32x80xi32, #tpu.memory_space<vmem>> -> memref<1x80xi32, #tpu.memory_space<vmem>>
        %dma_wait3A_188 = tpu.memref_squeeze %dma_wait3A_187 : memref<1x80xi32, #tpu.memory_space<vmem>> -> memref<80xi32, #tpu.memory_space<vmem>>
        %dma_wait3A_189 = arith.constant 0 : i32
        %dma_wait3A_190 = arith.constant 0 : i32
        %dma_wait3A_191 = tpu.memref_slice %arg2[%dma_wait3A_189, %dma_wait3A_190] : memref<10000x128xf32, #tpu.memory_space<hbm>> -> memref<10000x128xf32, #tpu.memory_space<hbm>>
        tpu.wait_indirect_dma semaphore(%arg13 : memref<!tpu.dma_semaphore, #tpu.memory_space<semaphore_mem>>) src(%dma_wait3A_191 : memref<10000x128xf32, #tpu.memory_space<hbm>>) dst(%dma_wait3A_185 : memref<80x128xf32, #tpu.memory_space<vmem>>)
        %dma_start3A_192 = arith.constant 2 : i32
        %dma_start3A_193 = arith.constant 0 : i32
        %dma_start3A_194 = arith.constant 0 : i32
        %dma_start3A_195 = tpu.memref_slice %arg9[%dma_start3A_192, %dma_start3A_193, %dma_start3A_194] : memref<4x80x128xf32, #tpu.memory_space<vmem>> -> memref<1x80x128xf32, #tpu.memory_space<vmem>>
        %dma_start3A_196 = tpu.memref_squeeze %dma_start3A_195 : memref<1x80x128xf32, #tpu.memory_space<vmem>> -> memref<80x128xf32, #tpu.memory_space<vmem>>
        %dma_start3A_197 = arith.constant 0 : i32
        %dma_start3A_198 = tpu.memref_slice %arg8[%add3A_167, %dma_start3A_197] : memref<32x80xi32, #tpu.memory_space<vmem>> -> memref<1x80xi32, #tpu.memory_space<vmem>>
        %dma_start3A_199 = tpu.memref_squeeze %dma_start3A_198 : memref<1x80xi32, #tpu.memory_space<vmem>> -> memref<80xi32, #tpu.memory_space<vmem>>
        %dma_start3A_200 = arith.constant 0 : i32
        %dma_start3A_201 = arith.constant 0 : i32
        %dma_start3A_202 = tpu.memref_slice %arg10[%dma_start3A_200, %dma_start3A_201] : memref<10000x128xf32, #tpu.memory_space<vmem_shared>> -> memref<10000x128xf32, #tpu.memory_space<vmem_shared>>
        tpu.enqueue_indirect_dma source(%dma_start3A_196 : memref<80x128xf32, #tpu.memory_space<vmem>>) target(%dma_start3A_202 : memref<10000x128xf32, #tpu.memory_space<vmem_shared>>) offsets(%dma_start3A_199 : memref<80xi32, #tpu.memory_space<vmem>>) semaphore(%arg15 : memref<!tpu.dma_semaphore, #tpu.memory_space<semaphore_mem>>) {add = true}
        %add3A_203 = arith.constant 2 : i32
        %add3A_204 = arith.addi %add3A_167, %add3A_203 : i32
        %lt3A_205 = arith.constant 32 : i32
        %lt3A_206 = arith.cmpi slt, %add3A_204, %lt3A_205 : i32
        %convert_element_type3A_207 = arith.extui %lt3A_206 : i1 to i32
        %cond3A_208 = arith.constant 0 : i32
        %cond3A_209 = arith.cmpi ne, %convert_element_type3A_207, %cond3A_208 : i32
        scf.if %cond3A_209 {
          %ge3A = arith.constant 2 : i32
          %ge3A_210 = arith.cmpi sge, %add3A_167, %ge3A : i32
          %convert_element_type3A_211 = arith.extui %ge3A_210 : i1 to i32
          %cond3A_212 = arith.constant 0 : i32
          %cond3A_213 = arith.cmpi ne, %convert_element_type3A_211, %cond3A_212 : i32
          scf.if %cond3A_213 {
            %dma_wait3A_227 = arith.constant 0 : i32
            %dma_wait3A_228 = arith.constant 0 : i32
            %dma_wait3A_229 = arith.constant 0 : i32
            %dma_wait3A_230 = tpu.memref_slice %arg9[%dma_wait3A_227, %dma_wait3A_228, %dma_wait3A_229] : memref<4x80x128xf32, #tpu.memory_space<vmem>> -> memref<1x80x128xf32, #tpu.memory_space<vmem>>
            %dma_wait3A_231 = tpu.memref_squeeze %dma_wait3A_230 : memref<1x80x128xf32, #tpu.memory_space<vmem>> -> memref<80x128xf32, #tpu.memory_space<vmem>>
            %dma_wait3A_232 = arith.constant 0 : i32
            %dma_wait3A_233 = tpu.memref_slice %arg8[%add3A_167, %dma_wait3A_232] : memref<32x80xi32, #tpu.memory_space<vmem>> -> memref<1x80xi32, #tpu.memory_space<vmem>>
            %dma_wait3A_234 = tpu.memref_squeeze %dma_wait3A_233 : memref<1x80xi32, #tpu.memory_space<vmem>> -> memref<80xi32, #tpu.memory_space<vmem>>
            %dma_wait3A_235 = arith.constant 0 : i32
            %dma_wait3A_236 = arith.constant 0 : i32
            %dma_wait3A_237 = tpu.memref_slice %arg10[%dma_wait3A_235, %dma_wait3A_236] : memref<10000x128xf32, #tpu.memory_space<vmem_shared>> -> memref<10000x128xf32, #tpu.memory_space<vmem_shared>>
            tpu.wait_indirect_dma semaphore(%arg15 : memref<!tpu.dma_semaphore, #tpu.memory_space<semaphore_mem>>) src(%dma_wait3A_231 : memref<80x128xf32, #tpu.memory_space<vmem>>) dst(%dma_wait3A_237 : memref<10000x128xf32, #tpu.memory_space<vmem_shared>>)
          } else {
          }
          %add3A_214 = arith.constant 2 : i32
          %add3A_215 = arith.addi %add3A_167, %add3A_214 : i32
          %dma_start3A_216 = arith.constant 0 : i32
          %dma_start3A_217 = arith.constant 0 : i32
          %dma_start3A_218 = arith.constant 0 : i32
          %dma_start3A_219 = tpu.memref_slice %arg9[%dma_start3A_216, %dma_start3A_217, %dma_start3A_218] : memref<4x80x128xf32, #tpu.memory_space<vmem>> -> memref<1x80x128xf32, #tpu.memory_space<vmem>>
          %dma_start3A_220 = tpu.memref_squeeze %dma_start3A_219 : memref<1x80x128xf32, #tpu.memory_space<vmem>> -> memref<80x128xf32, #tpu.memory_space<vmem>>
          %dma_start3A_221 = arith.constant 0 : i32
          %dma_start3A_222 = tpu.memref_slice %arg7[%add3A_215, %dma_start3A_221] : memref<32x80xi32, #tpu.memory_space<vmem>> -> memref<1x80xi32, #tpu.memory_space<vmem>>
          %dma_start3A_223 = tpu.memref_squeeze %dma_start3A_222 : memref<1x80xi32, #tpu.memory_space<vmem>> -> memref<80xi32, #tpu.memory_space<vmem>>
          %dma_start3A_224 = arith.constant 0 : i32
          %dma_start3A_225 = arith.constant 0 : i32
          %dma_start3A_226 = tpu.memref_slice %arg2[%dma_start3A_224, %dma_start3A_225] : memref<10000x128xf32, #tpu.memory_space<hbm>> -> memref<10000x128xf32, #tpu.memory_space<hbm>>
          tpu.enqueue_indirect_dma source(%dma_start3A_226 : memref<10000x128xf32, #tpu.memory_space<hbm>>) target(%dma_start3A_220 : memref<80x128xf32, #tpu.memory_space<vmem>>) offsets(%dma_start3A_223 : memref<80xi32, #tpu.memory_space<vmem>>) semaphore(%arg11 : memref<!tpu.dma_semaphore, #tpu.memory_space<semaphore_mem>>)
        } else {
        }
      } else {
      }
      %mul3A_173 = arith.constant 4 : i32
      %mul3A_174 = arith.muli %scan3A_148, %mul3A_173 : i32
      %add3A_175 = arith.constant 3 : i32
      %add3A_176 = arith.addi %mul3A_174, %add3A_175 : i32
      %lt3A_177 = arith.constant 32 : i32
      %lt3A_178 = arith.cmpi slt, %add3A_176, %lt3A_177 : i32
      %convert_element_type3A_179 = arith.extui %lt3A_178 : i1 to i32
      %cond3A_180 = arith.constant 0 : i32
      %cond3A_181 = arith.cmpi ne, %convert_element_type3A_179, %cond3A_180 : i32
      scf.if %cond3A_181 {
        %dma_wait3A = arith.constant 3 : i32
        %dma_wait3A_182 = arith.constant 0 : i32
        %dma_wait3A_183 = arith.constant 0 : i32
        %dma_wait3A_184 = tpu.memref_slice %arg9[%dma_wait3A, %dma_wait3A_182, %dma_wait3A_183] : memref<4x80x128xf32, #tpu.memory_space<vmem>> -> memref<1x80x128xf32, #tpu.memory_space<vmem>>
        %dma_wait3A_185 = tpu.memref_squeeze %dma_wait3A_184 : memref<1x80x128xf32, #tpu.memory_space<vmem>> -> memref<80x128xf32, #tpu.memory_space<vmem>>
        %dma_wait3A_186 = arith.constant 0 : i32
        %dma_wait3A_187 = tpu.memref_slice %arg7[%add3A_176, %dma_wait3A_186] : memref<32x80xi32, #tpu.memory_space<vmem>> -> memref<1x80xi32, #tpu.memory_space<vmem>>
        %dma_wait3A_188 = tpu.memref_squeeze %dma_wait3A_187 : memref<1x80xi32, #tpu.memory_space<vmem>> -> memref<80xi32, #tpu.memory_space<vmem>>
        %dma_wait3A_189 = arith.constant 0 : i32
        %dma_wait3A_190 = arith.constant 0 : i32
        %dma_wait3A_191 = tpu.memref_slice %arg2[%dma_wait3A_189, %dma_wait3A_190] : memref<10000x128xf32, #tpu.memory_space<hbm>> -> memref<10000x128xf32, #tpu.memory_space<hbm>>
        tpu.wait_indirect_dma semaphore(%arg14 : memref<!tpu.dma_semaphore, #tpu.memory_space<semaphore_mem>>) src(%dma_wait3A_191 : memref<10000x128xf32, #tpu.memory_space<hbm>>) dst(%dma_wait3A_185 : memref<80x128xf32, #tpu.memory_space<vmem>>)
        %dma_start3A_192 = arith.constant 3 : i32
        %dma_start3A_193 = arith.constant 0 : i32
        %dma_start3A_194 = arith.constant 0 : i32
        %dma_start3A_195 = tpu.memref_slice %arg9[%dma_start3A_192, %dma_start3A_193, %dma_start3A_194] : memref<4x80x128xf32, #tpu.memory_space<vmem>> -> memref<1x80x128xf32, #tpu.memory_space<vmem>>
        %dma_start3A_196 = tpu.memref_squeeze %dma_start3A_195 : memref<1x80x128xf32, #tpu.memory_space<vmem>> -> memref<80x128xf32, #tpu.memory_space<vmem>>
        %dma_start3A_197 = arith.constant 0 : i32
        %dma_start3A_198 = tpu.memref_slice %arg8[%add3A_176, %dma_start3A_197] : memref<32x80xi32, #tpu.memory_space<vmem>> -> memref<1x80xi32, #tpu.memory_space<vmem>>
        %dma_start3A_199 = tpu.memref_squeeze %dma_start3A_198 : memref<1x80xi32, #tpu.memory_space<vmem>> -> memref<80xi32, #tpu.memory_space<vmem>>
        %dma_start3A_200 = arith.constant 0 : i32
        %dma_start3A_201 = arith.constant 0 : i32
        %dma_start3A_202 = tpu.memref_slice %arg10[%dma_start3A_200, %dma_start3A_201] : memref<10000x128xf32, #tpu.memory_space<vmem_shared>> -> memref<10000x128xf32, #tpu.memory_space<vmem_shared>>
        tpu.enqueue_indirect_dma source(%dma_start3A_196 : memref<80x128xf32, #tpu.memory_space<vmem>>) target(%dma_start3A_202 : memref<10000x128xf32, #tpu.memory_space<vmem_shared>>) offsets(%dma_start3A_199 : memref<80xi32, #tpu.memory_space<vmem>>) semaphore(%arg15 : memref<!tpu.dma_semaphore, #tpu.memory_space<semaphore_mem>>) {add = true}
        %add3A_203 = arith.constant 2 : i32
        %add3A_204 = arith.addi %add3A_176, %add3A_203 : i32
        %lt3A_205 = arith.constant 32 : i32
        %lt3A_206 = arith.cmpi slt, %add3A_204, %lt3A_205 : i32
        %convert_element_type3A_207 = arith.extui %lt3A_206 : i1 to i32
        %cond3A_208 = arith.constant 0 : i32
        %cond3A_209 = arith.cmpi ne, %convert_element_type3A_207, %cond3A_208 : i32
        scf.if %cond3A_209 {
          %ge3A = arith.constant 2 : i32
          %ge3A_210 = arith.cmpi sge, %add3A_176, %ge3A : i32
          %convert_element_type3A_211 = arith.extui %ge3A_210 : i1 to i32
          %cond3A_212 = arith.constant 0 : i32
          %cond3A_213 = arith.cmpi ne, %convert_element_type3A_211, %cond3A_212 : i32
          scf.if %cond3A_213 {
            %dma_wait3A_227 = arith.constant 1 : i32
            %dma_wait3A_228 = arith.constant 0 : i32
            %dma_wait3A_229 = arith.constant 0 : i32
            %dma_wait3A_230 = tpu.memref_slice %arg9[%dma_wait3A_227, %dma_wait3A_228, %dma_wait3A_229] : memref<4x80x128xf32, #tpu.memory_space<vmem>> -> memref<1x80x128xf32, #tpu.memory_space<vmem>>
            %dma_wait3A_231 = tpu.memref_squeeze %dma_wait3A_230 : memref<1x80x128xf32, #tpu.memory_space<vmem>> -> memref<80x128xf32, #tpu.memory_space<vmem>>
            %dma_wait3A_232 = arith.constant 0 : i32
            %dma_wait3A_233 = tpu.memref_slice %arg8[%add3A_176, %dma_wait3A_232] : memref<32x80xi32, #tpu.memory_space<vmem>> -> memref<1x80xi32, #tpu.memory_space<vmem>>
            %dma_wait3A_234 = tpu.memref_squeeze %dma_wait3A_233 : memref<1x80xi32, #tpu.memory_space<vmem>> -> memref<80xi32, #tpu.memory_space<vmem>>
            %dma_wait3A_235 = arith.constant 0 : i32
            %dma_wait3A_236 = arith.constant 0 : i32
            %dma_wait3A_237 = tpu.memref_slice %arg10[%dma_wait3A_235, %dma_wait3A_236] : memref<10000x128xf32, #tpu.memory_space<vmem_shared>> -> memref<10000x128xf32, #tpu.memory_space<vmem_shared>>
            tpu.wait_indirect_dma semaphore(%arg15 : memref<!tpu.dma_semaphore, #tpu.memory_space<semaphore_mem>>) src(%dma_wait3A_231 : memref<80x128xf32, #tpu.memory_space<vmem>>) dst(%dma_wait3A_237 : memref<10000x128xf32, #tpu.memory_space<vmem_shared>>)
          } else {
          }
          %add3A_214 = arith.constant 2 : i32
          %add3A_215 = arith.addi %add3A_176, %add3A_214 : i32
          %dma_start3A_216 = arith.constant 1 : i32
          %dma_start3A_217 = arith.constant 0 : i32
          %dma_start3A_218 = arith.constant 0 : i32
          %dma_start3A_219 = tpu.memref_slice %arg9[%dma_start3A_216, %dma_start3A_217, %dma_start3A_218] : memref<4x80x128xf32, #tpu.memory_space<vmem>> -> memref<1x80x128xf32, #tpu.memory_space<vmem>>
          %dma_start3A_220 = tpu.memref_squeeze %dma_start3A_219 : memref<1x80x128xf32, #tpu.memory_space<vmem>> -> memref<80x128xf32, #tpu.memory_space<vmem>>
          %dma_start3A_221 = arith.constant 0 : i32
          %dma_start3A_222 = tpu.memref_slice %arg7[%add3A_215, %dma_start3A_221] : memref<32x80xi32, #tpu.memory_space<vmem>> -> memref<1x80xi32, #tpu.memory_space<vmem>>
          %dma_start3A_223 = tpu.memref_squeeze %dma_start3A_222 : memref<1x80xi32, #tpu.memory_space<vmem>> -> memref<80xi32, #tpu.memory_space<vmem>>
          %dma_start3A_224 = arith.constant 0 : i32
          %dma_start3A_225 = arith.constant 0 : i32
          %dma_start3A_226 = tpu.memref_slice %arg2[%dma_start3A_224, %dma_start3A_225] : memref<10000x128xf32, #tpu.memory_space<hbm>> -> memref<10000x128xf32, #tpu.memory_space<hbm>>
          tpu.enqueue_indirect_dma source(%dma_start3A_226 : memref<10000x128xf32, #tpu.memory_space<hbm>>) target(%dma_start3A_220 : memref<80x128xf32, #tpu.memory_space<vmem>>) offsets(%dma_start3A_223 : memref<80xi32, #tpu.memory_space<vmem>>) semaphore(%arg12 : memref<!tpu.dma_semaphore, #tpu.memory_space<semaphore_mem>>)
        } else {
        }
      } else {
      }
    }
    %scan3A_102 = arith.constant 8 : i32
    %scan3A_103 = arith.constant 0 : i32
    %scan3A_104 = arith.constant 0 : i32
    %scan3A_105 = arith.constant 4 : i32
    %scan3A_106 = arith.addi %scan3A_104, %scan3A_105 : i32
    %scan3A_107 = arith.constant 1 : i32
    scf.for %scan3A_148 = %scan3A_104 to %scan3A_106 step %scan3A_107  : i32 {
      %dma_wait3A = arith.constant 0 : i32
      %dma_wait3A_149 = arith.constant 0 : i32
      %dma_wait3A_150 = arith.constant 0 : i32
      %dma_wait3A_151 = arith.constant 0 : i32
      %dma_wait3A_152 = tpu.memref_slice %arg9[%dma_wait3A, %dma_wait3A_150, %dma_wait3A_151] : memref<4x80x128xf32, #tpu.memory_space<vmem>> -> memref<1x80x128xf32, #tpu.memory_space<vmem>>
      %dma_wait3A_153 = tpu.memref_squeeze %dma_wait3A_152 : memref<1x80x128xf32, #tpu.memory_space<vmem>> -> memref<80x128xf32, #tpu.memory_space<vmem>>
      %dma_wait3A_154 = arith.constant 0 : i32
      %dma_wait3A_155 = tpu.memref_slice %arg8[%dma_wait3A_149, %dma_wait3A_154] : memref<32x80xi32, #tpu.memory_space<vmem>> -> memref<1x80xi32, #tpu.memory_space<vmem>>
      %dma_wait3A_156 = tpu.memref_squeeze %dma_wait3A_155 : memref<1x80xi32, #tpu.memory_space<vmem>> -> memref<80xi32, #tpu.memory_space<vmem>>
      %dma_wait3A_157 = arith.constant 0 : i32
      %dma_wait3A_158 = arith.constant 0 : i32
      %dma_wait3A_159 = tpu.memref_slice %arg10[%dma_wait3A_157, %dma_wait3A_158] : memref<10000x128xf32, #tpu.memory_space<vmem_shared>> -> memref<10000x128xf32, #tpu.memory_space<vmem_shared>>
      tpu.wait_indirect_dma semaphore(%arg15 : memref<!tpu.dma_semaphore, #tpu.memory_space<semaphore_mem>>) src(%dma_wait3A_153 : memref<80x128xf32, #tpu.memory_space<vmem>>) dst(%dma_wait3A_159 : memref<10000x128xf32, #tpu.memory_space<vmem_shared>>)
    }
    %scan3A_108 = arith.constant 4 : i32
    "tpu.region"() ({
      %run_scoped3A = tpu.sem_alloc : memref<!tpu.dma_semaphore, #tpu.memory_space<semaphore_mem>>
      %dma_start3A_148 = arith.constant 0 : i32
      %dma_start3A_149 = arith.constant 0 : i32
      %dma_start3A_150 = tpu.memref_slice %arg7[%dma_start3A_148, %dma_start3A_149] : memref<32x80xi32, #tpu.memory_space<vmem>> -> memref<29x80xi32, #tpu.memory_space<vmem>>
      %dma_start3A_151 = arith.constant 96 : i32
      %dma_start3A_152 = arith.constant 0 : i32
      %dma_start3A_153 = tpu.memref_slice %arg3[%add3A, %dma_start3A_151, %dma_start3A_152] : memref<32x125x80xi32, #tpu.memory_space<hbm>> -> memref<1x29x80xi32, #tpu.memory_space<hbm>>
      %dma_start3A_154 = tpu.memref_squeeze %dma_start3A_153 : memref<1x29x80xi32, #tpu.memory_space<hbm>> -> memref<29x80xi32, #tpu.memory_space<hbm>>
      %dma_start3A_155 = arith.constant 0 : i32
      %dma_start3A_156 = arith.constant 0 : i32
      %dma_start3A_157 = tpu.memref_slice %arg7[%dma_start3A_155, %dma_start3A_156] : memref<32x80xi32, #tpu.memory_space<vmem>> -> memref<29x80xi32, #tpu.memory_space<vmem>>
      %dma_start3A_158 = arith.constant 96 : i32
      %dma_start3A_159 = arith.constant 0 : i32
      %dma_start3A_160 = tpu.memref_slice %arg3[%add3A, %dma_start3A_158, %dma_start3A_159] : memref<32x125x80xi32, #tpu.memory_space<hbm>> -> memref<1x29x80xi32, #tpu.memory_space<hbm>>
      %dma_start3A_161 = tpu.memref_squeeze %dma_start3A_160 : memref<1x29x80xi32, #tpu.memory_space<hbm>> -> memref<29x80xi32, #tpu.memory_space<hbm>>
      tpu.enqueue_dma source(%dma_start3A_161 : memref<29x80xi32, #tpu.memory_space<hbm>>) target(%dma_start3A_157 : memref<29x80xi32, #tpu.memory_space<vmem>>) target_semaphore(%run_scoped3A : memref<!tpu.dma_semaphore, #tpu.memory_space<semaphore_mem>>)
      %dma_wait3A = arith.constant 0 : i32
      %dma_wait3A_162 = arith.constant 0 : i32
      %dma_wait3A_163 = tpu.memref_slice %arg7[%dma_wait3A, %dma_wait3A_162] : memref<32x80xi32, #tpu.memory_space<vmem>> -> memref<29x80xi32, #tpu.memory_space<vmem>>
      %dma_wait3A_164 = arith.constant 96 : i32
      %dma_wait3A_165 = arith.constant 0 : i32
      %dma_wait3A_166 = tpu.memref_slice %arg3[%add3A, %dma_wait3A_164, %dma_wait3A_165] : memref<32x125x80xi32, #tpu.memory_space<hbm>> -> memref<1x29x80xi32, #tpu.memory_space<hbm>>
      %dma_wait3A_167 = tpu.memref_squeeze %dma_wait3A_166 : memref<1x29x80xi32, #tpu.memory_space<hbm>> -> memref<29x80xi32, #tpu.memory_space<hbm>>
      %dma_wait3A_168 = arith.constant 0 : i32
      %dma_wait3A_169 = arith.constant 0 : i32
      %dma_wait3A_170 = tpu.memref_slice %arg7[%dma_wait3A_168, %dma_wait3A_169] : memref<32x80xi32, #tpu.memory_space<vmem>> -> memref<29x80xi32, #tpu.memory_space<vmem>>
      %dma_wait3A_171 = arith.constant 96 : i32
      %dma_wait3A_172 = arith.constant 0 : i32
      %dma_wait3A_173 = tpu.memref_slice %arg3[%add3A, %dma_wait3A_171, %dma_wait3A_172] : memref<32x125x80xi32, #tpu.memory_space<hbm>> -> memref<1x29x80xi32, #tpu.memory_space<hbm>>
      %dma_wait3A_174 = tpu.memref_squeeze %dma_wait3A_173 : memref<1x29x80xi32, #tpu.memory_space<hbm>> -> memref<29x80xi32, #tpu.memory_space<hbm>>
      tpu.wait_dma2 semaphore(%run_scoped3A : memref<!tpu.dma_semaphore, #tpu.memory_space<semaphore_mem>>) src(%dma_wait3A_174 : memref<29x80xi32, #tpu.memory_space<hbm>>) dst(%dma_wait3A_170 : memref<29x80xi32, #tpu.memory_space<vmem>>)
      tpu.yield
    }) : () -> ()
    "tpu.region"() ({
      %run_scoped3A = tpu.sem_alloc : memref<!tpu.dma_semaphore, #tpu.memory_space<semaphore_mem>>
      %dma_start3A_148 = arith.constant 0 : i32
      %dma_start3A_149 = arith.constant 0 : i32
      %dma_start3A_150 = tpu.memref_slice %arg8[%dma_start3A_148, %dma_start3A_149] : memref<32x80xi32, #tpu.memory_space<vmem>> -> memref<29x80xi32, #tpu.memory_space<vmem>>
      %dma_start3A_151 = arith.constant 96 : i32
      %dma_start3A_152 = arith.constant 0 : i32
      %dma_start3A_153 = tpu.memref_slice %arg4[%add3A, %dma_start3A_151, %dma_start3A_152] : memref<32x125x80xi32, #tpu.memory_space<hbm>> -> memref<1x29x80xi32, #tpu.memory_space<hbm>>
      %dma_start3A_154 = tpu.memref_squeeze %dma_start3A_153 : memref<1x29x80xi32, #tpu.memory_space<hbm>> -> memref<29x80xi32, #tpu.memory_space<hbm>>
      %dma_start3A_155 = arith.constant 0 : i32
      %dma_start3A_156 = arith.constant 0 : i32
      %dma_start3A_157 = tpu.memref_slice %arg8[%dma_start3A_155, %dma_start3A_156] : memref<32x80xi32, #tpu.memory_space<vmem>> -> memref<29x80xi32, #tpu.memory_space<vmem>>
      %dma_start3A_158 = arith.constant 96 : i32
      %dma_start3A_159 = arith.constant 0 : i32
      %dma_start3A_160 = tpu.memref_slice %arg4[%add3A, %dma_start3A_158, %dma_start3A_159] : memref<32x125x80xi32, #tpu.memory_space<hbm>> -> memref<1x29x80xi32, #tpu.memory_space<hbm>>
      %dma_start3A_161 = tpu.memref_squeeze %dma_start3A_160 : memref<1x29x80xi32, #tpu.memory_space<hbm>> -> memref<29x80xi32, #tpu.memory_space<hbm>>
      tpu.enqueue_dma source(%dma_start3A_161 : memref<29x80xi32, #tpu.memory_space<hbm>>) target(%dma_start3A_157 : memref<29x80xi32, #tpu.memory_space<vmem>>) target_semaphore(%run_scoped3A : memref<!tpu.dma_semaphore, #tpu.memory_space<semaphore_mem>>)
      %dma_wait3A = arith.constant 0 : i32
      %dma_wait3A_162 = arith.constant 0 : i32
      %dma_wait3A_163 = tpu.memref_slice %arg8[%dma_wait3A, %dma_wait3A_162] : memref<32x80xi32, #tpu.memory_space<vmem>> -> memref<29x80xi32, #tpu.memory_space<vmem>>
      %dma_wait3A_164 = arith.constant 96 : i32
      %dma_wait3A_165 = arith.constant 0 : i32
      %dma_wait3A_166 = tpu.memref_slice %arg4[%add3A, %dma_wait3A_164, %dma_wait3A_165] : memref<32x125x80xi32, #tpu.memory_space<hbm>> -> memref<1x29x80xi32, #tpu.memory_space<hbm>>
      %dma_wait3A_167 = tpu.memref_squeeze %dma_wait3A_166 : memref<1x29x80xi32, #tpu.memory_space<hbm>> -> memref<29x80xi32, #tpu.memory_space<hbm>>
      %dma_wait3A_168 = arith.constant 0 : i32
      %dma_wait3A_169 = arith.constant 0 : i32
      %dma_wait3A_170 = tpu.memref_slice %arg8[%dma_wait3A_168, %dma_wait3A_169] : memref<32x80xi32, #tpu.memory_space<vmem>> -> memref<29x80xi32, #tpu.memory_space<vmem>>
      %dma_wait3A_171 = arith.constant 96 : i32
      %dma_wait3A_172 = arith.constant 0 : i32
      %dma_wait3A_173 = tpu.memref_slice %arg4[%add3A, %dma_wait3A_171, %dma_wait3A_172] : memref<32x125x80xi32, #tpu.memory_space<hbm>> -> memref<1x29x80xi32, #tpu.memory_space<hbm>>
      %dma_wait3A_174 = tpu.memref_squeeze %dma_wait3A_173 : memref<1x29x80xi32, #tpu.memory_space<hbm>> -> memref<29x80xi32, #tpu.memory_space<hbm>>
      tpu.wait_dma2 semaphore(%run_scoped3A : memref<!tpu.dma_semaphore, #tpu.memory_space<semaphore_mem>>) src(%dma_wait3A_174 : memref<29x80xi32, #tpu.memory_space<hbm>>) dst(%dma_wait3A_170 : memref<29x80xi32, #tpu.memory_space<vmem>>)
      tpu.yield
    }) : () -> ()
    %dma_start3A_109 = arith.constant 0 : i32
    %dma_start3A_110 = arith.constant 0 : i32
    %dma_start3A_111 = arith.constant 0 : i32
    %dma_start3A_112 = arith.constant 0 : i32
    %dma_start3A_113 = tpu.memref_slice %arg9[%dma_start3A_110, %dma_start3A_111, %dma_start3A_112] : memref<4x80x128xf32, #tpu.memory_space<vmem>> -> memref<1x80x128xf32, #tpu.memory_space<vmem>>
    %dma_start3A_114 = tpu.memref_squeeze %dma_start3A_113 : memref<1x80x128xf32, #tpu.memory_space<vmem>> -> memref<80x128xf32, #tpu.memory_space<vmem>>
    %dma_start3A_115 = arith.constant 0 : i32
    %dma_start3A_116 = tpu.memref_slice %arg7[%dma_start3A_109, %dma_start3A_115] : memref<32x80xi32, #tpu.memory_space<vmem>> -> memref<1x80xi32, #tpu.memory_space<vmem>>
    %dma_start3A_117 = tpu.memref_squeeze %dma_start3A_116 : memref<1x80xi32, #tpu.memory_space<vmem>> -> memref<80xi32, #tpu.memory_space<vmem>>
    %dma_start3A_118 = arith.constant 0 : i32
    %dma_start3A_119 = arith.constant 0 : i32
    %dma_start3A_120 = tpu.memref_slice %arg2[%dma_start3A_118, %dma_start3A_119] : memref<10000x128xf32, #tpu.memory_space<hbm>> -> memref<10000x128xf32, #tpu.memory_space<hbm>>
    tpu.enqueue_indirect_dma source(%dma_start3A_120 : memref<10000x128xf32, #tpu.memory_space<hbm>>) target(%dma_start3A_114 : memref<80x128xf32, #tpu.memory_space<vmem>>) offsets(%dma_start3A_117 : memref<80xi32, #tpu.memory_space<vmem>>) semaphore(%arg11 : memref<!tpu.dma_semaphore, #tpu.memory_space<semaphore_mem>>)
    %dma_start3A_121 = arith.constant 1 : i32
    %dma_start3A_122 = arith.constant 1 : i32
    %dma_start3A_123 = arith.constant 0 : i32
    %dma_start3A_124 = arith.constant 0 : i32
    %dma_start3A_125 = tpu.memref_slice %arg9[%dma_start3A_122, %dma_start3A_123, %dma_start3A_124] : memref<4x80x128xf32, #tpu.memory_space<vmem>> -> memref<1x80x128xf32, #tpu.memory_space<vmem>>
    %dma_start3A_126 = tpu.memref_squeeze %dma_start3A_125 : memref<1x80x128xf32, #tpu.memory_space<vmem>> -> memref<80x128xf32, #tpu.memory_space<vmem>>
    %dma_start3A_127 = arith.constant 0 : i32
    %dma_start3A_128 = tpu.memref_slice %arg7[%dma_start3A_121, %dma_start3A_127] : memref<32x80xi32, #tpu.memory_space<vmem>> -> memref<1x80xi32, #tpu.memory_space<vmem>>
    %dma_start3A_129 = tpu.memref_squeeze %dma_start3A_128 : memref<1x80xi32, #tpu.memory_space<vmem>> -> memref<80xi32, #tpu.memory_space<vmem>>
    %dma_start3A_130 = arith.constant 0 : i32
    %dma_start3A_131 = arith.constant 0 : i32
    %dma_start3A_132 = tpu.memref_slice %arg2[%dma_start3A_130, %dma_start3A_131] : memref<10000x128xf32, #tpu.memory_space<hbm>> -> memref<10000x128xf32, #tpu.memory_space<hbm>>
    tpu.enqueue_indirect_dma source(%dma_start3A_132 : memref<10000x128xf32, #tpu.memory_space<hbm>>) target(%dma_start3A_126 : memref<80x128xf32, #tpu.memory_space<vmem>>) offsets(%dma_start3A_129 : memref<80xi32, #tpu.memory_space<vmem>>) semaphore(%arg12 : memref<!tpu.dma_semaphore, #tpu.memory_space<semaphore_mem>>)
    %scan3A_133 = arith.constant 0 : i32
    %scan3A_134 = arith.constant 0 : i32
    %scan3A_135 = arith.constant 8 : i32
    %scan3A_136 = arith.addi %scan3A_134, %scan3A_135 : i32
    %scan3A_137 = arith.constant 1 : i32
    scf.for %scan3A_148 = %scan3A_134 to %scan3A_136 step %scan3A_137  : i32 {
      %mul3A_149 = arith.constant 4 : i32
      %mul3A_150 = arith.muli %scan3A_148, %mul3A_149 : i32
      %add3A_151 = arith.constant 0 : i32
      %add3A_152 = arith.addi %mul3A_150, %add3A_151 : i32
      %lt3A = arith.constant 29 : i32
      %lt3A_153 = arith.cmpi slt, %add3A_152, %lt3A : i32
      %convert_element_type3A = arith.extui %lt3A_153 : i1 to i32
      %cond3A = arith.constant 0 : i32
      %cond3A_154 = arith.cmpi ne, %convert_element_type3A, %cond3A : i32
      scf.if %cond3A_154 {
        %dma_wait3A = arith.constant 0 : i32
        %dma_wait3A_182 = arith.constant 0 : i32
        %dma_wait3A_183 = arith.constant 0 : i32
        %dma_wait3A_184 = tpu.memref_slice %arg9[%dma_wait3A, %dma_wait3A_182, %dma_wait3A_183] : memref<4x80x128xf32, #tpu.memory_space<vmem>> -> memref<1x80x128xf32, #tpu.memory_space<vmem>>
        %dma_wait3A_185 = tpu.memref_squeeze %dma_wait3A_184 : memref<1x80x128xf32, #tpu.memory_space<vmem>> -> memref<80x128xf32, #tpu.memory_space<vmem>>
        %dma_wait3A_186 = arith.constant 0 : i32
        %dma_wait3A_187 = tpu.memref_slice %arg7[%add3A_152, %dma_wait3A_186] : memref<32x80xi32, #tpu.memory_space<vmem>> -> memref<1x80xi32, #tpu.memory_space<vmem>>
        %dma_wait3A_188 = tpu.memref_squeeze %dma_wait3A_187 : memref<1x80xi32, #tpu.memory_space<vmem>> -> memref<80xi32, #tpu.memory_space<vmem>>
        %dma_wait3A_189 = arith.constant 0 : i32
        %dma_wait3A_190 = arith.constant 0 : i32
        %dma_wait3A_191 = tpu.memref_slice %arg2[%dma_wait3A_189, %dma_wait3A_190] : memref<10000x128xf32, #tpu.memory_space<hbm>> -> memref<10000x128xf32, #tpu.memory_space<hbm>>
        tpu.wait_indirect_dma semaphore(%arg11 : memref<!tpu.dma_semaphore, #tpu.memory_space<semaphore_mem>>) src(%dma_wait3A_191 : memref<10000x128xf32, #tpu.memory_space<hbm>>) dst(%dma_wait3A_185 : memref<80x128xf32, #tpu.memory_space<vmem>>)
        %dma_start3A_192 = arith.constant 0 : i32
        %dma_start3A_193 = arith.constant 0 : i32
        %dma_start3A_194 = arith.constant 0 : i32
        %dma_start3A_195 = tpu.memref_slice %arg9[%dma_start3A_192, %dma_start3A_193, %dma_start3A_194] : memref<4x80x128xf32, #tpu.memory_space<vmem>> -> memref<1x80x128xf32, #tpu.memory_space<vmem>>
        %dma_start3A_196 = tpu.memref_squeeze %dma_start3A_195 : memref<1x80x128xf32, #tpu.memory_space<vmem>> -> memref<80x128xf32, #tpu.memory_space<vmem>>
        %dma_start3A_197 = arith.constant 0 : i32
        %dma_start3A_198 = tpu.memref_slice %arg8[%add3A_152, %dma_start3A_197] : memref<32x80xi32, #tpu.memory_space<vmem>> -> memref<1x80xi32, #tpu.memory_space<vmem>>
        %dma_start3A_199 = tpu.memref_squeeze %dma_start3A_198 : memref<1x80xi32, #tpu.memory_space<vmem>> -> memref<80xi32, #tpu.memory_space<vmem>>
        %dma_start3A_200 = arith.constant 0 : i32
        %dma_start3A_201 = arith.constant 0 : i32
        %dma_start3A_202 = tpu.memref_slice %arg10[%dma_start3A_200, %dma_start3A_201] : memref<10000x128xf32, #tpu.memory_space<vmem_shared>> -> memref<10000x128xf32, #tpu.memory_space<vmem_shared>>
        tpu.enqueue_indirect_dma source(%dma_start3A_196 : memref<80x128xf32, #tpu.memory_space<vmem>>) target(%dma_start3A_202 : memref<10000x128xf32, #tpu.memory_space<vmem_shared>>) offsets(%dma_start3A_199 : memref<80xi32, #tpu.memory_space<vmem>>) semaphore(%arg15 : memref<!tpu.dma_semaphore, #tpu.memory_space<semaphore_mem>>) {add = true}
        %add3A_203 = arith.constant 2 : i32
        %add3A_204 = arith.addi %add3A_152, %add3A_203 : i32
        %lt3A_205 = arith.constant 29 : i32
        %lt3A_206 = arith.cmpi slt, %add3A_204, %lt3A_205 : i32
        %convert_element_type3A_207 = arith.extui %lt3A_206 : i1 to i32
        %cond3A_208 = arith.constant 0 : i32
        %cond3A_209 = arith.cmpi ne, %convert_element_type3A_207, %cond3A_208 : i32
        scf.if %cond3A_209 {
          %ge3A = arith.constant 2 : i32
          %ge3A_210 = arith.cmpi sge, %add3A_152, %ge3A : i32
          %convert_element_type3A_211 = arith.extui %ge3A_210 : i1 to i32
          %cond3A_212 = arith.constant 0 : i32
          %cond3A_213 = arith.cmpi ne, %convert_element_type3A_211, %cond3A_212 : i32
          scf.if %cond3A_213 {
            %dma_wait3A_227 = arith.constant 2 : i32
            %dma_wait3A_228 = arith.constant 0 : i32
            %dma_wait3A_229 = arith.constant 0 : i32
            %dma_wait3A_230 = tpu.memref_slice %arg9[%dma_wait3A_227, %dma_wait3A_228, %dma_wait3A_229] : memref<4x80x128xf32, #tpu.memory_space<vmem>> -> memref<1x80x128xf32, #tpu.memory_space<vmem>>
            %dma_wait3A_231 = tpu.memref_squeeze %dma_wait3A_230 : memref<1x80x128xf32, #tpu.memory_space<vmem>> -> memref<80x128xf32, #tpu.memory_space<vmem>>
            %dma_wait3A_232 = arith.constant 0 : i32
            %dma_wait3A_233 = tpu.memref_slice %arg8[%add3A_152, %dma_wait3A_232] : memref<32x80xi32, #tpu.memory_space<vmem>> -> memref<1x80xi32, #tpu.memory_space<vmem>>
            %dma_wait3A_234 = tpu.memref_squeeze %dma_wait3A_233 : memref<1x80xi32, #tpu.memory_space<vmem>> -> memref<80xi32, #tpu.memory_space<vmem>>
            %dma_wait3A_235 = arith.constant 0 : i32
            %dma_wait3A_236 = arith.constant 0 : i32
            %dma_wait3A_237 = tpu.memref_slice %arg10[%dma_wait3A_235, %dma_wait3A_236] : memref<10000x128xf32, #tpu.memory_space<vmem_shared>> -> memref<10000x128xf32, #tpu.memory_space<vmem_shared>>
            tpu.wait_indirect_dma semaphore(%arg15 : memref<!tpu.dma_semaphore, #tpu.memory_space<semaphore_mem>>) src(%dma_wait3A_231 : memref<80x128xf32, #tpu.memory_space<vmem>>) dst(%dma_wait3A_237 : memref<10000x128xf32, #tpu.memory_space<vmem_shared>>)
          } else {
          }
          %add3A_214 = arith.constant 2 : i32
          %add3A_215 = arith.addi %add3A_152, %add3A_214 : i32
          %dma_start3A_216 = arith.constant 2 : i32
          %dma_start3A_217 = arith.constant 0 : i32
          %dma_start3A_218 = arith.constant 0 : i32
          %dma_start3A_219 = tpu.memref_slice %arg9[%dma_start3A_216, %dma_start3A_217, %dma_start3A_218] : memref<4x80x128xf32, #tpu.memory_space<vmem>> -> memref<1x80x128xf32, #tpu.memory_space<vmem>>
          %dma_start3A_220 = tpu.memref_squeeze %dma_start3A_219 : memref<1x80x128xf32, #tpu.memory_space<vmem>> -> memref<80x128xf32, #tpu.memory_space<vmem>>
          %dma_start3A_221 = arith.constant 0 : i32
          %dma_start3A_222 = tpu.memref_slice %arg7[%add3A_215, %dma_start3A_221] : memref<32x80xi32, #tpu.memory_space<vmem>> -> memref<1x80xi32, #tpu.memory_space<vmem>>
          %dma_start3A_223 = tpu.memref_squeeze %dma_start3A_222 : memref<1x80xi32, #tpu.memory_space<vmem>> -> memref<80xi32, #tpu.memory_space<vmem>>
          %dma_start3A_224 = arith.constant 0 : i32
          %dma_start3A_225 = arith.constant 0 : i32
          %dma_start3A_226 = tpu.memref_slice %arg2[%dma_start3A_224, %dma_start3A_225] : memref<10000x128xf32, #tpu.memory_space<hbm>> -> memref<10000x128xf32, #tpu.memory_space<hbm>>
          tpu.enqueue_indirect_dma source(%dma_start3A_226 : memref<10000x128xf32, #tpu.memory_space<hbm>>) target(%dma_start3A_220 : memref<80x128xf32, #tpu.memory_space<vmem>>) offsets(%dma_start3A_223 : memref<80xi32, #tpu.memory_space<vmem>>) semaphore(%arg13 : memref<!tpu.dma_semaphore, #tpu.memory_space<semaphore_mem>>)
        } else {
        }
      } else {
      }
      %mul3A_155 = arith.constant 4 : i32
      %mul3A_156 = arith.muli %scan3A_148, %mul3A_155 : i32
      %add3A_157 = arith.constant 1 : i32
      %add3A_158 = arith.addi %mul3A_156, %add3A_157 : i32
      %lt3A_159 = arith.constant 29 : i32
      %lt3A_160 = arith.cmpi slt, %add3A_158, %lt3A_159 : i32
      %convert_element_type3A_161 = arith.extui %lt3A_160 : i1 to i32
      %cond3A_162 = arith.constant 0 : i32
      %cond3A_163 = arith.cmpi ne, %convert_element_type3A_161, %cond3A_162 : i32
      scf.if %cond3A_163 {
        %dma_wait3A = arith.constant 1 : i32
        %dma_wait3A_182 = arith.constant 0 : i32
        %dma_wait3A_183 = arith.constant 0 : i32
        %dma_wait3A_184 = tpu.memref_slice %arg9[%dma_wait3A, %dma_wait3A_182, %dma_wait3A_183] : memref<4x80x128xf32, #tpu.memory_space<vmem>> -> memref<1x80x128xf32, #tpu.memory_space<vmem>>
        %dma_wait3A_185 = tpu.memref_squeeze %dma_wait3A_184 : memref<1x80x128xf32, #tpu.memory_space<vmem>> -> memref<80x128xf32, #tpu.memory_space<vmem>>
        %dma_wait3A_186 = arith.constant 0 : i32
        %dma_wait3A_187 = tpu.memref_slice %arg7[%add3A_158, %dma_wait3A_186] : memref<32x80xi32, #tpu.memory_space<vmem>> -> memref<1x80xi32, #tpu.memory_space<vmem>>
        %dma_wait3A_188 = tpu.memref_squeeze %dma_wait3A_187 : memref<1x80xi32, #tpu.memory_space<vmem>> -> memref<80xi32, #tpu.memory_space<vmem>>
        %dma_wait3A_189 = arith.constant 0 : i32
        %dma_wait3A_190 = arith.constant 0 : i32
        %dma_wait3A_191 = tpu.memref_slice %arg2[%dma_wait3A_189, %dma_wait3A_190] : memref<10000x128xf32, #tpu.memory_space<hbm>> -> memref<10000x128xf32, #tpu.memory_space<hbm>>
        tpu.wait_indirect_dma semaphore(%arg12 : memref<!tpu.dma_semaphore, #tpu.memory_space<semaphore_mem>>) src(%dma_wait3A_191 : memref<10000x128xf32, #tpu.memory_space<hbm>>) dst(%dma_wait3A_185 : memref<80x128xf32, #tpu.memory_space<vmem>>)
        %dma_start3A_192 = arith.constant 1 : i32
        %dma_start3A_193 = arith.constant 0 : i32
        %dma_start3A_194 = arith.constant 0 : i32
        %dma_start3A_195 = tpu.memref_slice %arg9[%dma_start3A_192, %dma_start3A_193, %dma_start3A_194] : memref<4x80x128xf32, #tpu.memory_space<vmem>> -> memref<1x80x128xf32, #tpu.memory_space<vmem>>
        %dma_start3A_196 = tpu.memref_squeeze %dma_start3A_195 : memref<1x80x128xf32, #tpu.memory_space<vmem>> -> memref<80x128xf32, #tpu.memory_space<vmem>>
        %dma_start3A_197 = arith.constant 0 : i32
        %dma_start3A_198 = tpu.memref_slice %arg8[%add3A_158, %dma_start3A_197] : memref<32x80xi32, #tpu.memory_space<vmem>> -> memref<1x80xi32, #tpu.memory_space<vmem>>
        %dma_start3A_199 = tpu.memref_squeeze %dma_start3A_198 : memref<1x80xi32, #tpu.memory_space<vmem>> -> memref<80xi32, #tpu.memory_space<vmem>>
        %dma_start3A_200 = arith.constant 0 : i32
        %dma_start3A_201 = arith.constant 0 : i32
        %dma_start3A_202 = tpu.memref_slice %arg10[%dma_start3A_200, %dma_start3A_201] : memref<10000x128xf32, #tpu.memory_space<vmem_shared>> -> memref<10000x128xf32, #tpu.memory_space<vmem_shared>>
        tpu.enqueue_indirect_dma source(%dma_start3A_196 : memref<80x128xf32, #tpu.memory_space<vmem>>) target(%dma_start3A_202 : memref<10000x128xf32, #tpu.memory_space<vmem_shared>>) offsets(%dma_start3A_199 : memref<80xi32, #tpu.memory_space<vmem>>) semaphore(%arg15 : memref<!tpu.dma_semaphore, #tpu.memory_space<semaphore_mem>>) {add = true}
        %add3A_203 = arith.constant 2 : i32
        %add3A_204 = arith.addi %add3A_158, %add3A_203 : i32
        %lt3A_205 = arith.constant 29 : i32
        %lt3A_206 = arith.cmpi slt, %add3A_204, %lt3A_205 : i32
        %convert_element_type3A_207 = arith.extui %lt3A_206 : i1 to i32
        %cond3A_208 = arith.constant 0 : i32
        %cond3A_209 = arith.cmpi ne, %convert_element_type3A_207, %cond3A_208 : i32
        scf.if %cond3A_209 {
          %ge3A = arith.constant 2 : i32
          %ge3A_210 = arith.cmpi sge, %add3A_158, %ge3A : i32
          %convert_element_type3A_211 = arith.extui %ge3A_210 : i1 to i32
          %cond3A_212 = arith.constant 0 : i32
          %cond3A_213 = arith.cmpi ne, %convert_element_type3A_211, %cond3A_212 : i32
          scf.if %cond3A_213 {
            %dma_wait3A_227 = arith.constant 3 : i32
            %dma_wait3A_228 = arith.constant 0 : i32
            %dma_wait3A_229 = arith.constant 0 : i32
            %dma_wait3A_230 = tpu.memref_slice %arg9[%dma_wait3A_227, %dma_wait3A_228, %dma_wait3A_229] : memref<4x80x128xf32, #tpu.memory_space<vmem>> -> memref<1x80x128xf32, #tpu.memory_space<vmem>>
            %dma_wait3A_231 = tpu.memref_squeeze %dma_wait3A_230 : memref<1x80x128xf32, #tpu.memory_space<vmem>> -> memref<80x128xf32, #tpu.memory_space<vmem>>
            %dma_wait3A_232 = arith.constant 0 : i32
            %dma_wait3A_233 = tpu.memref_slice %arg8[%add3A_158, %dma_wait3A_232] : memref<32x80xi32, #tpu.memory_space<vmem>> -> memref<1x80xi32, #tpu.memory_space<vmem>>
            %dma_wait3A_234 = tpu.memref_squeeze %dma_wait3A_233 : memref<1x80xi32, #tpu.memory_space<vmem>> -> memref<80xi32, #tpu.memory_space<vmem>>
            %dma_wait3A_235 = arith.constant 0 : i32
            %dma_wait3A_236 = arith.constant 0 : i32
            %dma_wait3A_237 = tpu.memref_slice %arg10[%dma_wait3A_235, %dma_wait3A_236] : memref<10000x128xf32, #tpu.memory_space<vmem_shared>> -> memref<10000x128xf32, #tpu.memory_space<vmem_shared>>
            tpu.wait_indirect_dma semaphore(%arg15 : memref<!tpu.dma_semaphore, #tpu.memory_space<semaphore_mem>>) src(%dma_wait3A_231 : memref<80x128xf32, #tpu.memory_space<vmem>>) dst(%dma_wait3A_237 : memref<10000x128xf32, #tpu.memory_space<vmem_shared>>)
          } else {
          }
          %add3A_214 = arith.constant 2 : i32
          %add3A_215 = arith.addi %add3A_158, %add3A_214 : i32
          %dma_start3A_216 = arith.constant 3 : i32
          %dma_start3A_217 = arith.constant 0 : i32
          %dma_start3A_218 = arith.constant 0 : i32
          %dma_start3A_219 = tpu.memref_slice %arg9[%dma_start3A_216, %dma_start3A_217, %dma_start3A_218] : memref<4x80x128xf32, #tpu.memory_space<vmem>> -> memref<1x80x128xf32, #tpu.memory_space<vmem>>
          %dma_start3A_220 = tpu.memref_squeeze %dma_start3A_219 : memref<1x80x128xf32, #tpu.memory_space<vmem>> -> memref<80x128xf32, #tpu.memory_space<vmem>>
          %dma_start3A_221 = arith.constant 0 : i32
          %dma_start3A_222 = tpu.memref_slice %arg7[%add3A_215, %dma_start3A_221] : memref<32x80xi32, #tpu.memory_space<vmem>> -> memref<1x80xi32, #tpu.memory_space<vmem>>
          %dma_start3A_223 = tpu.memref_squeeze %dma_start3A_222 : memref<1x80xi32, #tpu.memory_space<vmem>> -> memref<80xi32, #tpu.memory_space<vmem>>
          %dma_start3A_224 = arith.constant 0 : i32
          %dma_start3A_225 = arith.constant 0 : i32
          %dma_start3A_226 = tpu.memref_slice %arg2[%dma_start3A_224, %dma_start3A_225] : memref<10000x128xf32, #tpu.memory_space<hbm>> -> memref<10000x128xf32, #tpu.memory_space<hbm>>
          tpu.enqueue_indirect_dma source(%dma_start3A_226 : memref<10000x128xf32, #tpu.memory_space<hbm>>) target(%dma_start3A_220 : memref<80x128xf32, #tpu.memory_space<vmem>>) offsets(%dma_start3A_223 : memref<80xi32, #tpu.memory_space<vmem>>) semaphore(%arg14 : memref<!tpu.dma_semaphore, #tpu.memory_space<semaphore_mem>>)
        } else {
        }
      } else {
      }
      %mul3A_164 = arith.constant 4 : i32
      %mul3A_165 = arith.muli %scan3A_148, %mul3A_164 : i32
      %add3A_166 = arith.constant 2 : i32
      %add3A_167 = arith.addi %mul3A_165, %add3A_166 : i32
      %lt3A_168 = arith.constant 29 : i32
      %lt3A_169 = arith.cmpi slt, %add3A_167, %lt3A_168 : i32
      %convert_element_type3A_170 = arith.extui %lt3A_169 : i1 to i32
      %cond3A_171 = arith.constant 0 : i32
      %cond3A_172 = arith.cmpi ne, %convert_element_type3A_170, %cond3A_171 : i32
      scf.if %cond3A_172 {
        %dma_wait3A = arith.constant 2 : i32
        %dma_wait3A_182 = arith.constant 0 : i32
        %dma_wait3A_183 = arith.constant 0 : i32
        %dma_wait3A_184 = tpu.memref_slice %arg9[%dma_wait3A, %dma_wait3A_182, %dma_wait3A_183] : memref<4x80x128xf32, #tpu.memory_space<vmem>> -> memref<1x80x128xf32, #tpu.memory_space<vmem>>
        %dma_wait3A_185 = tpu.memref_squeeze %dma_wait3A_184 : memref<1x80x128xf32, #tpu.memory_space<vmem>> -> memref<80x128xf32, #tpu.memory_space<vmem>>
        %dma_wait3A_186 = arith.constant 0 : i32
        %dma_wait3A_187 = tpu.memref_slice %arg7[%add3A_167, %dma_wait3A_186] : memref<32x80xi32, #tpu.memory_space<vmem>> -> memref<1x80xi32, #tpu.memory_space<vmem>>
        %dma_wait3A_188 = tpu.memref_squeeze %dma_wait3A_187 : memref<1x80xi32, #tpu.memory_space<vmem>> -> memref<80xi32, #tpu.memory_space<vmem>>
        %dma_wait3A_189 = arith.constant 0 : i32
        %dma_wait3A_190 = arith.constant 0 : i32
        %dma_wait3A_191 = tpu.memref_slice %arg2[%dma_wait3A_189, %dma_wait3A_190] : memref<10000x128xf32, #tpu.memory_space<hbm>> -> memref<10000x128xf32, #tpu.memory_space<hbm>>
        tpu.wait_indirect_dma semaphore(%arg13 : memref<!tpu.dma_semaphore, #tpu.memory_space<semaphore_mem>>) src(%dma_wait3A_191 : memref<10000x128xf32, #tpu.memory_space<hbm>>) dst(%dma_wait3A_185 : memref<80x128xf32, #tpu.memory_space<vmem>>)
        %dma_start3A_192 = arith.constant 2 : i32
        %dma_start3A_193 = arith.constant 0 : i32
        %dma_start3A_194 = arith.constant 0 : i32
        %dma_start3A_195 = tpu.memref_slice %arg9[%dma_start3A_192, %dma_start3A_193, %dma_start3A_194] : memref<4x80x128xf32, #tpu.memory_space<vmem>> -> memref<1x80x128xf32, #tpu.memory_space<vmem>>
        %dma_start3A_196 = tpu.memref_squeeze %dma_start3A_195 : memref<1x80x128xf32, #tpu.memory_space<vmem>> -> memref<80x128xf32, #tpu.memory_space<vmem>>
        %dma_start3A_197 = arith.constant 0 : i32
        %dma_start3A_198 = tpu.memref_slice %arg8[%add3A_167, %dma_start3A_197] : memref<32x80xi32, #tpu.memory_space<vmem>> -> memref<1x80xi32, #tpu.memory_space<vmem>>
        %dma_start3A_199 = tpu.memref_squeeze %dma_start3A_198 : memref<1x80xi32, #tpu.memory_space<vmem>> -> memref<80xi32, #tpu.memory_space<vmem>>
        %dma_start3A_200 = arith.constant 0 : i32
        %dma_start3A_201 = arith.constant 0 : i32
        %dma_start3A_202 = tpu.memref_slice %arg10[%dma_start3A_200, %dma_start3A_201] : memref<10000x128xf32, #tpu.memory_space<vmem_shared>> -> memref<10000x128xf32, #tpu.memory_space<vmem_shared>>
        tpu.enqueue_indirect_dma source(%dma_start3A_196 : memref<80x128xf32, #tpu.memory_space<vmem>>) target(%dma_start3A_202 : memref<10000x128xf32, #tpu.memory_space<vmem_shared>>) offsets(%dma_start3A_199 : memref<80xi32, #tpu.memory_space<vmem>>) semaphore(%arg15 : memref<!tpu.dma_semaphore, #tpu.memory_space<semaphore_mem>>) {add = true}
        %add3A_203 = arith.constant 2 : i32
        %add3A_204 = arith.addi %add3A_167, %add3A_203 : i32
        %lt3A_205 = arith.constant 29 : i32
        %lt3A_206 = arith.cmpi slt, %add3A_204, %lt3A_205 : i32
        %convert_element_type3A_207 = arith.extui %lt3A_206 : i1 to i32
        %cond3A_208 = arith.constant 0 : i32
        %cond3A_209 = arith.cmpi ne, %convert_element_type3A_207, %cond3A_208 : i32
        scf.if %cond3A_209 {
          %ge3A = arith.constant 2 : i32
          %ge3A_210 = arith.cmpi sge, %add3A_167, %ge3A : i32
          %convert_element_type3A_211 = arith.extui %ge3A_210 : i1 to i32
          %cond3A_212 = arith.constant 0 : i32
          %cond3A_213 = arith.cmpi ne, %convert_element_type3A_211, %cond3A_212 : i32
          scf.if %cond3A_213 {
            %dma_wait3A_227 = arith.constant 0 : i32
            %dma_wait3A_228 = arith.constant 0 : i32
            %dma_wait3A_229 = arith.constant 0 : i32
            %dma_wait3A_230 = tpu.memref_slice %arg9[%dma_wait3A_227, %dma_wait3A_228, %dma_wait3A_229] : memref<4x80x128xf32, #tpu.memory_space<vmem>> -> memref<1x80x128xf32, #tpu.memory_space<vmem>>
            %dma_wait3A_231 = tpu.memref_squeeze %dma_wait3A_230 : memref<1x80x128xf32, #tpu.memory_space<vmem>> -> memref<80x128xf32, #tpu.memory_space<vmem>>
            %dma_wait3A_232 = arith.constant 0 : i32
            %dma_wait3A_233 = tpu.memref_slice %arg8[%add3A_167, %dma_wait3A_232] : memref<32x80xi32, #tpu.memory_space<vmem>> -> memref<1x80xi32, #tpu.memory_space<vmem>>
            %dma_wait3A_234 = tpu.memref_squeeze %dma_wait3A_233 : memref<1x80xi32, #tpu.memory_space<vmem>> -> memref<80xi32, #tpu.memory_space<vmem>>
            %dma_wait3A_235 = arith.constant 0 : i32
            %dma_wait3A_236 = arith.constant 0 : i32
            %dma_wait3A_237 = tpu.memref_slice %arg10[%dma_wait3A_235, %dma_wait3A_236] : memref<10000x128xf32, #tpu.memory_space<vmem_shared>> -> memref<10000x128xf32, #tpu.memory_space<vmem_shared>>
            tpu.wait_indirect_dma semaphore(%arg15 : memref<!tpu.dma_semaphore, #tpu.memory_space<semaphore_mem>>) src(%dma_wait3A_231 : memref<80x128xf32, #tpu.memory_space<vmem>>) dst(%dma_wait3A_237 : memref<10000x128xf32, #tpu.memory_space<vmem_shared>>)
          } else {
          }
          %add3A_214 = arith.constant 2 : i32
          %add3A_215 = arith.addi %add3A_167, %add3A_214 : i32
          %dma_start3A_216 = arith.constant 0 : i32
          %dma_start3A_217 = arith.constant 0 : i32
          %dma_start3A_218 = arith.constant 0 : i32
          %dma_start3A_219 = tpu.memref_slice %arg9[%dma_start3A_216, %dma_start3A_217, %dma_start3A_218] : memref<4x80x128xf32, #tpu.memory_space<vmem>> -> memref<1x80x128xf32, #tpu.memory_space<vmem>>
          %dma_start3A_220 = tpu.memref_squeeze %dma_start3A_219 : memref<1x80x128xf32, #tpu.memory_space<vmem>> -> memref<80x128xf32, #tpu.memory_space<vmem>>
          %dma_start3A_221 = arith.constant 0 : i32
          %dma_start3A_222 = tpu.memref_slice %arg7[%add3A_215, %dma_start3A_221] : memref<32x80xi32, #tpu.memory_space<vmem>> -> memref<1x80xi32, #tpu.memory_space<vmem>>
          %dma_start3A_223 = tpu.memref_squeeze %dma_start3A_222 : memref<1x80xi32, #tpu.memory_space<vmem>> -> memref<80xi32, #tpu.memory_space<vmem>>
          %dma_start3A_224 = arith.constant 0 : i32
          %dma_start3A_225 = arith.constant 0 : i32
          %dma_start3A_226 = tpu.memref_slice %arg2[%dma_start3A_224, %dma_start3A_225] : memref<10000x128xf32, #tpu.memory_space<hbm>> -> memref<10000x128xf32, #tpu.memory_space<hbm>>
          tpu.enqueue_indirect_dma source(%dma_start3A_226 : memref<10000x128xf32, #tpu.memory_space<hbm>>) target(%dma_start3A_220 : memref<80x128xf32, #tpu.memory_space<vmem>>) offsets(%dma_start3A_223 : memref<80xi32, #tpu.memory_space<vmem>>) semaphore(%arg11 : memref<!tpu.dma_semaphore, #tpu.memory_space<semaphore_mem>>)
        } else {
        }
      } else {
      }
      %mul3A_173 = arith.constant 4 : i32
      %mul3A_174 = arith.muli %scan3A_148, %mul3A_173 : i32
      %add3A_175 = arith.constant 3 : i32
      %add3A_176 = arith.addi %mul3A_174, %add3A_175 : i32
      %lt3A_177 = arith.constant 29 : i32
      %lt3A_178 = arith.cmpi slt, %add3A_176, %lt3A_177 : i32
      %convert_element_type3A_179 = arith.extui %lt3A_178 : i1 to i32
      %cond3A_180 = arith.constant 0 : i32
      %cond3A_181 = arith.cmpi ne, %convert_element_type3A_179, %cond3A_180 : i32
      scf.if %cond3A_181 {
        %dma_wait3A = arith.constant 3 : i32
        %dma_wait3A_182 = arith.constant 0 : i32
        %dma_wait3A_183 = arith.constant 0 : i32
        %dma_wait3A_184 = tpu.memref_slice %arg9[%dma_wait3A, %dma_wait3A_182, %dma_wait3A_183] : memref<4x80x128xf32, #tpu.memory_space<vmem>> -> memref<1x80x128xf32, #tpu.memory_space<vmem>>
        %dma_wait3A_185 = tpu.memref_squeeze %dma_wait3A_184 : memref<1x80x128xf32, #tpu.memory_space<vmem>> -> memref<80x128xf32, #tpu.memory_space<vmem>>
        %dma_wait3A_186 = arith.constant 0 : i32
        %dma_wait3A_187 = tpu.memref_slice %arg7[%add3A_176, %dma_wait3A_186] : memref<32x80xi32, #tpu.memory_space<vmem>> -> memref<1x80xi32, #tpu.memory_space<vmem>>
        %dma_wait3A_188 = tpu.memref_squeeze %dma_wait3A_187 : memref<1x80xi32, #tpu.memory_space<vmem>> -> memref<80xi32, #tpu.memory_space<vmem>>
        %dma_wait3A_189 = arith.constant 0 : i32
        %dma_wait3A_190 = arith.constant 0 : i32
        %dma_wait3A_191 = tpu.memref_slice %arg2[%dma_wait3A_189, %dma_wait3A_190] : memref<10000x128xf32, #tpu.memory_space<hbm>> -> memref<10000x128xf32, #tpu.memory_space<hbm>>
        tpu.wait_indirect_dma semaphore(%arg14 : memref<!tpu.dma_semaphore, #tpu.memory_space<semaphore_mem>>) src(%dma_wait3A_191 : memref<10000x128xf32, #tpu.memory_space<hbm>>) dst(%dma_wait3A_185 : memref<80x128xf32, #tpu.memory_space<vmem>>)
        %dma_start3A_192 = arith.constant 3 : i32
        %dma_start3A_193 = arith.constant 0 : i32
        %dma_start3A_194 = arith.constant 0 : i32
        %dma_start3A_195 = tpu.memref_slice %arg9[%dma_start3A_192, %dma_start3A_193, %dma_start3A_194] : memref<4x80x128xf32, #tpu.memory_space<vmem>> -> memref<1x80x128xf32, #tpu.memory_space<vmem>>
        %dma_start3A_196 = tpu.memref_squeeze %dma_start3A_195 : memref<1x80x128xf32, #tpu.memory_space<vmem>> -> memref<80x128xf32, #tpu.memory_space<vmem>>
        %dma_start3A_197 = arith.constant 0 : i32
        %dma_start3A_198 = tpu.memref_slice %arg8[%add3A_176, %dma_start3A_197] : memref<32x80xi32, #tpu.memory_space<vmem>> -> memref<1x80xi32, #tpu.memory_space<vmem>>
        %dma_start3A_199 = tpu.memref_squeeze %dma_start3A_198 : memref<1x80xi32, #tpu.memory_space<vmem>> -> memref<80xi32, #tpu.memory_space<vmem>>
        %dma_start3A_200 = arith.constant 0 : i32
        %dma_start3A_201 = arith.constant 0 : i32
        %dma_start3A_202 = tpu.memref_slice %arg10[%dma_start3A_200, %dma_start3A_201] : memref<10000x128xf32, #tpu.memory_space<vmem_shared>> -> memref<10000x128xf32, #tpu.memory_space<vmem_shared>>
        tpu.enqueue_indirect_dma source(%dma_start3A_196 : memref<80x128xf32, #tpu.memory_space<vmem>>) target(%dma_start3A_202 : memref<10000x128xf32, #tpu.memory_space<vmem_shared>>) offsets(%dma_start3A_199 : memref<80xi32, #tpu.memory_space<vmem>>) semaphore(%arg15 : memref<!tpu.dma_semaphore, #tpu.memory_space<semaphore_mem>>) {add = true}
        %add3A_203 = arith.constant 2 : i32
        %add3A_204 = arith.addi %add3A_176, %add3A_203 : i32
        %lt3A_205 = arith.constant 29 : i32
        %lt3A_206 = arith.cmpi slt, %add3A_204, %lt3A_205 : i32
        %convert_element_type3A_207 = arith.extui %lt3A_206 : i1 to i32
        %cond3A_208 = arith.constant 0 : i32
        %cond3A_209 = arith.cmpi ne, %convert_element_type3A_207, %cond3A_208 : i32
        scf.if %cond3A_209 {
          %ge3A = arith.constant 2 : i32
          %ge3A_210 = arith.cmpi sge, %add3A_176, %ge3A : i32
          %convert_element_type3A_211 = arith.extui %ge3A_210 : i1 to i32
          %cond3A_212 = arith.constant 0 : i32
          %cond3A_213 = arith.cmpi ne, %convert_element_type3A_211, %cond3A_212 : i32
          scf.if %cond3A_213 {
            %dma_wait3A_227 = arith.constant 1 : i32
            %dma_wait3A_228 = arith.constant 0 : i32
            %dma_wait3A_229 = arith.constant 0 : i32
            %dma_wait3A_230 = tpu.memref_slice %arg9[%dma_wait3A_227, %dma_wait3A_228, %dma_wait3A_229] : memref<4x80x128xf32, #tpu.memory_space<vmem>> -> memref<1x80x128xf32, #tpu.memory_space<vmem>>
            %dma_wait3A_231 = tpu.memref_squeeze %dma_wait3A_230 : memref<1x80x128xf32, #tpu.memory_space<vmem>> -> memref<80x128xf32, #tpu.memory_space<vmem>>
            %dma_wait3A_232 = arith.constant 0 : i32
            %dma_wait3A_233 = tpu.memref_slice %arg8[%add3A_176, %dma_wait3A_232] : memref<32x80xi32, #tpu.memory_space<vmem>> -> memref<1x80xi32, #tpu.memory_space<vmem>>
            %dma_wait3A_234 = tpu.memref_squeeze %dma_wait3A_233 : memref<1x80xi32, #tpu.memory_space<vmem>> -> memref<80xi32, #tpu.memory_space<vmem>>
            %dma_wait3A_235 = arith.constant 0 : i32
            %dma_wait3A_236 = arith.constant 0 : i32
            %dma_wait3A_237 = tpu.memref_slice %arg10[%dma_wait3A_235, %dma_wait3A_236] : memref<10000x128xf32, #tpu.memory_space<vmem_shared>> -> memref<10000x128xf32, #tpu.memory_space<vmem_shared>>
            tpu.wait_indirect_dma semaphore(%arg15 : memref<!tpu.dma_semaphore, #tpu.memory_space<semaphore_mem>>) src(%dma_wait3A_231 : memref<80x128xf32, #tpu.memory_space<vmem>>) dst(%dma_wait3A_237 : memref<10000x128xf32, #tpu.memory_space<vmem_shared>>)
          } else {
          }
          %add3A_214 = arith.constant 2 : i32
          %add3A_215 = arith.addi %add3A_176, %add3A_214 : i32
          %dma_start3A_216 = arith.constant 1 : i32
          %dma_start3A_217 = arith.constant 0 : i32
          %dma_start3A_218 = arith.constant 0 : i32
          %dma_start3A_219 = tpu.memref_slice %arg9[%dma_start3A_216, %dma_start3A_217, %dma_start3A_218] : memref<4x80x128xf32, #tpu.memory_space<vmem>> -> memref<1x80x128xf32, #tpu.memory_space<vmem>>
          %dma_start3A_220 = tpu.memref_squeeze %dma_start3A_219 : memref<1x80x128xf32, #tpu.memory_space<vmem>> -> memref<80x128xf32, #tpu.memory_space<vmem>>
          %dma_start3A_221 = arith.constant 0 : i32
          %dma_start3A_222 = tpu.memref_slice %arg7[%add3A_215, %dma_start3A_221] : memref<32x80xi32, #tpu.memory_space<vmem>> -> memref<1x80xi32, #tpu.memory_space<vmem>>
          %dma_start3A_223 = tpu.memref_squeeze %dma_start3A_222 : memref<1x80xi32, #tpu.memory_space<vmem>> -> memref<80xi32, #tpu.memory_space<vmem>>
          %dma_start3A_224 = arith.constant 0 : i32
          %dma_start3A_225 = arith.constant 0 : i32
          %dma_start3A_226 = tpu.memref_slice %arg2[%dma_start3A_224, %dma_start3A_225] : memref<10000x128xf32, #tpu.memory_space<hbm>> -> memref<10000x128xf32, #tpu.memory_space<hbm>>
          tpu.enqueue_indirect_dma source(%dma_start3A_226 : memref<10000x128xf32, #tpu.memory_space<hbm>>) target(%dma_start3A_220 : memref<80x128xf32, #tpu.memory_space<vmem>>) offsets(%dma_start3A_223 : memref<80xi32, #tpu.memory_space<vmem>>) semaphore(%arg12 : memref<!tpu.dma_semaphore, #tpu.memory_space<semaphore_mem>>)
        } else {
        }
      } else {
      }
    }
    %scan3A_138 = arith.constant 8 : i32
    %scan3A_139 = arith.constant 0 : i32
    %scan3A_140 = arith.constant 0 : i32
    %scan3A_141 = arith.constant 4 : i32
    %scan3A_142 = arith.addi %scan3A_140, %scan3A_141 : i32
    %scan3A_143 = arith.constant 1 : i32
    scf.for %scan3A_148 = %scan3A_140 to %scan3A_142 step %scan3A_143  : i32 {
      %dma_wait3A = arith.constant 0 : i32
      %dma_wait3A_149 = arith.constant 0 : i32
      %dma_wait3A_150 = arith.constant 0 : i32
      %dma_wait3A_151 = arith.constant 0 : i32
      %dma_wait3A_152 = tpu.memref_slice %arg9[%dma_wait3A, %dma_wait3A_150, %dma_wait3A_151] : memref<4x80x128xf32, #tpu.memory_space<vmem>> -> memref<1x80x128xf32, #tpu.memory_space<vmem>>
      %dma_wait3A_153 = tpu.memref_squeeze %dma_wait3A_152 : memref<1x80x128xf32, #tpu.memory_space<vmem>> -> memref<80x128xf32, #tpu.memory_space<vmem>>
      %dma_wait3A_154 = arith.constant 0 : i32
      %dma_wait3A_155 = tpu.memref_slice %arg8[%dma_wait3A_149, %dma_wait3A_154] : memref<32x80xi32, #tpu.memory_space<vmem>> -> memref<1x80xi32, #tpu.memory_space<vmem>>
      %dma_wait3A_156 = tpu.memref_squeeze %dma_wait3A_155 : memref<1x80xi32, #tpu.memory_space<vmem>> -> memref<80xi32, #tpu.memory_space<vmem>>
      %dma_wait3A_157 = arith.constant 0 : i32
      %dma_wait3A_158 = arith.constant 0 : i32
      %dma_wait3A_159 = tpu.memref_slice %arg10[%dma_wait3A_157, %dma_wait3A_158] : memref<10000x128xf32, #tpu.memory_space<vmem_shared>> -> memref<10000x128xf32, #tpu.memory_space<vmem_shared>>
      tpu.wait_indirect_dma semaphore(%arg15 : memref<!tpu.dma_semaphore, #tpu.memory_space<semaphore_mem>>) src(%dma_wait3A_153 : memref<80x128xf32, #tpu.memory_space<vmem>>) dst(%dma_wait3A_159 : memref<10000x128xf32, #tpu.memory_space<vmem_shared>>)
    }
    %scan3A_144 = arith.constant 4 : i32
    %barrier3A_145 = arith.constant 0 : index
    tpu.barrier barrier_id(%barrier3A_145)
    %mul3A_146 = arith.constant 625 : i32
    %mul3A_147 = arith.muli %arg1, %mul3A_146 : i32
    "tpu.region"() ({
      %run_scoped3A = tpu.sem_alloc : memref<!tpu.dma_semaphore, #tpu.memory_space<semaphore_mem>>
      %dma_start3A_148 = arith.constant 0 : i32
      %dma_start3A_149 = arith.constant 0 : i32
      %dma_start3A_150 = tpu.memref_slice %arg6[%arg0, %arg1, %dma_start3A_148, %dma_start3A_149] : memref<2x16x625x128xf32, #tpu.memory_space<hbm>> -> memref<1x1x625x128xf32, #tpu.memory_space<hbm>>
      %dma_start3A_151 = tpu.memref_squeeze %dma_start3A_150 : memref<1x1x625x128xf32, #tpu.memory_space<hbm>> -> memref<625x128xf32, #tpu.memory_space<hbm>>
      %dma_start3A_152 = arith.constant 0 : i32
      %dma_start3A_153 = tpu.memref_slice %arg10[%mul3A_147, %dma_start3A_152] : memref<10000x128xf32, #tpu.memory_space<vmem_shared>> -> memref<625x128xf32, #tpu.memory_space<vmem_shared>>
      tpu.enqueue_dma source(%dma_start3A_153 : memref<625x128xf32, #tpu.memory_space<vmem_shared>>) target(%dma_start3A_151 : memref<625x128xf32, #tpu.memory_space<hbm>>) target_semaphore(%run_scoped3A : memref<!tpu.dma_semaphore, #tpu.memory_space<semaphore_mem>>)
      %dma_wait3A = arith.constant 0 : i32
      %dma_wait3A_154 = arith.constant 0 : i32
      %dma_wait3A_155 = tpu.memref_slice %arg6[%arg0, %arg1, %dma_wait3A, %dma_wait3A_154] : memref<2x16x625x128xf32, #tpu.memory_space<hbm>> -> memref<1x1x625x128xf32, #tpu.memory_space<hbm>>
      %dma_wait3A_156 = tpu.memref_squeeze %dma_wait3A_155 : memref<1x1x625x128xf32, #tpu.memory_space<hbm>> -> memref<625x128xf32, #tpu.memory_space<hbm>>
      %dma_wait3A_157 = arith.constant 0 : i32
      %dma_wait3A_158 = tpu.memref_slice %arg10[%mul3A_147, %dma_wait3A_157] : memref<10000x128xf32, #tpu.memory_space<vmem_shared>> -> memref<625x128xf32, #tpu.memory_space<vmem_shared>>
      tpu.wait_dma2 semaphore(%run_scoped3A : memref<!tpu.dma_semaphore, #tpu.memory_space<semaphore_mem>>) src(%dma_wait3A_158 : memref<625x128xf32, #tpu.memory_space<vmem_shared>>) dst(%dma_wait3A_156 : memref<625x128xf32, #tpu.memory_space<hbm>>)
      tpu.yield
    }) : () -> ()
    return
  }
}

#map = affine_map<(d0, d1) -> (0, 0, 0)>
#map1 = affine_map<(d0, d1) -> (0, 0)>
#map2 = affine_map<(d0, d1) -> (0, 0, 0, 0)>
module attributes {stable_mosaic.version = 14 : i64} {
  func.func @k(%arg0: i32, %arg1: i32, %arg2: memref<32x125x80xi32, #tpu.memory_space<hbm>>, %arg3: memref<80x128xf32, #tpu.memory_space<hbm>>, %arg4: memref<625x128xf32, #tpu.memory_space<hbm>>, %arg5: memref<2x16x625x128xf32, #tpu.memory_space<hbm>>, %arg6: memref<125x80xi32, #tpu.memory_space<vmem>>, %arg7: memref<80x128xf32, #tpu.memory_space<vmem>>, %arg8: memref<10000x128xf32, #tpu.memory_space<vmem_shared>>, %arg9: memref<!tpu.dma_semaphore, #tpu.memory_space<semaphore_mem>>) attributes {dimension_semantics = [#tpu.dimension_semantics<core_parallel>, #tpu.dimension_semantics<subcore_parallel>], iteration_bounds = array<i64: 2, 16>, scalar_prefetch = 0 : i64, scratch_operands = 4 : i64, tpu.core_type = #tpu.core_type<sc_vector_subcore>, window_params = [{transform_indices = #map}, {transform_indices = #map1}, {transform_indices = #map1}, {transform_indices = #map2}]} {
    %mul3A = arith.constant 16 : i32
    %mul3A_0 = arith.muli %arg0, %mul3A : i32
    %add3A = arith.addi %mul3A_0, %arg1 : i32
    %mul3A_1 = arith.constant 625 : i32
    %mul3A_2 = arith.muli %arg1, %mul3A_1 : i32
    "tpu.region"() ({
      %run_scoped3A = tpu.sem_alloc : memref<!tpu.dma_semaphore, #tpu.memory_space<semaphore_mem>>
      %dma_start3A = arith.constant 0 : i32
      %dma_start3A_17 = tpu.memref_slice %arg8[%mul3A_2, %dma_start3A] : memref<10000x128xf32, #tpu.memory_space<vmem_shared>> -> memref<625x128xf32, #tpu.memory_space<vmem_shared>>
      tpu.enqueue_dma source(%arg4 : memref<625x128xf32, #tpu.memory_space<hbm>>) target(%dma_start3A_17 : memref<625x128xf32, #tpu.memory_space<vmem_shared>>) target_semaphore(%run_scoped3A : memref<!tpu.dma_semaphore, #tpu.memory_space<semaphore_mem>>)
      %dma_wait3A = arith.constant 0 : i32
      %dma_wait3A_18 = tpu.memref_slice %arg8[%mul3A_2, %dma_wait3A] : memref<10000x128xf32, #tpu.memory_space<vmem_shared>> -> memref<625x128xf32, #tpu.memory_space<vmem_shared>>
      tpu.wait_dma2 semaphore(%run_scoped3A : memref<!tpu.dma_semaphore, #tpu.memory_space<semaphore_mem>>) src(%arg4 : memref<625x128xf32, #tpu.memory_space<hbm>>) dst(%dma_wait3A_18 : memref<625x128xf32, #tpu.memory_space<vmem_shared>>)
      tpu.yield
    }) : () -> ()
    "tpu.region"() ({
      %run_scoped3A = tpu.sem_alloc : memref<!tpu.dma_semaphore, #tpu.memory_space<semaphore_mem>>
      %dma_start3A = arith.constant 0 : i32
      %dma_start3A_17 = arith.constant 0 : i32
      %dma_start3A_18 = tpu.memref_slice %arg2[%add3A, %dma_start3A, %dma_start3A_17] : memref<32x125x80xi32, #tpu.memory_space<hbm>> -> memref<1x125x80xi32, #tpu.memory_space<hbm>>
      %dma_start3A_19 = tpu.memref_squeeze %dma_start3A_18 : memref<1x125x80xi32, #tpu.memory_space<hbm>> -> memref<125x80xi32, #tpu.memory_space<hbm>>
      %dma_start3A_20 = arith.constant 0 : i32
      %dma_start3A_21 = arith.constant 0 : i32
      %dma_start3A_22 = tpu.memref_slice %arg2[%add3A, %dma_start3A_20, %dma_start3A_21] : memref<32x125x80xi32, #tpu.memory_space<hbm>> -> memref<1x125x80xi32, #tpu.memory_space<hbm>>
      %dma_start3A_23 = tpu.memref_squeeze %dma_start3A_22 : memref<1x125x80xi32, #tpu.memory_space<hbm>> -> memref<125x80xi32, #tpu.memory_space<hbm>>
      tpu.enqueue_dma source(%dma_start3A_23 : memref<125x80xi32, #tpu.memory_space<hbm>>) target(%arg6 : memref<125x80xi32, #tpu.memory_space<vmem>>) target_semaphore(%run_scoped3A : memref<!tpu.dma_semaphore, #tpu.memory_space<semaphore_mem>>)
      %dma_wait3A = arith.constant 0 : i32
      %dma_wait3A_24 = arith.constant 0 : i32
      %dma_wait3A_25 = tpu.memref_slice %arg2[%add3A, %dma_wait3A, %dma_wait3A_24] : memref<32x125x80xi32, #tpu.memory_space<hbm>> -> memref<1x125x80xi32, #tpu.memory_space<hbm>>
      %dma_wait3A_26 = tpu.memref_squeeze %dma_wait3A_25 : memref<1x125x80xi32, #tpu.memory_space<hbm>> -> memref<125x80xi32, #tpu.memory_space<hbm>>
      %dma_wait3A_27 = arith.constant 0 : i32
      %dma_wait3A_28 = arith.constant 0 : i32
      %dma_wait3A_29 = tpu.memref_slice %arg2[%add3A, %dma_wait3A_27, %dma_wait3A_28] : memref<32x125x80xi32, #tpu.memory_space<hbm>> -> memref<1x125x80xi32, #tpu.memory_space<hbm>>
      %dma_wait3A_30 = tpu.memref_squeeze %dma_wait3A_29 : memref<1x125x80xi32, #tpu.memory_space<hbm>> -> memref<125x80xi32, #tpu.memory_space<hbm>>
      tpu.wait_dma2 semaphore(%run_scoped3A : memref<!tpu.dma_semaphore, #tpu.memory_space<semaphore_mem>>) src(%dma_wait3A_30 : memref<125x80xi32, #tpu.memory_space<hbm>>) dst(%arg6 : memref<125x80xi32, #tpu.memory_space<vmem>>)
      tpu.yield
    }) : () -> ()
    "tpu.region"() ({
      %run_scoped3A = tpu.sem_alloc : memref<!tpu.dma_semaphore, #tpu.memory_space<semaphore_mem>>
      tpu.enqueue_dma source(%arg3 : memref<80x128xf32, #tpu.memory_space<hbm>>) target(%arg7 : memref<80x128xf32, #tpu.memory_space<vmem>>) target_semaphore(%run_scoped3A : memref<!tpu.dma_semaphore, #tpu.memory_space<semaphore_mem>>)
      tpu.wait_dma2 semaphore(%run_scoped3A : memref<!tpu.dma_semaphore, #tpu.memory_space<semaphore_mem>>) src(%arg3 : memref<80x128xf32, #tpu.memory_space<hbm>>) dst(%arg7 : memref<80x128xf32, #tpu.memory_space<vmem>>)
      tpu.yield
    }) : () -> ()
    %barrier3A = arith.constant 0 : index
    tpu.barrier barrier_id(%barrier3A)
    %scan3A = arith.constant 0 : i32
    %scan3A_3 = arith.constant 0 : i32
    %scan3A_4 = arith.constant 125 : i32
    %scan3A_5 = arith.addi %scan3A_3, %scan3A_4 : i32
    %scan3A_6 = arith.constant 1 : i32
    scf.for %scan3A_17 = %scan3A_3 to %scan3A_5 step %scan3A_6  : i32 {
      %dma_start3A = arith.constant 0 : i32
      %dma_start3A_18 = tpu.memref_slice %arg6[%scan3A_17, %dma_start3A] : memref<125x80xi32, #tpu.memory_space<vmem>> -> memref<1x80xi32, #tpu.memory_space<vmem>>
      %dma_start3A_19 = tpu.memref_squeeze %dma_start3A_18 : memref<1x80xi32, #tpu.memory_space<vmem>> -> memref<80xi32, #tpu.memory_space<vmem>>
      %dma_start3A_20 = arith.constant 0 : i32
      %dma_start3A_21 = arith.constant 0 : i32
      %dma_start3A_22 = tpu.memref_slice %arg8[%dma_start3A_20, %dma_start3A_21] : memref<10000x128xf32, #tpu.memory_space<vmem_shared>> -> memref<10000x128xf32, #tpu.memory_space<vmem_shared>>
      tpu.enqueue_indirect_dma source(%arg7 : memref<80x128xf32, #tpu.memory_space<vmem>>) target(%dma_start3A_22 : memref<10000x128xf32, #tpu.memory_space<vmem_shared>>) offsets(%dma_start3A_19 : memref<80xi32, #tpu.memory_space<vmem>>) semaphore(%arg9 : memref<!tpu.dma_semaphore, #tpu.memory_space<semaphore_mem>>) {add = true}
    }
    %scan3A_7 = arith.constant 125 : i32
    %scan3A_8 = arith.constant 0 : i32
    %scan3A_9 = arith.constant 0 : i32
    %scan3A_10 = arith.constant 125 : i32
    %scan3A_11 = arith.addi %scan3A_9, %scan3A_10 : i32
    %scan3A_12 = arith.constant 1 : i32
    scf.for %scan3A_17 = %scan3A_9 to %scan3A_11 step %scan3A_12  : i32 {
      %dma_wait3A = arith.constant 0 : i32
      %dma_wait3A_18 = tpu.memref_slice %arg6[%scan3A_17, %dma_wait3A] : memref<125x80xi32, #tpu.memory_space<vmem>> -> memref<1x80xi32, #tpu.memory_space<vmem>>
      %dma_wait3A_19 = tpu.memref_squeeze %dma_wait3A_18 : memref<1x80xi32, #tpu.memory_space<vmem>> -> memref<80xi32, #tpu.memory_space<vmem>>
      %dma_wait3A_20 = arith.constant 0 : i32
      %dma_wait3A_21 = arith.constant 0 : i32
      %dma_wait3A_22 = tpu.memref_slice %arg8[%dma_wait3A_20, %dma_wait3A_21] : memref<10000x128xf32, #tpu.memory_space<vmem_shared>> -> memref<10000x128xf32, #tpu.memory_space<vmem_shared>>
      tpu.wait_indirect_dma semaphore(%arg9 : memref<!tpu.dma_semaphore, #tpu.memory_space<semaphore_mem>>) src(%arg7 : memref<80x128xf32, #tpu.memory_space<vmem>>) dst(%dma_wait3A_22 : memref<10000x128xf32, #tpu.memory_space<vmem_shared>>)
    }
    %scan3A_13 = arith.constant 125 : i32
    %barrier3A_14 = arith.constant 0 : index
    tpu.barrier barrier_id(%barrier3A_14)
    %mul3A_15 = arith.constant 625 : i32
    %mul3A_16 = arith.muli %arg1, %mul3A_15 : i32
    "tpu.region"() ({
      %run_scoped3A = tpu.sem_alloc : memref<!tpu.dma_semaphore, #tpu.memory_space<semaphore_mem>>
      %dma_start3A = arith.constant 0 : i32
      %dma_start3A_17 = arith.constant 0 : i32
      %dma_start3A_18 = tpu.memref_slice %arg5[%arg0, %arg1, %dma_start3A, %dma_start3A_17] : memref<2x16x625x128xf32, #tpu.memory_space<hbm>> -> memref<1x1x625x128xf32, #tpu.memory_space<hbm>>
      %dma_start3A_19 = tpu.memref_squeeze %dma_start3A_18 : memref<1x1x625x128xf32, #tpu.memory_space<hbm>> -> memref<625x128xf32, #tpu.memory_space<hbm>>
      %dma_start3A_20 = arith.constant 0 : i32
      %dma_start3A_21 = tpu.memref_slice %arg8[%mul3A_16, %dma_start3A_20] : memref<10000x128xf32, #tpu.memory_space<vmem_shared>> -> memref<625x128xf32, #tpu.memory_space<vmem_shared>>
      tpu.enqueue_dma source(%dma_start3A_21 : memref<625x128xf32, #tpu.memory_space<vmem_shared>>) target(%dma_start3A_19 : memref<625x128xf32, #tpu.memory_space<hbm>>) target_semaphore(%run_scoped3A : memref<!tpu.dma_semaphore, #tpu.memory_space<semaphore_mem>>)
      %dma_wait3A = arith.constant 0 : i32
      %dma_wait3A_22 = arith.constant 0 : i32
      %dma_wait3A_23 = tpu.memref_slice %arg5[%arg0, %arg1, %dma_wait3A, %dma_wait3A_22] : memref<2x16x625x128xf32, #tpu.memory_space<hbm>> -> memref<1x1x625x128xf32, #tpu.memory_space<hbm>>
      %dma_wait3A_24 = tpu.memref_squeeze %dma_wait3A_23 : memref<1x1x625x128xf32, #tpu.memory_space<hbm>> -> memref<625x128xf32, #tpu.memory_space<hbm>>
      %dma_wait3A_25 = arith.constant 0 : i32
      %dma_wait3A_26 = tpu.memref_slice %arg8[%mul3A_16, %dma_wait3A_25] : memref<10000x128xf32, #tpu.memory_space<vmem_shared>> -> memref<625x128xf32, #tpu.memory_space<vmem_shared>>
      tpu.wait_dma2 semaphore(%run_scoped3A : memref<!tpu.dma_semaphore, #tpu.memory_space<semaphore_mem>>) src(%dma_wait3A_26 : memref<625x128xf32, #tpu.memory_space<vmem_shared>>) dst(%dma_wait3A_24 : memref<625x128xf32, #tpu.memory_space<hbm>>)
      tpu.yield
    }) : () -> ()
    return
  }
}

#map = affine_map<(d0, d1) -> (0, 0)>
#map1 = affine_map<(d0, d1) -> (0, 0, 0)>
#map2 = affine_map<(d0, d1) -> (0, 0, 0, 0)>
module attributes {stable_mosaic.version = 14 : i64} {
  func.func @k(%arg0: i32, %arg1: i32, %arg2: memref<10000x128xf32, #tpu.memory_space<hbm>>, %arg3: memref<32x125x80xi32, #tpu.memory_space<hbm>>, %arg4: memref<32x125x80xi32, #tpu.memory_space<hbm>>, %arg5: memref<625x128xf32, #tpu.memory_space<hbm>>, %arg6: memref<2x16x625x128xf32, #tpu.memory_space<hbm>>, %arg7: memref<32x80xi32, #tpu.memory_space<vmem>>, %arg8: memref<32x80xi32, #tpu.memory_space<vmem>>, %arg9: memref<4x80x128xf32, #tpu.memory_space<vmem>>, %arg10: memref<10000x128xf32, #tpu.memory_space<vmem_shared>>, %arg11: memref<!tpu.dma_semaphore, #tpu.memory_space<semaphore_mem>>, %arg12: memref<!tpu.dma_semaphore, #tpu.memory_space<semaphore_mem>>, %arg13: memref<!tpu.dma_semaphore, #tpu.memory_space<semaphore_mem>>, %arg14: memref<!tpu.dma_semaphore, #tpu.memory_space<semaphore_mem>>, %arg15: memref<!tpu.dma_semaphore, #tpu.memory_space<semaphore_mem>>) attributes {dimension_semantics = [#tpu.dimension_semantics<core_parallel>, #tpu.dimension_semantics<subcore_parallel>], iteration_bounds = array<i64: 2, 16>, scalar_prefetch = 0 : i64, scratch_operands = 9 : i64, tpu.core_type = #tpu.core_type<sc_vector_subcore>, window_params = [{transform_indices = #map}, {transform_indices = #map1}, {transform_indices = #map1}, {transform_indices = #map}, {transform_indices = #map2}]} {
    %mul3A = arith.constant 16 : i32
    %mul3A_0 = arith.muli %arg0, %mul3A : i32
    %add3A = arith.addi %mul3A_0, %arg1 : i32
    %mul3A_1 = arith.constant 625 : i32
    %mul3A_2 = arith.muli %arg1, %mul3A_1 : i32
    "tpu.region"() ({
      %run_scoped3A = tpu.sem_alloc : memref<!tpu.dma_semaphore, #tpu.memory_space<semaphore_mem>>
      %dma_start3A_148 = arith.constant 0 : i32
      %dma_start3A_149 = tpu.memref_slice %arg10[%mul3A_2, %dma_start3A_148] : memref<10000x128xf32, #tpu.memory_space<vmem_shared>> -> memref<625x128xf32, #tpu.memory_space<vmem_shared>>
      tpu.enqueue_dma source(%arg5 : memref<625x128xf32, #tpu.memory_space<hbm>>) target(%dma_start3A_149 : memref<625x128xf32, #tpu.memory_space<vmem_shared>>) target_semaphore(%run_scoped3A : memref<!tpu.dma_semaphore, #tpu.memory_space<semaphore_mem>>)
      %dma_wait3A = arith.constant 0 : i32
      %dma_wait3A_150 = tpu.memref_slice %arg10[%mul3A_2, %dma_wait3A] : memref<10000x128xf32, #tpu.memory_space<vmem_shared>> -> memref<625x128xf32, #tpu.memory_space<vmem_shared>>
      tpu.wait_dma2 semaphore(%run_scoped3A : memref<!tpu.dma_semaphore, #tpu.memory_space<semaphore_mem>>) src(%arg5 : memref<625x128xf32, #tpu.memory_space<hbm>>) dst(%dma_wait3A_150 : memref<625x128xf32, #tpu.memory_space<vmem_shared>>)
      tpu.yield
    }) : () -> ()
    %barrier3A = arith.constant 0 : index
    tpu.barrier barrier_id(%barrier3A)
    "tpu.region"() ({
      %run_scoped3A = tpu.sem_alloc : memref<!tpu.dma_semaphore, #tpu.memory_space<semaphore_mem>>
      %dma_start3A_148 = arith.constant 0 : i32
      %dma_start3A_149 = arith.constant 0 : i32
      %dma_start3A_150 = tpu.memref_slice %arg7[%dma_start3A_148, %dma_start3A_149] : memref<32x80xi32, #tpu.memory_space<vmem>> -> memref<32x80xi32, #tpu.memory_space<vmem>>
      %dma_start3A_151 = arith.constant 0 : i32
      %dma_start3A_152 = arith.constant 0 : i32
      %dma_start3A_153 = tpu.memref_slice %arg3[%add3A, %dma_start3A_151, %dma_start3A_152] : memref<32x125x80xi32, #tpu.memory_space<hbm>> -> memref<1x32x80xi32, #tpu.memory_space<hbm>>
      %dma_start3A_154 = tpu.memref_squeeze %dma_start3A_153 : memref<1x32x80xi32, #tpu.memory_space<hbm>> -> memref<32x80xi32, #tpu.memory_space<hbm>>
      %dma_start3A_155 = arith.constant 0 : i32
      %dma_start3A_156 = arith.constant 0 : i32
      %dma_start3A_157 = tpu.memref_slice %arg7[%dma_start3A_155, %dma_start3A_156] : memref<32x80xi32, #tpu.memory_space<vmem>> -> memref<32x80xi32, #tpu.memory_space<vmem>>
      %dma_start3A_158 = arith.constant 0 : i32
      %dma_start3A_159 = arith.constant 0 : i32
      %dma_start3A_160 = tpu.memref_slice %arg3[%add3A, %dma_start3A_158, %dma_start3A_159] : memref<32x125x80xi32, #tpu.memory_space<hbm>> -> memref<1x32x80xi32, #tpu.memory_space<hbm>>
      %dma_start3A_161 = tpu.memref_squeeze %dma_start3A_160 : memref<1x32x80xi32, #tpu.memory_space<hbm>> -> memref<32x80xi32, #tpu.memory_space<hbm>>
      tpu.enqueue_dma source(%dma_start3A_161 : memref<32x80xi32, #tpu.memory_space<hbm>>) target(%dma_start3A_157 : memref<32x80xi32, #tpu.memory_space<vmem>>) target_semaphore(%run_scoped3A : memref<!tpu.dma_semaphore, #tpu.memory_space<semaphore_mem>>)
      %dma_wait3A = arith.constant 0 : i32
      %dma_wait3A_162 = arith.constant 0 : i32
      %dma_wait3A_163 = tpu.memref_slice %arg7[%dma_wait3A, %dma_wait3A_162] : memref<32x80xi32, #tpu.memory_space<vmem>> -> memref<32x80xi32, #tpu.memory_space<vmem>>
      %dma_wait3A_164 = arith.constant 0 : i32
      %dma_wait3A_165 = arith.constant 0 : i32
      %dma_wait3A_166 = tpu.memref_slice %arg3[%add3A, %dma_wait3A_164, %dma_wait3A_165] : memref<32x125x80xi32, #tpu.memory_space<hbm>> -> memref<1x32x80xi32, #tpu.memory_space<hbm>>
      %dma_wait3A_167 = tpu.memref_squeeze %dma_wait3A_166 : memref<1x32x80xi32, #tpu.memory_space<hbm>> -> memref<32x80xi32, #tpu.memory_space<hbm>>
      %dma_wait3A_168 = arith.constant 0 : i32
      %dma_wait3A_169 = arith.constant 0 : i32
      %dma_wait3A_170 = tpu.memref_slice %arg7[%dma_wait3A_168, %dma_wait3A_169] : memref<32x80xi32, #tpu.memory_space<vmem>> -> memref<32x80xi32, #tpu.memory_space<vmem>>
      %dma_wait3A_171 = arith.constant 0 : i32
      %dma_wait3A_172 = arith.constant 0 : i32
      %dma_wait3A_173 = tpu.memref_slice %arg3[%add3A, %dma_wait3A_171, %dma_wait3A_172] : memref<32x125x80xi32, #tpu.memory_space<hbm>> -> memref<1x32x80xi32, #tpu.memory_space<hbm>>
      %dma_wait3A_174 = tpu.memref_squeeze %dma_wait3A_173 : memref<1x32x80xi32, #tpu.memory_space<hbm>> -> memref<32x80xi32, #tpu.memory_space<hbm>>
      tpu.wait_dma2 semaphore(%run_scoped3A : memref<!tpu.dma_semaphore, #tpu.memory_space<semaphore_mem>>) src(%dma_wait3A_174 : memref<32x80xi32, #tpu.memory_space<hbm>>) dst(%dma_wait3A_170 : memref<32x80xi32, #tpu.memory_space<vmem>>)
      tpu.yield
    }) : () -> ()
    "tpu.region"() ({
      %run_scoped3A = tpu.sem_alloc : memref<!tpu.dma_semaphore, #tpu.memory_space<semaphore_mem>>
      %dma_start3A_148 = arith.constant 0 : i32
      %dma_start3A_149 = arith.constant 0 : i32
      %dma_start3A_150 = tpu.memref_slice %arg8[%dma_start3A_148, %dma_start3A_149] : memref<32x80xi32, #tpu.memory_space<vmem>> -> memref<32x80xi32, #tpu.memory_space<vmem>>
      %dma_start3A_151 = arith.constant 0 : i32
      %dma_start3A_152 = arith.constant 0 : i32
      %dma_start3A_153 = tpu.memref_slice %arg4[%add3A, %dma_start3A_151, %dma_start3A_152] : memref<32x125x80xi32, #tpu.memory_space<hbm>> -> memref<1x32x80xi32, #tpu.memory_space<hbm>>
      %dma_start3A_154 = tpu.memref_squeeze %dma_start3A_153 : memref<1x32x80xi32, #tpu.memory_space<hbm>> -> memref<32x80xi32, #tpu.memory_space<hbm>>
      %dma_start3A_155 = arith.constant 0 : i32
      %dma_start3A_156 = arith.constant 0 : i32
      %dma_start3A_157 = tpu.memref_slice %arg8[%dma_start3A_155, %dma_start3A_156] : memref<32x80xi32, #tpu.memory_space<vmem>> -> memref<32x80xi32, #tpu.memory_space<vmem>>
      %dma_start3A_158 = arith.constant 0 : i32
      %dma_start3A_159 = arith.constant 0 : i32
      %dma_start3A_160 = tpu.memref_slice %arg4[%add3A, %dma_start3A_158, %dma_start3A_159] : memref<32x125x80xi32, #tpu.memory_space<hbm>> -> memref<1x32x80xi32, #tpu.memory_space<hbm>>
      %dma_start3A_161 = tpu.memref_squeeze %dma_start3A_160 : memref<1x32x80xi32, #tpu.memory_space<hbm>> -> memref<32x80xi32, #tpu.memory_space<hbm>>
      tpu.enqueue_dma source(%dma_start3A_161 : memref<32x80xi32, #tpu.memory_space<hbm>>) target(%dma_start3A_157 : memref<32x80xi32, #tpu.memory_space<vmem>>) target_semaphore(%run_scoped3A : memref<!tpu.dma_semaphore, #tpu.memory_space<semaphore_mem>>)
      %dma_wait3A = arith.constant 0 : i32
      %dma_wait3A_162 = arith.constant 0 : i32
      %dma_wait3A_163 = tpu.memref_slice %arg8[%dma_wait3A, %dma_wait3A_162] : memref<32x80xi32, #tpu.memory_space<vmem>> -> memref<32x80xi32, #tpu.memory_space<vmem>>
      %dma_wait3A_164 = arith.constant 0 : i32
      %dma_wait3A_165 = arith.constant 0 : i32
      %dma_wait3A_166 = tpu.memref_slice %arg4[%add3A, %dma_wait3A_164, %dma_wait3A_165] : memref<32x125x80xi32, #tpu.memory_space<hbm>> -> memref<1x32x80xi32, #tpu.memory_space<hbm>>
      %dma_wait3A_167 = tpu.memref_squeeze %dma_wait3A_166 : memref<1x32x80xi32, #tpu.memory_space<hbm>> -> memref<32x80xi32, #tpu.memory_space<hbm>>
      %dma_wait3A_168 = arith.constant 0 : i32
      %dma_wait3A_169 = arith.constant 0 : i32
      %dma_wait3A_170 = tpu.memref_slice %arg8[%dma_wait3A_168, %dma_wait3A_169] : memref<32x80xi32, #tpu.memory_space<vmem>> -> memref<32x80xi32, #tpu.memory_space<vmem>>
      %dma_wait3A_171 = arith.constant 0 : i32
      %dma_wait3A_172 = arith.constant 0 : i32
      %dma_wait3A_173 = tpu.memref_slice %arg4[%add3A, %dma_wait3A_171, %dma_wait3A_172] : memref<32x125x80xi32, #tpu.memory_space<hbm>> -> memref<1x32x80xi32, #tpu.memory_space<hbm>>
      %dma_wait3A_174 = tpu.memref_squeeze %dma_wait3A_173 : memref<1x32x80xi32, #tpu.memory_space<hbm>> -> memref<32x80xi32, #tpu.memory_space<hbm>>
      tpu.wait_dma2 semaphore(%run_scoped3A : memref<!tpu.dma_semaphore, #tpu.memory_space<semaphore_mem>>) src(%dma_wait3A_174 : memref<32x80xi32, #tpu.memory_space<hbm>>) dst(%dma_wait3A_170 : memref<32x80xi32, #tpu.memory_space<vmem>>)
      tpu.yield
    }) : () -> ()
    %dma_start3A = arith.constant 0 : i32
    %dma_start3A_3 = arith.constant 0 : i32
    %dma_start3A_4 = arith.constant 0 : i32
    %dma_start3A_5 = arith.constant 0 : i32
    %dma_start3A_6 = tpu.memref_slice %arg9[%dma_start3A_3, %dma_start3A_4, %dma_start3A_5] : memref<4x80x128xf32, #tpu.memory_space<vmem>> -> memref<1x80x128xf32, #tpu.memory_space<vmem>>
    %dma_start3A_7 = tpu.memref_squeeze %dma_start3A_6 : memref<1x80x128xf32, #tpu.memory_space<vmem>> -> memref<80x128xf32, #tpu.memory_space<vmem>>
    %dma_start3A_8 = arith.constant 0 : i32
    %dma_start3A_9 = tpu.memref_slice %arg7[%dma_start3A, %dma_start3A_8] : memref<32x80xi32, #tpu.memory_space<vmem>> -> memref<1x80xi32, #tpu.memory_space<vmem>>
    %dma_start3A_10 = tpu.memref_squeeze %dma_start3A_9 : memref<1x80xi32, #tpu.memory_space<vmem>> -> memref<80xi32, #tpu.memory_space<vmem>>
    %dma_start3A_11 = arith.constant 0 : i32
    %dma_start3A_12 = arith.constant 0 : i32
    %dma_start3A_13 = tpu.memref_slice %arg2[%dma_start3A_11, %dma_start3A_12] : memref<10000x128xf32, #tpu.memory_space<hbm>> -> memref<10000x128xf32, #tpu.memory_space<hbm>>
    tpu.enqueue_indirect_dma source(%dma_start3A_13 : memref<10000x128xf32, #tpu.memory_space<hbm>>) target(%dma_start3A_7 : memref<80x128xf32, #tpu.memory_space<vmem>>) offsets(%dma_start3A_10 : memref<80xi32, #tpu.memory_space<vmem>>) semaphore(%arg11 : memref<!tpu.dma_semaphore, #tpu.memory_space<semaphore_mem>>)
    %dma_start3A_14 = arith.constant 1 : i32
    %dma_start3A_15 = arith.constant 1 : i32
    %dma_start3A_16 = arith.constant 0 : i32
    %dma_start3A_17 = arith.constant 0 : i32
    %dma_start3A_18 = tpu.memref_slice %arg9[%dma_start3A_15, %dma_start3A_16, %dma_start3A_17] : memref<4x80x128xf32, #tpu.memory_space<vmem>> -> memref<1x80x128xf32, #tpu.memory_space<vmem>>
    %dma_start3A_19 = tpu.memref_squeeze %dma_start3A_18 : memref<1x80x128xf32, #tpu.memory_space<vmem>> -> memref<80x128xf32, #tpu.memory_space<vmem>>
    %dma_start3A_20 = arith.constant 0 : i32
    %dma_start3A_21 = tpu.memref_slice %arg7[%dma_start3A_14, %dma_start3A_20] : memref<32x80xi32, #tpu.memory_space<vmem>> -> memref<1x80xi32, #tpu.memory_space<vmem>>
    %dma_start3A_22 = tpu.memref_squeeze %dma_start3A_21 : memref<1x80xi32, #tpu.memory_space<vmem>> -> memref<80xi32, #tpu.memory_space<vmem>>
    %dma_start3A_23 = arith.constant 0 : i32
    %dma_start3A_24 = arith.constant 0 : i32
    %dma_start3A_25 = tpu.memref_slice %arg2[%dma_start3A_23, %dma_start3A_24] : memref<10000x128xf32, #tpu.memory_space<hbm>> -> memref<10000x128xf32, #tpu.memory_space<hbm>>
    tpu.enqueue_indirect_dma source(%dma_start3A_25 : memref<10000x128xf32, #tpu.memory_space<hbm>>) target(%dma_start3A_19 : memref<80x128xf32, #tpu.memory_space<vmem>>) offsets(%dma_start3A_22 : memref<80xi32, #tpu.memory_space<vmem>>) semaphore(%arg12 : memref<!tpu.dma_semaphore, #tpu.memory_space<semaphore_mem>>)
    %scan3A = arith.constant 0 : i32
    %scan3A_26 = arith.constant 0 : i32
    %scan3A_27 = arith.constant 8 : i32
    %scan3A_28 = arith.addi %scan3A_26, %scan3A_27 : i32
    %scan3A_29 = arith.constant 1 : i32
    scf.for %scan3A_148 = %scan3A_26 to %scan3A_28 step %scan3A_29  : i32 {
      %mul3A_149 = arith.constant 4 : i32
      %mul3A_150 = arith.muli %scan3A_148, %mul3A_149 : i32
      %add3A_151 = arith.constant 0 : i32
      %add3A_152 = arith.addi %mul3A_150, %add3A_151 : i32
      %lt3A = arith.constant 32 : i32
      %lt3A_153 = arith.cmpi slt, %add3A_152, %lt3A : i32
      %convert_element_type3A = arith.extui %lt3A_153 : i1 to i32
      %cond3A = arith.constant 0 : i32
      %cond3A_154 = arith.cmpi ne, %convert_element_type3A, %cond3A : i32
      scf.if %cond3A_154 {
        %dma_wait3A = arith.constant 0 : i32
        %dma_wait3A_182 = arith.constant 0 : i32
        %dma_wait3A_183 = arith.constant 0 : i32
        %dma_wait3A_184 = tpu.memref_slice %arg9[%dma_wait3A, %dma_wait3A_182, %dma_wait3A_183] : memref<4x80x128xf32, #tpu.memory_space<vmem>> -> memref<1x80x128xf32, #tpu.memory_space<vmem>>
        %dma_wait3A_185 = tpu.memref_squeeze %dma_wait3A_184 : memref<1x80x128xf32, #tpu.memory_space<vmem>> -> memref<80x128xf32, #tpu.memory_space<vmem>>
        %dma_wait3A_186 = arith.constant 0 : i32
        %dma_wait3A_187 = tpu.memref_slice %arg7[%add3A_152, %dma_wait3A_186] : memref<32x80xi32, #tpu.memory_space<vmem>> -> memref<1x80xi32, #tpu.memory_space<vmem>>
        %dma_wait3A_188 = tpu.memref_squeeze %dma_wait3A_187 : memref<1x80xi32, #tpu.memory_space<vmem>> -> memref<80xi32, #tpu.memory_space<vmem>>
        %dma_wait3A_189 = arith.constant 0 : i32
        %dma_wait3A_190 = arith.constant 0 : i32
        %dma_wait3A_191 = tpu.memref_slice %arg2[%dma_wait3A_189, %dma_wait3A_190] : memref<10000x128xf32, #tpu.memory_space<hbm>> -> memref<10000x128xf32, #tpu.memory_space<hbm>>
        tpu.wait_indirect_dma semaphore(%arg11 : memref<!tpu.dma_semaphore, #tpu.memory_space<semaphore_mem>>) src(%dma_wait3A_191 : memref<10000x128xf32, #tpu.memory_space<hbm>>) dst(%dma_wait3A_185 : memref<80x128xf32, #tpu.memory_space<vmem>>)
        %dma_start3A_192 = arith.constant 0 : i32
        %dma_start3A_193 = arith.constant 0 : i32
        %dma_start3A_194 = arith.constant 0 : i32
        %dma_start3A_195 = tpu.memref_slice %arg9[%dma_start3A_192, %dma_start3A_193, %dma_start3A_194] : memref<4x80x128xf32, #tpu.memory_space<vmem>> -> memref<1x80x128xf32, #tpu.memory_space<vmem>>
        %dma_start3A_196 = tpu.memref_squeeze %dma_start3A_195 : memref<1x80x128xf32, #tpu.memory_space<vmem>> -> memref<80x128xf32, #tpu.memory_space<vmem>>
        %dma_start3A_197 = arith.constant 0 : i32
        %dma_start3A_198 = tpu.memref_slice %arg8[%add3A_152, %dma_start3A_197] : memref<32x80xi32, #tpu.memory_space<vmem>> -> memref<1x80xi32, #tpu.memory_space<vmem>>
        %dma_start3A_199 = tpu.memref_squeeze %dma_start3A_198 : memref<1x80xi32, #tpu.memory_space<vmem>> -> memref<80xi32, #tpu.memory_space<vmem>>
        %dma_start3A_200 = arith.constant 0 : i32
        %dma_start3A_201 = arith.constant 0 : i32
        %dma_start3A_202 = tpu.memref_slice %arg10[%dma_start3A_200, %dma_start3A_201] : memref<10000x128xf32, #tpu.memory_space<vmem_shared>> -> memref<10000x128xf32, #tpu.memory_space<vmem_shared>>
        tpu.enqueue_indirect_dma source(%dma_start3A_196 : memref<80x128xf32, #tpu.memory_space<vmem>>) target(%dma_start3A_202 : memref<10000x128xf32, #tpu.memory_space<vmem_shared>>) offsets(%dma_start3A_199 : memref<80xi32, #tpu.memory_space<vmem>>) semaphore(%arg15 : memref<!tpu.dma_semaphore, #tpu.memory_space<semaphore_mem>>) {add = true}
        %add3A_203 = arith.constant 2 : i32
        %add3A_204 = arith.addi %add3A_152, %add3A_203 : i32
        %lt3A_205 = arith.constant 32 : i32
        %lt3A_206 = arith.cmpi slt, %add3A_204, %lt3A_205 : i32
        %convert_element_type3A_207 = arith.extui %lt3A_206 : i1 to i32
        %cond3A_208 = arith.constant 0 : i32
        %cond3A_209 = arith.cmpi ne, %convert_element_type3A_207, %cond3A_208 : i32
        scf.if %cond3A_209 {
          %ge3A = arith.constant 2 : i32
          %ge3A_210 = arith.cmpi sge, %add3A_152, %ge3A : i32
          %convert_element_type3A_211 = arith.extui %ge3A_210 : i1 to i32
          %cond3A_212 = arith.constant 0 : i32
          %cond3A_213 = arith.cmpi ne, %convert_element_type3A_211, %cond3A_212 : i32
          scf.if %cond3A_213 {
            %dma_wait3A_227 = arith.constant 2 : i32
            %dma_wait3A_228 = arith.constant 0 : i32
            %dma_wait3A_229 = arith.constant 0 : i32
            %dma_wait3A_230 = tpu.memref_slice %arg9[%dma_wait3A_227, %dma_wait3A_228, %dma_wait3A_229] : memref<4x80x128xf32, #tpu.memory_space<vmem>> -> memref<1x80x128xf32, #tpu.memory_space<vmem>>
            %dma_wait3A_231 = tpu.memref_squeeze %dma_wait3A_230 : memref<1x80x128xf32, #tpu.memory_space<vmem>> -> memref<80x128xf32, #tpu.memory_space<vmem>>
            %dma_wait3A_232 = arith.constant 0 : i32
            %dma_wait3A_233 = tpu.memref_slice %arg8[%add3A_152, %dma_wait3A_232] : memref<32x80xi32, #tpu.memory_space<vmem>> -> memref<1x80xi32, #tpu.memory_space<vmem>>
            %dma_wait3A_234 = tpu.memref_squeeze %dma_wait3A_233 : memref<1x80xi32, #tpu.memory_space<vmem>> -> memref<80xi32, #tpu.memory_space<vmem>>
            %dma_wait3A_235 = arith.constant 0 : i32
            %dma_wait3A_236 = arith.constant 0 : i32
            %dma_wait3A_237 = tpu.memref_slice %arg10[%dma_wait3A_235, %dma_wait3A_236] : memref<10000x128xf32, #tpu.memory_space<vmem_shared>> -> memref<10000x128xf32, #tpu.memory_space<vmem_shared>>
            tpu.wait_indirect_dma semaphore(%arg15 : memref<!tpu.dma_semaphore, #tpu.memory_space<semaphore_mem>>) src(%dma_wait3A_231 : memref<80x128xf32, #tpu.memory_space<vmem>>) dst(%dma_wait3A_237 : memref<10000x128xf32, #tpu.memory_space<vmem_shared>>)
          } else {
          }
          %add3A_214 = arith.constant 2 : i32
          %add3A_215 = arith.addi %add3A_152, %add3A_214 : i32
          %dma_start3A_216 = arith.constant 2 : i32
          %dma_start3A_217 = arith.constant 0 : i32
          %dma_start3A_218 = arith.constant 0 : i32
          %dma_start3A_219 = tpu.memref_slice %arg9[%dma_start3A_216, %dma_start3A_217, %dma_start3A_218] : memref<4x80x128xf32, #tpu.memory_space<vmem>> -> memref<1x80x128xf32, #tpu.memory_space<vmem>>
          %dma_start3A_220 = tpu.memref_squeeze %dma_start3A_219 : memref<1x80x128xf32, #tpu.memory_space<vmem>> -> memref<80x128xf32, #tpu.memory_space<vmem>>
          %dma_start3A_221 = arith.constant 0 : i32
          %dma_start3A_222 = tpu.memref_slice %arg7[%add3A_215, %dma_start3A_221] : memref<32x80xi32, #tpu.memory_space<vmem>> -> memref<1x80xi32, #tpu.memory_space<vmem>>
          %dma_start3A_223 = tpu.memref_squeeze %dma_start3A_222 : memref<1x80xi32, #tpu.memory_space<vmem>> -> memref<80xi32, #tpu.memory_space<vmem>>
          %dma_start3A_224 = arith.constant 0 : i32
          %dma_start3A_225 = arith.constant 0 : i32
          %dma_start3A_226 = tpu.memref_slice %arg2[%dma_start3A_224, %dma_start3A_225] : memref<10000x128xf32, #tpu.memory_space<hbm>> -> memref<10000x128xf32, #tpu.memory_space<hbm>>
          tpu.enqueue_indirect_dma source(%dma_start3A_226 : memref<10000x128xf32, #tpu.memory_space<hbm>>) target(%dma_start3A_220 : memref<80x128xf32, #tpu.memory_space<vmem>>) offsets(%dma_start3A_223 : memref<80xi32, #tpu.memory_space<vmem>>) semaphore(%arg13 : memref<!tpu.dma_semaphore, #tpu.memory_space<semaphore_mem>>)
        } else {
        }
      } else {
      }
      %mul3A_155 = arith.constant 4 : i32
      %mul3A_156 = arith.muli %scan3A_148, %mul3A_155 : i32
      %add3A_157 = arith.constant 1 : i32
      %add3A_158 = arith.addi %mul3A_156, %add3A_157 : i32
      %lt3A_159 = arith.constant 32 : i32
      %lt3A_160 = arith.cmpi slt, %add3A_158, %lt3A_159 : i32
      %convert_element_type3A_161 = arith.extui %lt3A_160 : i1 to i32
      %cond3A_162 = arith.constant 0 : i32
      %cond3A_163 = arith.cmpi ne, %convert_element_type3A_161, %cond3A_162 : i32
      scf.if %cond3A_163 {
        %dma_wait3A = arith.constant 1 : i32
        %dma_wait3A_182 = arith.constant 0 : i32
        %dma_wait3A_183 = arith.constant 0 : i32
        %dma_wait3A_184 = tpu.memref_slice %arg9[%dma_wait3A, %dma_wait3A_182, %dma_wait3A_183] : memref<4x80x128xf32, #tpu.memory_space<vmem>> -> memref<1x80x128xf32, #tpu.memory_space<vmem>>
        %dma_wait3A_185 = tpu.memref_squeeze %dma_wait3A_184 : memref<1x80x128xf32, #tpu.memory_space<vmem>> -> memref<80x128xf32, #tpu.memory_space<vmem>>
        %dma_wait3A_186 = arith.constant 0 : i32
        %dma_wait3A_187 = tpu.memref_slice %arg7[%add3A_158, %dma_wait3A_186] : memref<32x80xi32, #tpu.memory_space<vmem>> -> memref<1x80xi32, #tpu.memory_space<vmem>>
        %dma_wait3A_188 = tpu.memref_squeeze %dma_wait3A_187 : memref<1x80xi32, #tpu.memory_space<vmem>> -> memref<80xi32, #tpu.memory_space<vmem>>
        %dma_wait3A_189 = arith.constant 0 : i32
        %dma_wait3A_190 = arith.constant 0 : i32
        %dma_wait3A_191 = tpu.memref_slice %arg2[%dma_wait3A_189, %dma_wait3A_190] : memref<10000x128xf32, #tpu.memory_space<hbm>> -> memref<10000x128xf32, #tpu.memory_space<hbm>>
        tpu.wait_indirect_dma semaphore(%arg12 : memref<!tpu.dma_semaphore, #tpu.memory_space<semaphore_mem>>) src(%dma_wait3A_191 : memref<10000x128xf32, #tpu.memory_space<hbm>>) dst(%dma_wait3A_185 : memref<80x128xf32, #tpu.memory_space<vmem>>)
        %dma_start3A_192 = arith.constant 1 : i32
        %dma_start3A_193 = arith.constant 0 : i32
        %dma_start3A_194 = arith.constant 0 : i32
        %dma_start3A_195 = tpu.memref_slice %arg9[%dma_start3A_192, %dma_start3A_193, %dma_start3A_194] : memref<4x80x128xf32, #tpu.memory_space<vmem>> -> memref<1x80x128xf32, #tpu.memory_space<vmem>>
        %dma_start3A_196 = tpu.memref_squeeze %dma_start3A_195 : memref<1x80x128xf32, #tpu.memory_space<vmem>> -> memref<80x128xf32, #tpu.memory_space<vmem>>
        %dma_start3A_197 = arith.constant 0 : i32
        %dma_start3A_198 = tpu.memref_slice %arg8[%add3A_158, %dma_start3A_197] : memref<32x80xi32, #tpu.memory_space<vmem>> -> memref<1x80xi32, #tpu.memory_space<vmem>>
        %dma_start3A_199 = tpu.memref_squeeze %dma_start3A_198 : memref<1x80xi32, #tpu.memory_space<vmem>> -> memref<80xi32, #tpu.memory_space<vmem>>
        %dma_start3A_200 = arith.constant 0 : i32
        %dma_start3A_201 = arith.constant 0 : i32
        %dma_start3A_202 = tpu.memref_slice %arg10[%dma_start3A_200, %dma_start3A_201] : memref<10000x128xf32, #tpu.memory_space<vmem_shared>> -> memref<10000x128xf32, #tpu.memory_space<vmem_shared>>
        tpu.enqueue_indirect_dma source(%dma_start3A_196 : memref<80x128xf32, #tpu.memory_space<vmem>>) target(%dma_start3A_202 : memref<10000x128xf32, #tpu.memory_space<vmem_shared>>) offsets(%dma_start3A_199 : memref<80xi32, #tpu.memory_space<vmem>>) semaphore(%arg15 : memref<!tpu.dma_semaphore, #tpu.memory_space<semaphore_mem>>) {add = true}
        %add3A_203 = arith.constant 2 : i32
        %add3A_204 = arith.addi %add3A_158, %add3A_203 : i32
        %lt3A_205 = arith.constant 32 : i32
        %lt3A_206 = arith.cmpi slt, %add3A_204, %lt3A_205 : i32
        %convert_element_type3A_207 = arith.extui %lt3A_206 : i1 to i32
        %cond3A_208 = arith.constant 0 : i32
        %cond3A_209 = arith.cmpi ne, %convert_element_type3A_207, %cond3A_208 : i32
        scf.if %cond3A_209 {
          %ge3A = arith.constant 2 : i32
          %ge3A_210 = arith.cmpi sge, %add3A_158, %ge3A : i32
          %convert_element_type3A_211 = arith.extui %ge3A_210 : i1 to i32
          %cond3A_212 = arith.constant 0 : i32
          %cond3A_213 = arith.cmpi ne, %convert_element_type3A_211, %cond3A_212 : i32
          scf.if %cond3A_213 {
            %dma_wait3A_227 = arith.constant 3 : i32
            %dma_wait3A_228 = arith.constant 0 : i32
            %dma_wait3A_229 = arith.constant 0 : i32
            %dma_wait3A_230 = tpu.memref_slice %arg9[%dma_wait3A_227, %dma_wait3A_228, %dma_wait3A_229] : memref<4x80x128xf32, #tpu.memory_space<vmem>> -> memref<1x80x128xf32, #tpu.memory_space<vmem>>
            %dma_wait3A_231 = tpu.memref_squeeze %dma_wait3A_230 : memref<1x80x128xf32, #tpu.memory_space<vmem>> -> memref<80x128xf32, #tpu.memory_space<vmem>>
            %dma_wait3A_232 = arith.constant 0 : i32
            %dma_wait3A_233 = tpu.memref_slice %arg8[%add3A_158, %dma_wait3A_232] : memref<32x80xi32, #tpu.memory_space<vmem>> -> memref<1x80xi32, #tpu.memory_space<vmem>>
            %dma_wait3A_234 = tpu.memref_squeeze %dma_wait3A_233 : memref<1x80xi32, #tpu.memory_space<vmem>> -> memref<80xi32, #tpu.memory_space<vmem>>
            %dma_wait3A_235 = arith.constant 0 : i32
            %dma_wait3A_236 = arith.constant 0 : i32
            %dma_wait3A_237 = tpu.memref_slice %arg10[%dma_wait3A_235, %dma_wait3A_236] : memref<10000x128xf32, #tpu.memory_space<vmem_shared>> -> memref<10000x128xf32, #tpu.memory_space<vmem_shared>>
            tpu.wait_indirect_dma semaphore(%arg15 : memref<!tpu.dma_semaphore, #tpu.memory_space<semaphore_mem>>) src(%dma_wait3A_231 : memref<80x128xf32, #tpu.memory_space<vmem>>) dst(%dma_wait3A_237 : memref<10000x128xf32, #tpu.memory_space<vmem_shared>>)
          } else {
          }
          %add3A_214 = arith.constant 2 : i32
          %add3A_215 = arith.addi %add3A_158, %add3A_214 : i32
          %dma_start3A_216 = arith.constant 3 : i32
          %dma_start3A_217 = arith.constant 0 : i32
          %dma_start3A_218 = arith.constant 0 : i32
          %dma_start3A_219 = tpu.memref_slice %arg9[%dma_start3A_216, %dma_start3A_217, %dma_start3A_218] : memref<4x80x128xf32, #tpu.memory_space<vmem>> -> memref<1x80x128xf32, #tpu.memory_space<vmem>>
          %dma_start3A_220 = tpu.memref_squeeze %dma_start3A_219 : memref<1x80x128xf32, #tpu.memory_space<vmem>> -> memref<80x128xf32, #tpu.memory_space<vmem>>
          %dma_start3A_221 = arith.constant 0 : i32
          %dma_start3A_222 = tpu.memref_slice %arg7[%add3A_215, %dma_start3A_221] : memref<32x80xi32, #tpu.memory_space<vmem>> -> memref<1x80xi32, #tpu.memory_space<vmem>>
          %dma_start3A_223 = tpu.memref_squeeze %dma_start3A_222 : memref<1x80xi32, #tpu.memory_space<vmem>> -> memref<80xi32, #tpu.memory_space<vmem>>
          %dma_start3A_224 = arith.constant 0 : i32
          %dma_start3A_225 = arith.constant 0 : i32
          %dma_start3A_226 = tpu.memref_slice %arg2[%dma_start3A_224, %dma_start3A_225] : memref<10000x128xf32, #tpu.memory_space<hbm>> -> memref<10000x128xf32, #tpu.memory_space<hbm>>
          tpu.enqueue_indirect_dma source(%dma_start3A_226 : memref<10000x128xf32, #tpu.memory_space<hbm>>) target(%dma_start3A_220 : memref<80x128xf32, #tpu.memory_space<vmem>>) offsets(%dma_start3A_223 : memref<80xi32, #tpu.memory_space<vmem>>) semaphore(%arg14 : memref<!tpu.dma_semaphore, #tpu.memory_space<semaphore_mem>>)
        } else {
        }
      } else {
      }
      %mul3A_164 = arith.constant 4 : i32
      %mul3A_165 = arith.muli %scan3A_148, %mul3A_164 : i32
      %add3A_166 = arith.constant 2 : i32
      %add3A_167 = arith.addi %mul3A_165, %add3A_166 : i32
      %lt3A_168 = arith.constant 32 : i32
      %lt3A_169 = arith.cmpi slt, %add3A_167, %lt3A_168 : i32
      %convert_element_type3A_170 = arith.extui %lt3A_169 : i1 to i32
      %cond3A_171 = arith.constant 0 : i32
      %cond3A_172 = arith.cmpi ne, %convert_element_type3A_170, %cond3A_171 : i32
      scf.if %cond3A_172 {
        %dma_wait3A = arith.constant 2 : i32
        %dma_wait3A_182 = arith.constant 0 : i32
        %dma_wait3A_183 = arith.constant 0 : i32
        %dma_wait3A_184 = tpu.memref_slice %arg9[%dma_wait3A, %dma_wait3A_182, %dma_wait3A_183] : memref<4x80x128xf32, #tpu.memory_space<vmem>> -> memref<1x80x128xf32, #tpu.memory_space<vmem>>
        %dma_wait3A_185 = tpu.memref_squeeze %dma_wait3A_184 : memref<1x80x128xf32, #tpu.memory_space<vmem>> -> memref<80x128xf32, #tpu.memory_space<vmem>>
        %dma_wait3A_186 = arith.constant 0 : i32
        %dma_wait3A_187 = tpu.memref_slice %arg7[%add3A_167, %dma_wait3A_186] : memref<32x80xi32, #tpu.memory_space<vmem>> -> memref<1x80xi32, #tpu.memory_space<vmem>>
        %dma_wait3A_188 = tpu.memref_squeeze %dma_wait3A_187 : memref<1x80xi32, #tpu.memory_space<vmem>> -> memref<80xi32, #tpu.memory_space<vmem>>
        %dma_wait3A_189 = arith.constant 0 : i32
        %dma_wait3A_190 = arith.constant 0 : i32
        %dma_wait3A_191 = tpu.memref_slice %arg2[%dma_wait3A_189, %dma_wait3A_190] : memref<10000x128xf32, #tpu.memory_space<hbm>> -> memref<10000x128xf32, #tpu.memory_space<hbm>>
        tpu.wait_indirect_dma semaphore(%arg13 : memref<!tpu.dma_semaphore, #tpu.memory_space<semaphore_mem>>) src(%dma_wait3A_191 : memref<10000x128xf32, #tpu.memory_space<hbm>>) dst(%dma_wait3A_185 : memref<80x128xf32, #tpu.memory_space<vmem>>)
        %dma_start3A_192 = arith.constant 2 : i32
        %dma_start3A_193 = arith.constant 0 : i32
        %dma_start3A_194 = arith.constant 0 : i32
        %dma_start3A_195 = tpu.memref_slice %arg9[%dma_start3A_192, %dma_start3A_193, %dma_start3A_194] : memref<4x80x128xf32, #tpu.memory_space<vmem>> -> memref<1x80x128xf32, #tpu.memory_space<vmem>>
        %dma_start3A_196 = tpu.memref_squeeze %dma_start3A_195 : memref<1x80x128xf32, #tpu.memory_space<vmem>> -> memref<80x128xf32, #tpu.memory_space<vmem>>
        %dma_start3A_197 = arith.constant 0 : i32
        %dma_start3A_198 = tpu.memref_slice %arg8[%add3A_167, %dma_start3A_197] : memref<32x80xi32, #tpu.memory_space<vmem>> -> memref<1x80xi32, #tpu.memory_space<vmem>>
        %dma_start3A_199 = tpu.memref_squeeze %dma_start3A_198 : memref<1x80xi32, #tpu.memory_space<vmem>> -> memref<80xi32, #tpu.memory_space<vmem>>
        %dma_start3A_200 = arith.constant 0 : i32
        %dma_start3A_201 = arith.constant 0 : i32
        %dma_start3A_202 = tpu.memref_slice %arg10[%dma_start3A_200, %dma_start3A_201] : memref<10000x128xf32, #tpu.memory_space<vmem_shared>> -> memref<10000x128xf32, #tpu.memory_space<vmem_shared>>
        tpu.enqueue_indirect_dma source(%dma_start3A_196 : memref<80x128xf32, #tpu.memory_space<vmem>>) target(%dma_start3A_202 : memref<10000x128xf32, #tpu.memory_space<vmem_shared>>) offsets(%dma_start3A_199 : memref<80xi32, #tpu.memory_space<vmem>>) semaphore(%arg15 : memref<!tpu.dma_semaphore, #tpu.memory_space<semaphore_mem>>) {add = true}
        %add3A_203 = arith.constant 2 : i32
        %add3A_204 = arith.addi %add3A_167, %add3A_203 : i32
        %lt3A_205 = arith.constant 32 : i32
        %lt3A_206 = arith.cmpi slt, %add3A_204, %lt3A_205 : i32
        %convert_element_type3A_207 = arith.extui %lt3A_206 : i1 to i32
        %cond3A_208 = arith.constant 0 : i32
        %cond3A_209 = arith.cmpi ne, %convert_element_type3A_207, %cond3A_208 : i32
        scf.if %cond3A_209 {
          %ge3A = arith.constant 2 : i32
          %ge3A_210 = arith.cmpi sge, %add3A_167, %ge3A : i32
          %convert_element_type3A_211 = arith.extui %ge3A_210 : i1 to i32
          %cond3A_212 = arith.constant 0 : i32
          %cond3A_213 = arith.cmpi ne, %convert_element_type3A_211, %cond3A_212 : i32
          scf.if %cond3A_213 {
            %dma_wait3A_227 = arith.constant 0 : i32
            %dma_wait3A_228 = arith.constant 0 : i32
            %dma_wait3A_229 = arith.constant 0 : i32
            %dma_wait3A_230 = tpu.memref_slice %arg9[%dma_wait3A_227, %dma_wait3A_228, %dma_wait3A_229] : memref<4x80x128xf32, #tpu.memory_space<vmem>> -> memref<1x80x128xf32, #tpu.memory_space<vmem>>
            %dma_wait3A_231 = tpu.memref_squeeze %dma_wait3A_230 : memref<1x80x128xf32, #tpu.memory_space<vmem>> -> memref<80x128xf32, #tpu.memory_space<vmem>>
            %dma_wait3A_232 = arith.constant 0 : i32
            %dma_wait3A_233 = tpu.memref_slice %arg8[%add3A_167, %dma_wait3A_232] : memref<32x80xi32, #tpu.memory_space<vmem>> -> memref<1x80xi32, #tpu.memory_space<vmem>>
            %dma_wait3A_234 = tpu.memref_squeeze %dma_wait3A_233 : memref<1x80xi32, #tpu.memory_space<vmem>> -> memref<80xi32, #tpu.memory_space<vmem>>
            %dma_wait3A_235 = arith.constant 0 : i32
            %dma_wait3A_236 = arith.constant 0 : i32
            %dma_wait3A_237 = tpu.memref_slice %arg10[%dma_wait3A_235, %dma_wait3A_236] : memref<10000x128xf32, #tpu.memory_space<vmem_shared>> -> memref<10000x128xf32, #tpu.memory_space<vmem_shared>>
            tpu.wait_indirect_dma semaphore(%arg15 : memref<!tpu.dma_semaphore, #tpu.memory_space<semaphore_mem>>) src(%dma_wait3A_231 : memref<80x128xf32, #tpu.memory_space<vmem>>) dst(%dma_wait3A_237 : memref<10000x128xf32, #tpu.memory_space<vmem_shared>>)
          } else {
          }
          %add3A_214 = arith.constant 2 : i32
          %add3A_215 = arith.addi %add3A_167, %add3A_214 : i32
          %dma_start3A_216 = arith.constant 0 : i32
          %dma_start3A_217 = arith.constant 0 : i32
          %dma_start3A_218 = arith.constant 0 : i32
          %dma_start3A_219 = tpu.memref_slice %arg9[%dma_start3A_216, %dma_start3A_217, %dma_start3A_218] : memref<4x80x128xf32, #tpu.memory_space<vmem>> -> memref<1x80x128xf32, #tpu.memory_space<vmem>>
          %dma_start3A_220 = tpu.memref_squeeze %dma_start3A_219 : memref<1x80x128xf32, #tpu.memory_space<vmem>> -> memref<80x128xf32, #tpu.memory_space<vmem>>
          %dma_start3A_221 = arith.constant 0 : i32
          %dma_start3A_222 = tpu.memref_slice %arg7[%add3A_215, %dma_start3A_221] : memref<32x80xi32, #tpu.memory_space<vmem>> -> memref<1x80xi32, #tpu.memory_space<vmem>>
          %dma_start3A_223 = tpu.memref_squeeze %dma_start3A_222 : memref<1x80xi32, #tpu.memory_space<vmem>> -> memref<80xi32, #tpu.memory_space<vmem>>
          %dma_start3A_224 = arith.constant 0 : i32
          %dma_start3A_225 = arith.constant 0 : i32
          %dma_start3A_226 = tpu.memref_slice %arg2[%dma_start3A_224, %dma_start3A_225] : memref<10000x128xf32, #tpu.memory_space<hbm>> -> memref<10000x128xf32, #tpu.memory_space<hbm>>
          tpu.enqueue_indirect_dma source(%dma_start3A_226 : memref<10000x128xf32, #tpu.memory_space<hbm>>) target(%dma_start3A_220 : memref<80x128xf32, #tpu.memory_space<vmem>>) offsets(%dma_start3A_223 : memref<80xi32, #tpu.memory_space<vmem>>) semaphore(%arg11 : memref<!tpu.dma_semaphore, #tpu.memory_space<semaphore_mem>>)
        } else {
        }
      } else {
      }
      %mul3A_173 = arith.constant 4 : i32
      %mul3A_174 = arith.muli %scan3A_148, %mul3A_173 : i32
      %add3A_175 = arith.constant 3 : i32
      %add3A_176 = arith.addi %mul3A_174, %add3A_175 : i32
      %lt3A_177 = arith.constant 32 : i32
      %lt3A_178 = arith.cmpi slt, %add3A_176, %lt3A_177 : i32
      %convert_element_type3A_179 = arith.extui %lt3A_178 : i1 to i32
      %cond3A_180 = arith.constant 0 : i32
      %cond3A_181 = arith.cmpi ne, %convert_element_type3A_179, %cond3A_180 : i32
      scf.if %cond3A_181 {
        %dma_wait3A = arith.constant 3 : i32
        %dma_wait3A_182 = arith.constant 0 : i32
        %dma_wait3A_183 = arith.constant 0 : i32
        %dma_wait3A_184 = tpu.memref_slice %arg9[%dma_wait3A, %dma_wait3A_182, %dma_wait3A_183] : memref<4x80x128xf32, #tpu.memory_space<vmem>> -> memref<1x80x128xf32, #tpu.memory_space<vmem>>
        %dma_wait3A_185 = tpu.memref_squeeze %dma_wait3A_184 : memref<1x80x128xf32, #tpu.memory_space<vmem>> -> memref<80x128xf32, #tpu.memory_space<vmem>>
        %dma_wait3A_186 = arith.constant 0 : i32
        %dma_wait3A_187 = tpu.memref_slice %arg7[%add3A_176, %dma_wait3A_186] : memref<32x80xi32, #tpu.memory_space<vmem>> -> memref<1x80xi32, #tpu.memory_space<vmem>>
        %dma_wait3A_188 = tpu.memref_squeeze %dma_wait3A_187 : memref<1x80xi32, #tpu.memory_space<vmem>> -> memref<80xi32, #tpu.memory_space<vmem>>
        %dma_wait3A_189 = arith.constant 0 : i32
        %dma_wait3A_190 = arith.constant 0 : i32
        %dma_wait3A_191 = tpu.memref_slice %arg2[%dma_wait3A_189, %dma_wait3A_190] : memref<10000x128xf32, #tpu.memory_space<hbm>> -> memref<10000x128xf32, #tpu.memory_space<hbm>>
        tpu.wait_indirect_dma semaphore(%arg14 : memref<!tpu.dma_semaphore, #tpu.memory_space<semaphore_mem>>) src(%dma_wait3A_191 : memref<10000x128xf32, #tpu.memory_space<hbm>>) dst(%dma_wait3A_185 : memref<80x128xf32, #tpu.memory_space<vmem>>)
        %dma_start3A_192 = arith.constant 3 : i32
        %dma_start3A_193 = arith.constant 0 : i32
        %dma_start3A_194 = arith.constant 0 : i32
        %dma_start3A_195 = tpu.memref_slice %arg9[%dma_start3A_192, %dma_start3A_193, %dma_start3A_194] : memref<4x80x128xf32, #tpu.memory_space<vmem>> -> memref<1x80x128xf32, #tpu.memory_space<vmem>>
        %dma_start3A_196 = tpu.memref_squeeze %dma_start3A_195 : memref<1x80x128xf32, #tpu.memory_space<vmem>> -> memref<80x128xf32, #tpu.memory_space<vmem>>
        %dma_start3A_197 = arith.constant 0 : i32
        %dma_start3A_198 = tpu.memref_slice %arg8[%add3A_176, %dma_start3A_197] : memref<32x80xi32, #tpu.memory_space<vmem>> -> memref<1x80xi32, #tpu.memory_space<vmem>>
        %dma_start3A_199 = tpu.memref_squeeze %dma_start3A_198 : memref<1x80xi32, #tpu.memory_space<vmem>> -> memref<80xi32, #tpu.memory_space<vmem>>
        %dma_start3A_200 = arith.constant 0 : i32
        %dma_start3A_201 = arith.constant 0 : i32
        %dma_start3A_202 = tpu.memref_slice %arg10[%dma_start3A_200, %dma_start3A_201] : memref<10000x128xf32, #tpu.memory_space<vmem_shared>> -> memref<10000x128xf32, #tpu.memory_space<vmem_shared>>
        tpu.enqueue_indirect_dma source(%dma_start3A_196 : memref<80x128xf32, #tpu.memory_space<vmem>>) target(%dma_start3A_202 : memref<10000x128xf32, #tpu.memory_space<vmem_shared>>) offsets(%dma_start3A_199 : memref<80xi32, #tpu.memory_space<vmem>>) semaphore(%arg15 : memref<!tpu.dma_semaphore, #tpu.memory_space<semaphore_mem>>) {add = true}
        %add3A_203 = arith.constant 2 : i32
        %add3A_204 = arith.addi %add3A_176, %add3A_203 : i32
        %lt3A_205 = arith.constant 32 : i32
        %lt3A_206 = arith.cmpi slt, %add3A_204, %lt3A_205 : i32
        %convert_element_type3A_207 = arith.extui %lt3A_206 : i1 to i32
        %cond3A_208 = arith.constant 0 : i32
        %cond3A_209 = arith.cmpi ne, %convert_element_type3A_207, %cond3A_208 : i32
        scf.if %cond3A_209 {
          %ge3A = arith.constant 2 : i32
          %ge3A_210 = arith.cmpi sge, %add3A_176, %ge3A : i32
          %convert_element_type3A_211 = arith.extui %ge3A_210 : i1 to i32
          %cond3A_212 = arith.constant 0 : i32
          %cond3A_213 = arith.cmpi ne, %convert_element_type3A_211, %cond3A_212 : i32
          scf.if %cond3A_213 {
            %dma_wait3A_227 = arith.constant 1 : i32
            %dma_wait3A_228 = arith.constant 0 : i32
            %dma_wait3A_229 = arith.constant 0 : i32
            %dma_wait3A_230 = tpu.memref_slice %arg9[%dma_wait3A_227, %dma_wait3A_228, %dma_wait3A_229] : memref<4x80x128xf32, #tpu.memory_space<vmem>> -> memref<1x80x128xf32, #tpu.memory_space<vmem>>
            %dma_wait3A_231 = tpu.memref_squeeze %dma_wait3A_230 : memref<1x80x128xf32, #tpu.memory_space<vmem>> -> memref<80x128xf32, #tpu.memory_space<vmem>>
            %dma_wait3A_232 = arith.constant 0 : i32
            %dma_wait3A_233 = tpu.memref_slice %arg8[%add3A_176, %dma_wait3A_232] : memref<32x80xi32, #tpu.memory_space<vmem>> -> memref<1x80xi32, #tpu.memory_space<vmem>>
            %dma_wait3A_234 = tpu.memref_squeeze %dma_wait3A_233 : memref<1x80xi32, #tpu.memory_space<vmem>> -> memref<80xi32, #tpu.memory_space<vmem>>
            %dma_wait3A_235 = arith.constant 0 : i32
            %dma_wait3A_236 = arith.constant 0 : i32
            %dma_wait3A_237 = tpu.memref_slice %arg10[%dma_wait3A_235, %dma_wait3A_236] : memref<10000x128xf32, #tpu.memory_space<vmem_shared>> -> memref<10000x128xf32, #tpu.memory_space<vmem_shared>>
            tpu.wait_indirect_dma semaphore(%arg15 : memref<!tpu.dma_semaphore, #tpu.memory_space<semaphore_mem>>) src(%dma_wait3A_231 : memref<80x128xf32, #tpu.memory_space<vmem>>) dst(%dma_wait3A_237 : memref<10000x128xf32, #tpu.memory_space<vmem_shared>>)
          } else {
          }
          %add3A_214 = arith.constant 2 : i32
          %add3A_215 = arith.addi %add3A_176, %add3A_214 : i32
          %dma_start3A_216 = arith.constant 1 : i32
          %dma_start3A_217 = arith.constant 0 : i32
          %dma_start3A_218 = arith.constant 0 : i32
          %dma_start3A_219 = tpu.memref_slice %arg9[%dma_start3A_216, %dma_start3A_217, %dma_start3A_218] : memref<4x80x128xf32, #tpu.memory_space<vmem>> -> memref<1x80x128xf32, #tpu.memory_space<vmem>>
          %dma_start3A_220 = tpu.memref_squeeze %dma_start3A_219 : memref<1x80x128xf32, #tpu.memory_space<vmem>> -> memref<80x128xf32, #tpu.memory_space<vmem>>
          %dma_start3A_221 = arith.constant 0 : i32
          %dma_start3A_222 = tpu.memref_slice %arg7[%add3A_215, %dma_start3A_221] : memref<32x80xi32, #tpu.memory_space<vmem>> -> memref<1x80xi32, #tpu.memory_space<vmem>>
          %dma_start3A_223 = tpu.memref_squeeze %dma_start3A_222 : memref<1x80xi32, #tpu.memory_space<vmem>> -> memref<80xi32, #tpu.memory_space<vmem>>
          %dma_start3A_224 = arith.constant 0 : i32
          %dma_start3A_225 = arith.constant 0 : i32
          %dma_start3A_226 = tpu.memref_slice %arg2[%dma_start3A_224, %dma_start3A_225] : memref<10000x128xf32, #tpu.memory_space<hbm>> -> memref<10000x128xf32, #tpu.memory_space<hbm>>
          tpu.enqueue_indirect_dma source(%dma_start3A_226 : memref<10000x128xf32, #tpu.memory_space<hbm>>) target(%dma_start3A_220 : memref<80x128xf32, #tpu.memory_space<vmem>>) offsets(%dma_start3A_223 : memref<80xi32, #tpu.memory_space<vmem>>) semaphore(%arg12 : memref<!tpu.dma_semaphore, #tpu.memory_space<semaphore_mem>>)
        } else {
        }
      } else {
      }
    }
    %scan3A_30 = arith.constant 8 : i32
    %scan3A_31 = arith.constant 0 : i32
    %scan3A_32 = arith.constant 0 : i32
    %scan3A_33 = arith.constant 4 : i32
    %scan3A_34 = arith.addi %scan3A_32, %scan3A_33 : i32
    %scan3A_35 = arith.constant 1 : i32
    scf.for %scan3A_148 = %scan3A_32 to %scan3A_34 step %scan3A_35  : i32 {
      %dma_wait3A = arith.constant 0 : i32
      %dma_wait3A_149 = arith.constant 0 : i32
      %dma_wait3A_150 = arith.constant 0 : i32
      %dma_wait3A_151 = arith.constant 0 : i32
      %dma_wait3A_152 = tpu.memref_slice %arg9[%dma_wait3A, %dma_wait3A_150, %dma_wait3A_151] : memref<4x80x128xf32, #tpu.memory_space<vmem>> -> memref<1x80x128xf32, #tpu.memory_space<vmem>>
      %dma_wait3A_153 = tpu.memref_squeeze %dma_wait3A_152 : memref<1x80x128xf32, #tpu.memory_space<vmem>> -> memref<80x128xf32, #tpu.memory_space<vmem>>
      %dma_wait3A_154 = arith.constant 0 : i32
      %dma_wait3A_155 = tpu.memref_slice %arg8[%dma_wait3A_149, %dma_wait3A_154] : memref<32x80xi32, #tpu.memory_space<vmem>> -> memref<1x80xi32, #tpu.memory_space<vmem>>
      %dma_wait3A_156 = tpu.memref_squeeze %dma_wait3A_155 : memref<1x80xi32, #tpu.memory_space<vmem>> -> memref<80xi32, #tpu.memory_space<vmem>>
      %dma_wait3A_157 = arith.constant 0 : i32
      %dma_wait3A_158 = arith.constant 0 : i32
      %dma_wait3A_159 = tpu.memref_slice %arg10[%dma_wait3A_157, %dma_wait3A_158] : memref<10000x128xf32, #tpu.memory_space<vmem_shared>> -> memref<10000x128xf32, #tpu.memory_space<vmem_shared>>
      tpu.wait_indirect_dma semaphore(%arg15 : memref<!tpu.dma_semaphore, #tpu.memory_space<semaphore_mem>>) src(%dma_wait3A_153 : memref<80x128xf32, #tpu.memory_space<vmem>>) dst(%dma_wait3A_159 : memref<10000x128xf32, #tpu.memory_space<vmem_shared>>)
    }
    %scan3A_36 = arith.constant 4 : i32
    "tpu.region"() ({
      %run_scoped3A = tpu.sem_alloc : memref<!tpu.dma_semaphore, #tpu.memory_space<semaphore_mem>>
      %dma_start3A_148 = arith.constant 0 : i32
      %dma_start3A_149 = arith.constant 0 : i32
      %dma_start3A_150 = tpu.memref_slice %arg7[%dma_start3A_148, %dma_start3A_149] : memref<32x80xi32, #tpu.memory_space<vmem>> -> memref<32x80xi32, #tpu.memory_space<vmem>>
      %dma_start3A_151 = arith.constant 32 : i32
      %dma_start3A_152 = arith.constant 0 : i32
      %dma_start3A_153 = tpu.memref_slice %arg3[%add3A, %dma_start3A_151, %dma_start3A_152] : memref<32x125x80xi32, #tpu.memory_space<hbm>> -> memref<1x32x80xi32, #tpu.memory_space<hbm>>
      %dma_start3A_154 = tpu.memref_squeeze %dma_start3A_153 : memref<1x32x80xi32, #tpu.memory_space<hbm>> -> memref<32x80xi32, #tpu.memory_space<hbm>>
      %dma_start3A_155 = arith.constant 0 : i32
      %dma_start3A_156 = arith.constant 0 : i32
      %dma_start3A_157 = tpu.memref_slice %arg7[%dma_start3A_155, %dma_start3A_156] : memref<32x80xi32, #tpu.memory_space<vmem>> -> memref<32x80xi32, #tpu.memory_space<vmem>>
      %dma_start3A_158 = arith.constant 32 : i32
      %dma_start3A_159 = arith.constant 0 : i32
      %dma_start3A_160 = tpu.memref_slice %arg3[%add3A, %dma_start3A_158, %dma_start3A_159] : memref<32x125x80xi32, #tpu.memory_space<hbm>> -> memref<1x32x80xi32, #tpu.memory_space<hbm>>
      %dma_start3A_161 = tpu.memref_squeeze %dma_start3A_160 : memref<1x32x80xi32, #tpu.memory_space<hbm>> -> memref<32x80xi32, #tpu.memory_space<hbm>>
      tpu.enqueue_dma source(%dma_start3A_161 : memref<32x80xi32, #tpu.memory_space<hbm>>) target(%dma_start3A_157 : memref<32x80xi32, #tpu.memory_space<vmem>>) target_semaphore(%run_scoped3A : memref<!tpu.dma_semaphore, #tpu.memory_space<semaphore_mem>>)
      %dma_wait3A = arith.constant 0 : i32
      %dma_wait3A_162 = arith.constant 0 : i32
      %dma_wait3A_163 = tpu.memref_slice %arg7[%dma_wait3A, %dma_wait3A_162] : memref<32x80xi32, #tpu.memory_space<vmem>> -> memref<32x80xi32, #tpu.memory_space<vmem>>
      %dma_wait3A_164 = arith.constant 32 : i32
      %dma_wait3A_165 = arith.constant 0 : i32
      %dma_wait3A_166 = tpu.memref_slice %arg3[%add3A, %dma_wait3A_164, %dma_wait3A_165] : memref<32x125x80xi32, #tpu.memory_space<hbm>> -> memref<1x32x80xi32, #tpu.memory_space<hbm>>
      %dma_wait3A_167 = tpu.memref_squeeze %dma_wait3A_166 : memref<1x32x80xi32, #tpu.memory_space<hbm>> -> memref<32x80xi32, #tpu.memory_space<hbm>>
      %dma_wait3A_168 = arith.constant 0 : i32
      %dma_wait3A_169 = arith.constant 0 : i32
      %dma_wait3A_170 = tpu.memref_slice %arg7[%dma_wait3A_168, %dma_wait3A_169] : memref<32x80xi32, #tpu.memory_space<vmem>> -> memref<32x80xi32, #tpu.memory_space<vmem>>
      %dma_wait3A_171 = arith.constant 32 : i32
      %dma_wait3A_172 = arith.constant 0 : i32
      %dma_wait3A_173 = tpu.memref_slice %arg3[%add3A, %dma_wait3A_171, %dma_wait3A_172] : memref<32x125x80xi32, #tpu.memory_space<hbm>> -> memref<1x32x80xi32, #tpu.memory_space<hbm>>
      %dma_wait3A_174 = tpu.memref_squeeze %dma_wait3A_173 : memref<1x32x80xi32, #tpu.memory_space<hbm>> -> memref<32x80xi32, #tpu.memory_space<hbm>>
      tpu.wait_dma2 semaphore(%run_scoped3A : memref<!tpu.dma_semaphore, #tpu.memory_space<semaphore_mem>>) src(%dma_wait3A_174 : memref<32x80xi32, #tpu.memory_space<hbm>>) dst(%dma_wait3A_170 : memref<32x80xi32, #tpu.memory_space<vmem>>)
      tpu.yield
    }) : () -> ()
    "tpu.region"() ({
      %run_scoped3A = tpu.sem_alloc : memref<!tpu.dma_semaphore, #tpu.memory_space<semaphore_mem>>
      %dma_start3A_148 = arith.constant 0 : i32
      %dma_start3A_149 = arith.constant 0 : i32
      %dma_start3A_150 = tpu.memref_slice %arg8[%dma_start3A_148, %dma_start3A_149] : memref<32x80xi32, #tpu.memory_space<vmem>> -> memref<32x80xi32, #tpu.memory_space<vmem>>
      %dma_start3A_151 = arith.constant 32 : i32
      %dma_start3A_152 = arith.constant 0 : i32
      %dma_start3A_153 = tpu.memref_slice %arg4[%add3A, %dma_start3A_151, %dma_start3A_152] : memref<32x125x80xi32, #tpu.memory_space<hbm>> -> memref<1x32x80xi32, #tpu.memory_space<hbm>>
      %dma_start3A_154 = tpu.memref_squeeze %dma_start3A_153 : memref<1x32x80xi32, #tpu.memory_space<hbm>> -> memref<32x80xi32, #tpu.memory_space<hbm>>
      %dma_start3A_155 = arith.constant 0 : i32
      %dma_start3A_156 = arith.constant 0 : i32
      %dma_start3A_157 = tpu.memref_slice %arg8[%dma_start3A_155, %dma_start3A_156] : memref<32x80xi32, #tpu.memory_space<vmem>> -> memref<32x80xi32, #tpu.memory_space<vmem>>
      %dma_start3A_158 = arith.constant 32 : i32
      %dma_start3A_159 = arith.constant 0 : i32
      %dma_start3A_160 = tpu.memref_slice %arg4[%add3A, %dma_start3A_158, %dma_start3A_159] : memref<32x125x80xi32, #tpu.memory_space<hbm>> -> memref<1x32x80xi32, #tpu.memory_space<hbm>>
      %dma_start3A_161 = tpu.memref_squeeze %dma_start3A_160 : memref<1x32x80xi32, #tpu.memory_space<hbm>> -> memref<32x80xi32, #tpu.memory_space<hbm>>
      tpu.enqueue_dma source(%dma_start3A_161 : memref<32x80xi32, #tpu.memory_space<hbm>>) target(%dma_start3A_157 : memref<32x80xi32, #tpu.memory_space<vmem>>) target_semaphore(%run_scoped3A : memref<!tpu.dma_semaphore, #tpu.memory_space<semaphore_mem>>)
      %dma_wait3A = arith.constant 0 : i32
      %dma_wait3A_162 = arith.constant 0 : i32
      %dma_wait3A_163 = tpu.memref_slice %arg8[%dma_wait3A, %dma_wait3A_162] : memref<32x80xi32, #tpu.memory_space<vmem>> -> memref<32x80xi32, #tpu.memory_space<vmem>>
      %dma_wait3A_164 = arith.constant 32 : i32
      %dma_wait3A_165 = arith.constant 0 : i32
      %dma_wait3A_166 = tpu.memref_slice %arg4[%add3A, %dma_wait3A_164, %dma_wait3A_165] : memref<32x125x80xi32, #tpu.memory_space<hbm>> -> memref<1x32x80xi32, #tpu.memory_space<hbm>>
      %dma_wait3A_167 = tpu.memref_squeeze %dma_wait3A_166 : memref<1x32x80xi32, #tpu.memory_space<hbm>> -> memref<32x80xi32, #tpu.memory_space<hbm>>
      %dma_wait3A_168 = arith.constant 0 : i32
      %dma_wait3A_169 = arith.constant 0 : i32
      %dma_wait3A_170 = tpu.memref_slice %arg8[%dma_wait3A_168, %dma_wait3A_169] : memref<32x80xi32, #tpu.memory_space<vmem>> -> memref<32x80xi32, #tpu.memory_space<vmem>>
      %dma_wait3A_171 = arith.constant 32 : i32
      %dma_wait3A_172 = arith.constant 0 : i32
      %dma_wait3A_173 = tpu.memref_slice %arg4[%add3A, %dma_wait3A_171, %dma_wait3A_172] : memref<32x125x80xi32, #tpu.memory_space<hbm>> -> memref<1x32x80xi32, #tpu.memory_space<hbm>>
      %dma_wait3A_174 = tpu.memref_squeeze %dma_wait3A_173 : memref<1x32x80xi32, #tpu.memory_space<hbm>> -> memref<32x80xi32, #tpu.memory_space<hbm>>
      tpu.wait_dma2 semaphore(%run_scoped3A : memref<!tpu.dma_semaphore, #tpu.memory_space<semaphore_mem>>) src(%dma_wait3A_174 : memref<32x80xi32, #tpu.memory_space<hbm>>) dst(%dma_wait3A_170 : memref<32x80xi32, #tpu.memory_space<vmem>>)
      tpu.yield
    }) : () -> ()
    %dma_start3A_37 = arith.constant 0 : i32
    %dma_start3A_38 = arith.constant 0 : i32
    %dma_start3A_39 = arith.constant 0 : i32
    %dma_start3A_40 = arith.constant 0 : i32
    %dma_start3A_41 = tpu.memref_slice %arg9[%dma_start3A_38, %dma_start3A_39, %dma_start3A_40] : memref<4x80x128xf32, #tpu.memory_space<vmem>> -> memref<1x80x128xf32, #tpu.memory_space<vmem>>
    %dma_start3A_42 = tpu.memref_squeeze %dma_start3A_41 : memref<1x80x128xf32, #tpu.memory_space<vmem>> -> memref<80x128xf32, #tpu.memory_space<vmem>>
    %dma_start3A_43 = arith.constant 0 : i32
    %dma_start3A_44 = tpu.memref_slice %arg7[%dma_start3A_37, %dma_start3A_43] : memref<32x80xi32, #tpu.memory_space<vmem>> -> memref<1x80xi32, #tpu.memory_space<vmem>>
    %dma_start3A_45 = tpu.memref_squeeze %dma_start3A_44 : memref<1x80xi32, #tpu.memory_space<vmem>> -> memref<80xi32, #tpu.memory_space<vmem>>
    %dma_start3A_46 = arith.constant 0 : i32
    %dma_start3A_47 = arith.constant 0 : i32
    %dma_start3A_48 = tpu.memref_slice %arg2[%dma_start3A_46, %dma_start3A_47] : memref<10000x128xf32, #tpu.memory_space<hbm>> -> memref<10000x128xf32, #tpu.memory_space<hbm>>
    tpu.enqueue_indirect_dma source(%dma_start3A_48 : memref<10000x128xf32, #tpu.memory_space<hbm>>) target(%dma_start3A_42 : memref<80x128xf32, #tpu.memory_space<vmem>>) offsets(%dma_start3A_45 : memref<80xi32, #tpu.memory_space<vmem>>) semaphore(%arg11 : memref<!tpu.dma_semaphore, #tpu.memory_space<semaphore_mem>>)
    %dma_start3A_49 = arith.constant 1 : i32
    %dma_start3A_50 = arith.constant 1 : i32
    %dma_start3A_51 = arith.constant 0 : i32
    %dma_start3A_52 = arith.constant 0 : i32
    %dma_start3A_53 = tpu.memref_slice %arg9[%dma_start3A_50, %dma_start3A_51, %dma_start3A_52] : memref<4x80x128xf32, #tpu.memory_space<vmem>> -> memref<1x80x128xf32, #tpu.memory_space<vmem>>
    %dma_start3A_54 = tpu.memref_squeeze %dma_start3A_53 : memref<1x80x128xf32, #tpu.memory_space<vmem>> -> memref<80x128xf32, #tpu.memory_space<vmem>>
    %dma_start3A_55 = arith.constant 0 : i32
    %dma_start3A_56 = tpu.memref_slice %arg7[%dma_start3A_49, %dma_start3A_55] : memref<32x80xi32, #tpu.memory_space<vmem>> -> memref<1x80xi32, #tpu.memory_space<vmem>>
    %dma_start3A_57 = tpu.memref_squeeze %dma_start3A_56 : memref<1x80xi32, #tpu.memory_space<vmem>> -> memref<80xi32, #tpu.memory_space<vmem>>
    %dma_start3A_58 = arith.constant 0 : i32
    %dma_start3A_59 = arith.constant 0 : i32
    %dma_start3A_60 = tpu.memref_slice %arg2[%dma_start3A_58, %dma_start3A_59] : memref<10000x128xf32, #tpu.memory_space<hbm>> -> memref<10000x128xf32, #tpu.memory_space<hbm>>
    tpu.enqueue_indirect_dma source(%dma_start3A_60 : memref<10000x128xf32, #tpu.memory_space<hbm>>) target(%dma_start3A_54 : memref<80x128xf32, #tpu.memory_space<vmem>>) offsets(%dma_start3A_57 : memref<80xi32, #tpu.memory_space<vmem>>) semaphore(%arg12 : memref<!tpu.dma_semaphore, #tpu.memory_space<semaphore_mem>>)
    %scan3A_61 = arith.constant 0 : i32
    %scan3A_62 = arith.constant 0 : i32
    %scan3A_63 = arith.constant 8 : i32
    %scan3A_64 = arith.addi %scan3A_62, %scan3A_63 : i32
    %scan3A_65 = arith.constant 1 : i32
    scf.for %scan3A_148 = %scan3A_62 to %scan3A_64 step %scan3A_65  : i32 {
      %mul3A_149 = arith.constant 4 : i32
      %mul3A_150 = arith.muli %scan3A_148, %mul3A_149 : i32
      %add3A_151 = arith.constant 0 : i32
      %add3A_152 = arith.addi %mul3A_150, %add3A_151 : i32
      %lt3A = arith.constant 32 : i32
      %lt3A_153 = arith.cmpi slt, %add3A_152, %lt3A : i32
      %convert_element_type3A = arith.extui %lt3A_153 : i1 to i32
      %cond3A = arith.constant 0 : i32
      %cond3A_154 = arith.cmpi ne, %convert_element_type3A, %cond3A : i32
      scf.if %cond3A_154 {
        %dma_wait3A = arith.constant 0 : i32
        %dma_wait3A_182 = arith.constant 0 : i32
        %dma_wait3A_183 = arith.constant 0 : i32
        %dma_wait3A_184 = tpu.memref_slice %arg9[%dma_wait3A, %dma_wait3A_182, %dma_wait3A_183] : memref<4x80x128xf32, #tpu.memory_space<vmem>> -> memref<1x80x128xf32, #tpu.memory_space<vmem>>
        %dma_wait3A_185 = tpu.memref_squeeze %dma_wait3A_184 : memref<1x80x128xf32, #tpu.memory_space<vmem>> -> memref<80x128xf32, #tpu.memory_space<vmem>>
        %dma_wait3A_186 = arith.constant 0 : i32
        %dma_wait3A_187 = tpu.memref_slice %arg7[%add3A_152, %dma_wait3A_186] : memref<32x80xi32, #tpu.memory_space<vmem>> -> memref<1x80xi32, #tpu.memory_space<vmem>>
        %dma_wait3A_188 = tpu.memref_squeeze %dma_wait3A_187 : memref<1x80xi32, #tpu.memory_space<vmem>> -> memref<80xi32, #tpu.memory_space<vmem>>
        %dma_wait3A_189 = arith.constant 0 : i32
        %dma_wait3A_190 = arith.constant 0 : i32
        %dma_wait3A_191 = tpu.memref_slice %arg2[%dma_wait3A_189, %dma_wait3A_190] : memref<10000x128xf32, #tpu.memory_space<hbm>> -> memref<10000x128xf32, #tpu.memory_space<hbm>>
        tpu.wait_indirect_dma semaphore(%arg11 : memref<!tpu.dma_semaphore, #tpu.memory_space<semaphore_mem>>) src(%dma_wait3A_191 : memref<10000x128xf32, #tpu.memory_space<hbm>>) dst(%dma_wait3A_185 : memref<80x128xf32, #tpu.memory_space<vmem>>)
        %dma_start3A_192 = arith.constant 0 : i32
        %dma_start3A_193 = arith.constant 0 : i32
        %dma_start3A_194 = arith.constant 0 : i32
        %dma_start3A_195 = tpu.memref_slice %arg9[%dma_start3A_192, %dma_start3A_193, %dma_start3A_194] : memref<4x80x128xf32, #tpu.memory_space<vmem>> -> memref<1x80x128xf32, #tpu.memory_space<vmem>>
        %dma_start3A_196 = tpu.memref_squeeze %dma_start3A_195 : memref<1x80x128xf32, #tpu.memory_space<vmem>> -> memref<80x128xf32, #tpu.memory_space<vmem>>
        %dma_start3A_197 = arith.constant 0 : i32
        %dma_start3A_198 = tpu.memref_slice %arg8[%add3A_152, %dma_start3A_197] : memref<32x80xi32, #tpu.memory_space<vmem>> -> memref<1x80xi32, #tpu.memory_space<vmem>>
        %dma_start3A_199 = tpu.memref_squeeze %dma_start3A_198 : memref<1x80xi32, #tpu.memory_space<vmem>> -> memref<80xi32, #tpu.memory_space<vmem>>
        %dma_start3A_200 = arith.constant 0 : i32
        %dma_start3A_201 = arith.constant 0 : i32
        %dma_start3A_202 = tpu.memref_slice %arg10[%dma_start3A_200, %dma_start3A_201] : memref<10000x128xf32, #tpu.memory_space<vmem_shared>> -> memref<10000x128xf32, #tpu.memory_space<vmem_shared>>
        tpu.enqueue_indirect_dma source(%dma_start3A_196 : memref<80x128xf32, #tpu.memory_space<vmem>>) target(%dma_start3A_202 : memref<10000x128xf32, #tpu.memory_space<vmem_shared>>) offsets(%dma_start3A_199 : memref<80xi32, #tpu.memory_space<vmem>>) semaphore(%arg15 : memref<!tpu.dma_semaphore, #tpu.memory_space<semaphore_mem>>) {add = true}
        %add3A_203 = arith.constant 2 : i32
        %add3A_204 = arith.addi %add3A_152, %add3A_203 : i32
        %lt3A_205 = arith.constant 32 : i32
        %lt3A_206 = arith.cmpi slt, %add3A_204, %lt3A_205 : i32
        %convert_element_type3A_207 = arith.extui %lt3A_206 : i1 to i32
        %cond3A_208 = arith.constant 0 : i32
        %cond3A_209 = arith.cmpi ne, %convert_element_type3A_207, %cond3A_208 : i32
        scf.if %cond3A_209 {
          %ge3A = arith.constant 2 : i32
          %ge3A_210 = arith.cmpi sge, %add3A_152, %ge3A : i32
          %convert_element_type3A_211 = arith.extui %ge3A_210 : i1 to i32
          %cond3A_212 = arith.constant 0 : i32
          %cond3A_213 = arith.cmpi ne, %convert_element_type3A_211, %cond3A_212 : i32
          scf.if %cond3A_213 {
            %dma_wait3A_227 = arith.constant 2 : i32
            %dma_wait3A_228 = arith.constant 0 : i32
            %dma_wait3A_229 = arith.constant 0 : i32
            %dma_wait3A_230 = tpu.memref_slice %arg9[%dma_wait3A_227, %dma_wait3A_228, %dma_wait3A_229] : memref<4x80x128xf32, #tpu.memory_space<vmem>> -> memref<1x80x128xf32, #tpu.memory_space<vmem>>
            %dma_wait3A_231 = tpu.memref_squeeze %dma_wait3A_230 : memref<1x80x128xf32, #tpu.memory_space<vmem>> -> memref<80x128xf32, #tpu.memory_space<vmem>>
            %dma_wait3A_232 = arith.constant 0 : i32
            %dma_wait3A_233 = tpu.memref_slice %arg8[%add3A_152, %dma_wait3A_232] : memref<32x80xi32, #tpu.memory_space<vmem>> -> memref<1x80xi32, #tpu.memory_space<vmem>>
            %dma_wait3A_234 = tpu.memref_squeeze %dma_wait3A_233 : memref<1x80xi32, #tpu.memory_space<vmem>> -> memref<80xi32, #tpu.memory_space<vmem>>
            %dma_wait3A_235 = arith.constant 0 : i32
            %dma_wait3A_236 = arith.constant 0 : i32
            %dma_wait3A_237 = tpu.memref_slice %arg10[%dma_wait3A_235, %dma_wait3A_236] : memref<10000x128xf32, #tpu.memory_space<vmem_shared>> -> memref<10000x128xf32, #tpu.memory_space<vmem_shared>>
            tpu.wait_indirect_dma semaphore(%arg15 : memref<!tpu.dma_semaphore, #tpu.memory_space<semaphore_mem>>) src(%dma_wait3A_231 : memref<80x128xf32, #tpu.memory_space<vmem>>) dst(%dma_wait3A_237 : memref<10000x128xf32, #tpu.memory_space<vmem_shared>>)
          } else {
          }
          %add3A_214 = arith.constant 2 : i32
          %add3A_215 = arith.addi %add3A_152, %add3A_214 : i32
          %dma_start3A_216 = arith.constant 2 : i32
          %dma_start3A_217 = arith.constant 0 : i32
          %dma_start3A_218 = arith.constant 0 : i32
          %dma_start3A_219 = tpu.memref_slice %arg9[%dma_start3A_216, %dma_start3A_217, %dma_start3A_218] : memref<4x80x128xf32, #tpu.memory_space<vmem>> -> memref<1x80x128xf32, #tpu.memory_space<vmem>>
          %dma_start3A_220 = tpu.memref_squeeze %dma_start3A_219 : memref<1x80x128xf32, #tpu.memory_space<vmem>> -> memref<80x128xf32, #tpu.memory_space<vmem>>
          %dma_start3A_221 = arith.constant 0 : i32
          %dma_start3A_222 = tpu.memref_slice %arg7[%add3A_215, %dma_start3A_221] : memref<32x80xi32, #tpu.memory_space<vmem>> -> memref<1x80xi32, #tpu.memory_space<vmem>>
          %dma_start3A_223 = tpu.memref_squeeze %dma_start3A_222 : memref<1x80xi32, #tpu.memory_space<vmem>> -> memref<80xi32, #tpu.memory_space<vmem>>
          %dma_start3A_224 = arith.constant 0 : i32
          %dma_start3A_225 = arith.constant 0 : i32
          %dma_start3A_226 = tpu.memref_slice %arg2[%dma_start3A_224, %dma_start3A_225] : memref<10000x128xf32, #tpu.memory_space<hbm>> -> memref<10000x128xf32, #tpu.memory_space<hbm>>
          tpu.enqueue_indirect_dma source(%dma_start3A_226 : memref<10000x128xf32, #tpu.memory_space<hbm>>) target(%dma_start3A_220 : memref<80x128xf32, #tpu.memory_space<vmem>>) offsets(%dma_start3A_223 : memref<80xi32, #tpu.memory_space<vmem>>) semaphore(%arg13 : memref<!tpu.dma_semaphore, #tpu.memory_space<semaphore_mem>>)
        } else {
        }
      } else {
      }
      %mul3A_155 = arith.constant 4 : i32
      %mul3A_156 = arith.muli %scan3A_148, %mul3A_155 : i32
      %add3A_157 = arith.constant 1 : i32
      %add3A_158 = arith.addi %mul3A_156, %add3A_157 : i32
      %lt3A_159 = arith.constant 32 : i32
      %lt3A_160 = arith.cmpi slt, %add3A_158, %lt3A_159 : i32
      %convert_element_type3A_161 = arith.extui %lt3A_160 : i1 to i32
      %cond3A_162 = arith.constant 0 : i32
      %cond3A_163 = arith.cmpi ne, %convert_element_type3A_161, %cond3A_162 : i32
      scf.if %cond3A_163 {
        %dma_wait3A = arith.constant 1 : i32
        %dma_wait3A_182 = arith.constant 0 : i32
        %dma_wait3A_183 = arith.constant 0 : i32
        %dma_wait3A_184 = tpu.memref_slice %arg9[%dma_wait3A, %dma_wait3A_182, %dma_wait3A_183] : memref<4x80x128xf32, #tpu.memory_space<vmem>> -> memref<1x80x128xf32, #tpu.memory_space<vmem>>
        %dma_wait3A_185 = tpu.memref_squeeze %dma_wait3A_184 : memref<1x80x128xf32, #tpu.memory_space<vmem>> -> memref<80x128xf32, #tpu.memory_space<vmem>>
        %dma_wait3A_186 = arith.constant 0 : i32
        %dma_wait3A_187 = tpu.memref_slice %arg7[%add3A_158, %dma_wait3A_186] : memref<32x80xi32, #tpu.memory_space<vmem>> -> memref<1x80xi32, #tpu.memory_space<vmem>>
        %dma_wait3A_188 = tpu.memref_squeeze %dma_wait3A_187 : memref<1x80xi32, #tpu.memory_space<vmem>> -> memref<80xi32, #tpu.memory_space<vmem>>
        %dma_wait3A_189 = arith.constant 0 : i32
        %dma_wait3A_190 = arith.constant 0 : i32
        %dma_wait3A_191 = tpu.memref_slice %arg2[%dma_wait3A_189, %dma_wait3A_190] : memref<10000x128xf32, #tpu.memory_space<hbm>> -> memref<10000x128xf32, #tpu.memory_space<hbm>>
        tpu.wait_indirect_dma semaphore(%arg12 : memref<!tpu.dma_semaphore, #tpu.memory_space<semaphore_mem>>) src(%dma_wait3A_191 : memref<10000x128xf32, #tpu.memory_space<hbm>>) dst(%dma_wait3A_185 : memref<80x128xf32, #tpu.memory_space<vmem>>)
        %dma_start3A_192 = arith.constant 1 : i32
        %dma_start3A_193 = arith.constant 0 : i32
        %dma_start3A_194 = arith.constant 0 : i32
        %dma_start3A_195 = tpu.memref_slice %arg9[%dma_start3A_192, %dma_start3A_193, %dma_start3A_194] : memref<4x80x128xf32, #tpu.memory_space<vmem>> -> memref<1x80x128xf32, #tpu.memory_space<vmem>>
        %dma_start3A_196 = tpu.memref_squeeze %dma_start3A_195 : memref<1x80x128xf32, #tpu.memory_space<vmem>> -> memref<80x128xf32, #tpu.memory_space<vmem>>
        %dma_start3A_197 = arith.constant 0 : i32
        %dma_start3A_198 = tpu.memref_slice %arg8[%add3A_158, %dma_start3A_197] : memref<32x80xi32, #tpu.memory_space<vmem>> -> memref<1x80xi32, #tpu.memory_space<vmem>>
        %dma_start3A_199 = tpu.memref_squeeze %dma_start3A_198 : memref<1x80xi32, #tpu.memory_space<vmem>> -> memref<80xi32, #tpu.memory_space<vmem>>
        %dma_start3A_200 = arith.constant 0 : i32
        %dma_start3A_201 = arith.constant 0 : i32
        %dma_start3A_202 = tpu.memref_slice %arg10[%dma_start3A_200, %dma_start3A_201] : memref<10000x128xf32, #tpu.memory_space<vmem_shared>> -> memref<10000x128xf32, #tpu.memory_space<vmem_shared>>
        tpu.enqueue_indirect_dma source(%dma_start3A_196 : memref<80x128xf32, #tpu.memory_space<vmem>>) target(%dma_start3A_202 : memref<10000x128xf32, #tpu.memory_space<vmem_shared>>) offsets(%dma_start3A_199 : memref<80xi32, #tpu.memory_space<vmem>>) semaphore(%arg15 : memref<!tpu.dma_semaphore, #tpu.memory_space<semaphore_mem>>) {add = true}
        %add3A_203 = arith.constant 2 : i32
        %add3A_204 = arith.addi %add3A_158, %add3A_203 : i32
        %lt3A_205 = arith.constant 32 : i32
        %lt3A_206 = arith.cmpi slt, %add3A_204, %lt3A_205 : i32
        %convert_element_type3A_207 = arith.extui %lt3A_206 : i1 to i32
        %cond3A_208 = arith.constant 0 : i32
        %cond3A_209 = arith.cmpi ne, %convert_element_type3A_207, %cond3A_208 : i32
        scf.if %cond3A_209 {
          %ge3A = arith.constant 2 : i32
          %ge3A_210 = arith.cmpi sge, %add3A_158, %ge3A : i32
          %convert_element_type3A_211 = arith.extui %ge3A_210 : i1 to i32
          %cond3A_212 = arith.constant 0 : i32
          %cond3A_213 = arith.cmpi ne, %convert_element_type3A_211, %cond3A_212 : i32
          scf.if %cond3A_213 {
            %dma_wait3A_227 = arith.constant 3 : i32
            %dma_wait3A_228 = arith.constant 0 : i32
            %dma_wait3A_229 = arith.constant 0 : i32
            %dma_wait3A_230 = tpu.memref_slice %arg9[%dma_wait3A_227, %dma_wait3A_228, %dma_wait3A_229] : memref<4x80x128xf32, #tpu.memory_space<vmem>> -> memref<1x80x128xf32, #tpu.memory_space<vmem>>
            %dma_wait3A_231 = tpu.memref_squeeze %dma_wait3A_230 : memref<1x80x128xf32, #tpu.memory_space<vmem>> -> memref<80x128xf32, #tpu.memory_space<vmem>>
            %dma_wait3A_232 = arith.constant 0 : i32
            %dma_wait3A_233 = tpu.memref_slice %arg8[%add3A_158, %dma_wait3A_232] : memref<32x80xi32, #tpu.memory_space<vmem>> -> memref<1x80xi32, #tpu.memory_space<vmem>>
            %dma_wait3A_234 = tpu.memref_squeeze %dma_wait3A_233 : memref<1x80xi32, #tpu.memory_space<vmem>> -> memref<80xi32, #tpu.memory_space<vmem>>
            %dma_wait3A_235 = arith.constant 0 : i32
            %dma_wait3A_236 = arith.constant 0 : i32
            %dma_wait3A_237 = tpu.memref_slice %arg10[%dma_wait3A_235, %dma_wait3A_236] : memref<10000x128xf32, #tpu.memory_space<vmem_shared>> -> memref<10000x128xf32, #tpu.memory_space<vmem_shared>>
            tpu.wait_indirect_dma semaphore(%arg15 : memref<!tpu.dma_semaphore, #tpu.memory_space<semaphore_mem>>) src(%dma_wait3A_231 : memref<80x128xf32, #tpu.memory_space<vmem>>) dst(%dma_wait3A_237 : memref<10000x128xf32, #tpu.memory_space<vmem_shared>>)
          } else {
          }
          %add3A_214 = arith.constant 2 : i32
          %add3A_215 = arith.addi %add3A_158, %add3A_214 : i32
          %dma_start3A_216 = arith.constant 3 : i32
          %dma_start3A_217 = arith.constant 0 : i32
          %dma_start3A_218 = arith.constant 0 : i32
          %dma_start3A_219 = tpu.memref_slice %arg9[%dma_start3A_216, %dma_start3A_217, %dma_start3A_218] : memref<4x80x128xf32, #tpu.memory_space<vmem>> -> memref<1x80x128xf32, #tpu.memory_space<vmem>>
          %dma_start3A_220 = tpu.memref_squeeze %dma_start3A_219 : memref<1x80x128xf32, #tpu.memory_space<vmem>> -> memref<80x128xf32, #tpu.memory_space<vmem>>
          %dma_start3A_221 = arith.constant 0 : i32
          %dma_start3A_222 = tpu.memref_slice %arg7[%add3A_215, %dma_start3A_221] : memref<32x80xi32, #tpu.memory_space<vmem>> -> memref<1x80xi32, #tpu.memory_space<vmem>>
          %dma_start3A_223 = tpu.memref_squeeze %dma_start3A_222 : memref<1x80xi32, #tpu.memory_space<vmem>> -> memref<80xi32, #tpu.memory_space<vmem>>
          %dma_start3A_224 = arith.constant 0 : i32
          %dma_start3A_225 = arith.constant 0 : i32
          %dma_start3A_226 = tpu.memref_slice %arg2[%dma_start3A_224, %dma_start3A_225] : memref<10000x128xf32, #tpu.memory_space<hbm>> -> memref<10000x128xf32, #tpu.memory_space<hbm>>
          tpu.enqueue_indirect_dma source(%dma_start3A_226 : memref<10000x128xf32, #tpu.memory_space<hbm>>) target(%dma_start3A_220 : memref<80x128xf32, #tpu.memory_space<vmem>>) offsets(%dma_start3A_223 : memref<80xi32, #tpu.memory_space<vmem>>) semaphore(%arg14 : memref<!tpu.dma_semaphore, #tpu.memory_space<semaphore_mem>>)
        } else {
        }
      } else {
      }
      %mul3A_164 = arith.constant 4 : i32
      %mul3A_165 = arith.muli %scan3A_148, %mul3A_164 : i32
      %add3A_166 = arith.constant 2 : i32
      %add3A_167 = arith.addi %mul3A_165, %add3A_166 : i32
      %lt3A_168 = arith.constant 32 : i32
      %lt3A_169 = arith.cmpi slt, %add3A_167, %lt3A_168 : i32
      %convert_element_type3A_170 = arith.extui %lt3A_169 : i1 to i32
      %cond3A_171 = arith.constant 0 : i32
      %cond3A_172 = arith.cmpi ne, %convert_element_type3A_170, %cond3A_171 : i32
      scf.if %cond3A_172 {
        %dma_wait3A = arith.constant 2 : i32
        %dma_wait3A_182 = arith.constant 0 : i32
        %dma_wait3A_183 = arith.constant 0 : i32
        %dma_wait3A_184 = tpu.memref_slice %arg9[%dma_wait3A, %dma_wait3A_182, %dma_wait3A_183] : memref<4x80x128xf32, #tpu.memory_space<vmem>> -> memref<1x80x128xf32, #tpu.memory_space<vmem>>
        %dma_wait3A_185 = tpu.memref_squeeze %dma_wait3A_184 : memref<1x80x128xf32, #tpu.memory_space<vmem>> -> memref<80x128xf32, #tpu.memory_space<vmem>>
        %dma_wait3A_186 = arith.constant 0 : i32
        %dma_wait3A_187 = tpu.memref_slice %arg7[%add3A_167, %dma_wait3A_186] : memref<32x80xi32, #tpu.memory_space<vmem>> -> memref<1x80xi32, #tpu.memory_space<vmem>>
        %dma_wait3A_188 = tpu.memref_squeeze %dma_wait3A_187 : memref<1x80xi32, #tpu.memory_space<vmem>> -> memref<80xi32, #tpu.memory_space<vmem>>
        %dma_wait3A_189 = arith.constant 0 : i32
        %dma_wait3A_190 = arith.constant 0 : i32
        %dma_wait3A_191 = tpu.memref_slice %arg2[%dma_wait3A_189, %dma_wait3A_190] : memref<10000x128xf32, #tpu.memory_space<hbm>> -> memref<10000x128xf32, #tpu.memory_space<hbm>>
        tpu.wait_indirect_dma semaphore(%arg13 : memref<!tpu.dma_semaphore, #tpu.memory_space<semaphore_mem>>) src(%dma_wait3A_191 : memref<10000x128xf32, #tpu.memory_space<hbm>>) dst(%dma_wait3A_185 : memref<80x128xf32, #tpu.memory_space<vmem>>)
        %dma_start3A_192 = arith.constant 2 : i32
        %dma_start3A_193 = arith.constant 0 : i32
        %dma_start3A_194 = arith.constant 0 : i32
        %dma_start3A_195 = tpu.memref_slice %arg9[%dma_start3A_192, %dma_start3A_193, %dma_start3A_194] : memref<4x80x128xf32, #tpu.memory_space<vmem>> -> memref<1x80x128xf32, #tpu.memory_space<vmem>>
        %dma_start3A_196 = tpu.memref_squeeze %dma_start3A_195 : memref<1x80x128xf32, #tpu.memory_space<vmem>> -> memref<80x128xf32, #tpu.memory_space<vmem>>
        %dma_start3A_197 = arith.constant 0 : i32
        %dma_start3A_198 = tpu.memref_slice %arg8[%add3A_167, %dma_start3A_197] : memref<32x80xi32, #tpu.memory_space<vmem>> -> memref<1x80xi32, #tpu.memory_space<vmem>>
        %dma_start3A_199 = tpu.memref_squeeze %dma_start3A_198 : memref<1x80xi32, #tpu.memory_space<vmem>> -> memref<80xi32, #tpu.memory_space<vmem>>
        %dma_start3A_200 = arith.constant 0 : i32
        %dma_start3A_201 = arith.constant 0 : i32
        %dma_start3A_202 = tpu.memref_slice %arg10[%dma_start3A_200, %dma_start3A_201] : memref<10000x128xf32, #tpu.memory_space<vmem_shared>> -> memref<10000x128xf32, #tpu.memory_space<vmem_shared>>
        tpu.enqueue_indirect_dma source(%dma_start3A_196 : memref<80x128xf32, #tpu.memory_space<vmem>>) target(%dma_start3A_202 : memref<10000x128xf32, #tpu.memory_space<vmem_shared>>) offsets(%dma_start3A_199 : memref<80xi32, #tpu.memory_space<vmem>>) semaphore(%arg15 : memref<!tpu.dma_semaphore, #tpu.memory_space<semaphore_mem>>) {add = true}
        %add3A_203 = arith.constant 2 : i32
        %add3A_204 = arith.addi %add3A_167, %add3A_203 : i32
        %lt3A_205 = arith.constant 32 : i32
        %lt3A_206 = arith.cmpi slt, %add3A_204, %lt3A_205 : i32
        %convert_element_type3A_207 = arith.extui %lt3A_206 : i1 to i32
        %cond3A_208 = arith.constant 0 : i32
        %cond3A_209 = arith.cmpi ne, %convert_element_type3A_207, %cond3A_208 : i32
        scf.if %cond3A_209 {
          %ge3A = arith.constant 2 : i32
          %ge3A_210 = arith.cmpi sge, %add3A_167, %ge3A : i32
          %convert_element_type3A_211 = arith.extui %ge3A_210 : i1 to i32
          %cond3A_212 = arith.constant 0 : i32
          %cond3A_213 = arith.cmpi ne, %convert_element_type3A_211, %cond3A_212 : i32
          scf.if %cond3A_213 {
            %dma_wait3A_227 = arith.constant 0 : i32
            %dma_wait3A_228 = arith.constant 0 : i32
            %dma_wait3A_229 = arith.constant 0 : i32
            %dma_wait3A_230 = tpu.memref_slice %arg9[%dma_wait3A_227, %dma_wait3A_228, %dma_wait3A_229] : memref<4x80x128xf32, #tpu.memory_space<vmem>> -> memref<1x80x128xf32, #tpu.memory_space<vmem>>
            %dma_wait3A_231 = tpu.memref_squeeze %dma_wait3A_230 : memref<1x80x128xf32, #tpu.memory_space<vmem>> -> memref<80x128xf32, #tpu.memory_space<vmem>>
            %dma_wait3A_232 = arith.constant 0 : i32
            %dma_wait3A_233 = tpu.memref_slice %arg8[%add3A_167, %dma_wait3A_232] : memref<32x80xi32, #tpu.memory_space<vmem>> -> memref<1x80xi32, #tpu.memory_space<vmem>>
            %dma_wait3A_234 = tpu.memref_squeeze %dma_wait3A_233 : memref<1x80xi32, #tpu.memory_space<vmem>> -> memref<80xi32, #tpu.memory_space<vmem>>
            %dma_wait3A_235 = arith.constant 0 : i32
            %dma_wait3A_236 = arith.constant 0 : i32
            %dma_wait3A_237 = tpu.memref_slice %arg10[%dma_wait3A_235, %dma_wait3A_236] : memref<10000x128xf32, #tpu.memory_space<vmem_shared>> -> memref<10000x128xf32, #tpu.memory_space<vmem_shared>>
            tpu.wait_indirect_dma semaphore(%arg15 : memref<!tpu.dma_semaphore, #tpu.memory_space<semaphore_mem>>) src(%dma_wait3A_231 : memref<80x128xf32, #tpu.memory_space<vmem>>) dst(%dma_wait3A_237 : memref<10000x128xf32, #tpu.memory_space<vmem_shared>>)
          } else {
          }
          %add3A_214 = arith.constant 2 : i32
          %add3A_215 = arith.addi %add3A_167, %add3A_214 : i32
          %dma_start3A_216 = arith.constant 0 : i32
          %dma_start3A_217 = arith.constant 0 : i32
          %dma_start3A_218 = arith.constant 0 : i32
          %dma_start3A_219 = tpu.memref_slice %arg9[%dma_start3A_216, %dma_start3A_217, %dma_start3A_218] : memref<4x80x128xf32, #tpu.memory_space<vmem>> -> memref<1x80x128xf32, #tpu.memory_space<vmem>>
          %dma_start3A_220 = tpu.memref_squeeze %dma_start3A_219 : memref<1x80x128xf32, #tpu.memory_space<vmem>> -> memref<80x128xf32, #tpu.memory_space<vmem>>
          %dma_start3A_221 = arith.constant 0 : i32
          %dma_start3A_222 = tpu.memref_slice %arg7[%add3A_215, %dma_start3A_221] : memref<32x80xi32, #tpu.memory_space<vmem>> -> memref<1x80xi32, #tpu.memory_space<vmem>>
          %dma_start3A_223 = tpu.memref_squeeze %dma_start3A_222 : memref<1x80xi32, #tpu.memory_space<vmem>> -> memref<80xi32, #tpu.memory_space<vmem>>
          %dma_start3A_224 = arith.constant 0 : i32
          %dma_start3A_225 = arith.constant 0 : i32
          %dma_start3A_226 = tpu.memref_slice %arg2[%dma_start3A_224, %dma_start3A_225] : memref<10000x128xf32, #tpu.memory_space<hbm>> -> memref<10000x128xf32, #tpu.memory_space<hbm>>
          tpu.enqueue_indirect_dma source(%dma_start3A_226 : memref<10000x128xf32, #tpu.memory_space<hbm>>) target(%dma_start3A_220 : memref<80x128xf32, #tpu.memory_space<vmem>>) offsets(%dma_start3A_223 : memref<80xi32, #tpu.memory_space<vmem>>) semaphore(%arg11 : memref<!tpu.dma_semaphore, #tpu.memory_space<semaphore_mem>>)
        } else {
        }
      } else {
      }
      %mul3A_173 = arith.constant 4 : i32
      %mul3A_174 = arith.muli %scan3A_148, %mul3A_173 : i32
      %add3A_175 = arith.constant 3 : i32
      %add3A_176 = arith.addi %mul3A_174, %add3A_175 : i32
      %lt3A_177 = arith.constant 32 : i32
      %lt3A_178 = arith.cmpi slt, %add3A_176, %lt3A_177 : i32
      %convert_element_type3A_179 = arith.extui %lt3A_178 : i1 to i32
      %cond3A_180 = arith.constant 0 : i32
      %cond3A_181 = arith.cmpi ne, %convert_element_type3A_179, %cond3A_180 : i32
      scf.if %cond3A_181 {
        %dma_wait3A = arith.constant 3 : i32
        %dma_wait3A_182 = arith.constant 0 : i32
        %dma_wait3A_183 = arith.constant 0 : i32
        %dma_wait3A_184 = tpu.memref_slice %arg9[%dma_wait3A, %dma_wait3A_182, %dma_wait3A_183] : memref<4x80x128xf32, #tpu.memory_space<vmem>> -> memref<1x80x128xf32, #tpu.memory_space<vmem>>
        %dma_wait3A_185 = tpu.memref_squeeze %dma_wait3A_184 : memref<1x80x128xf32, #tpu.memory_space<vmem>> -> memref<80x128xf32, #tpu.memory_space<vmem>>
        %dma_wait3A_186 = arith.constant 0 : i32
        %dma_wait3A_187 = tpu.memref_slice %arg7[%add3A_176, %dma_wait3A_186] : memref<32x80xi32, #tpu.memory_space<vmem>> -> memref<1x80xi32, #tpu.memory_space<vmem>>
        %dma_wait3A_188 = tpu.memref_squeeze %dma_wait3A_187 : memref<1x80xi32, #tpu.memory_space<vmem>> -> memref<80xi32, #tpu.memory_space<vmem>>
        %dma_wait3A_189 = arith.constant 0 : i32
        %dma_wait3A_190 = arith.constant 0 : i32
        %dma_wait3A_191 = tpu.memref_slice %arg2[%dma_wait3A_189, %dma_wait3A_190] : memref<10000x128xf32, #tpu.memory_space<hbm>> -> memref<10000x128xf32, #tpu.memory_space<hbm>>
        tpu.wait_indirect_dma semaphore(%arg14 : memref<!tpu.dma_semaphore, #tpu.memory_space<semaphore_mem>>) src(%dma_wait3A_191 : memref<10000x128xf32, #tpu.memory_space<hbm>>) dst(%dma_wait3A_185 : memref<80x128xf32, #tpu.memory_space<vmem>>)
        %dma_start3A_192 = arith.constant 3 : i32
        %dma_start3A_193 = arith.constant 0 : i32
        %dma_start3A_194 = arith.constant 0 : i32
        %dma_start3A_195 = tpu.memref_slice %arg9[%dma_start3A_192, %dma_start3A_193, %dma_start3A_194] : memref<4x80x128xf32, #tpu.memory_space<vmem>> -> memref<1x80x128xf32, #tpu.memory_space<vmem>>
        %dma_start3A_196 = tpu.memref_squeeze %dma_start3A_195 : memref<1x80x128xf32, #tpu.memory_space<vmem>> -> memref<80x128xf32, #tpu.memory_space<vmem>>
        %dma_start3A_197 = arith.constant 0 : i32
        %dma_start3A_198 = tpu.memref_slice %arg8[%add3A_176, %dma_start3A_197] : memref<32x80xi32, #tpu.memory_space<vmem>> -> memref<1x80xi32, #tpu.memory_space<vmem>>
        %dma_start3A_199 = tpu.memref_squeeze %dma_start3A_198 : memref<1x80xi32, #tpu.memory_space<vmem>> -> memref<80xi32, #tpu.memory_space<vmem>>
        %dma_start3A_200 = arith.constant 0 : i32
        %dma_start3A_201 = arith.constant 0 : i32
        %dma_start3A_202 = tpu.memref_slice %arg10[%dma_start3A_200, %dma_start3A_201] : memref<10000x128xf32, #tpu.memory_space<vmem_shared>> -> memref<10000x128xf32, #tpu.memory_space<vmem_shared>>
        tpu.enqueue_indirect_dma source(%dma_start3A_196 : memref<80x128xf32, #tpu.memory_space<vmem>>) target(%dma_start3A_202 : memref<10000x128xf32, #tpu.memory_space<vmem_shared>>) offsets(%dma_start3A_199 : memref<80xi32, #tpu.memory_space<vmem>>) semaphore(%arg15 : memref<!tpu.dma_semaphore, #tpu.memory_space<semaphore_mem>>) {add = true}
        %add3A_203 = arith.constant 2 : i32
        %add3A_204 = arith.addi %add3A_176, %add3A_203 : i32
        %lt3A_205 = arith.constant 32 : i32
        %lt3A_206 = arith.cmpi slt, %add3A_204, %lt3A_205 : i32
        %convert_element_type3A_207 = arith.extui %lt3A_206 : i1 to i32
        %cond3A_208 = arith.constant 0 : i32
        %cond3A_209 = arith.cmpi ne, %convert_element_type3A_207, %cond3A_208 : i32
        scf.if %cond3A_209 {
          %ge3A = arith.constant 2 : i32
          %ge3A_210 = arith.cmpi sge, %add3A_176, %ge3A : i32
          %convert_element_type3A_211 = arith.extui %ge3A_210 : i1 to i32
          %cond3A_212 = arith.constant 0 : i32
          %cond3A_213 = arith.cmpi ne, %convert_element_type3A_211, %cond3A_212 : i32
          scf.if %cond3A_213 {
            %dma_wait3A_227 = arith.constant 1 : i32
            %dma_wait3A_228 = arith.constant 0 : i32
            %dma_wait3A_229 = arith.constant 0 : i32
            %dma_wait3A_230 = tpu.memref_slice %arg9[%dma_wait3A_227, %dma_wait3A_228, %dma_wait3A_229] : memref<4x80x128xf32, #tpu.memory_space<vmem>> -> memref<1x80x128xf32, #tpu.memory_space<vmem>>
            %dma_wait3A_231 = tpu.memref_squeeze %dma_wait3A_230 : memref<1x80x128xf32, #tpu.memory_space<vmem>> -> memref<80x128xf32, #tpu.memory_space<vmem>>
            %dma_wait3A_232 = arith.constant 0 : i32
            %dma_wait3A_233 = tpu.memref_slice %arg8[%add3A_176, %dma_wait3A_232] : memref<32x80xi32, #tpu.memory_space<vmem>> -> memref<1x80xi32, #tpu.memory_space<vmem>>
            %dma_wait3A_234 = tpu.memref_squeeze %dma_wait3A_233 : memref<1x80xi32, #tpu.memory_space<vmem>> -> memref<80xi32, #tpu.memory_space<vmem>>
            %dma_wait3A_235 = arith.constant 0 : i32
            %dma_wait3A_236 = arith.constant 0 : i32
            %dma_wait3A_237 = tpu.memref_slice %arg10[%dma_wait3A_235, %dma_wait3A_236] : memref<10000x128xf32, #tpu.memory_space<vmem_shared>> -> memref<10000x128xf32, #tpu.memory_space<vmem_shared>>
            tpu.wait_indirect_dma semaphore(%arg15 : memref<!tpu.dma_semaphore, #tpu.memory_space<semaphore_mem>>) src(%dma_wait3A_231 : memref<80x128xf32, #tpu.memory_space<vmem>>) dst(%dma_wait3A_237 : memref<10000x128xf32, #tpu.memory_space<vmem_shared>>)
          } else {
          }
          %add3A_214 = arith.constant 2 : i32
          %add3A_215 = arith.addi %add3A_176, %add3A_214 : i32
          %dma_start3A_216 = arith.constant 1 : i32
          %dma_start3A_217 = arith.constant 0 : i32
          %dma_start3A_218 = arith.constant 0 : i32
          %dma_start3A_219 = tpu.memref_slice %arg9[%dma_start3A_216, %dma_start3A_217, %dma_start3A_218] : memref<4x80x128xf32, #tpu.memory_space<vmem>> -> memref<1x80x128xf32, #tpu.memory_space<vmem>>
          %dma_start3A_220 = tpu.memref_squeeze %dma_start3A_219 : memref<1x80x128xf32, #tpu.memory_space<vmem>> -> memref<80x128xf32, #tpu.memory_space<vmem>>
          %dma_start3A_221 = arith.constant 0 : i32
          %dma_start3A_222 = tpu.memref_slice %arg7[%add3A_215, %dma_start3A_221] : memref<32x80xi32, #tpu.memory_space<vmem>> -> memref<1x80xi32, #tpu.memory_space<vmem>>
          %dma_start3A_223 = tpu.memref_squeeze %dma_start3A_222 : memref<1x80xi32, #tpu.memory_space<vmem>> -> memref<80xi32, #tpu.memory_space<vmem>>
          %dma_start3A_224 = arith.constant 0 : i32
          %dma_start3A_225 = arith.constant 0 : i32
          %dma_start3A_226 = tpu.memref_slice %arg2[%dma_start3A_224, %dma_start3A_225] : memref<10000x128xf32, #tpu.memory_space<hbm>> -> memref<10000x128xf32, #tpu.memory_space<hbm>>
          tpu.enqueue_indirect_dma source(%dma_start3A_226 : memref<10000x128xf32, #tpu.memory_space<hbm>>) target(%dma_start3A_220 : memref<80x128xf32, #tpu.memory_space<vmem>>) offsets(%dma_start3A_223 : memref<80xi32, #tpu.memory_space<vmem>>) semaphore(%arg12 : memref<!tpu.dma_semaphore, #tpu.memory_space<semaphore_mem>>)
        } else {
        }
      } else {
      }
    }
    %scan3A_66 = arith.constant 8 : i32
    %scan3A_67 = arith.constant 0 : i32
    %scan3A_68 = arith.constant 0 : i32
    %scan3A_69 = arith.constant 4 : i32
    %scan3A_70 = arith.addi %scan3A_68, %scan3A_69 : i32
    %scan3A_71 = arith.constant 1 : i32
    scf.for %scan3A_148 = %scan3A_68 to %scan3A_70 step %scan3A_71  : i32 {
      %dma_wait3A = arith.constant 0 : i32
      %dma_wait3A_149 = arith.constant 0 : i32
      %dma_wait3A_150 = arith.constant 0 : i32
      %dma_wait3A_151 = arith.constant 0 : i32
      %dma_wait3A_152 = tpu.memref_slice %arg9[%dma_wait3A, %dma_wait3A_150, %dma_wait3A_151] : memref<4x80x128xf32, #tpu.memory_space<vmem>> -> memref<1x80x128xf32, #tpu.memory_space<vmem>>
      %dma_wait3A_153 = tpu.memref_squeeze %dma_wait3A_152 : memref<1x80x128xf32, #tpu.memory_space<vmem>> -> memref<80x128xf32, #tpu.memory_space<vmem>>
      %dma_wait3A_154 = arith.constant 0 : i32
      %dma_wait3A_155 = tpu.memref_slice %arg8[%dma_wait3A_149, %dma_wait3A_154] : memref<32x80xi32, #tpu.memory_space<vmem>> -> memref<1x80xi32, #tpu.memory_space<vmem>>
      %dma_wait3A_156 = tpu.memref_squeeze %dma_wait3A_155 : memref<1x80xi32, #tpu.memory_space<vmem>> -> memref<80xi32, #tpu.memory_space<vmem>>
      %dma_wait3A_157 = arith.constant 0 : i32
      %dma_wait3A_158 = arith.constant 0 : i32
      %dma_wait3A_159 = tpu.memref_slice %arg10[%dma_wait3A_157, %dma_wait3A_158] : memref<10000x128xf32, #tpu.memory_space<vmem_shared>> -> memref<10000x128xf32, #tpu.memory_space<vmem_shared>>
      tpu.wait_indirect_dma semaphore(%arg15 : memref<!tpu.dma_semaphore, #tpu.memory_space<semaphore_mem>>) src(%dma_wait3A_153 : memref<80x128xf32, #tpu.memory_space<vmem>>) dst(%dma_wait3A_159 : memref<10000x128xf32, #tpu.memory_space<vmem_shared>>)
    }
    %scan3A_72 = arith.constant 4 : i32
    "tpu.region"() ({
      %run_scoped3A = tpu.sem_alloc : memref<!tpu.dma_semaphore, #tpu.memory_space<semaphore_mem>>
      %dma_start3A_148 = arith.constant 0 : i32
      %dma_start3A_149 = arith.constant 0 : i32
      %dma_start3A_150 = tpu.memref_slice %arg7[%dma_start3A_148, %dma_start3A_149] : memref<32x80xi32, #tpu.memory_space<vmem>> -> memref<32x80xi32, #tpu.memory_space<vmem>>
      %dma_start3A_151 = arith.constant 64 : i32
      %dma_start3A_152 = arith.constant 0 : i32
      %dma_start3A_153 = tpu.memref_slice %arg3[%add3A, %dma_start3A_151, %dma_start3A_152] : memref<32x125x80xi32, #tpu.memory_space<hbm>> -> memref<1x32x80xi32, #tpu.memory_space<hbm>>
      %dma_start3A_154 = tpu.memref_squeeze %dma_start3A_153 : memref<1x32x80xi32, #tpu.memory_space<hbm>> -> memref<32x80xi32, #tpu.memory_space<hbm>>
      %dma_start3A_155 = arith.constant 0 : i32
      %dma_start3A_156 = arith.constant 0 : i32
      %dma_start3A_157 = tpu.memref_slice %arg7[%dma_start3A_155, %dma_start3A_156] : memref<32x80xi32, #tpu.memory_space<vmem>> -> memref<32x80xi32, #tpu.memory_space<vmem>>
      %dma_start3A_158 = arith.constant 64 : i32
      %dma_start3A_159 = arith.constant 0 : i32
      %dma_start3A_160 = tpu.memref_slice %arg3[%add3A, %dma_start3A_158, %dma_start3A_159] : memref<32x125x80xi32, #tpu.memory_space<hbm>> -> memref<1x32x80xi32, #tpu.memory_space<hbm>>
      %dma_start3A_161 = tpu.memref_squeeze %dma_start3A_160 : memref<1x32x80xi32, #tpu.memory_space<hbm>> -> memref<32x80xi32, #tpu.memory_space<hbm>>
      tpu.enqueue_dma source(%dma_start3A_161 : memref<32x80xi32, #tpu.memory_space<hbm>>) target(%dma_start3A_157 : memref<32x80xi32, #tpu.memory_space<vmem>>) target_semaphore(%run_scoped3A : memref<!tpu.dma_semaphore, #tpu.memory_space<semaphore_mem>>)
      %dma_wait3A = arith.constant 0 : i32
      %dma_wait3A_162 = arith.constant 0 : i32
      %dma_wait3A_163 = tpu.memref_slice %arg7[%dma_wait3A, %dma_wait3A_162] : memref<32x80xi32, #tpu.memory_space<vmem>> -> memref<32x80xi32, #tpu.memory_space<vmem>>
      %dma_wait3A_164 = arith.constant 64 : i32
      %dma_wait3A_165 = arith.constant 0 : i32
      %dma_wait3A_166 = tpu.memref_slice %arg3[%add3A, %dma_wait3A_164, %dma_wait3A_165] : memref<32x125x80xi32, #tpu.memory_space<hbm>> -> memref<1x32x80xi32, #tpu.memory_space<hbm>>
      %dma_wait3A_167 = tpu.memref_squeeze %dma_wait3A_166 : memref<1x32x80xi32, #tpu.memory_space<hbm>> -> memref<32x80xi32, #tpu.memory_space<hbm>>
      %dma_wait3A_168 = arith.constant 0 : i32
      %dma_wait3A_169 = arith.constant 0 : i32
      %dma_wait3A_170 = tpu.memref_slice %arg7[%dma_wait3A_168, %dma_wait3A_169] : memref<32x80xi32, #tpu.memory_space<vmem>> -> memref<32x80xi32, #tpu.memory_space<vmem>>
      %dma_wait3A_171 = arith.constant 64 : i32
      %dma_wait3A_172 = arith.constant 0 : i32
      %dma_wait3A_173 = tpu.memref_slice %arg3[%add3A, %dma_wait3A_171, %dma_wait3A_172] : memref<32x125x80xi32, #tpu.memory_space<hbm>> -> memref<1x32x80xi32, #tpu.memory_space<hbm>>
      %dma_wait3A_174 = tpu.memref_squeeze %dma_wait3A_173 : memref<1x32x80xi32, #tpu.memory_space<hbm>> -> memref<32x80xi32, #tpu.memory_space<hbm>>
      tpu.wait_dma2 semaphore(%run_scoped3A : memref<!tpu.dma_semaphore, #tpu.memory_space<semaphore_mem>>) src(%dma_wait3A_174 : memref<32x80xi32, #tpu.memory_space<hbm>>) dst(%dma_wait3A_170 : memref<32x80xi32, #tpu.memory_space<vmem>>)
      tpu.yield
    }) : () -> ()
    "tpu.region"() ({
      %run_scoped3A = tpu.sem_alloc : memref<!tpu.dma_semaphore, #tpu.memory_space<semaphore_mem>>
      %dma_start3A_148 = arith.constant 0 : i32
      %dma_start3A_149 = arith.constant 0 : i32
      %dma_start3A_150 = tpu.memref_slice %arg8[%dma_start3A_148, %dma_start3A_149] : memref<32x80xi32, #tpu.memory_space<vmem>> -> memref<32x80xi32, #tpu.memory_space<vmem>>
      %dma_start3A_151 = arith.constant 64 : i32
      %dma_start3A_152 = arith.constant 0 : i32
      %dma_start3A_153 = tpu.memref_slice %arg4[%add3A, %dma_start3A_151, %dma_start3A_152] : memref<32x125x80xi32, #tpu.memory_space<hbm>> -> memref<1x32x80xi32, #tpu.memory_space<hbm>>
      %dma_start3A_154 = tpu.memref_squeeze %dma_start3A_153 : memref<1x32x80xi32, #tpu.memory_space<hbm>> -> memref<32x80xi32, #tpu.memory_space<hbm>>
      %dma_start3A_155 = arith.constant 0 : i32
      %dma_start3A_156 = arith.constant 0 : i32
      %dma_start3A_157 = tpu.memref_slice %arg8[%dma_start3A_155, %dma_start3A_156] : memref<32x80xi32, #tpu.memory_space<vmem>> -> memref<32x80xi32, #tpu.memory_space<vmem>>
      %dma_start3A_158 = arith.constant 64 : i32
      %dma_start3A_159 = arith.constant 0 : i32
      %dma_start3A_160 = tpu.memref_slice %arg4[%add3A, %dma_start3A_158, %dma_start3A_159] : memref<32x125x80xi32, #tpu.memory_space<hbm>> -> memref<1x32x80xi32, #tpu.memory_space<hbm>>
      %dma_start3A_161 = tpu.memref_squeeze %dma_start3A_160 : memref<1x32x80xi32, #tpu.memory_space<hbm>> -> memref<32x80xi32, #tpu.memory_space<hbm>>
      tpu.enqueue_dma source(%dma_start3A_161 : memref<32x80xi32, #tpu.memory_space<hbm>>) target(%dma_start3A_157 : memref<32x80xi32, #tpu.memory_space<vmem>>) target_semaphore(%run_scoped3A : memref<!tpu.dma_semaphore, #tpu.memory_space<semaphore_mem>>)
      %dma_wait3A = arith.constant 0 : i32
      %dma_wait3A_162 = arith.constant 0 : i32
      %dma_wait3A_163 = tpu.memref_slice %arg8[%dma_wait3A, %dma_wait3A_162] : memref<32x80xi32, #tpu.memory_space<vmem>> -> memref<32x80xi32, #tpu.memory_space<vmem>>
      %dma_wait3A_164 = arith.constant 64 : i32
      %dma_wait3A_165 = arith.constant 0 : i32
      %dma_wait3A_166 = tpu.memref_slice %arg4[%add3A, %dma_wait3A_164, %dma_wait3A_165] : memref<32x125x80xi32, #tpu.memory_space<hbm>> -> memref<1x32x80xi32, #tpu.memory_space<hbm>>
      %dma_wait3A_167 = tpu.memref_squeeze %dma_wait3A_166 : memref<1x32x80xi32, #tpu.memory_space<hbm>> -> memref<32x80xi32, #tpu.memory_space<hbm>>
      %dma_wait3A_168 = arith.constant 0 : i32
      %dma_wait3A_169 = arith.constant 0 : i32
      %dma_wait3A_170 = tpu.memref_slice %arg8[%dma_wait3A_168, %dma_wait3A_169] : memref<32x80xi32, #tpu.memory_space<vmem>> -> memref<32x80xi32, #tpu.memory_space<vmem>>
      %dma_wait3A_171 = arith.constant 64 : i32
      %dma_wait3A_172 = arith.constant 0 : i32
      %dma_wait3A_173 = tpu.memref_slice %arg4[%add3A, %dma_wait3A_171, %dma_wait3A_172] : memref<32x125x80xi32, #tpu.memory_space<hbm>> -> memref<1x32x80xi32, #tpu.memory_space<hbm>>
      %dma_wait3A_174 = tpu.memref_squeeze %dma_wait3A_173 : memref<1x32x80xi32, #tpu.memory_space<hbm>> -> memref<32x80xi32, #tpu.memory_space<hbm>>
      tpu.wait_dma2 semaphore(%run_scoped3A : memref<!tpu.dma_semaphore, #tpu.memory_space<semaphore_mem>>) src(%dma_wait3A_174 : memref<32x80xi32, #tpu.memory_space<hbm>>) dst(%dma_wait3A_170 : memref<32x80xi32, #tpu.memory_space<vmem>>)
      tpu.yield
    }) : () -> ()
    %dma_start3A_73 = arith.constant 0 : i32
    %dma_start3A_74 = arith.constant 0 : i32
    %dma_start3A_75 = arith.constant 0 : i32
    %dma_start3A_76 = arith.constant 0 : i32
    %dma_start3A_77 = tpu.memref_slice %arg9[%dma_start3A_74, %dma_start3A_75, %dma_start3A_76] : memref<4x80x128xf32, #tpu.memory_space<vmem>> -> memref<1x80x128xf32, #tpu.memory_space<vmem>>
    %dma_start3A_78 = tpu.memref_squeeze %dma_start3A_77 : memref<1x80x128xf32, #tpu.memory_space<vmem>> -> memref<80x128xf32, #tpu.memory_space<vmem>>
    %dma_start3A_79 = arith.constant 0 : i32
    %dma_start3A_80 = tpu.memref_slice %arg7[%dma_start3A_73, %dma_start3A_79] : memref<32x80xi32, #tpu.memory_space<vmem>> -> memref<1x80xi32, #tpu.memory_space<vmem>>
    %dma_start3A_81 = tpu.memref_squeeze %dma_start3A_80 : memref<1x80xi32, #tpu.memory_space<vmem>> -> memref<80xi32, #tpu.memory_space<vmem>>
    %dma_start3A_82 = arith.constant 0 : i32
    %dma_start3A_83 = arith.constant 0 : i32
    %dma_start3A_84 = tpu.memref_slice %arg2[%dma_start3A_82, %dma_start3A_83] : memref<10000x128xf32, #tpu.memory_space<hbm>> -> memref<10000x128xf32, #tpu.memory_space<hbm>>
    tpu.enqueue_indirect_dma source(%dma_start3A_84 : memref<10000x128xf32, #tpu.memory_space<hbm>>) target(%dma_start3A_78 : memref<80x128xf32, #tpu.memory_space<vmem>>) offsets(%dma_start3A_81 : memref<80xi32, #tpu.memory_space<vmem>>) semaphore(%arg11 : memref<!tpu.dma_semaphore, #tpu.memory_space<semaphore_mem>>)
    %dma_start3A_85 = arith.constant 1 : i32
    %dma_start3A_86 = arith.constant 1 : i32
    %dma_start3A_87 = arith.constant 0 : i32
    %dma_start3A_88 = arith.constant 0 : i32
    %dma_start3A_89 = tpu.memref_slice %arg9[%dma_start3A_86, %dma_start3A_87, %dma_start3A_88] : memref<4x80x128xf32, #tpu.memory_space<vmem>> -> memref<1x80x128xf32, #tpu.memory_space<vmem>>
    %dma_start3A_90 = tpu.memref_squeeze %dma_start3A_89 : memref<1x80x128xf32, #tpu.memory_space<vmem>> -> memref<80x128xf32, #tpu.memory_space<vmem>>
    %dma_start3A_91 = arith.constant 0 : i32
    %dma_start3A_92 = tpu.memref_slice %arg7[%dma_start3A_85, %dma_start3A_91] : memref<32x80xi32, #tpu.memory_space<vmem>> -> memref<1x80xi32, #tpu.memory_space<vmem>>
    %dma_start3A_93 = tpu.memref_squeeze %dma_start3A_92 : memref<1x80xi32, #tpu.memory_space<vmem>> -> memref<80xi32, #tpu.memory_space<vmem>>
    %dma_start3A_94 = arith.constant 0 : i32
    %dma_start3A_95 = arith.constant 0 : i32
    %dma_start3A_96 = tpu.memref_slice %arg2[%dma_start3A_94, %dma_start3A_95] : memref<10000x128xf32, #tpu.memory_space<hbm>> -> memref<10000x128xf32, #tpu.memory_space<hbm>>
    tpu.enqueue_indirect_dma source(%dma_start3A_96 : memref<10000x128xf32, #tpu.memory_space<hbm>>) target(%dma_start3A_90 : memref<80x128xf32, #tpu.memory_space<vmem>>) offsets(%dma_start3A_93 : memref<80xi32, #tpu.memory_space<vmem>>) semaphore(%arg12 : memref<!tpu.dma_semaphore, #tpu.memory_space<semaphore_mem>>)
    %scan3A_97 = arith.constant 0 : i32
    %scan3A_98 = arith.constant 0 : i32
    %scan3A_99 = arith.constant 8 : i32
    %scan3A_100 = arith.addi %scan3A_98, %scan3A_99 : i32
    %scan3A_101 = arith.constant 1 : i32
    scf.for %scan3A_148 = %scan3A_98 to %scan3A_100 step %scan3A_101  : i32 {
      %mul3A_149 = arith.constant 4 : i32
      %mul3A_150 = arith.muli %scan3A_148, %mul3A_149 : i32
      %add3A_151 = arith.constant 0 : i32
      %add3A_152 = arith.addi %mul3A_150, %add3A_151 : i32
      %lt3A = arith.constant 32 : i32
      %lt3A_153 = arith.cmpi slt, %add3A_152, %lt3A : i32
      %convert_element_type3A = arith.extui %lt3A_153 : i1 to i32
      %cond3A = arith.constant 0 : i32
      %cond3A_154 = arith.cmpi ne, %convert_element_type3A, %cond3A : i32
      scf.if %cond3A_154 {
        %dma_wait3A = arith.constant 0 : i32
        %dma_wait3A_182 = arith.constant 0 : i32
        %dma_wait3A_183 = arith.constant 0 : i32
        %dma_wait3A_184 = tpu.memref_slice %arg9[%dma_wait3A, %dma_wait3A_182, %dma_wait3A_183] : memref<4x80x128xf32, #tpu.memory_space<vmem>> -> memref<1x80x128xf32, #tpu.memory_space<vmem>>
        %dma_wait3A_185 = tpu.memref_squeeze %dma_wait3A_184 : memref<1x80x128xf32, #tpu.memory_space<vmem>> -> memref<80x128xf32, #tpu.memory_space<vmem>>
        %dma_wait3A_186 = arith.constant 0 : i32
        %dma_wait3A_187 = tpu.memref_slice %arg7[%add3A_152, %dma_wait3A_186] : memref<32x80xi32, #tpu.memory_space<vmem>> -> memref<1x80xi32, #tpu.memory_space<vmem>>
        %dma_wait3A_188 = tpu.memref_squeeze %dma_wait3A_187 : memref<1x80xi32, #tpu.memory_space<vmem>> -> memref<80xi32, #tpu.memory_space<vmem>>
        %dma_wait3A_189 = arith.constant 0 : i32
        %dma_wait3A_190 = arith.constant 0 : i32
        %dma_wait3A_191 = tpu.memref_slice %arg2[%dma_wait3A_189, %dma_wait3A_190] : memref<10000x128xf32, #tpu.memory_space<hbm>> -> memref<10000x128xf32, #tpu.memory_space<hbm>>
        tpu.wait_indirect_dma semaphore(%arg11 : memref<!tpu.dma_semaphore, #tpu.memory_space<semaphore_mem>>) src(%dma_wait3A_191 : memref<10000x128xf32, #tpu.memory_space<hbm>>) dst(%dma_wait3A_185 : memref<80x128xf32, #tpu.memory_space<vmem>>)
        %dma_start3A_192 = arith.constant 0 : i32
        %dma_start3A_193 = arith.constant 0 : i32
        %dma_start3A_194 = arith.constant 0 : i32
        %dma_start3A_195 = tpu.memref_slice %arg9[%dma_start3A_192, %dma_start3A_193, %dma_start3A_194] : memref<4x80x128xf32, #tpu.memory_space<vmem>> -> memref<1x80x128xf32, #tpu.memory_space<vmem>>
        %dma_start3A_196 = tpu.memref_squeeze %dma_start3A_195 : memref<1x80x128xf32, #tpu.memory_space<vmem>> -> memref<80x128xf32, #tpu.memory_space<vmem>>
        %dma_start3A_197 = arith.constant 0 : i32
        %dma_start3A_198 = tpu.memref_slice %arg8[%add3A_152, %dma_start3A_197] : memref<32x80xi32, #tpu.memory_space<vmem>> -> memref<1x80xi32, #tpu.memory_space<vmem>>
        %dma_start3A_199 = tpu.memref_squeeze %dma_start3A_198 : memref<1x80xi32, #tpu.memory_space<vmem>> -> memref<80xi32, #tpu.memory_space<vmem>>
        %dma_start3A_200 = arith.constant 0 : i32
        %dma_start3A_201 = arith.constant 0 : i32
        %dma_start3A_202 = tpu.memref_slice %arg10[%dma_start3A_200, %dma_start3A_201] : memref<10000x128xf32, #tpu.memory_space<vmem_shared>> -> memref<10000x128xf32, #tpu.memory_space<vmem_shared>>
        tpu.enqueue_indirect_dma source(%dma_start3A_196 : memref<80x128xf32, #tpu.memory_space<vmem>>) target(%dma_start3A_202 : memref<10000x128xf32, #tpu.memory_space<vmem_shared>>) offsets(%dma_start3A_199 : memref<80xi32, #tpu.memory_space<vmem>>) semaphore(%arg15 : memref<!tpu.dma_semaphore, #tpu.memory_space<semaphore_mem>>) {add = true}
        %add3A_203 = arith.constant 2 : i32
        %add3A_204 = arith.addi %add3A_152, %add3A_203 : i32
        %lt3A_205 = arith.constant 32 : i32
        %lt3A_206 = arith.cmpi slt, %add3A_204, %lt3A_205 : i32
        %convert_element_type3A_207 = arith.extui %lt3A_206 : i1 to i32
        %cond3A_208 = arith.constant 0 : i32
        %cond3A_209 = arith.cmpi ne, %convert_element_type3A_207, %cond3A_208 : i32
        scf.if %cond3A_209 {
          %ge3A = arith.constant 2 : i32
          %ge3A_210 = arith.cmpi sge, %add3A_152, %ge3A : i32
          %convert_element_type3A_211 = arith.extui %ge3A_210 : i1 to i32
          %cond3A_212 = arith.constant 0 : i32
          %cond3A_213 = arith.cmpi ne, %convert_element_type3A_211, %cond3A_212 : i32
          scf.if %cond3A_213 {
            %dma_wait3A_227 = arith.constant 2 : i32
            %dma_wait3A_228 = arith.constant 0 : i32
            %dma_wait3A_229 = arith.constant 0 : i32
            %dma_wait3A_230 = tpu.memref_slice %arg9[%dma_wait3A_227, %dma_wait3A_228, %dma_wait3A_229] : memref<4x80x128xf32, #tpu.memory_space<vmem>> -> memref<1x80x128xf32, #tpu.memory_space<vmem>>
            %dma_wait3A_231 = tpu.memref_squeeze %dma_wait3A_230 : memref<1x80x128xf32, #tpu.memory_space<vmem>> -> memref<80x128xf32, #tpu.memory_space<vmem>>
            %dma_wait3A_232 = arith.constant 0 : i32
            %dma_wait3A_233 = tpu.memref_slice %arg8[%add3A_152, %dma_wait3A_232] : memref<32x80xi32, #tpu.memory_space<vmem>> -> memref<1x80xi32, #tpu.memory_space<vmem>>
            %dma_wait3A_234 = tpu.memref_squeeze %dma_wait3A_233 : memref<1x80xi32, #tpu.memory_space<vmem>> -> memref<80xi32, #tpu.memory_space<vmem>>
            %dma_wait3A_235 = arith.constant 0 : i32
            %dma_wait3A_236 = arith.constant 0 : i32
            %dma_wait3A_237 = tpu.memref_slice %arg10[%dma_wait3A_235, %dma_wait3A_236] : memref<10000x128xf32, #tpu.memory_space<vmem_shared>> -> memref<10000x128xf32, #tpu.memory_space<vmem_shared>>
            tpu.wait_indirect_dma semaphore(%arg15 : memref<!tpu.dma_semaphore, #tpu.memory_space<semaphore_mem>>) src(%dma_wait3A_231 : memref<80x128xf32, #tpu.memory_space<vmem>>) dst(%dma_wait3A_237 : memref<10000x128xf32, #tpu.memory_space<vmem_shared>>)
          } else {
          }
          %add3A_214 = arith.constant 2 : i32
          %add3A_215 = arith.addi %add3A_152, %add3A_214 : i32
          %dma_start3A_216 = arith.constant 2 : i32
          %dma_start3A_217 = arith.constant 0 : i32
          %dma_start3A_218 = arith.constant 0 : i32
          %dma_start3A_219 = tpu.memref_slice %arg9[%dma_start3A_216, %dma_start3A_217, %dma_start3A_218] : memref<4x80x128xf32, #tpu.memory_space<vmem>> -> memref<1x80x128xf32, #tpu.memory_space<vmem>>
          %dma_start3A_220 = tpu.memref_squeeze %dma_start3A_219 : memref<1x80x128xf32, #tpu.memory_space<vmem>> -> memref<80x128xf32, #tpu.memory_space<vmem>>
          %dma_start3A_221 = arith.constant 0 : i32
          %dma_start3A_222 = tpu.memref_slice %arg7[%add3A_215, %dma_start3A_221] : memref<32x80xi32, #tpu.memory_space<vmem>> -> memref<1x80xi32, #tpu.memory_space<vmem>>
          %dma_start3A_223 = tpu.memref_squeeze %dma_start3A_222 : memref<1x80xi32, #tpu.memory_space<vmem>> -> memref<80xi32, #tpu.memory_space<vmem>>
          %dma_start3A_224 = arith.constant 0 : i32
          %dma_start3A_225 = arith.constant 0 : i32
          %dma_start3A_226 = tpu.memref_slice %arg2[%dma_start3A_224, %dma_start3A_225] : memref<10000x128xf32, #tpu.memory_space<hbm>> -> memref<10000x128xf32, #tpu.memory_space<hbm>>
          tpu.enqueue_indirect_dma source(%dma_start3A_226 : memref<10000x128xf32, #tpu.memory_space<hbm>>) target(%dma_start3A_220 : memref<80x128xf32, #tpu.memory_space<vmem>>) offsets(%dma_start3A_223 : memref<80xi32, #tpu.memory_space<vmem>>) semaphore(%arg13 : memref<!tpu.dma_semaphore, #tpu.memory_space<semaphore_mem>>)
        } else {
        }
      } else {
      }
      %mul3A_155 = arith.constant 4 : i32
      %mul3A_156 = arith.muli %scan3A_148, %mul3A_155 : i32
      %add3A_157 = arith.constant 1 : i32
      %add3A_158 = arith.addi %mul3A_156, %add3A_157 : i32
      %lt3A_159 = arith.constant 32 : i32
      %lt3A_160 = arith.cmpi slt, %add3A_158, %lt3A_159 : i32
      %convert_element_type3A_161 = arith.extui %lt3A_160 : i1 to i32
      %cond3A_162 = arith.constant 0 : i32
      %cond3A_163 = arith.cmpi ne, %convert_element_type3A_161, %cond3A_162 : i32
      scf.if %cond3A_163 {
        %dma_wait3A = arith.constant 1 : i32
        %dma_wait3A_182 = arith.constant 0 : i32
        %dma_wait3A_183 = arith.constant 0 : i32
        %dma_wait3A_184 = tpu.memref_slice %arg9[%dma_wait3A, %dma_wait3A_182, %dma_wait3A_183] : memref<4x80x128xf32, #tpu.memory_space<vmem>> -> memref<1x80x128xf32, #tpu.memory_space<vmem>>
        %dma_wait3A_185 = tpu.memref_squeeze %dma_wait3A_184 : memref<1x80x128xf32, #tpu.memory_space<vmem>> -> memref<80x128xf32, #tpu.memory_space<vmem>>
        %dma_wait3A_186 = arith.constant 0 : i32
        %dma_wait3A_187 = tpu.memref_slice %arg7[%add3A_158, %dma_wait3A_186] : memref<32x80xi32, #tpu.memory_space<vmem>> -> memref<1x80xi32, #tpu.memory_space<vmem>>
        %dma_wait3A_188 = tpu.memref_squeeze %dma_wait3A_187 : memref<1x80xi32, #tpu.memory_space<vmem>> -> memref<80xi32, #tpu.memory_space<vmem>>
        %dma_wait3A_189 = arith.constant 0 : i32
        %dma_wait3A_190 = arith.constant 0 : i32
        %dma_wait3A_191 = tpu.memref_slice %arg2[%dma_wait3A_189, %dma_wait3A_190] : memref<10000x128xf32, #tpu.memory_space<hbm>> -> memref<10000x128xf32, #tpu.memory_space<hbm>>
        tpu.wait_indirect_dma semaphore(%arg12 : memref<!tpu.dma_semaphore, #tpu.memory_space<semaphore_mem>>) src(%dma_wait3A_191 : memref<10000x128xf32, #tpu.memory_space<hbm>>) dst(%dma_wait3A_185 : memref<80x128xf32, #tpu.memory_space<vmem>>)
        %dma_start3A_192 = arith.constant 1 : i32
        %dma_start3A_193 = arith.constant 0 : i32
        %dma_start3A_194 = arith.constant 0 : i32
        %dma_start3A_195 = tpu.memref_slice %arg9[%dma_start3A_192, %dma_start3A_193, %dma_start3A_194] : memref<4x80x128xf32, #tpu.memory_space<vmem>> -> memref<1x80x128xf32, #tpu.memory_space<vmem>>
        %dma_start3A_196 = tpu.memref_squeeze %dma_start3A_195 : memref<1x80x128xf32, #tpu.memory_space<vmem>> -> memref<80x128xf32, #tpu.memory_space<vmem>>
        %dma_start3A_197 = arith.constant 0 : i32
        %dma_start3A_198 = tpu.memref_slice %arg8[%add3A_158, %dma_start3A_197] : memref<32x80xi32, #tpu.memory_space<vmem>> -> memref<1x80xi32, #tpu.memory_space<vmem>>
        %dma_start3A_199 = tpu.memref_squeeze %dma_start3A_198 : memref<1x80xi32, #tpu.memory_space<vmem>> -> memref<80xi32, #tpu.memory_space<vmem>>
        %dma_start3A_200 = arith.constant 0 : i32
        %dma_start3A_201 = arith.constant 0 : i32
        %dma_start3A_202 = tpu.memref_slice %arg10[%dma_start3A_200, %dma_start3A_201] : memref<10000x128xf32, #tpu.memory_space<vmem_shared>> -> memref<10000x128xf32, #tpu.memory_space<vmem_shared>>
        tpu.enqueue_indirect_dma source(%dma_start3A_196 : memref<80x128xf32, #tpu.memory_space<vmem>>) target(%dma_start3A_202 : memref<10000x128xf32, #tpu.memory_space<vmem_shared>>) offsets(%dma_start3A_199 : memref<80xi32, #tpu.memory_space<vmem>>) semaphore(%arg15 : memref<!tpu.dma_semaphore, #tpu.memory_space<semaphore_mem>>) {add = true}
        %add3A_203 = arith.constant 2 : i32
        %add3A_204 = arith.addi %add3A_158, %add3A_203 : i32
        %lt3A_205 = arith.constant 32 : i32
        %lt3A_206 = arith.cmpi slt, %add3A_204, %lt3A_205 : i32
        %convert_element_type3A_207 = arith.extui %lt3A_206 : i1 to i32
        %cond3A_208 = arith.constant 0 : i32
        %cond3A_209 = arith.cmpi ne, %convert_element_type3A_207, %cond3A_208 : i32
        scf.if %cond3A_209 {
          %ge3A = arith.constant 2 : i32
          %ge3A_210 = arith.cmpi sge, %add3A_158, %ge3A : i32
          %convert_element_type3A_211 = arith.extui %ge3A_210 : i1 to i32
          %cond3A_212 = arith.constant 0 : i32
          %cond3A_213 = arith.cmpi ne, %convert_element_type3A_211, %cond3A_212 : i32
          scf.if %cond3A_213 {
            %dma_wait3A_227 = arith.constant 3 : i32
            %dma_wait3A_228 = arith.constant 0 : i32
            %dma_wait3A_229 = arith.constant 0 : i32
            %dma_wait3A_230 = tpu.memref_slice %arg9[%dma_wait3A_227, %dma_wait3A_228, %dma_wait3A_229] : memref<4x80x128xf32, #tpu.memory_space<vmem>> -> memref<1x80x128xf32, #tpu.memory_space<vmem>>
            %dma_wait3A_231 = tpu.memref_squeeze %dma_wait3A_230 : memref<1x80x128xf32, #tpu.memory_space<vmem>> -> memref<80x128xf32, #tpu.memory_space<vmem>>
            %dma_wait3A_232 = arith.constant 0 : i32
            %dma_wait3A_233 = tpu.memref_slice %arg8[%add3A_158, %dma_wait3A_232] : memref<32x80xi32, #tpu.memory_space<vmem>> -> memref<1x80xi32, #tpu.memory_space<vmem>>
            %dma_wait3A_234 = tpu.memref_squeeze %dma_wait3A_233 : memref<1x80xi32, #tpu.memory_space<vmem>> -> memref<80xi32, #tpu.memory_space<vmem>>
            %dma_wait3A_235 = arith.constant 0 : i32
            %dma_wait3A_236 = arith.constant 0 : i32
            %dma_wait3A_237 = tpu.memref_slice %arg10[%dma_wait3A_235, %dma_wait3A_236] : memref<10000x128xf32, #tpu.memory_space<vmem_shared>> -> memref<10000x128xf32, #tpu.memory_space<vmem_shared>>
            tpu.wait_indirect_dma semaphore(%arg15 : memref<!tpu.dma_semaphore, #tpu.memory_space<semaphore_mem>>) src(%dma_wait3A_231 : memref<80x128xf32, #tpu.memory_space<vmem>>) dst(%dma_wait3A_237 : memref<10000x128xf32, #tpu.memory_space<vmem_shared>>)
          } else {
          }
          %add3A_214 = arith.constant 2 : i32
          %add3A_215 = arith.addi %add3A_158, %add3A_214 : i32
          %dma_start3A_216 = arith.constant 3 : i32
          %dma_start3A_217 = arith.constant 0 : i32
          %dma_start3A_218 = arith.constant 0 : i32
          %dma_start3A_219 = tpu.memref_slice %arg9[%dma_start3A_216, %dma_start3A_217, %dma_start3A_218] : memref<4x80x128xf32, #tpu.memory_space<vmem>> -> memref<1x80x128xf32, #tpu.memory_space<vmem>>
          %dma_start3A_220 = tpu.memref_squeeze %dma_start3A_219 : memref<1x80x128xf32, #tpu.memory_space<vmem>> -> memref<80x128xf32, #tpu.memory_space<vmem>>
          %dma_start3A_221 = arith.constant 0 : i32
          %dma_start3A_222 = tpu.memref_slice %arg7[%add3A_215, %dma_start3A_221] : memref<32x80xi32, #tpu.memory_space<vmem>> -> memref<1x80xi32, #tpu.memory_space<vmem>>
          %dma_start3A_223 = tpu.memref_squeeze %dma_start3A_222 : memref<1x80xi32, #tpu.memory_space<vmem>> -> memref<80xi32, #tpu.memory_space<vmem>>
          %dma_start3A_224 = arith.constant 0 : i32
          %dma_start3A_225 = arith.constant 0 : i32
          %dma_start3A_226 = tpu.memref_slice %arg2[%dma_start3A_224, %dma_start3A_225] : memref<10000x128xf32, #tpu.memory_space<hbm>> -> memref<10000x128xf32, #tpu.memory_space<hbm>>
          tpu.enqueue_indirect_dma source(%dma_start3A_226 : memref<10000x128xf32, #tpu.memory_space<hbm>>) target(%dma_start3A_220 : memref<80x128xf32, #tpu.memory_space<vmem>>) offsets(%dma_start3A_223 : memref<80xi32, #tpu.memory_space<vmem>>) semaphore(%arg14 : memref<!tpu.dma_semaphore, #tpu.memory_space<semaphore_mem>>)
        } else {
        }
      } else {
      }
      %mul3A_164 = arith.constant 4 : i32
      %mul3A_165 = arith.muli %scan3A_148, %mul3A_164 : i32
      %add3A_166 = arith.constant 2 : i32
      %add3A_167 = arith.addi %mul3A_165, %add3A_166 : i32
      %lt3A_168 = arith.constant 32 : i32
      %lt3A_169 = arith.cmpi slt, %add3A_167, %lt3A_168 : i32
      %convert_element_type3A_170 = arith.extui %lt3A_169 : i1 to i32
      %cond3A_171 = arith.constant 0 : i32
      %cond3A_172 = arith.cmpi ne, %convert_element_type3A_170, %cond3A_171 : i32
      scf.if %cond3A_172 {
        %dma_wait3A = arith.constant 2 : i32
        %dma_wait3A_182 = arith.constant 0 : i32
        %dma_wait3A_183 = arith.constant 0 : i32
        %dma_wait3A_184 = tpu.memref_slice %arg9[%dma_wait3A, %dma_wait3A_182, %dma_wait3A_183] : memref<4x80x128xf32, #tpu.memory_space<vmem>> -> memref<1x80x128xf32, #tpu.memory_space<vmem>>
        %dma_wait3A_185 = tpu.memref_squeeze %dma_wait3A_184 : memref<1x80x128xf32, #tpu.memory_space<vmem>> -> memref<80x128xf32, #tpu.memory_space<vmem>>
        %dma_wait3A_186 = arith.constant 0 : i32
        %dma_wait3A_187 = tpu.memref_slice %arg7[%add3A_167, %dma_wait3A_186] : memref<32x80xi32, #tpu.memory_space<vmem>> -> memref<1x80xi32, #tpu.memory_space<vmem>>
        %dma_wait3A_188 = tpu.memref_squeeze %dma_wait3A_187 : memref<1x80xi32, #tpu.memory_space<vmem>> -> memref<80xi32, #tpu.memory_space<vmem>>
        %dma_wait3A_189 = arith.constant 0 : i32
        %dma_wait3A_190 = arith.constant 0 : i32
        %dma_wait3A_191 = tpu.memref_slice %arg2[%dma_wait3A_189, %dma_wait3A_190] : memref<10000x128xf32, #tpu.memory_space<hbm>> -> memref<10000x128xf32, #tpu.memory_space<hbm>>
        tpu.wait_indirect_dma semaphore(%arg13 : memref<!tpu.dma_semaphore, #tpu.memory_space<semaphore_mem>>) src(%dma_wait3A_191 : memref<10000x128xf32, #tpu.memory_space<hbm>>) dst(%dma_wait3A_185 : memref<80x128xf32, #tpu.memory_space<vmem>>)
        %dma_start3A_192 = arith.constant 2 : i32
        %dma_start3A_193 = arith.constant 0 : i32
        %dma_start3A_194 = arith.constant 0 : i32
        %dma_start3A_195 = tpu.memref_slice %arg9[%dma_start3A_192, %dma_start3A_193, %dma_start3A_194] : memref<4x80x128xf32, #tpu.memory_space<vmem>> -> memref<1x80x128xf32, #tpu.memory_space<vmem>>
        %dma_start3A_196 = tpu.memref_squeeze %dma_start3A_195 : memref<1x80x128xf32, #tpu.memory_space<vmem>> -> memref<80x128xf32, #tpu.memory_space<vmem>>
        %dma_start3A_197 = arith.constant 0 : i32
        %dma_start3A_198 = tpu.memref_slice %arg8[%add3A_167, %dma_start3A_197] : memref<32x80xi32, #tpu.memory_space<vmem>> -> memref<1x80xi32, #tpu.memory_space<vmem>>
        %dma_start3A_199 = tpu.memref_squeeze %dma_start3A_198 : memref<1x80xi32, #tpu.memory_space<vmem>> -> memref<80xi32, #tpu.memory_space<vmem>>
        %dma_start3A_200 = arith.constant 0 : i32
        %dma_start3A_201 = arith.constant 0 : i32
        %dma_start3A_202 = tpu.memref_slice %arg10[%dma_start3A_200, %dma_start3A_201] : memref<10000x128xf32, #tpu.memory_space<vmem_shared>> -> memref<10000x128xf32, #tpu.memory_space<vmem_shared>>
        tpu.enqueue_indirect_dma source(%dma_start3A_196 : memref<80x128xf32, #tpu.memory_space<vmem>>) target(%dma_start3A_202 : memref<10000x128xf32, #tpu.memory_space<vmem_shared>>) offsets(%dma_start3A_199 : memref<80xi32, #tpu.memory_space<vmem>>) semaphore(%arg15 : memref<!tpu.dma_semaphore, #tpu.memory_space<semaphore_mem>>) {add = true}
        %add3A_203 = arith.constant 2 : i32
        %add3A_204 = arith.addi %add3A_167, %add3A_203 : i32
        %lt3A_205 = arith.constant 32 : i32
        %lt3A_206 = arith.cmpi slt, %add3A_204, %lt3A_205 : i32
        %convert_element_type3A_207 = arith.extui %lt3A_206 : i1 to i32
        %cond3A_208 = arith.constant 0 : i32
        %cond3A_209 = arith.cmpi ne, %convert_element_type3A_207, %cond3A_208 : i32
        scf.if %cond3A_209 {
          %ge3A = arith.constant 2 : i32
          %ge3A_210 = arith.cmpi sge, %add3A_167, %ge3A : i32
          %convert_element_type3A_211 = arith.extui %ge3A_210 : i1 to i32
          %cond3A_212 = arith.constant 0 : i32
          %cond3A_213 = arith.cmpi ne, %convert_element_type3A_211, %cond3A_212 : i32
          scf.if %cond3A_213 {
            %dma_wait3A_227 = arith.constant 0 : i32
            %dma_wait3A_228 = arith.constant 0 : i32
            %dma_wait3A_229 = arith.constant 0 : i32
            %dma_wait3A_230 = tpu.memref_slice %arg9[%dma_wait3A_227, %dma_wait3A_228, %dma_wait3A_229] : memref<4x80x128xf32, #tpu.memory_space<vmem>> -> memref<1x80x128xf32, #tpu.memory_space<vmem>>
            %dma_wait3A_231 = tpu.memref_squeeze %dma_wait3A_230 : memref<1x80x128xf32, #tpu.memory_space<vmem>> -> memref<80x128xf32, #tpu.memory_space<vmem>>
            %dma_wait3A_232 = arith.constant 0 : i32
            %dma_wait3A_233 = tpu.memref_slice %arg8[%add3A_167, %dma_wait3A_232] : memref<32x80xi32, #tpu.memory_space<vmem>> -> memref<1x80xi32, #tpu.memory_space<vmem>>
            %dma_wait3A_234 = tpu.memref_squeeze %dma_wait3A_233 : memref<1x80xi32, #tpu.memory_space<vmem>> -> memref<80xi32, #tpu.memory_space<vmem>>
            %dma_wait3A_235 = arith.constant 0 : i32
            %dma_wait3A_236 = arith.constant 0 : i32
            %dma_wait3A_237 = tpu.memref_slice %arg10[%dma_wait3A_235, %dma_wait3A_236] : memref<10000x128xf32, #tpu.memory_space<vmem_shared>> -> memref<10000x128xf32, #tpu.memory_space<vmem_shared>>
            tpu.wait_indirect_dma semaphore(%arg15 : memref<!tpu.dma_semaphore, #tpu.memory_space<semaphore_mem>>) src(%dma_wait3A_231 : memref<80x128xf32, #tpu.memory_space<vmem>>) dst(%dma_wait3A_237 : memref<10000x128xf32, #tpu.memory_space<vmem_shared>>)
          } else {
          }
          %add3A_214 = arith.constant 2 : i32
          %add3A_215 = arith.addi %add3A_167, %add3A_214 : i32
          %dma_start3A_216 = arith.constant 0 : i32
          %dma_start3A_217 = arith.constant 0 : i32
          %dma_start3A_218 = arith.constant 0 : i32
          %dma_start3A_219 = tpu.memref_slice %arg9[%dma_start3A_216, %dma_start3A_217, %dma_start3A_218] : memref<4x80x128xf32, #tpu.memory_space<vmem>> -> memref<1x80x128xf32, #tpu.memory_space<vmem>>
          %dma_start3A_220 = tpu.memref_squeeze %dma_start3A_219 : memref<1x80x128xf32, #tpu.memory_space<vmem>> -> memref<80x128xf32, #tpu.memory_space<vmem>>
          %dma_start3A_221 = arith.constant 0 : i32
          %dma_start3A_222 = tpu.memref_slice %arg7[%add3A_215, %dma_start3A_221] : memref<32x80xi32, #tpu.memory_space<vmem>> -> memref<1x80xi32, #tpu.memory_space<vmem>>
          %dma_start3A_223 = tpu.memref_squeeze %dma_start3A_222 : memref<1x80xi32, #tpu.memory_space<vmem>> -> memref<80xi32, #tpu.memory_space<vmem>>
          %dma_start3A_224 = arith.constant 0 : i32
          %dma_start3A_225 = arith.constant 0 : i32
          %dma_start3A_226 = tpu.memref_slice %arg2[%dma_start3A_224, %dma_start3A_225] : memref<10000x128xf32, #tpu.memory_space<hbm>> -> memref<10000x128xf32, #tpu.memory_space<hbm>>
          tpu.enqueue_indirect_dma source(%dma_start3A_226 : memref<10000x128xf32, #tpu.memory_space<hbm>>) target(%dma_start3A_220 : memref<80x128xf32, #tpu.memory_space<vmem>>) offsets(%dma_start3A_223 : memref<80xi32, #tpu.memory_space<vmem>>) semaphore(%arg11 : memref<!tpu.dma_semaphore, #tpu.memory_space<semaphore_mem>>)
        } else {
        }
      } else {
      }
      %mul3A_173 = arith.constant 4 : i32
      %mul3A_174 = arith.muli %scan3A_148, %mul3A_173 : i32
      %add3A_175 = arith.constant 3 : i32
      %add3A_176 = arith.addi %mul3A_174, %add3A_175 : i32
      %lt3A_177 = arith.constant 32 : i32
      %lt3A_178 = arith.cmpi slt, %add3A_176, %lt3A_177 : i32
      %convert_element_type3A_179 = arith.extui %lt3A_178 : i1 to i32
      %cond3A_180 = arith.constant 0 : i32
      %cond3A_181 = arith.cmpi ne, %convert_element_type3A_179, %cond3A_180 : i32
      scf.if %cond3A_181 {
        %dma_wait3A = arith.constant 3 : i32
        %dma_wait3A_182 = arith.constant 0 : i32
        %dma_wait3A_183 = arith.constant 0 : i32
        %dma_wait3A_184 = tpu.memref_slice %arg9[%dma_wait3A, %dma_wait3A_182, %dma_wait3A_183] : memref<4x80x128xf32, #tpu.memory_space<vmem>> -> memref<1x80x128xf32, #tpu.memory_space<vmem>>
        %dma_wait3A_185 = tpu.memref_squeeze %dma_wait3A_184 : memref<1x80x128xf32, #tpu.memory_space<vmem>> -> memref<80x128xf32, #tpu.memory_space<vmem>>
        %dma_wait3A_186 = arith.constant 0 : i32
        %dma_wait3A_187 = tpu.memref_slice %arg7[%add3A_176, %dma_wait3A_186] : memref<32x80xi32, #tpu.memory_space<vmem>> -> memref<1x80xi32, #tpu.memory_space<vmem>>
        %dma_wait3A_188 = tpu.memref_squeeze %dma_wait3A_187 : memref<1x80xi32, #tpu.memory_space<vmem>> -> memref<80xi32, #tpu.memory_space<vmem>>
        %dma_wait3A_189 = arith.constant 0 : i32
        %dma_wait3A_190 = arith.constant 0 : i32
        %dma_wait3A_191 = tpu.memref_slice %arg2[%dma_wait3A_189, %dma_wait3A_190] : memref<10000x128xf32, #tpu.memory_space<hbm>> -> memref<10000x128xf32, #tpu.memory_space<hbm>>
        tpu.wait_indirect_dma semaphore(%arg14 : memref<!tpu.dma_semaphore, #tpu.memory_space<semaphore_mem>>) src(%dma_wait3A_191 : memref<10000x128xf32, #tpu.memory_space<hbm>>) dst(%dma_wait3A_185 : memref<80x128xf32, #tpu.memory_space<vmem>>)
        %dma_start3A_192 = arith.constant 3 : i32
        %dma_start3A_193 = arith.constant 0 : i32
        %dma_start3A_194 = arith.constant 0 : i32
        %dma_start3A_195 = tpu.memref_slice %arg9[%dma_start3A_192, %dma_start3A_193, %dma_start3A_194] : memref<4x80x128xf32, #tpu.memory_space<vmem>> -> memref<1x80x128xf32, #tpu.memory_space<vmem>>
        %dma_start3A_196 = tpu.memref_squeeze %dma_start3A_195 : memref<1x80x128xf32, #tpu.memory_space<vmem>> -> memref<80x128xf32, #tpu.memory_space<vmem>>
        %dma_start3A_197 = arith.constant 0 : i32
        %dma_start3A_198 = tpu.memref_slice %arg8[%add3A_176, %dma_start3A_197] : memref<32x80xi32, #tpu.memory_space<vmem>> -> memref<1x80xi32, #tpu.memory_space<vmem>>
        %dma_start3A_199 = tpu.memref_squeeze %dma_start3A_198 : memref<1x80xi32, #tpu.memory_space<vmem>> -> memref<80xi32, #tpu.memory_space<vmem>>
        %dma_start3A_200 = arith.constant 0 : i32
        %dma_start3A_201 = arith.constant 0 : i32
        %dma_start3A_202 = tpu.memref_slice %arg10[%dma_start3A_200, %dma_start3A_201] : memref<10000x128xf32, #tpu.memory_space<vmem_shared>> -> memref<10000x128xf32, #tpu.memory_space<vmem_shared>>
        tpu.enqueue_indirect_dma source(%dma_start3A_196 : memref<80x128xf32, #tpu.memory_space<vmem>>) target(%dma_start3A_202 : memref<10000x128xf32, #tpu.memory_space<vmem_shared>>) offsets(%dma_start3A_199 : memref<80xi32, #tpu.memory_space<vmem>>) semaphore(%arg15 : memref<!tpu.dma_semaphore, #tpu.memory_space<semaphore_mem>>) {add = true}
        %add3A_203 = arith.constant 2 : i32
        %add3A_204 = arith.addi %add3A_176, %add3A_203 : i32
        %lt3A_205 = arith.constant 32 : i32
        %lt3A_206 = arith.cmpi slt, %add3A_204, %lt3A_205 : i32
        %convert_element_type3A_207 = arith.extui %lt3A_206 : i1 to i32
        %cond3A_208 = arith.constant 0 : i32
        %cond3A_209 = arith.cmpi ne, %convert_element_type3A_207, %cond3A_208 : i32
        scf.if %cond3A_209 {
          %ge3A = arith.constant 2 : i32
          %ge3A_210 = arith.cmpi sge, %add3A_176, %ge3A : i32
          %convert_element_type3A_211 = arith.extui %ge3A_210 : i1 to i32
          %cond3A_212 = arith.constant 0 : i32
          %cond3A_213 = arith.cmpi ne, %convert_element_type3A_211, %cond3A_212 : i32
          scf.if %cond3A_213 {
            %dma_wait3A_227 = arith.constant 1 : i32
            %dma_wait3A_228 = arith.constant 0 : i32
            %dma_wait3A_229 = arith.constant 0 : i32
            %dma_wait3A_230 = tpu.memref_slice %arg9[%dma_wait3A_227, %dma_wait3A_228, %dma_wait3A_229] : memref<4x80x128xf32, #tpu.memory_space<vmem>> -> memref<1x80x128xf32, #tpu.memory_space<vmem>>
            %dma_wait3A_231 = tpu.memref_squeeze %dma_wait3A_230 : memref<1x80x128xf32, #tpu.memory_space<vmem>> -> memref<80x128xf32, #tpu.memory_space<vmem>>
            %dma_wait3A_232 = arith.constant 0 : i32
            %dma_wait3A_233 = tpu.memref_slice %arg8[%add3A_176, %dma_wait3A_232] : memref<32x80xi32, #tpu.memory_space<vmem>> -> memref<1x80xi32, #tpu.memory_space<vmem>>
            %dma_wait3A_234 = tpu.memref_squeeze %dma_wait3A_233 : memref<1x80xi32, #tpu.memory_space<vmem>> -> memref<80xi32, #tpu.memory_space<vmem>>
            %dma_wait3A_235 = arith.constant 0 : i32
            %dma_wait3A_236 = arith.constant 0 : i32
            %dma_wait3A_237 = tpu.memref_slice %arg10[%dma_wait3A_235, %dma_wait3A_236] : memref<10000x128xf32, #tpu.memory_space<vmem_shared>> -> memref<10000x128xf32, #tpu.memory_space<vmem_shared>>
            tpu.wait_indirect_dma semaphore(%arg15 : memref<!tpu.dma_semaphore, #tpu.memory_space<semaphore_mem>>) src(%dma_wait3A_231 : memref<80x128xf32, #tpu.memory_space<vmem>>) dst(%dma_wait3A_237 : memref<10000x128xf32, #tpu.memory_space<vmem_shared>>)
          } else {
          }
          %add3A_214 = arith.constant 2 : i32
          %add3A_215 = arith.addi %add3A_176, %add3A_214 : i32
          %dma_start3A_216 = arith.constant 1 : i32
          %dma_start3A_217 = arith.constant 0 : i32
          %dma_start3A_218 = arith.constant 0 : i32
          %dma_start3A_219 = tpu.memref_slice %arg9[%dma_start3A_216, %dma_start3A_217, %dma_start3A_218] : memref<4x80x128xf32, #tpu.memory_space<vmem>> -> memref<1x80x128xf32, #tpu.memory_space<vmem>>
          %dma_start3A_220 = tpu.memref_squeeze %dma_start3A_219 : memref<1x80x128xf32, #tpu.memory_space<vmem>> -> memref<80x128xf32, #tpu.memory_space<vmem>>
          %dma_start3A_221 = arith.constant 0 : i32
          %dma_start3A_222 = tpu.memref_slice %arg7[%add3A_215, %dma_start3A_221] : memref<32x80xi32, #tpu.memory_space<vmem>> -> memref<1x80xi32, #tpu.memory_space<vmem>>
          %dma_start3A_223 = tpu.memref_squeeze %dma_start3A_222 : memref<1x80xi32, #tpu.memory_space<vmem>> -> memref<80xi32, #tpu.memory_space<vmem>>
          %dma_start3A_224 = arith.constant 0 : i32
          %dma_start3A_225 = arith.constant 0 : i32
          %dma_start3A_226 = tpu.memref_slice %arg2[%dma_start3A_224, %dma_start3A_225] : memref<10000x128xf32, #tpu.memory_space<hbm>> -> memref<10000x128xf32, #tpu.memory_space<hbm>>
          tpu.enqueue_indirect_dma source(%dma_start3A_226 : memref<10000x128xf32, #tpu.memory_space<hbm>>) target(%dma_start3A_220 : memref<80x128xf32, #tpu.memory_space<vmem>>) offsets(%dma_start3A_223 : memref<80xi32, #tpu.memory_space<vmem>>) semaphore(%arg12 : memref<!tpu.dma_semaphore, #tpu.memory_space<semaphore_mem>>)
        } else {
        }
      } else {
      }
    }
    %scan3A_102 = arith.constant 8 : i32
    %scan3A_103 = arith.constant 0 : i32
    %scan3A_104 = arith.constant 0 : i32
    %scan3A_105 = arith.constant 4 : i32
    %scan3A_106 = arith.addi %scan3A_104, %scan3A_105 : i32
    %scan3A_107 = arith.constant 1 : i32
    scf.for %scan3A_148 = %scan3A_104 to %scan3A_106 step %scan3A_107  : i32 {
      %dma_wait3A = arith.constant 0 : i32
      %dma_wait3A_149 = arith.constant 0 : i32
      %dma_wait3A_150 = arith.constant 0 : i32
      %dma_wait3A_151 = arith.constant 0 : i32
      %dma_wait3A_152 = tpu.memref_slice %arg9[%dma_wait3A, %dma_wait3A_150, %dma_wait3A_151] : memref<4x80x128xf32, #tpu.memory_space<vmem>> -> memref<1x80x128xf32, #tpu.memory_space<vmem>>
      %dma_wait3A_153 = tpu.memref_squeeze %dma_wait3A_152 : memref<1x80x128xf32, #tpu.memory_space<vmem>> -> memref<80x128xf32, #tpu.memory_space<vmem>>
      %dma_wait3A_154 = arith.constant 0 : i32
      %dma_wait3A_155 = tpu.memref_slice %arg8[%dma_wait3A_149, %dma_wait3A_154] : memref<32x80xi32, #tpu.memory_space<vmem>> -> memref<1x80xi32, #tpu.memory_space<vmem>>
      %dma_wait3A_156 = tpu.memref_squeeze %dma_wait3A_155 : memref<1x80xi32, #tpu.memory_space<vmem>> -> memref<80xi32, #tpu.memory_space<vmem>>
      %dma_wait3A_157 = arith.constant 0 : i32
      %dma_wait3A_158 = arith.constant 0 : i32
      %dma_wait3A_159 = tpu.memref_slice %arg10[%dma_wait3A_157, %dma_wait3A_158] : memref<10000x128xf32, #tpu.memory_space<vmem_shared>> -> memref<10000x128xf32, #tpu.memory_space<vmem_shared>>
      tpu.wait_indirect_dma semaphore(%arg15 : memref<!tpu.dma_semaphore, #tpu.memory_space<semaphore_mem>>) src(%dma_wait3A_153 : memref<80x128xf32, #tpu.memory_space<vmem>>) dst(%dma_wait3A_159 : memref<10000x128xf32, #tpu.memory_space<vmem_shared>>)
    }
    %scan3A_108 = arith.constant 4 : i32
    "tpu.region"() ({
      %run_scoped3A = tpu.sem_alloc : memref<!tpu.dma_semaphore, #tpu.memory_space<semaphore_mem>>
      %dma_start3A_148 = arith.constant 0 : i32
      %dma_start3A_149 = arith.constant 0 : i32
      %dma_start3A_150 = tpu.memref_slice %arg7[%dma_start3A_148, %dma_start3A_149] : memref<32x80xi32, #tpu.memory_space<vmem>> -> memref<29x80xi32, #tpu.memory_space<vmem>>
      %dma_start3A_151 = arith.constant 96 : i32
      %dma_start3A_152 = arith.constant 0 : i32
      %dma_start3A_153 = tpu.memref_slice %arg3[%add3A, %dma_start3A_151, %dma_start3A_152] : memref<32x125x80xi32, #tpu.memory_space<hbm>> -> memref<1x29x80xi32, #tpu.memory_space<hbm>>
      %dma_start3A_154 = tpu.memref_squeeze %dma_start3A_153 : memref<1x29x80xi32, #tpu.memory_space<hbm>> -> memref<29x80xi32, #tpu.memory_space<hbm>>
      %dma_start3A_155 = arith.constant 0 : i32
      %dma_start3A_156 = arith.constant 0 : i32
      %dma_start3A_157 = tpu.memref_slice %arg7[%dma_start3A_155, %dma_start3A_156] : memref<32x80xi32, #tpu.memory_space<vmem>> -> memref<29x80xi32, #tpu.memory_space<vmem>>
      %dma_start3A_158 = arith.constant 96 : i32
      %dma_start3A_159 = arith.constant 0 : i32
      %dma_start3A_160 = tpu.memref_slice %arg3[%add3A, %dma_start3A_158, %dma_start3A_159] : memref<32x125x80xi32, #tpu.memory_space<hbm>> -> memref<1x29x80xi32, #tpu.memory_space<hbm>>
      %dma_start3A_161 = tpu.memref_squeeze %dma_start3A_160 : memref<1x29x80xi32, #tpu.memory_space<hbm>> -> memref<29x80xi32, #tpu.memory_space<hbm>>
      tpu.enqueue_dma source(%dma_start3A_161 : memref<29x80xi32, #tpu.memory_space<hbm>>) target(%dma_start3A_157 : memref<29x80xi32, #tpu.memory_space<vmem>>) target_semaphore(%run_scoped3A : memref<!tpu.dma_semaphore, #tpu.memory_space<semaphore_mem>>)
      %dma_wait3A = arith.constant 0 : i32
      %dma_wait3A_162 = arith.constant 0 : i32
      %dma_wait3A_163 = tpu.memref_slice %arg7[%dma_wait3A, %dma_wait3A_162] : memref<32x80xi32, #tpu.memory_space<vmem>> -> memref<29x80xi32, #tpu.memory_space<vmem>>
      %dma_wait3A_164 = arith.constant 96 : i32
      %dma_wait3A_165 = arith.constant 0 : i32
      %dma_wait3A_166 = tpu.memref_slice %arg3[%add3A, %dma_wait3A_164, %dma_wait3A_165] : memref<32x125x80xi32, #tpu.memory_space<hbm>> -> memref<1x29x80xi32, #tpu.memory_space<hbm>>
      %dma_wait3A_167 = tpu.memref_squeeze %dma_wait3A_166 : memref<1x29x80xi32, #tpu.memory_space<hbm>> -> memref<29x80xi32, #tpu.memory_space<hbm>>
      %dma_wait3A_168 = arith.constant 0 : i32
      %dma_wait3A_169 = arith.constant 0 : i32
      %dma_wait3A_170 = tpu.memref_slice %arg7[%dma_wait3A_168, %dma_wait3A_169] : memref<32x80xi32, #tpu.memory_space<vmem>> -> memref<29x80xi32, #tpu.memory_space<vmem>>
      %dma_wait3A_171 = arith.constant 96 : i32
      %dma_wait3A_172 = arith.constant 0 : i32
      %dma_wait3A_173 = tpu.memref_slice %arg3[%add3A, %dma_wait3A_171, %dma_wait3A_172] : memref<32x125x80xi32, #tpu.memory_space<hbm>> -> memref<1x29x80xi32, #tpu.memory_space<hbm>>
      %dma_wait3A_174 = tpu.memref_squeeze %dma_wait3A_173 : memref<1x29x80xi32, #tpu.memory_space<hbm>> -> memref<29x80xi32, #tpu.memory_space<hbm>>
      tpu.wait_dma2 semaphore(%run_scoped3A : memref<!tpu.dma_semaphore, #tpu.memory_space<semaphore_mem>>) src(%dma_wait3A_174 : memref<29x80xi32, #tpu.memory_space<hbm>>) dst(%dma_wait3A_170 : memref<29x80xi32, #tpu.memory_space<vmem>>)
      tpu.yield
    }) : () -> ()
    "tpu.region"() ({
      %run_scoped3A = tpu.sem_alloc : memref<!tpu.dma_semaphore, #tpu.memory_space<semaphore_mem>>
      %dma_start3A_148 = arith.constant 0 : i32
      %dma_start3A_149 = arith.constant 0 : i32
      %dma_start3A_150 = tpu.memref_slice %arg8[%dma_start3A_148, %dma_start3A_149] : memref<32x80xi32, #tpu.memory_space<vmem>> -> memref<29x80xi32, #tpu.memory_space<vmem>>
      %dma_start3A_151 = arith.constant 96 : i32
      %dma_start3A_152 = arith.constant 0 : i32
      %dma_start3A_153 = tpu.memref_slice %arg4[%add3A, %dma_start3A_151, %dma_start3A_152] : memref<32x125x80xi32, #tpu.memory_space<hbm>> -> memref<1x29x80xi32, #tpu.memory_space<hbm>>
      %dma_start3A_154 = tpu.memref_squeeze %dma_start3A_153 : memref<1x29x80xi32, #tpu.memory_space<hbm>> -> memref<29x80xi32, #tpu.memory_space<hbm>>
      %dma_start3A_155 = arith.constant 0 : i32
      %dma_start3A_156 = arith.constant 0 : i32
      %dma_start3A_157 = tpu.memref_slice %arg8[%dma_start3A_155, %dma_start3A_156] : memref<32x80xi32, #tpu.memory_space<vmem>> -> memref<29x80xi32, #tpu.memory_space<vmem>>
      %dma_start3A_158 = arith.constant 96 : i32
      %dma_start3A_159 = arith.constant 0 : i32
      %dma_start3A_160 = tpu.memref_slice %arg4[%add3A, %dma_start3A_158, %dma_start3A_159] : memref<32x125x80xi32, #tpu.memory_space<hbm>> -> memref<1x29x80xi32, #tpu.memory_space<hbm>>
      %dma_start3A_161 = tpu.memref_squeeze %dma_start3A_160 : memref<1x29x80xi32, #tpu.memory_space<hbm>> -> memref<29x80xi32, #tpu.memory_space<hbm>>
      tpu.enqueue_dma source(%dma_start3A_161 : memref<29x80xi32, #tpu.memory_space<hbm>>) target(%dma_start3A_157 : memref<29x80xi32, #tpu.memory_space<vmem>>) target_semaphore(%run_scoped3A : memref<!tpu.dma_semaphore, #tpu.memory_space<semaphore_mem>>)
      %dma_wait3A = arith.constant 0 : i32
      %dma_wait3A_162 = arith.constant 0 : i32
      %dma_wait3A_163 = tpu.memref_slice %arg8[%dma_wait3A, %dma_wait3A_162] : memref<32x80xi32, #tpu.memory_space<vmem>> -> memref<29x80xi32, #tpu.memory_space<vmem>>
      %dma_wait3A_164 = arith.constant 96 : i32
      %dma_wait3A_165 = arith.constant 0 : i32
      %dma_wait3A_166 = tpu.memref_slice %arg4[%add3A, %dma_wait3A_164, %dma_wait3A_165] : memref<32x125x80xi32, #tpu.memory_space<hbm>> -> memref<1x29x80xi32, #tpu.memory_space<hbm>>
      %dma_wait3A_167 = tpu.memref_squeeze %dma_wait3A_166 : memref<1x29x80xi32, #tpu.memory_space<hbm>> -> memref<29x80xi32, #tpu.memory_space<hbm>>
      %dma_wait3A_168 = arith.constant 0 : i32
      %dma_wait3A_169 = arith.constant 0 : i32
      %dma_wait3A_170 = tpu.memref_slice %arg8[%dma_wait3A_168, %dma_wait3A_169] : memref<32x80xi32, #tpu.memory_space<vmem>> -> memref<29x80xi32, #tpu.memory_space<vmem>>
      %dma_wait3A_171 = arith.constant 96 : i32
      %dma_wait3A_172 = arith.constant 0 : i32
      %dma_wait3A_173 = tpu.memref_slice %arg4[%add3A, %dma_wait3A_171, %dma_wait3A_172] : memref<32x125x80xi32, #tpu.memory_space<hbm>> -> memref<1x29x80xi32, #tpu.memory_space<hbm>>
      %dma_wait3A_174 = tpu.memref_squeeze %dma_wait3A_173 : memref<1x29x80xi32, #tpu.memory_space<hbm>> -> memref<29x80xi32, #tpu.memory_space<hbm>>
      tpu.wait_dma2 semaphore(%run_scoped3A : memref<!tpu.dma_semaphore, #tpu.memory_space<semaphore_mem>>) src(%dma_wait3A_174 : memref<29x80xi32, #tpu.memory_space<hbm>>) dst(%dma_wait3A_170 : memref<29x80xi32, #tpu.memory_space<vmem>>)
      tpu.yield
    }) : () -> ()
    %dma_start3A_109 = arith.constant 0 : i32
    %dma_start3A_110 = arith.constant 0 : i32
    %dma_start3A_111 = arith.constant 0 : i32
    %dma_start3A_112 = arith.constant 0 : i32
    %dma_start3A_113 = tpu.memref_slice %arg9[%dma_start3A_110, %dma_start3A_111, %dma_start3A_112] : memref<4x80x128xf32, #tpu.memory_space<vmem>> -> memref<1x80x128xf32, #tpu.memory_space<vmem>>
    %dma_start3A_114 = tpu.memref_squeeze %dma_start3A_113 : memref<1x80x128xf32, #tpu.memory_space<vmem>> -> memref<80x128xf32, #tpu.memory_space<vmem>>
    %dma_start3A_115 = arith.constant 0 : i32
    %dma_start3A_116 = tpu.memref_slice %arg7[%dma_start3A_109, %dma_start3A_115] : memref<32x80xi32, #tpu.memory_space<vmem>> -> memref<1x80xi32, #tpu.memory_space<vmem>>
    %dma_start3A_117 = tpu.memref_squeeze %dma_start3A_116 : memref<1x80xi32, #tpu.memory_space<vmem>> -> memref<80xi32, #tpu.memory_space<vmem>>
    %dma_start3A_118 = arith.constant 0 : i32
    %dma_start3A_119 = arith.constant 0 : i32
    %dma_start3A_120 = tpu.memref_slice %arg2[%dma_start3A_118, %dma_start3A_119] : memref<10000x128xf32, #tpu.memory_space<hbm>> -> memref<10000x128xf32, #tpu.memory_space<hbm>>
    tpu.enqueue_indirect_dma source(%dma_start3A_120 : memref<10000x128xf32, #tpu.memory_space<hbm>>) target(%dma_start3A_114 : memref<80x128xf32, #tpu.memory_space<vmem>>) offsets(%dma_start3A_117 : memref<80xi32, #tpu.memory_space<vmem>>) semaphore(%arg11 : memref<!tpu.dma_semaphore, #tpu.memory_space<semaphore_mem>>)
    %dma_start3A_121 = arith.constant 1 : i32
    %dma_start3A_122 = arith.constant 1 : i32
    %dma_start3A_123 = arith.constant 0 : i32
    %dma_start3A_124 = arith.constant 0 : i32
    %dma_start3A_125 = tpu.memref_slice %arg9[%dma_start3A_122, %dma_start3A_123, %dma_start3A_124] : memref<4x80x128xf32, #tpu.memory_space<vmem>> -> memref<1x80x128xf32, #tpu.memory_space<vmem>>
    %dma_start3A_126 = tpu.memref_squeeze %dma_start3A_125 : memref<1x80x128xf32, #tpu.memory_space<vmem>> -> memref<80x128xf32, #tpu.memory_space<vmem>>
    %dma_start3A_127 = arith.constant 0 : i32
    %dma_start3A_128 = tpu.memref_slice %arg7[%dma_start3A_121, %dma_start3A_127] : memref<32x80xi32, #tpu.memory_space<vmem>> -> memref<1x80xi32, #tpu.memory_space<vmem>>
    %dma_start3A_129 = tpu.memref_squeeze %dma_start3A_128 : memref<1x80xi32, #tpu.memory_space<vmem>> -> memref<80xi32, #tpu.memory_space<vmem>>
    %dma_start3A_130 = arith.constant 0 : i32
    %dma_start3A_131 = arith.constant 0 : i32
    %dma_start3A_132 = tpu.memref_slice %arg2[%dma_start3A_130, %dma_start3A_131] : memref<10000x128xf32, #tpu.memory_space<hbm>> -> memref<10000x128xf32, #tpu.memory_space<hbm>>
    tpu.enqueue_indirect_dma source(%dma_start3A_132 : memref<10000x128xf32, #tpu.memory_space<hbm>>) target(%dma_start3A_126 : memref<80x128xf32, #tpu.memory_space<vmem>>) offsets(%dma_start3A_129 : memref<80xi32, #tpu.memory_space<vmem>>) semaphore(%arg12 : memref<!tpu.dma_semaphore, #tpu.memory_space<semaphore_mem>>)
    %scan3A_133 = arith.constant 0 : i32
    %scan3A_134 = arith.constant 0 : i32
    %scan3A_135 = arith.constant 8 : i32
    %scan3A_136 = arith.addi %scan3A_134, %scan3A_135 : i32
    %scan3A_137 = arith.constant 1 : i32
    scf.for %scan3A_148 = %scan3A_134 to %scan3A_136 step %scan3A_137  : i32 {
      %mul3A_149 = arith.constant 4 : i32
      %mul3A_150 = arith.muli %scan3A_148, %mul3A_149 : i32
      %add3A_151 = arith.constant 0 : i32
      %add3A_152 = arith.addi %mul3A_150, %add3A_151 : i32
      %lt3A = arith.constant 29 : i32
      %lt3A_153 = arith.cmpi slt, %add3A_152, %lt3A : i32
      %convert_element_type3A = arith.extui %lt3A_153 : i1 to i32
      %cond3A = arith.constant 0 : i32
      %cond3A_154 = arith.cmpi ne, %convert_element_type3A, %cond3A : i32
      scf.if %cond3A_154 {
        %dma_wait3A = arith.constant 0 : i32
        %dma_wait3A_182 = arith.constant 0 : i32
        %dma_wait3A_183 = arith.constant 0 : i32
        %dma_wait3A_184 = tpu.memref_slice %arg9[%dma_wait3A, %dma_wait3A_182, %dma_wait3A_183] : memref<4x80x128xf32, #tpu.memory_space<vmem>> -> memref<1x80x128xf32, #tpu.memory_space<vmem>>
        %dma_wait3A_185 = tpu.memref_squeeze %dma_wait3A_184 : memref<1x80x128xf32, #tpu.memory_space<vmem>> -> memref<80x128xf32, #tpu.memory_space<vmem>>
        %dma_wait3A_186 = arith.constant 0 : i32
        %dma_wait3A_187 = tpu.memref_slice %arg7[%add3A_152, %dma_wait3A_186] : memref<32x80xi32, #tpu.memory_space<vmem>> -> memref<1x80xi32, #tpu.memory_space<vmem>>
        %dma_wait3A_188 = tpu.memref_squeeze %dma_wait3A_187 : memref<1x80xi32, #tpu.memory_space<vmem>> -> memref<80xi32, #tpu.memory_space<vmem>>
        %dma_wait3A_189 = arith.constant 0 : i32
        %dma_wait3A_190 = arith.constant 0 : i32
        %dma_wait3A_191 = tpu.memref_slice %arg2[%dma_wait3A_189, %dma_wait3A_190] : memref<10000x128xf32, #tpu.memory_space<hbm>> -> memref<10000x128xf32, #tpu.memory_space<hbm>>
        tpu.wait_indirect_dma semaphore(%arg11 : memref<!tpu.dma_semaphore, #tpu.memory_space<semaphore_mem>>) src(%dma_wait3A_191 : memref<10000x128xf32, #tpu.memory_space<hbm>>) dst(%dma_wait3A_185 : memref<80x128xf32, #tpu.memory_space<vmem>>)
        %dma_start3A_192 = arith.constant 0 : i32
        %dma_start3A_193 = arith.constant 0 : i32
        %dma_start3A_194 = arith.constant 0 : i32
        %dma_start3A_195 = tpu.memref_slice %arg9[%dma_start3A_192, %dma_start3A_193, %dma_start3A_194] : memref<4x80x128xf32, #tpu.memory_space<vmem>> -> memref<1x80x128xf32, #tpu.memory_space<vmem>>
        %dma_start3A_196 = tpu.memref_squeeze %dma_start3A_195 : memref<1x80x128xf32, #tpu.memory_space<vmem>> -> memref<80x128xf32, #tpu.memory_space<vmem>>
        %dma_start3A_197 = arith.constant 0 : i32
        %dma_start3A_198 = tpu.memref_slice %arg8[%add3A_152, %dma_start3A_197] : memref<32x80xi32, #tpu.memory_space<vmem>> -> memref<1x80xi32, #tpu.memory_space<vmem>>
        %dma_start3A_199 = tpu.memref_squeeze %dma_start3A_198 : memref<1x80xi32, #tpu.memory_space<vmem>> -> memref<80xi32, #tpu.memory_space<vmem>>
        %dma_start3A_200 = arith.constant 0 : i32
        %dma_start3A_201 = arith.constant 0 : i32
        %dma_start3A_202 = tpu.memref_slice %arg10[%dma_start3A_200, %dma_start3A_201] : memref<10000x128xf32, #tpu.memory_space<vmem_shared>> -> memref<10000x128xf32, #tpu.memory_space<vmem_shared>>
        tpu.enqueue_indirect_dma source(%dma_start3A_196 : memref<80x128xf32, #tpu.memory_space<vmem>>) target(%dma_start3A_202 : memref<10000x128xf32, #tpu.memory_space<vmem_shared>>) offsets(%dma_start3A_199 : memref<80xi32, #tpu.memory_space<vmem>>) semaphore(%arg15 : memref<!tpu.dma_semaphore, #tpu.memory_space<semaphore_mem>>) {add = true}
        %add3A_203 = arith.constant 2 : i32
        %add3A_204 = arith.addi %add3A_152, %add3A_203 : i32
        %lt3A_205 = arith.constant 29 : i32
        %lt3A_206 = arith.cmpi slt, %add3A_204, %lt3A_205 : i32
        %convert_element_type3A_207 = arith.extui %lt3A_206 : i1 to i32
        %cond3A_208 = arith.constant 0 : i32
        %cond3A_209 = arith.cmpi ne, %convert_element_type3A_207, %cond3A_208 : i32
        scf.if %cond3A_209 {
          %ge3A = arith.constant 2 : i32
          %ge3A_210 = arith.cmpi sge, %add3A_152, %ge3A : i32
          %convert_element_type3A_211 = arith.extui %ge3A_210 : i1 to i32
          %cond3A_212 = arith.constant 0 : i32
          %cond3A_213 = arith.cmpi ne, %convert_element_type3A_211, %cond3A_212 : i32
          scf.if %cond3A_213 {
            %dma_wait3A_227 = arith.constant 2 : i32
            %dma_wait3A_228 = arith.constant 0 : i32
            %dma_wait3A_229 = arith.constant 0 : i32
            %dma_wait3A_230 = tpu.memref_slice %arg9[%dma_wait3A_227, %dma_wait3A_228, %dma_wait3A_229] : memref<4x80x128xf32, #tpu.memory_space<vmem>> -> memref<1x80x128xf32, #tpu.memory_space<vmem>>
            %dma_wait3A_231 = tpu.memref_squeeze %dma_wait3A_230 : memref<1x80x128xf32, #tpu.memory_space<vmem>> -> memref<80x128xf32, #tpu.memory_space<vmem>>
            %dma_wait3A_232 = arith.constant 0 : i32
            %dma_wait3A_233 = tpu.memref_slice %arg8[%add3A_152, %dma_wait3A_232] : memref<32x80xi32, #tpu.memory_space<vmem>> -> memref<1x80xi32, #tpu.memory_space<vmem>>
            %dma_wait3A_234 = tpu.memref_squeeze %dma_wait3A_233 : memref<1x80xi32, #tpu.memory_space<vmem>> -> memref<80xi32, #tpu.memory_space<vmem>>
            %dma_wait3A_235 = arith.constant 0 : i32
            %dma_wait3A_236 = arith.constant 0 : i32
            %dma_wait3A_237 = tpu.memref_slice %arg10[%dma_wait3A_235, %dma_wait3A_236] : memref<10000x128xf32, #tpu.memory_space<vmem_shared>> -> memref<10000x128xf32, #tpu.memory_space<vmem_shared>>
            tpu.wait_indirect_dma semaphore(%arg15 : memref<!tpu.dma_semaphore, #tpu.memory_space<semaphore_mem>>) src(%dma_wait3A_231 : memref<80x128xf32, #tpu.memory_space<vmem>>) dst(%dma_wait3A_237 : memref<10000x128xf32, #tpu.memory_space<vmem_shared>>)
          } else {
          }
          %add3A_214 = arith.constant 2 : i32
          %add3A_215 = arith.addi %add3A_152, %add3A_214 : i32
          %dma_start3A_216 = arith.constant 2 : i32
          %dma_start3A_217 = arith.constant 0 : i32
          %dma_start3A_218 = arith.constant 0 : i32
          %dma_start3A_219 = tpu.memref_slice %arg9[%dma_start3A_216, %dma_start3A_217, %dma_start3A_218] : memref<4x80x128xf32, #tpu.memory_space<vmem>> -> memref<1x80x128xf32, #tpu.memory_space<vmem>>
          %dma_start3A_220 = tpu.memref_squeeze %dma_start3A_219 : memref<1x80x128xf32, #tpu.memory_space<vmem>> -> memref<80x128xf32, #tpu.memory_space<vmem>>
          %dma_start3A_221 = arith.constant 0 : i32
          %dma_start3A_222 = tpu.memref_slice %arg7[%add3A_215, %dma_start3A_221] : memref<32x80xi32, #tpu.memory_space<vmem>> -> memref<1x80xi32, #tpu.memory_space<vmem>>
          %dma_start3A_223 = tpu.memref_squeeze %dma_start3A_222 : memref<1x80xi32, #tpu.memory_space<vmem>> -> memref<80xi32, #tpu.memory_space<vmem>>
          %dma_start3A_224 = arith.constant 0 : i32
          %dma_start3A_225 = arith.constant 0 : i32
          %dma_start3A_226 = tpu.memref_slice %arg2[%dma_start3A_224, %dma_start3A_225] : memref<10000x128xf32, #tpu.memory_space<hbm>> -> memref<10000x128xf32, #tpu.memory_space<hbm>>
          tpu.enqueue_indirect_dma source(%dma_start3A_226 : memref<10000x128xf32, #tpu.memory_space<hbm>>) target(%dma_start3A_220 : memref<80x128xf32, #tpu.memory_space<vmem>>) offsets(%dma_start3A_223 : memref<80xi32, #tpu.memory_space<vmem>>) semaphore(%arg13 : memref<!tpu.dma_semaphore, #tpu.memory_space<semaphore_mem>>)
        } else {
        }
      } else {
      }
      %mul3A_155 = arith.constant 4 : i32
      %mul3A_156 = arith.muli %scan3A_148, %mul3A_155 : i32
      %add3A_157 = arith.constant 1 : i32
      %add3A_158 = arith.addi %mul3A_156, %add3A_157 : i32
      %lt3A_159 = arith.constant 29 : i32
      %lt3A_160 = arith.cmpi slt, %add3A_158, %lt3A_159 : i32
      %convert_element_type3A_161 = arith.extui %lt3A_160 : i1 to i32
      %cond3A_162 = arith.constant 0 : i32
      %cond3A_163 = arith.cmpi ne, %convert_element_type3A_161, %cond3A_162 : i32
      scf.if %cond3A_163 {
        %dma_wait3A = arith.constant 1 : i32
        %dma_wait3A_182 = arith.constant 0 : i32
        %dma_wait3A_183 = arith.constant 0 : i32
        %dma_wait3A_184 = tpu.memref_slice %arg9[%dma_wait3A, %dma_wait3A_182, %dma_wait3A_183] : memref<4x80x128xf32, #tpu.memory_space<vmem>> -> memref<1x80x128xf32, #tpu.memory_space<vmem>>
        %dma_wait3A_185 = tpu.memref_squeeze %dma_wait3A_184 : memref<1x80x128xf32, #tpu.memory_space<vmem>> -> memref<80x128xf32, #tpu.memory_space<vmem>>
        %dma_wait3A_186 = arith.constant 0 : i32
        %dma_wait3A_187 = tpu.memref_slice %arg7[%add3A_158, %dma_wait3A_186] : memref<32x80xi32, #tpu.memory_space<vmem>> -> memref<1x80xi32, #tpu.memory_space<vmem>>
        %dma_wait3A_188 = tpu.memref_squeeze %dma_wait3A_187 : memref<1x80xi32, #tpu.memory_space<vmem>> -> memref<80xi32, #tpu.memory_space<vmem>>
        %dma_wait3A_189 = arith.constant 0 : i32
        %dma_wait3A_190 = arith.constant 0 : i32
        %dma_wait3A_191 = tpu.memref_slice %arg2[%dma_wait3A_189, %dma_wait3A_190] : memref<10000x128xf32, #tpu.memory_space<hbm>> -> memref<10000x128xf32, #tpu.memory_space<hbm>>
        tpu.wait_indirect_dma semaphore(%arg12 : memref<!tpu.dma_semaphore, #tpu.memory_space<semaphore_mem>>) src(%dma_wait3A_191 : memref<10000x128xf32, #tpu.memory_space<hbm>>) dst(%dma_wait3A_185 : memref<80x128xf32, #tpu.memory_space<vmem>>)
        %dma_start3A_192 = arith.constant 1 : i32
        %dma_start3A_193 = arith.constant 0 : i32
        %dma_start3A_194 = arith.constant 0 : i32
        %dma_start3A_195 = tpu.memref_slice %arg9[%dma_start3A_192, %dma_start3A_193, %dma_start3A_194] : memref<4x80x128xf32, #tpu.memory_space<vmem>> -> memref<1x80x128xf32, #tpu.memory_space<vmem>>
        %dma_start3A_196 = tpu.memref_squeeze %dma_start3A_195 : memref<1x80x128xf32, #tpu.memory_space<vmem>> -> memref<80x128xf32, #tpu.memory_space<vmem>>
        %dma_start3A_197 = arith.constant 0 : i32
        %dma_start3A_198 = tpu.memref_slice %arg8[%add3A_158, %dma_start3A_197] : memref<32x80xi32, #tpu.memory_space<vmem>> -> memref<1x80xi32, #tpu.memory_space<vmem>>
        %dma_start3A_199 = tpu.memref_squeeze %dma_start3A_198 : memref<1x80xi32, #tpu.memory_space<vmem>> -> memref<80xi32, #tpu.memory_space<vmem>>
        %dma_start3A_200 = arith.constant 0 : i32
        %dma_start3A_201 = arith.constant 0 : i32
        %dma_start3A_202 = tpu.memref_slice %arg10[%dma_start3A_200, %dma_start3A_201] : memref<10000x128xf32, #tpu.memory_space<vmem_shared>> -> memref<10000x128xf32, #tpu.memory_space<vmem_shared>>
        tpu.enqueue_indirect_dma source(%dma_start3A_196 : memref<80x128xf32, #tpu.memory_space<vmem>>) target(%dma_start3A_202 : memref<10000x128xf32, #tpu.memory_space<vmem_shared>>) offsets(%dma_start3A_199 : memref<80xi32, #tpu.memory_space<vmem>>) semaphore(%arg15 : memref<!tpu.dma_semaphore, #tpu.memory_space<semaphore_mem>>) {add = true}
        %add3A_203 = arith.constant 2 : i32
        %add3A_204 = arith.addi %add3A_158, %add3A_203 : i32
        %lt3A_205 = arith.constant 29 : i32
        %lt3A_206 = arith.cmpi slt, %add3A_204, %lt3A_205 : i32
        %convert_element_type3A_207 = arith.extui %lt3A_206 : i1 to i32
        %cond3A_208 = arith.constant 0 : i32
        %cond3A_209 = arith.cmpi ne, %convert_element_type3A_207, %cond3A_208 : i32
        scf.if %cond3A_209 {
          %ge3A = arith.constant 2 : i32
          %ge3A_210 = arith.cmpi sge, %add3A_158, %ge3A : i32
          %convert_element_type3A_211 = arith.extui %ge3A_210 : i1 to i32
          %cond3A_212 = arith.constant 0 : i32
          %cond3A_213 = arith.cmpi ne, %convert_element_type3A_211, %cond3A_212 : i32
          scf.if %cond3A_213 {
            %dma_wait3A_227 = arith.constant 3 : i32
            %dma_wait3A_228 = arith.constant 0 : i32
            %dma_wait3A_229 = arith.constant 0 : i32
            %dma_wait3A_230 = tpu.memref_slice %arg9[%dma_wait3A_227, %dma_wait3A_228, %dma_wait3A_229] : memref<4x80x128xf32, #tpu.memory_space<vmem>> -> memref<1x80x128xf32, #tpu.memory_space<vmem>>
            %dma_wait3A_231 = tpu.memref_squeeze %dma_wait3A_230 : memref<1x80x128xf32, #tpu.memory_space<vmem>> -> memref<80x128xf32, #tpu.memory_space<vmem>>
            %dma_wait3A_232 = arith.constant 0 : i32
            %dma_wait3A_233 = tpu.memref_slice %arg8[%add3A_158, %dma_wait3A_232] : memref<32x80xi32, #tpu.memory_space<vmem>> -> memref<1x80xi32, #tpu.memory_space<vmem>>
            %dma_wait3A_234 = tpu.memref_squeeze %dma_wait3A_233 : memref<1x80xi32, #tpu.memory_space<vmem>> -> memref<80xi32, #tpu.memory_space<vmem>>
            %dma_wait3A_235 = arith.constant 0 : i32
            %dma_wait3A_236 = arith.constant 0 : i32
            %dma_wait3A_237 = tpu.memref_slice %arg10[%dma_wait3A_235, %dma_wait3A_236] : memref<10000x128xf32, #tpu.memory_space<vmem_shared>> -> memref<10000x128xf32, #tpu.memory_space<vmem_shared>>
            tpu.wait_indirect_dma semaphore(%arg15 : memref<!tpu.dma_semaphore, #tpu.memory_space<semaphore_mem>>) src(%dma_wait3A_231 : memref<80x128xf32, #tpu.memory_space<vmem>>) dst(%dma_wait3A_237 : memref<10000x128xf32, #tpu.memory_space<vmem_shared>>)
          } else {
          }
          %add3A_214 = arith.constant 2 : i32
          %add3A_215 = arith.addi %add3A_158, %add3A_214 : i32
          %dma_start3A_216 = arith.constant 3 : i32
          %dma_start3A_217 = arith.constant 0 : i32
          %dma_start3A_218 = arith.constant 0 : i32
          %dma_start3A_219 = tpu.memref_slice %arg9[%dma_start3A_216, %dma_start3A_217, %dma_start3A_218] : memref<4x80x128xf32, #tpu.memory_space<vmem>> -> memref<1x80x128xf32, #tpu.memory_space<vmem>>
          %dma_start3A_220 = tpu.memref_squeeze %dma_start3A_219 : memref<1x80x128xf32, #tpu.memory_space<vmem>> -> memref<80x128xf32, #tpu.memory_space<vmem>>
          %dma_start3A_221 = arith.constant 0 : i32
          %dma_start3A_222 = tpu.memref_slice %arg7[%add3A_215, %dma_start3A_221] : memref<32x80xi32, #tpu.memory_space<vmem>> -> memref<1x80xi32, #tpu.memory_space<vmem>>
          %dma_start3A_223 = tpu.memref_squeeze %dma_start3A_222 : memref<1x80xi32, #tpu.memory_space<vmem>> -> memref<80xi32, #tpu.memory_space<vmem>>
          %dma_start3A_224 = arith.constant 0 : i32
          %dma_start3A_225 = arith.constant 0 : i32
          %dma_start3A_226 = tpu.memref_slice %arg2[%dma_start3A_224, %dma_start3A_225] : memref<10000x128xf32, #tpu.memory_space<hbm>> -> memref<10000x128xf32, #tpu.memory_space<hbm>>
          tpu.enqueue_indirect_dma source(%dma_start3A_226 : memref<10000x128xf32, #tpu.memory_space<hbm>>) target(%dma_start3A_220 : memref<80x128xf32, #tpu.memory_space<vmem>>) offsets(%dma_start3A_223 : memref<80xi32, #tpu.memory_space<vmem>>) semaphore(%arg14 : memref<!tpu.dma_semaphore, #tpu.memory_space<semaphore_mem>>)
        } else {
        }
      } else {
      }
      %mul3A_164 = arith.constant 4 : i32
      %mul3A_165 = arith.muli %scan3A_148, %mul3A_164 : i32
      %add3A_166 = arith.constant 2 : i32
      %add3A_167 = arith.addi %mul3A_165, %add3A_166 : i32
      %lt3A_168 = arith.constant 29 : i32
      %lt3A_169 = arith.cmpi slt, %add3A_167, %lt3A_168 : i32
      %convert_element_type3A_170 = arith.extui %lt3A_169 : i1 to i32
      %cond3A_171 = arith.constant 0 : i32
      %cond3A_172 = arith.cmpi ne, %convert_element_type3A_170, %cond3A_171 : i32
      scf.if %cond3A_172 {
        %dma_wait3A = arith.constant 2 : i32
        %dma_wait3A_182 = arith.constant 0 : i32
        %dma_wait3A_183 = arith.constant 0 : i32
        %dma_wait3A_184 = tpu.memref_slice %arg9[%dma_wait3A, %dma_wait3A_182, %dma_wait3A_183] : memref<4x80x128xf32, #tpu.memory_space<vmem>> -> memref<1x80x128xf32, #tpu.memory_space<vmem>>
        %dma_wait3A_185 = tpu.memref_squeeze %dma_wait3A_184 : memref<1x80x128xf32, #tpu.memory_space<vmem>> -> memref<80x128xf32, #tpu.memory_space<vmem>>
        %dma_wait3A_186 = arith.constant 0 : i32
        %dma_wait3A_187 = tpu.memref_slice %arg7[%add3A_167, %dma_wait3A_186] : memref<32x80xi32, #tpu.memory_space<vmem>> -> memref<1x80xi32, #tpu.memory_space<vmem>>
        %dma_wait3A_188 = tpu.memref_squeeze %dma_wait3A_187 : memref<1x80xi32, #tpu.memory_space<vmem>> -> memref<80xi32, #tpu.memory_space<vmem>>
        %dma_wait3A_189 = arith.constant 0 : i32
        %dma_wait3A_190 = arith.constant 0 : i32
        %dma_wait3A_191 = tpu.memref_slice %arg2[%dma_wait3A_189, %dma_wait3A_190] : memref<10000x128xf32, #tpu.memory_space<hbm>> -> memref<10000x128xf32, #tpu.memory_space<hbm>>
        tpu.wait_indirect_dma semaphore(%arg13 : memref<!tpu.dma_semaphore, #tpu.memory_space<semaphore_mem>>) src(%dma_wait3A_191 : memref<10000x128xf32, #tpu.memory_space<hbm>>) dst(%dma_wait3A_185 : memref<80x128xf32, #tpu.memory_space<vmem>>)
        %dma_start3A_192 = arith.constant 2 : i32
        %dma_start3A_193 = arith.constant 0 : i32
        %dma_start3A_194 = arith.constant 0 : i32
        %dma_start3A_195 = tpu.memref_slice %arg9[%dma_start3A_192, %dma_start3A_193, %dma_start3A_194] : memref<4x80x128xf32, #tpu.memory_space<vmem>> -> memref<1x80x128xf32, #tpu.memory_space<vmem>>
        %dma_start3A_196 = tpu.memref_squeeze %dma_start3A_195 : memref<1x80x128xf32, #tpu.memory_space<vmem>> -> memref<80x128xf32, #tpu.memory_space<vmem>>
        %dma_start3A_197 = arith.constant 0 : i32
        %dma_start3A_198 = tpu.memref_slice %arg8[%add3A_167, %dma_start3A_197] : memref<32x80xi32, #tpu.memory_space<vmem>> -> memref<1x80xi32, #tpu.memory_space<vmem>>
        %dma_start3A_199 = tpu.memref_squeeze %dma_start3A_198 : memref<1x80xi32, #tpu.memory_space<vmem>> -> memref<80xi32, #tpu.memory_space<vmem>>
        %dma_start3A_200 = arith.constant 0 : i32
        %dma_start3A_201 = arith.constant 0 : i32
        %dma_start3A_202 = tpu.memref_slice %arg10[%dma_start3A_200, %dma_start3A_201] : memref<10000x128xf32, #tpu.memory_space<vmem_shared>> -> memref<10000x128xf32, #tpu.memory_space<vmem_shared>>
        tpu.enqueue_indirect_dma source(%dma_start3A_196 : memref<80x128xf32, #tpu.memory_space<vmem>>) target(%dma_start3A_202 : memref<10000x128xf32, #tpu.memory_space<vmem_shared>>) offsets(%dma_start3A_199 : memref<80xi32, #tpu.memory_space<vmem>>) semaphore(%arg15 : memref<!tpu.dma_semaphore, #tpu.memory_space<semaphore_mem>>) {add = true}
        %add3A_203 = arith.constant 2 : i32
        %add3A_204 = arith.addi %add3A_167, %add3A_203 : i32
        %lt3A_205 = arith.constant 29 : i32
        %lt3A_206 = arith.cmpi slt, %add3A_204, %lt3A_205 : i32
        %convert_element_type3A_207 = arith.extui %lt3A_206 : i1 to i32
        %cond3A_208 = arith.constant 0 : i32
        %cond3A_209 = arith.cmpi ne, %convert_element_type3A_207, %cond3A_208 : i32
        scf.if %cond3A_209 {
          %ge3A = arith.constant 2 : i32
          %ge3A_210 = arith.cmpi sge, %add3A_167, %ge3A : i32
          %convert_element_type3A_211 = arith.extui %ge3A_210 : i1 to i32
          %cond3A_212 = arith.constant 0 : i32
          %cond3A_213 = arith.cmpi ne, %convert_element_type3A_211, %cond3A_212 : i32
          scf.if %cond3A_213 {
            %dma_wait3A_227 = arith.constant 0 : i32
            %dma_wait3A_228 = arith.constant 0 : i32
            %dma_wait3A_229 = arith.constant 0 : i32
            %dma_wait3A_230 = tpu.memref_slice %arg9[%dma_wait3A_227, %dma_wait3A_228, %dma_wait3A_229] : memref<4x80x128xf32, #tpu.memory_space<vmem>> -> memref<1x80x128xf32, #tpu.memory_space<vmem>>
            %dma_wait3A_231 = tpu.memref_squeeze %dma_wait3A_230 : memref<1x80x128xf32, #tpu.memory_space<vmem>> -> memref<80x128xf32, #tpu.memory_space<vmem>>
            %dma_wait3A_232 = arith.constant 0 : i32
            %dma_wait3A_233 = tpu.memref_slice %arg8[%add3A_167, %dma_wait3A_232] : memref<32x80xi32, #tpu.memory_space<vmem>> -> memref<1x80xi32, #tpu.memory_space<vmem>>
            %dma_wait3A_234 = tpu.memref_squeeze %dma_wait3A_233 : memref<1x80xi32, #tpu.memory_space<vmem>> -> memref<80xi32, #tpu.memory_space<vmem>>
            %dma_wait3A_235 = arith.constant 0 : i32
            %dma_wait3A_236 = arith.constant 0 : i32
            %dma_wait3A_237 = tpu.memref_slice %arg10[%dma_wait3A_235, %dma_wait3A_236] : memref<10000x128xf32, #tpu.memory_space<vmem_shared>> -> memref<10000x128xf32, #tpu.memory_space<vmem_shared>>
            tpu.wait_indirect_dma semaphore(%arg15 : memref<!tpu.dma_semaphore, #tpu.memory_space<semaphore_mem>>) src(%dma_wait3A_231 : memref<80x128xf32, #tpu.memory_space<vmem>>) dst(%dma_wait3A_237 : memref<10000x128xf32, #tpu.memory_space<vmem_shared>>)
          } else {
          }
          %add3A_214 = arith.constant 2 : i32
          %add3A_215 = arith.addi %add3A_167, %add3A_214 : i32
          %dma_start3A_216 = arith.constant 0 : i32
          %dma_start3A_217 = arith.constant 0 : i32
          %dma_start3A_218 = arith.constant 0 : i32
          %dma_start3A_219 = tpu.memref_slice %arg9[%dma_start3A_216, %dma_start3A_217, %dma_start3A_218] : memref<4x80x128xf32, #tpu.memory_space<vmem>> -> memref<1x80x128xf32, #tpu.memory_space<vmem>>
          %dma_start3A_220 = tpu.memref_squeeze %dma_start3A_219 : memref<1x80x128xf32, #tpu.memory_space<vmem>> -> memref<80x128xf32, #tpu.memory_space<vmem>>
          %dma_start3A_221 = arith.constant 0 : i32
          %dma_start3A_222 = tpu.memref_slice %arg7[%add3A_215, %dma_start3A_221] : memref<32x80xi32, #tpu.memory_space<vmem>> -> memref<1x80xi32, #tpu.memory_space<vmem>>
          %dma_start3A_223 = tpu.memref_squeeze %dma_start3A_222 : memref<1x80xi32, #tpu.memory_space<vmem>> -> memref<80xi32, #tpu.memory_space<vmem>>
          %dma_start3A_224 = arith.constant 0 : i32
          %dma_start3A_225 = arith.constant 0 : i32
          %dma_start3A_226 = tpu.memref_slice %arg2[%dma_start3A_224, %dma_start3A_225] : memref<10000x128xf32, #tpu.memory_space<hbm>> -> memref<10000x128xf32, #tpu.memory_space<hbm>>
          tpu.enqueue_indirect_dma source(%dma_start3A_226 : memref<10000x128xf32, #tpu.memory_space<hbm>>) target(%dma_start3A_220 : memref<80x128xf32, #tpu.memory_space<vmem>>) offsets(%dma_start3A_223 : memref<80xi32, #tpu.memory_space<vmem>>) semaphore(%arg11 : memref<!tpu.dma_semaphore, #tpu.memory_space<semaphore_mem>>)
        } else {
        }
      } else {
      }
      %mul3A_173 = arith.constant 4 : i32
      %mul3A_174 = arith.muli %scan3A_148, %mul3A_173 : i32
      %add3A_175 = arith.constant 3 : i32
      %add3A_176 = arith.addi %mul3A_174, %add3A_175 : i32
      %lt3A_177 = arith.constant 29 : i32
      %lt3A_178 = arith.cmpi slt, %add3A_176, %lt3A_177 : i32
      %convert_element_type3A_179 = arith.extui %lt3A_178 : i1 to i32
      %cond3A_180 = arith.constant 0 : i32
      %cond3A_181 = arith.cmpi ne, %convert_element_type3A_179, %cond3A_180 : i32
      scf.if %cond3A_181 {
        %dma_wait3A = arith.constant 3 : i32
        %dma_wait3A_182 = arith.constant 0 : i32
        %dma_wait3A_183 = arith.constant 0 : i32
        %dma_wait3A_184 = tpu.memref_slice %arg9[%dma_wait3A, %dma_wait3A_182, %dma_wait3A_183] : memref<4x80x128xf32, #tpu.memory_space<vmem>> -> memref<1x80x128xf32, #tpu.memory_space<vmem>>
        %dma_wait3A_185 = tpu.memref_squeeze %dma_wait3A_184 : memref<1x80x128xf32, #tpu.memory_space<vmem>> -> memref<80x128xf32, #tpu.memory_space<vmem>>
        %dma_wait3A_186 = arith.constant 0 : i32
        %dma_wait3A_187 = tpu.memref_slice %arg7[%add3A_176, %dma_wait3A_186] : memref<32x80xi32, #tpu.memory_space<vmem>> -> memref<1x80xi32, #tpu.memory_space<vmem>>
        %dma_wait3A_188 = tpu.memref_squeeze %dma_wait3A_187 : memref<1x80xi32, #tpu.memory_space<vmem>> -> memref<80xi32, #tpu.memory_space<vmem>>
        %dma_wait3A_189 = arith.constant 0 : i32
        %dma_wait3A_190 = arith.constant 0 : i32
        %dma_wait3A_191 = tpu.memref_slice %arg2[%dma_wait3A_189, %dma_wait3A_190] : memref<10000x128xf32, #tpu.memory_space<hbm>> -> memref<10000x128xf32, #tpu.memory_space<hbm>>
        tpu.wait_indirect_dma semaphore(%arg14 : memref<!tpu.dma_semaphore, #tpu.memory_space<semaphore_mem>>) src(%dma_wait3A_191 : memref<10000x128xf32, #tpu.memory_space<hbm>>) dst(%dma_wait3A_185 : memref<80x128xf32, #tpu.memory_space<vmem>>)
        %dma_start3A_192 = arith.constant 3 : i32
        %dma_start3A_193 = arith.constant 0 : i32
        %dma_start3A_194 = arith.constant 0 : i32
        %dma_start3A_195 = tpu.memref_slice %arg9[%dma_start3A_192, %dma_start3A_193, %dma_start3A_194] : memref<4x80x128xf32, #tpu.memory_space<vmem>> -> memref<1x80x128xf32, #tpu.memory_space<vmem>>
        %dma_start3A_196 = tpu.memref_squeeze %dma_start3A_195 : memref<1x80x128xf32, #tpu.memory_space<vmem>> -> memref<80x128xf32, #tpu.memory_space<vmem>>
        %dma_start3A_197 = arith.constant 0 : i32
        %dma_start3A_198 = tpu.memref_slice %arg8[%add3A_176, %dma_start3A_197] : memref<32x80xi32, #tpu.memory_space<vmem>> -> memref<1x80xi32, #tpu.memory_space<vmem>>
        %dma_start3A_199 = tpu.memref_squeeze %dma_start3A_198 : memref<1x80xi32, #tpu.memory_space<vmem>> -> memref<80xi32, #tpu.memory_space<vmem>>
        %dma_start3A_200 = arith.constant 0 : i32
        %dma_start3A_201 = arith.constant 0 : i32
        %dma_start3A_202 = tpu.memref_slice %arg10[%dma_start3A_200, %dma_start3A_201] : memref<10000x128xf32, #tpu.memory_space<vmem_shared>> -> memref<10000x128xf32, #tpu.memory_space<vmem_shared>>
        tpu.enqueue_indirect_dma source(%dma_start3A_196 : memref<80x128xf32, #tpu.memory_space<vmem>>) target(%dma_start3A_202 : memref<10000x128xf32, #tpu.memory_space<vmem_shared>>) offsets(%dma_start3A_199 : memref<80xi32, #tpu.memory_space<vmem>>) semaphore(%arg15 : memref<!tpu.dma_semaphore, #tpu.memory_space<semaphore_mem>>) {add = true}
        %add3A_203 = arith.constant 2 : i32
        %add3A_204 = arith.addi %add3A_176, %add3A_203 : i32
        %lt3A_205 = arith.constant 29 : i32
        %lt3A_206 = arith.cmpi slt, %add3A_204, %lt3A_205 : i32
        %convert_element_type3A_207 = arith.extui %lt3A_206 : i1 to i32
        %cond3A_208 = arith.constant 0 : i32
        %cond3A_209 = arith.cmpi ne, %convert_element_type3A_207, %cond3A_208 : i32
        scf.if %cond3A_209 {
          %ge3A = arith.constant 2 : i32
          %ge3A_210 = arith.cmpi sge, %add3A_176, %ge3A : i32
          %convert_element_type3A_211 = arith.extui %ge3A_210 : i1 to i32
          %cond3A_212 = arith.constant 0 : i32
          %cond3A_213 = arith.cmpi ne, %convert_element_type3A_211, %cond3A_212 : i32
          scf.if %cond3A_213 {
            %dma_wait3A_227 = arith.constant 1 : i32
            %dma_wait3A_228 = arith.constant 0 : i32
            %dma_wait3A_229 = arith.constant 0 : i32
            %dma_wait3A_230 = tpu.memref_slice %arg9[%dma_wait3A_227, %dma_wait3A_228, %dma_wait3A_229] : memref<4x80x128xf32, #tpu.memory_space<vmem>> -> memref<1x80x128xf32, #tpu.memory_space<vmem>>
            %dma_wait3A_231 = tpu.memref_squeeze %dma_wait3A_230 : memref<1x80x128xf32, #tpu.memory_space<vmem>> -> memref<80x128xf32, #tpu.memory_space<vmem>>
            %dma_wait3A_232 = arith.constant 0 : i32
            %dma_wait3A_233 = tpu.memref_slice %arg8[%add3A_176, %dma_wait3A_232] : memref<32x80xi32, #tpu.memory_space<vmem>> -> memref<1x80xi32, #tpu.memory_space<vmem>>
            %dma_wait3A_234 = tpu.memref_squeeze %dma_wait3A_233 : memref<1x80xi32, #tpu.memory_space<vmem>> -> memref<80xi32, #tpu.memory_space<vmem>>
            %dma_wait3A_235 = arith.constant 0 : i32
            %dma_wait3A_236 = arith.constant 0 : i32
            %dma_wait3A_237 = tpu.memref_slice %arg10[%dma_wait3A_235, %dma_wait3A_236] : memref<10000x128xf32, #tpu.memory_space<vmem_shared>> -> memref<10000x128xf32, #tpu.memory_space<vmem_shared>>
            tpu.wait_indirect_dma semaphore(%arg15 : memref<!tpu.dma_semaphore, #tpu.memory_space<semaphore_mem>>) src(%dma_wait3A_231 : memref<80x128xf32, #tpu.memory_space<vmem>>) dst(%dma_wait3A_237 : memref<10000x128xf32, #tpu.memory_space<vmem_shared>>)
          } else {
          }
          %add3A_214 = arith.constant 2 : i32
          %add3A_215 = arith.addi %add3A_176, %add3A_214 : i32
          %dma_start3A_216 = arith.constant 1 : i32
          %dma_start3A_217 = arith.constant 0 : i32
          %dma_start3A_218 = arith.constant 0 : i32
          %dma_start3A_219 = tpu.memref_slice %arg9[%dma_start3A_216, %dma_start3A_217, %dma_start3A_218] : memref<4x80x128xf32, #tpu.memory_space<vmem>> -> memref<1x80x128xf32, #tpu.memory_space<vmem>>
          %dma_start3A_220 = tpu.memref_squeeze %dma_start3A_219 : memref<1x80x128xf32, #tpu.memory_space<vmem>> -> memref<80x128xf32, #tpu.memory_space<vmem>>
          %dma_start3A_221 = arith.constant 0 : i32
          %dma_start3A_222 = tpu.memref_slice %arg7[%add3A_215, %dma_start3A_221] : memref<32x80xi32, #tpu.memory_space<vmem>> -> memref<1x80xi32, #tpu.memory_space<vmem>>
          %dma_start3A_223 = tpu.memref_squeeze %dma_start3A_222 : memref<1x80xi32, #tpu.memory_space<vmem>> -> memref<80xi32, #tpu.memory_space<vmem>>
          %dma_start3A_224 = arith.constant 0 : i32
          %dma_start3A_225 = arith.constant 0 : i32
          %dma_start3A_226 = tpu.memref_slice %arg2[%dma_start3A_224, %dma_start3A_225] : memref<10000x128xf32, #tpu.memory_space<hbm>> -> memref<10000x128xf32, #tpu.memory_space<hbm>>
          tpu.enqueue_indirect_dma source(%dma_start3A_226 : memref<10000x128xf32, #tpu.memory_space<hbm>>) target(%dma_start3A_220 : memref<80x128xf32, #tpu.memory_space<vmem>>) offsets(%dma_start3A_223 : memref<80xi32, #tpu.memory_space<vmem>>) semaphore(%arg12 : memref<!tpu.dma_semaphore, #tpu.memory_space<semaphore_mem>>)
        } else {
        }
      } else {
      }
    }
    %scan3A_138 = arith.constant 8 : i32
    %scan3A_139 = arith.constant 0 : i32
    %scan3A_140 = arith.constant 0 : i32
    %scan3A_141 = arith.constant 4 : i32
    %scan3A_142 = arith.addi %scan3A_140, %scan3A_141 : i32
    %scan3A_143 = arith.constant 1 : i32
    scf.for %scan3A_148 = %scan3A_140 to %scan3A_142 step %scan3A_143  : i32 {
      %dma_wait3A = arith.constant 0 : i32
      %dma_wait3A_149 = arith.constant 0 : i32
      %dma_wait3A_150 = arith.constant 0 : i32
      %dma_wait3A_151 = arith.constant 0 : i32
      %dma_wait3A_152 = tpu.memref_slice %arg9[%dma_wait3A, %dma_wait3A_150, %dma_wait3A_151] : memref<4x80x128xf32, #tpu.memory_space<vmem>> -> memref<1x80x128xf32, #tpu.memory_space<vmem>>
      %dma_wait3A_153 = tpu.memref_squeeze %dma_wait3A_152 : memref<1x80x128xf32, #tpu.memory_space<vmem>> -> memref<80x128xf32, #tpu.memory_space<vmem>>
      %dma_wait3A_154 = arith.constant 0 : i32
      %dma_wait3A_155 = tpu.memref_slice %arg8[%dma_wait3A_149, %dma_wait3A_154] : memref<32x80xi32, #tpu.memory_space<vmem>> -> memref<1x80xi32, #tpu.memory_space<vmem>>
      %dma_wait3A_156 = tpu.memref_squeeze %dma_wait3A_155 : memref<1x80xi32, #tpu.memory_space<vmem>> -> memref<80xi32, #tpu.memory_space<vmem>>
      %dma_wait3A_157 = arith.constant 0 : i32
      %dma_wait3A_158 = arith.constant 0 : i32
      %dma_wait3A_159 = tpu.memref_slice %arg10[%dma_wait3A_157, %dma_wait3A_158] : memref<10000x128xf32, #tpu.memory_space<vmem_shared>> -> memref<10000x128xf32, #tpu.memory_space<vmem_shared>>
      tpu.wait_indirect_dma semaphore(%arg15 : memref<!tpu.dma_semaphore, #tpu.memory_space<semaphore_mem>>) src(%dma_wait3A_153 : memref<80x128xf32, #tpu.memory_space<vmem>>) dst(%dma_wait3A_159 : memref<10000x128xf32, #tpu.memory_space<vmem_shared>>)
    }
    %scan3A_144 = arith.constant 4 : i32
    %barrier3A_145 = arith.constant 0 : index
    tpu.barrier barrier_id(%barrier3A_145)
    %mul3A_146 = arith.constant 625 : i32
    %mul3A_147 = arith.muli %arg1, %mul3A_146 : i32
    "tpu.region"() ({
      %run_scoped3A = tpu.sem_alloc : memref<!tpu.dma_semaphore, #tpu.memory_space<semaphore_mem>>
      %dma_start3A_148 = arith.constant 0 : i32
      %dma_start3A_149 = arith.constant 0 : i32
      %dma_start3A_150 = tpu.memref_slice %arg6[%arg0, %arg1, %dma_start3A_148, %dma_start3A_149] : memref<2x16x625x128xf32, #tpu.memory_space<hbm>> -> memref<1x1x625x128xf32, #tpu.memory_space<hbm>>
      %dma_start3A_151 = tpu.memref_squeeze %dma_start3A_150 : memref<1x1x625x128xf32, #tpu.memory_space<hbm>> -> memref<625x128xf32, #tpu.memory_space<hbm>>
      %dma_start3A_152 = arith.constant 0 : i32
      %dma_start3A_153 = tpu.memref_slice %arg10[%mul3A_147, %dma_start3A_152] : memref<10000x128xf32, #tpu.memory_space<vmem_shared>> -> memref<625x128xf32, #tpu.memory_space<vmem_shared>>
      tpu.enqueue_dma source(%dma_start3A_153 : memref<625x128xf32, #tpu.memory_space<vmem_shared>>) target(%dma_start3A_151 : memref<625x128xf32, #tpu.memory_space<hbm>>) target_semaphore(%run_scoped3A : memref<!tpu.dma_semaphore, #tpu.memory_space<semaphore_mem>>)
      %dma_wait3A = arith.constant 0 : i32
      %dma_wait3A_154 = arith.constant 0 : i32
      %dma_wait3A_155 = tpu.memref_slice %arg6[%arg0, %arg1, %dma_wait3A, %dma_wait3A_154] : memref<2x16x625x128xf32, #tpu.memory_space<hbm>> -> memref<1x1x625x128xf32, #tpu.memory_space<hbm>>
      %dma_wait3A_156 = tpu.memref_squeeze %dma_wait3A_155 : memref<1x1x625x128xf32, #tpu.memory_space<hbm>> -> memref<625x128xf32, #tpu.memory_space<hbm>>
      %dma_wait3A_157 = arith.constant 0 : i32
      %dma_wait3A_158 = tpu.memref_slice %arg10[%mul3A_147, %dma_wait3A_157] : memref<10000x128xf32, #tpu.memory_space<vmem_shared>> -> memref<625x128xf32, #tpu.memory_space<vmem_shared>>
      tpu.wait_dma2 semaphore(%run_scoped3A : memref<!tpu.dma_semaphore, #tpu.memory_space<semaphore_mem>>) src(%dma_wait3A_158 : memref<625x128xf32, #tpu.memory_space<vmem_shared>>) dst(%dma_wait3A_156 : memref<625x128xf32, #tpu.memory_space<hbm>>)
      tpu.yield
    }) : () -> ()
    return
  }
}

module attributes {stable_mosaic.version = 14 : i64} {
  func.func @body(%arg0: memref<10000x128xf32, #tpu.memory_space<vmem>>, %arg1: memref<128x128xf32, #tpu.memory_space<vmem>>, %arg2: memref<2x10000x16xf32, #tpu.memory_space<vmem>>, %arg3: memref<10000x128xf32, #tpu.memory_space<vmem>>) attributes {dimension_semantics = [], scalar_prefetch = 0 : i64, scratch_operands = 0 : i64, tpu.core_type = #tpu.core_type<tc>} {
    %get3A = arith.constant 0 : index
    %get3A_0 = arith.constant 0 : index
    %get3A_1 = vector.load %arg0[%get3A, %get3A_0] : memref<10000x128xf32, #tpu.memory_space<vmem>>, vector<10000x128xf32>
    %get3A_2 = arith.constant 0 : index
    %get3A_3 = arith.constant 0 : index
    %get3A_4 = vector.load %arg1[%get3A_2, %get3A_3] : memref<128x128xf32, #tpu.memory_space<vmem>>, vector<128x128xf32>
    %dot_general3A = arith.constant dense<0.000000e+00> : vector<10000x128xf32>
    %dot_general3A_5 = tpu.matmul %get3A_1, %get3A_4, %dot_general3A {dimension_numbers = #tpu.dot_dimension_numbers<[1], [0], [0], [1], [0, 0, 1, 1], [], []>, transpose_lhs_hint = false} : vector<10000x128xf32>, vector<128x128xf32>, vector<10000x128xf32> -> vector<10000x128xf32>
    %get3A_6 = arith.constant 0 : index
    %get3A_7 = arith.constant 0 : index
    %get3A_8 = arith.constant 0 : index
    %get3A_9 = vector.load %arg2[%get3A_6, %get3A_7, %get3A_8] : memref<2x10000x16xf32, #tpu.memory_space<vmem>>, vector<1x10000x1xf32>
    %get3A_10 = vector.shape_cast %get3A_9 : vector<1x10000x1xf32> to vector<10000x1xf32>
    %get3A_11 = arith.constant 1 : index
    %get3A_12 = arith.constant 0 : index
    %get3A_13 = arith.constant 0 : index
    %get3A_14 = vector.load %arg2[%get3A_11, %get3A_12, %get3A_13] : memref<2x10000x16xf32, #tpu.memory_space<vmem>>, vector<1x10000x1xf32>
    %get3A_15 = vector.shape_cast %get3A_14 : vector<1x10000x1xf32> to vector<10000x1xf32>
    %add3A = arith.addf %get3A_10, %get3A_15 : vector<10000x1xf32>
    %add3A_16 = arith.constant 1.000000e+00 : f32
    %add3A_17 = vector.broadcast %add3A_16 : f32 to vector<10000x1xf32>
    %add3A_18 = arith.addf %add3A, %add3A_17 : vector<10000x1xf32>
    %rsqrt3A = math.rsqrt %add3A_18 : vector<10000x1xf32>
    %mul3A = vector.broadcast %rsqrt3A : vector<10000x1xf32> to vector<10000x128xf32>
    %mul3A_19 = arith.mulf %dot_general3A_5, %mul3A : vector<10000x128xf32>
    %swap3A = arith.constant 0 : index
    %swap3A_20 = arith.constant 0 : index
    %swap3A_21 = vector.load %arg3[%swap3A, %swap3A_20] : memref<10000x128xf32, #tpu.memory_space<vmem>>, vector<10000x128xf32>
    tpu.vector_store %arg3[%swap3A, %swap3A_20], %mul3A_19 {strides = array<i32>} : memref<10000x128xf32, #tpu.memory_space<vmem>>, vector<10000x128xf32>,
    return
  }
}

module attributes {stable_mosaic.version = 14 : i64} {
  func.func @body(%arg0: memref<2x10000x128xf32, #tpu.memory_space<vmem>>, %arg1: memref<10000x128xf32, #tpu.memory_space<vmem>>, %arg2: memref<2x10000x16xf32, #tpu.memory_space<vmem>>, %arg3: memref<1x128xf32, #tpu.memory_space<vmem>>, %arg4: memref<1x128xf32, #tpu.memory_space<vmem>>, %arg5: memref<1x128xf32, #tpu.memory_space<vmem>>, %arg6: memref<128x128xf32, #tpu.memory_space<vmem>>, %arg7: memref<10000x128xf32, #tpu.memory_space<vmem>>) attributes {dimension_semantics = [], scalar_prefetch = 0 : i64, scratch_operands = 0 : i64, tpu.core_type = #tpu.core_type<tc>} {
    %get3A = arith.constant 0 : index
    %get3A_0 = arith.constant 0 : index
    %get3A_1 = arith.constant 0 : index
    %get3A_2 = vector.load %arg2[%get3A, %get3A_0, %get3A_1] : memref<2x10000x16xf32, #tpu.memory_space<vmem>>, vector<1x10000x1xf32>
    %get3A_3 = vector.shape_cast %get3A_2 : vector<1x10000x1xf32> to vector<10000x1xf32>
    %get3A_4 = arith.constant 1 : index
    %get3A_5 = arith.constant 0 : index
    %get3A_6 = arith.constant 0 : index
    %get3A_7 = vector.load %arg2[%get3A_4, %get3A_5, %get3A_6] : memref<2x10000x16xf32, #tpu.memory_space<vmem>>, vector<1x10000x1xf32>
    %get3A_8 = vector.shape_cast %get3A_7 : vector<1x10000x1xf32> to vector<10000x1xf32>
    %add3A = arith.addf %get3A_3, %get3A_8 : vector<10000x1xf32>
    %add3A_9 = arith.constant 1.000000e+00 : f32
    %add3A_10 = vector.broadcast %add3A_9 : f32 to vector<10000x1xf32>
    %add3A_11 = arith.addf %add3A, %add3A_10 : vector<10000x1xf32>
    %rsqrt3A = math.rsqrt %add3A_11 : vector<10000x1xf32>
    %get3A_12 = arith.constant 0 : index
    %get3A_13 = arith.constant 0 : index
    %get3A_14 = arith.constant 0 : index
    %get3A_15 = vector.load %arg0[%get3A_12, %get3A_13, %get3A_14] : memref<2x10000x128xf32, #tpu.memory_space<vmem>>, vector<1x10000x128xf32>
    %get3A_16 = vector.shape_cast %get3A_15 : vector<1x10000x128xf32> to vector<10000x128xf32>
    %get3A_17 = arith.constant 1 : index
    %get3A_18 = arith.constant 0 : index
    %get3A_19 = arith.constant 0 : index
    %get3A_20 = vector.load %arg0[%get3A_17, %get3A_18, %get3A_19] : memref<2x10000x128xf32, #tpu.memory_space<vmem>>, vector<1x10000x128xf32>
    %get3A_21 = vector.shape_cast %get3A_20 : vector<1x10000x128xf32> to vector<10000x128xf32>
    %add3A_22 = arith.addf %get3A_16, %get3A_21 : vector<10000x128xf32>
    %get3A_23 = arith.constant 0 : index
    %get3A_24 = arith.constant 0 : index
    %get3A_25 = vector.load %arg1[%get3A_23, %get3A_24] : memref<10000x128xf32, #tpu.memory_space<vmem>>, vector<10000x128xf32>
    %add3A_26 = arith.addf %add3A_22, %get3A_25 : vector<10000x128xf32>
    %mul3A = vector.broadcast %rsqrt3A : vector<10000x1xf32> to vector<10000x128xf32>
    %mul3A_27 = arith.mulf %add3A_26, %mul3A : vector<10000x128xf32>
    %get3A_28 = arith.constant 0 : index
    %get3A_29 = arith.constant 0 : index
    %get3A_30 = vector.load %arg3[%get3A_28, %get3A_29] : memref<1x128xf32, #tpu.memory_space<vmem>>, vector<1x128xf32>
    %add3A_31 = vector.broadcast %get3A_30 : vector<1x128xf32> to vector<10000x128xf32>
    %add3A_32 = arith.addf %mul3A_27, %add3A_31 : vector<10000x128xf32>
    %reduce_sum3A = arith.constant dense<0.000000e+00> : vector<128xf32>
    %reduce_sum3A_33 = vector.multi_reduction <add>, %add3A_32, %reduce_sum3A [0] : vector<10000x128xf32> to vector<128xf32>
    %broadcast_in_dim3A = vector.shape_cast %reduce_sum3A_33 : vector<128xf32> to vector<1x128xf32>
    %div3A = arith.constant 1.000000e+04 : f32
    %div3A_34 = vector.broadcast %div3A : f32 to vector<1x128xf32>
    %div3A_35 = arith.divf %broadcast_in_dim3A, %div3A_34 : vector<1x128xf32>
    %sub3A = vector.broadcast %div3A_35 : vector<1x128xf32> to vector<10000x128xf32>
    %sub3A_36 = arith.subf %add3A_32, %sub3A : vector<10000x128xf32>
    %mul3A_37 = arith.mulf %sub3A_36, %sub3A_36 : vector<10000x128xf32>
    %reduce_sum3A_38 = arith.constant dense<0.000000e+00> : vector<128xf32>
    %reduce_sum3A_39 = vector.multi_reduction <add>, %mul3A_37, %reduce_sum3A_38 [0] : vector<10000x128xf32> to vector<128xf32>
    %broadcast_in_dim3A_40 = vector.shape_cast %reduce_sum3A_39 : vector<128xf32> to vector<1x128xf32>
    %div3A_41 = arith.constant 1.000000e+04 : f32
    %div3A_42 = vector.broadcast %div3A_41 : f32 to vector<1x128xf32>
    %div3A_43 = arith.divf %broadcast_in_dim3A_40, %div3A_42 : vector<1x128xf32>
    %add3A_44 = arith.constant 9.99999974E-6 : f32
    %add3A_45 = vector.broadcast %add3A_44 : f32 to vector<1x128xf32>
    %add3A_46 = arith.addf %div3A_43, %add3A_45 : vector<1x128xf32>
    %rsqrt3A_47 = math.rsqrt %add3A_46 : vector<1x128xf32>
    %mul3A_48 = vector.broadcast %rsqrt3A_47 : vector<1x128xf32> to vector<10000x128xf32>
    %mul3A_49 = arith.mulf %sub3A_36, %mul3A_48 : vector<10000x128xf32>
    %get3A_50 = arith.constant 0 : index
    %get3A_51 = arith.constant 0 : index
    %get3A_52 = vector.load %arg4[%get3A_50, %get3A_51] : memref<1x128xf32, #tpu.memory_space<vmem>>, vector<1x128xf32>
    %mul3A_53 = vector.broadcast %get3A_52 : vector<1x128xf32> to vector<10000x128xf32>
    %mul3A_54 = arith.mulf %mul3A_49, %mul3A_53 : vector<10000x128xf32>
    %get3A_55 = arith.constant 0 : index
    %get3A_56 = arith.constant 0 : index
    %get3A_57 = vector.load %arg5[%get3A_55, %get3A_56] : memref<1x128xf32, #tpu.memory_space<vmem>>, vector<1x128xf32>
    %add3A_58 = vector.broadcast %get3A_57 : vector<1x128xf32> to vector<10000x128xf32>
    %add3A_59 = arith.addf %mul3A_54, %add3A_58 : vector<10000x128xf32>
    %max3A = arith.constant 0.000000e+00 : f32
    %max3A_60 = vector.broadcast %max3A : f32 to vector<10000x128xf32>
    %max3A_61 = arith.maximumf %add3A_59, %max3A_60 : vector<10000x128xf32>
    %get3A_62 = arith.constant 0 : index
    %get3A_63 = arith.constant 0 : index
    %get3A_64 = vector.load %arg6[%get3A_62, %get3A_63] : memref<128x128xf32, #tpu.memory_space<vmem>>, vector<128x128xf32>
    %dot_general3A = arith.constant dense<0.000000e+00> : vector<10000x128xf32>
    %dot_general3A_65 = tpu.matmul %max3A_61, %get3A_64, %dot_general3A {dimension_numbers = #tpu.dot_dimension_numbers<[1], [0], [0], [1], [0, 0, 1, 1], [], []>, transpose_lhs_hint = false} : vector<10000x128xf32>, vector<128x128xf32>, vector<10000x128xf32> -> vector<10000x128xf32>
    %mul3A_66 = vector.broadcast %rsqrt3A : vector<10000x1xf32> to vector<10000x128xf32>
    %mul3A_67 = arith.mulf %dot_general3A_65, %mul3A_66 : vector<10000x128xf32>
    %swap3A = arith.constant 0 : index
    %swap3A_68 = arith.constant 0 : index
    %swap3A_69 = vector.load %arg7[%swap3A, %swap3A_68] : memref<10000x128xf32, #tpu.memory_space<vmem>>, vector<10000x128xf32>
    tpu.vector_store %arg7[%swap3A, %swap3A_68], %mul3A_67 {strides = array<i32>} : memref<10000x128xf32, #tpu.memory_space<vmem>>, vector<10000x128xf32>,
    return
  }
}

module attributes {stable_mosaic.version = 14 : i64} {
  func.func @body(%arg0: memref<2x10000x128xf32, #tpu.memory_space<vmem>>, %arg1: memref<10000x128xf32, #tpu.memory_space<vmem>>, %arg2: memref<2x10000x16xf32, #tpu.memory_space<vmem>>, %arg3: memref<1x64xf32, #tpu.memory_space<vmem>>, %arg4: memref<10000x64xf32, #tpu.memory_space<vmem>>) attributes {dimension_semantics = [], scalar_prefetch = 0 : i64, scratch_operands = 0 : i64, tpu.core_type = #tpu.core_type<tc>} {
    %get3A = arith.constant 0 : index
    %get3A_0 = arith.constant 0 : index
    %get3A_1 = arith.constant 0 : index
    %get3A_2 = vector.load %arg0[%get3A, %get3A_0, %get3A_1] : memref<2x10000x128xf32, #tpu.memory_space<vmem>>, vector<1x10000x64xf32>
    %get3A_3 = vector.shape_cast %get3A_2 : vector<1x10000x64xf32> to vector<10000x64xf32>
    %get3A_4 = arith.constant 1 : index
    %get3A_5 = arith.constant 0 : index
    %get3A_6 = arith.constant 0 : index
    %get3A_7 = vector.load %arg0[%get3A_4, %get3A_5, %get3A_6] : memref<2x10000x128xf32, #tpu.memory_space<vmem>>, vector<1x10000x64xf32>
    %get3A_8 = vector.shape_cast %get3A_7 : vector<1x10000x64xf32> to vector<10000x64xf32>
    %add3A = arith.addf %get3A_3, %get3A_8 : vector<10000x64xf32>
    %get3A_9 = arith.constant 0 : index
    %get3A_10 = arith.constant 0 : index
    %get3A_11 = vector.load %arg1[%get3A_9, %get3A_10] : memref<10000x128xf32, #tpu.memory_space<vmem>>, vector<10000x64xf32>
    %add3A_12 = arith.addf %add3A, %get3A_11 : vector<10000x64xf32>
    %get3A_13 = arith.constant 0 : index
    %get3A_14 = arith.constant 0 : index
    %get3A_15 = arith.constant 0 : index
    %get3A_16 = vector.load %arg2[%get3A_13, %get3A_14, %get3A_15] : memref<2x10000x16xf32, #tpu.memory_space<vmem>>, vector<1x10000x1xf32>
    %get3A_17 = vector.shape_cast %get3A_16 : vector<1x10000x1xf32> to vector<10000x1xf32>
    %get3A_18 = arith.constant 1 : index
    %get3A_19 = arith.constant 0 : index
    %get3A_20 = arith.constant 0 : index
    %get3A_21 = vector.load %arg2[%get3A_18, %get3A_19, %get3A_20] : memref<2x10000x16xf32, #tpu.memory_space<vmem>>, vector<1x10000x1xf32>
    %get3A_22 = vector.shape_cast %get3A_21 : vector<1x10000x1xf32> to vector<10000x1xf32>
    %add3A_23 = arith.addf %get3A_17, %get3A_22 : vector<10000x1xf32>
    %add3A_24 = arith.constant 1.000000e+00 : f32
    %add3A_25 = vector.broadcast %add3A_24 : f32 to vector<10000x1xf32>
    %add3A_26 = arith.addf %add3A_23, %add3A_25 : vector<10000x1xf32>
    %rsqrt3A = math.rsqrt %add3A_26 : vector<10000x1xf32>
    %mul3A = vector.broadcast %rsqrt3A : vector<10000x1xf32> to vector<10000x64xf32>
    %mul3A_27 = arith.mulf %add3A_12, %mul3A : vector<10000x64xf32>
    %get3A_28 = arith.constant 0 : index
    %get3A_29 = arith.constant 0 : index
    %get3A_30 = vector.load %arg3[%get3A_28, %get3A_29] : memref<1x64xf32, #tpu.memory_space<vmem>>, vector<1x64xf32>
    %add3A_31 = vector.broadcast %get3A_30 : vector<1x64xf32> to vector<10000x64xf32>
    %add3A_32 = arith.addf %mul3A_27, %add3A_31 : vector<10000x64xf32>
    %swap3A = arith.constant 0 : index
    %swap3A_33 = arith.constant 0 : index
    %swap3A_34 = vector.load %arg4[%swap3A, %swap3A_33] : memref<10000x64xf32, #tpu.memory_space<vmem>>, vector<10000x64xf32>
    tpu.vector_store %arg4[%swap3A, %swap3A_33], %add3A_32 {strides = array<i32>} : memref<10000x64xf32, #tpu.memory_space<vmem>>, vector<10000x64xf32>,
    return
  }
}

</mosaic_0001>

<sc_bundles>
// kernel: kernel.11.cloned.1.call-start
scs
__scs_entry_jumppad:
0x0: {  	(pc) =	sbr.rel $0x88, $3  }
0x1: {  	(tag) =	ssettag $0x0;
	lr =	simm.s32 $0x1  }
0x2: {  	[smem:$0x3F99] =	sst lr;
	_ =	strace $0xD0000000  }
0x3: {  	_ = 	snop  }
0x4: {  	_ = 	snop  }
0x5: {  	_ = 	snop  }
0x6: {  	_ = 	snop  }
0x7: {  	_ = 	snop  }
__scs_overlays_trampoline_lowered:
0x8: {  	[smem:$0x3FA8] =	sst s0  }
0x9: {  	[smem:$0x3FA9] =	sst s1  }
0xa: {  	[smem:$0x3FAA] =	sst s2  }
0xb: {  	[smem:$0x3FAB] =	sst s3  }
0xc: {  	[smem:$0x3FAC] =	sst s4  }
0xd: {  	[smem:$0x3FAD] =	sst s5  }
0xe: {  	[smem:$0x3FAE] =	sst s6  }
0xf: {  	[smem:$0x3FAF] =	sst s7  }
0x10: {  	[smem:$0x3FB0] =	sst s8  }
0x11: {  	[smem:$0x3FB1] =	sst s9;
	s0 =	simm.s32 @!p0 $0x0  }
0x12: {  	s1 =	sld [smem:$0x3F97];
	s0 =	simm.s32 @p0 $0x1  }
0x13: {  	[smem:$0x3FB2] =	sst s0;
	s0 =	simm.s32 @!p1 $0x0  }
0x14: {  	s2 =	sld [smem:$0x3F96];
	s0 =	simm.s32 @p1 $0x1  }
0x15: {  	[smem:$0x3FB3] =	sst s0;
	s0 =	simm.s32 @!p2 $0x0  }
0x16: {  	s3 =	sld [smem:$0x3FDB];
	s0 =	simm.s32 @p2 $0x1  }
0x17: {  	s4 =	simm.s32 $0x1BF5;
	[smem:$0x3FB5] =	sst s0  }
0x18: {  	s0 =	sld [smem:$0x3F98];
	_ =	swait.ge [sflag:s4], $0x0  }
0x19: {  	s7 =	sld [smem:$0x3F99]  }
0x1a: {  	s8 =	sadd.s32 $0xFFFFE003, lr  }
0x1b: {  	s9 =	sadd.s32 $0xFFFFFEF7, lr;
	s5 =	simm.s32 $0xFFFFFFFF;
	p2 =	slt.u32 s8, $0xFFFFF086  }
0x1c: {  	p1 =	slt.u32 s9, $0xF7A;
	s5 =	simm.s32 @!p2 $0x0  }
0x1d: {  	s5 =	simm.s32 @p1 $0x1;
	p0 =	seq.s32 s7, s2  }
0x1e: {  	s7 =	smul.u32 @!p0 $0xF7A, s2;
	p2 =	seq.s32 @!p0 s5, $0x0  }
0x1f: {  	s9 =	smul.u32 $0xF7A, s1;
	s8 =	simm.s32 @!p0 $0x1BF5;
	p2 =	por !p2, p0  }
0x20: {  	[sflag:s8] =	ssyncset.s32 @!p0 $0xFFFFF086;
	s6 =	sadd.s32 @!p0 s3, s7;
	s7 =	simm.s32 @!p0 $0x108  }
0x21: {  	s3 =	sadd.s32 s3, s9;
	s6 =	sadd.s32 @!p0 $0x88, s6;
	s7 =	simm.s32 @p2 $0x1082  }
0x22: {  	[simem:s7], [sflag:s8] =	dma.local @!p0 [hbm:s6], $0xF7A  }
0x23: {  	s9 =	sor.u32 $0xD0000000, s2;
	s6 =	simm.s32 $0x108;
	_ =	swait.ge @!p0 [sflag:s8], $0x0  }
0x24: {  	s3 =	sadd.s32 $0x88, s3;
	s6 =	simm.s32 @!p1 $0x1082;
	[sflag:s4] =	ssyncset.s32 $0xFFFFF086  }
0x25: {  	[simem:s6], [sflag:s4] =	dma.local [hbm:s3], $0xF7A  }
0x26: {  	[smem:$0x3F99] =	sst s1;
	(tag) =	ssettag s2;
	_ =	strace s9  }
0x27: {  	s1 =	sld [smem:$0x3FA9]  }
0x28: {  	s2 =	sld [smem:$0x3FAA]  }
0x29: {  	s4 =	sld [smem:$0x3FAC]  }
0x2a: {  	p0 =	seq.s32 s5, $0x0;
	s5 =	sld [smem:$0x3FAD]  }
0x2b: {  	s6 =	sld [smem:$0x3FAE]  }
0x2c: {  	s7 =	sld [smem:$0x3FAF]  }
0x2d: {  	s3 =	simm.s32 $0x108;
	s8 =	sld [smem:$0x3FB0]  }
0x2e: {  	s3 =	simm.s32 @!p0 $0x1082;
	s9 =	sld [smem:$0x3FB1]  }
0x2f: {  	lr =	sadd.s32 s0, s3;
	s0 =	sld [smem:$0x3FA8]  }
0x30: {  	s3 =	sld [smem:$0x3FAB]  }
0x31: {  	[smem:$0x3FB4] =	sst s10  }
0x32: {  	s10 =	sld [smem:$0x3FB2];
	_ =	sdelay $0x3  }
0x33: {  	p0 =	seq.s32 s10, $0x1;
	s10 =	sld [smem:$0x3FB4];
	_ =	sdelay $0x3  }
0x34: {  	[smem:$0x3FB4] =	sst s10  }
0x35: {  	s10 =	sld [smem:$0x3FB3];
	_ =	sdelay $0x3  }
0x36: {  	p1 =	seq.s32 s10, $0x1;
	s10 =	sld [smem:$0x3FB4];
	_ =	sdelay $0x3  }
0x37: {  	[smem:$0x3FB4] =	sst s10  }
0x38: {  	s10 =	sld [smem:$0x3FB5]  }
0x39: {  	_ = 	snop;
	(pc) =	sbr.ind lr, $3  }
0x3a: {  	_ = 	snop  }
0x3b: {  	_ = 	snop  }
0x3c: {  	p2 =	seq.s32 s10, $0x1;
	s10 =	sld [smem:$0x3FB4]  }
0x3d: {  	_ =	shalt  }
0x3e: {  	_ =	shalt  }
0x3f: {  	_ =	shalt  }
0x40: {  	_ =	shalt  }
0x41: {  	_ =	shalt  }
0x42: {  	_ =	shalt  }
0x43: {  	_ =	shalt  }
0x44: {  	_ =	shalt  }
0x45: {  	_ =	shalt  }
0x46: {  	_ =	shalt  }
0x47: {  	_ =	shalt  }
0x48: {  	_ =	shalt  }
0x49: {  	_ =	shalt  }
0x4a: {  	_ =	shalt  }
0x4b: {  	_ =	shalt  }
0x4c: {  	_ =	shalt  }
0x4d: {  	_ =	shalt  }
0x4e: {  	_ =	shalt  }
0x4f: {  	_ =	shalt  }
0x50: {  	_ =	shalt  }
0x51: {  	_ =	shalt  }
0x52: {  	_ =	shalt  }
0x53: {  	_ =	shalt  }
0x54: {  	_ =	shalt  }
0x55: {  	_ =	shalt  }
0x56: {  	_ =	shalt  }
0x57: {  	_ =	shalt  }
0x58: {  	_ =	shalt  }
0x59: {  	_ =	shalt  }
0x5a: {  	_ =	shalt  }
0x5b: {  	_ =	shalt  }
0x5c: {  	_ =	shalt  }
0x5d: {  	_ =	shalt  }
0x5e: {  	_ =	shalt  }
0x5f: {  	_ =	shalt  }
0x60: {  	_ =	shalt  }
0x61: {  	_ =	shalt  }
0x62: {  	_ =	shalt  }
0x63: {  	_ =	shalt  }
0x64: {  	_ =	shalt  }
0x65: {  	_ =	shalt  }
0x66: {  	_ =	shalt  }
0x67: {  	_ =	shalt  }
0x68: {  	_ =	shalt  }
0x69: {  	_ =	shalt  }
0x6a: {  	_ =	shalt  }
0x6b: {  	_ =	shalt  }
0x6c: {  	_ =	shalt  }
0x6d: {  	_ =	shalt  }
0x6e: {  	_ =	shalt  }
0x6f: {  	_ =	shalt  }
0x70: {  	_ =	shalt  }
0x71: {  	_ =	shalt  }
0x72: {  	_ =	shalt  }
0x73: {  	_ =	shalt  }
0x74: {  	_ =	shalt  }
0x75: {  	_ =	shalt  }
0x76: {  	_ =	shalt  }
0x77: {  	_ =	shalt  }
0x78: {  	_ =	shalt  }
0x79: {  	_ =	shalt  }
0x7a: {  	_ =	shalt  }
0x7b: {  	_ =	shalt  }
0x7c: {  	_ =	shalt  }
0x7d: {  	_ =	shalt  }
0x7e: {  	_ =	shalt  }
0x7f: {  	_ =	shalt  }
0x80: {  	_ =	shalt  }
0x81: {  	_ =	shalt  }
0x82: {  	_ =	shalt  }
0x83: {  	_ =	shalt  }
0x84: {  	_ =	shalt  }
0x85: {  	_ =	shalt  }
0x86: {  	_ =	shalt  }
0x87: {  	_ =	shalt  }
.Lfunc_end0:
.L_simem_size_0:
called_computation.1_lowered:
.L_overlay_start_0:
0x88: {  	s2 =	sld [smem:$0x3FD9]  }
0x89: {  	s3 =	sld [smem:$0x3FFE];
	_ =	sdelay $0x1  }
0x8a: {  	s1 =	srdreg.scid  }
0x8b: {  	s0 =	sand.u32 $0x1, s1  }
0x8c: {  	s17 =	sshll.u32 s0, $0xA;
	s2 =	sadd.s32 s3, s2  }
0x8d: {  	s2 =	sadd.s32 s2, s17  }
0x8e: {  	[smem:$0x3FC0] =	sst s2  }
0x8f: {  	_ = 	snop  }
0x90: {  	s2 =	sld [smem:$0x3FD0];
	(tm) =	ssettm $0x1  }
0x91: {  	s18 =	sld [smem:$0x3FFB];
	_ =	sdelay $0x3  }
0x92: {  	_ =	strace s18  }
0x93: {  	s3 =	sld [smem:$0x3FFC];
	_ =	sdelay $0x3  }
0x94: {  	_ =	strace s3  }
0x95: {  	s3 =	sld [smem:$0x3FFD];
	_ =	sdelay $0x3  }
0x96: {  	_ =	strace s3  }
0x97: {  	_ =	strace $0x8FFFFFFF  }
0x98: {  	s19 =	sld [smem:$0x3FDB];
	_ =	sdelay $0x1  }
0x99: {  	s4 =	simm.s32 $_scs_section_size  }
0x9a: {  	s5 =	simm.s32 $_size__tile_overlayer_lowered;
	s6 =	simm.s32 $_tile_overlayer_lowered  }
0x9b: {  	s22 =	simm.s32 $0x1BFF;
	s21 =	sshll.u32 s6, $0x1;
	s3 =	sadd.s32 s4, s19  }
0x9c: {  	s7 =	simm.s32 $0x0;
	s20 =	sshll.u32 s5, $0x1;
	s5 =	sadd.s32 s21, s3  }
0x9d: {  	[timem:s7], [sflag:s22] =	dma.local [hbm:s5], s20  }
0x9e: {  	_ =	swait.ge [sflag:s22], s20  }
0x9f: {  	s4 =	ssub.s32 $0x0, s20;
	[sflag:s22] =	ssyncset.done $0x0  }
0xa0: {  	[sflag:s22] =	ssyncadd.s32 s4;
	_ =	sdelay $0x1  }
0xa1: {  	s23 =	simm.s32 $0x1B8B  }
0xa2: {  	_ =	swait.ge [sflag:s23], $0x1  }
0xa3: {  	[sflag:s23] =	ssyncset.done $0x0  }
0xa4: {  	s25 =	simm.s32 $0x1B8E;
	s24 =	sld [smem:$0x3FFE];
	[sflag:s23] =	ssyncadd.s32 $0xFFFFFFFF  }
0xa5: {  	s26 =	simm.s32 $execute0_lowered;
	[smem:$0x3FD2] =	sst s25  }
0xa6: {  	s5 =	sshll.u32 s26, $0x1;
	_ =	strace $0x80000049;
	[dreg:$0x1] =	wrdreg $0xFFFFFFFF  }
0xa7: {  	s28 =	simm.s32 $_size_execute0_lowered;
	s3 =	sadd.s32 s3, s5;
	[dreg:$0x0] =	wrdreg $0x0  }
0xa8: {  	s5 =	sshll.u32 s28, $0x1;
	[dreg:$0x2] =	wrdreg s3  }
0xa9: {  	[dreg:$0x3] =	wrdreg s5  }
0xaa: {  	[dreg:$0x4] =	wrdreg $0xC0  }
0xab: {  	_ =	task [dreg:s7], $0x5FFFF  }
0xac: {  	[dreg:$0x1] =	wrdreg $0xFFFFFFFF  }
0xad: {  	[dreg:$0x0] =	wrdreg $0x60  }
0xae: {  	[dreg:$0x2] =	wrdreg s24  }
0xaf: {  	[dreg:$0x3] =	wrdreg s2  }
0xb0: {  	[dreg:$0x4] =	wrdreg $0xC0000  }
0xb1: {  	[dreg:$0x5] =	wrdreg $0x9  }
0xb2: {  	_ =	task.clear_ibuf [dreg:s7], $0x6FFFF;
	_ =	strace $0x90000049  }
0xb3: {  	s29 =	simm.s32 $0x9;
	_ =	strace $0x8000004B  }
0xb4: {  	_ =	swait.ge [sflag:s29], $0x1  }
0xb5: {  	[sflag:s29] =	ssyncadd.s32 $0xFFFFFFFF  }
0xb6: {  	_ =	strace $0x9000004B  }
0xb7: {  	_ =	sfence  }
0xb8: {  	s30 =	sld [smem:$0x0];
	_ =	sdelay $0x2  }
0xb9: {  	s31 =	sshll.u32 s1, $0xD;
	s1 =	sshrl.u32 s1, $0x2  }
0xba: {  	s3 =	sand.u32 $0x4000, s31;
	s1 =	sadd.s32 s1, s30  }
0xbb: {  	s0 =	sor.u32 s3, s0;
	s1 =	sshll.u32 s1, $0x11  }
0xbc: {  	s0 =	sor.u32 s1, s0  }
0xbd: {  	s0 =	sadd.s32 $0x8F2B, s0  }
0xbe: {  	[sflag:s0] =	ssyncadd.remote.s32 $0x1  }
0xbf: {  	_ =	sfence.sel $0xFFFF  }
0xc0: {  	[dreg:$0x0] =	wrdreg $0xFFFFFFFF;
	(pc) =	sbr.abs _section_cstart, $3  }
0xc1: {  	[dreg:$0x1] =	wrdreg $0xFFFFFFFF  }
0xc2: {  	_ =	task.clear_ibuf [dreg:s7], $0x2FFFF;
	_ =	strace $0x9FFFFFFF  }
0xc3: {  	(tm) =	ssettm $0x7FFFFFFF  }
tec
execute0_lowered:
.L_overlay_start_1:
0x0: {  	(tag) =	ssettag $0x1  }
0x1: {  	s0 =	rddreg [dreg:$0x0]  }
0x2: {  	s2 =	rddreg [dreg:$0x1]  }
0x3: {  	s1 =	rddreg [dreg:$0x2]  }
0x4: {  	s3 =	srdreg.scid;
	s11 =	stileid.u32  }
0x5: {  	s28 =	simm.s32 $0x2;
	s29 =	simm.s32 $0x1080;
	s30 =	simm.s32 $0x180  }
0x6: {  	s31 =	simm.s32 $0x9800;
	s5 =	sand.u32 $0x1, s3;
	s3 =	simm.s32 $0x0  }
0x7: {  	s7 =	smul.u32 $0x13C00, s11;
	s4 =	sadd.s32 $0x64600, s0;
	s8 =	sadd.s32 $0x54600, s0  }
0x8: {  	s10 =	smul.u32 $0x4E200, s11;
	s12 =	sadd.s32 $0x2800, s0;
	s19 =	sshll.u32 s11, $0xB  }
0x9: {  	s20 =	sshll.u32 s11, $0x6;
	s11 =	simm.s32 $0x0;
	s6 =	smul.u32 $0x13C000, s5  }
0xa: {  	[smem:$0x7FF] =	sst s3;
	s17 =	ssub.s32 $0x2, s5;
	s5 =	sshll.u32 s5, $0xF  }
0xb: {  	_ =	strace $0x8000004A;
	s9 =	sshrl.u32 s17, $0x1;
	[dreg:$0x4] =	wrdreg s12  }
0xc: {  	s18 =	sshrl.u32 s10, $0x2;
	s5 =	sor.u32 s19, s5;
	s19 =	simm.s32 $0x1000  }
0xd: {  	s6 =	sadd.s32 s7, s6;
	s7 =	ssub.s32 s17, s9;
	s10 =	sadd.s32 s18, s1  }
0xe: {  	s9 =	sadd.s32 s8, s5;
	s21 =	sor.u32 $0x200, s5;
	s22 =	sadd.s32 s2, s5  }
0xf: {  	s24 =	sor.u32 $0x400, s5;
	s5 =	sor.u32 $0x600, s5;
	[dreg:$0x5] =	wrdreg s9  }
0x10: {  	s18 =	simm.s32 $0x6;
	s6 =	sshrl.u32 s6, $0x3;
	[dreg:$0x6] =	wrdreg s22  }
0x11: {  	s23 =	sadd.s32 s8, s21;
	s9 =	sadd.s32 s2, s21;
	s25 =	sadd.s32 s8, s24  }
0x12: {  	s26 =	sadd.s32 s2, s24;
	s8 =	sadd.s32 s8, s5;
	s2 =	sadd.s32 s2, s5  }
0x13: {  	s16 =	smax.u32 s7, $0x1;
	s17 =	sshrl.u32 s10, $0x3;
	[dreg:$0x7] =	wrdreg s23  }
0x14: {  	s21 =	simm.s32 $0x2000;
	s22 =	simm.s32 $0x80;
	[dreg:$0x8] =	wrdreg s9  }
0x15: {  	s24 =	simm.s32 $0x1;
	s5 =	simm.s32 $0x5;
	[dreg:$0x9] =	wrdreg s25  }
0x16: {  	s7 =	simm.s32 $0x200;
	s10 =	simm.s32 $0x280;
	[dreg:$0xa] =	wrdreg s26  }
.Ltmp0:
0x17: {  	s0 =	sadd.s32 s6, s0;
	[dreg:$0xb] =	wrdreg s8;
	(pc) =	sbr.rel .LBB2_1-.Ltmp0, $4  }
0x18: {  	s6 =	sor.u32 $0x1C06, s20;
	[dreg:$0xc] =	wrdreg s2;
	s20 =	simm.s32 $0x50  }
0x19: {  	s23 =	simm.s32 $0x4800;
	s25 =	simm.s32 $0x100;
	s26 =	simm.s32 $0x7000  }
0x1a: {  	s2 =	simm.s32 $0x1100;
	s8 =	simm.s32 $0x4;
	s0 =	sadd.s32 $0x8B800, s0  }
0x1b: {  	s9 =	simm.s32 $0x1180;
	[dreg:$0xd] =	wrdreg s0;
	s0 =	simm.s32 $0x3  }
.LBB2_10:
0x1c: {  	_ =	swait.ge [sflag:s8], $0x2800  }
0x1d: {  	[sflag:s8] =	ssyncset.done $0x0  }
0x1e: {  	[sflag:s8] =	ssyncadd.s32 $0xFFFFD800  }
0x1f: {  	[spmem:s1] =	stream.indirect.scatter.add.f32 [tilespmem:s31], [sflag:$0x5], $0x80, s14, s20, $0xb8;
	[tilespmem:$0x1F880] =	vst v63  }
0x20: {  	_ =	swait.ge [sflag:s5], $0x2800  }
0x21: {  	[sflag:s5] =	ssyncset.done $0x0  }
0x22: {  	[sflag:s5] =	ssyncadd.s32 $0xFFFFD800  }
0x23: {  	_ =	swait.ge [sflag:s5], $0x2800  }
0x24: {  	[sflag:s5] =	ssyncset.done $0x0  }
0x25: {  	[sflag:s5] =	ssyncadd.s32 $0xFFFFD800  }
0x26: {  	_ =	swait.ge [sflag:s5], $0x2800  }
0x27: {  	[sflag:s5] =	ssyncset.done $0x0  }
0x28: {  	[sflag:s5] =	ssyncadd.s32 $0xFFFFD800  }
0x29: {  	_ =	swait.ge [sflag:s5], $0x2800  }
0x2a: {  	[sflag:s5] =	ssyncset.done $0x0  }
0x2b: {  	s12 =	rddreg [dreg:$0xb];
	[sflag:s5] =	ssyncadd.s32 $0xFFFFD800  }
0x2c: {  	[tilespmem:s3], [sflag:$0x6] =	stream.linear.gather [hbm4b:s12+s3], $0xE80, $0x38;
	[tilespmem:$0x1F880] =	vst v63  }
0x2d: {  	_ =	swait.ge [sflag:s18], $0xE80  }
0x2e: {  	[sflag:s18] =	ssyncset.done $0x0  }
0x2f: {  	s14 =	rddreg [dreg:$0xc];
	[sflag:s18] =	ssyncadd.s32 $0xFFFFF180  }
0x30: {  	[tilespmem:s19], [sflag:$0x6] =	stream.linear.gather [hbm4b:s14+s3], $0xE80, $0x38;
	[tilespmem:$0x1F880] =	vst v63  }
0x31: {  	_ =	swait.ge [sflag:s18], $0xE80  }
0x32: {  	[sflag:s18] =	ssyncset.done $0x0  }
0x33: {  	[sflag:s18] =	ssyncadd.s32 $0xFFFFF180  }
0x34: {  	[tilespmem:s21], [sflag:$0x1] =	stream.indirect.gather [hbm4b:s4+s20], $0x80, s3, s20, $0xb8;
	[tilespmem:$0x1F880] =	vst v63  }
0x35: {  	_ = 	snop  }
0x36: {  	[tilespmem:s23], [sflag:$0x2] =	stream.indirect.gather [hbm4b:s4+s20], $0x80, s22, s20, $0xb8;
	[tilespmem:$0x1F880] =	vst v63  }
0x37: {  	_ =	swait.ge [sflag:s24], $0x2800  }
0x38: {  	[sflag:s24] =	ssyncset.done $0x0  }
0x39: {  	[sflag:s24] =	ssyncadd.s32 $0xFFFFD800  }
0x3a: {  	[spmem:s1] =	stream.indirect.scatter.add.f32 [tilespmem:s21], [sflag:$0x5], $0x80, s19, s20, $0xb8;
	[tilespmem:$0x1F880] =	vst v63  }
0x3b: {  	_ = 	snop  }
0x3c: {  	[tilespmem:s26], [sflag:$0x3] =	stream.indirect.gather [hbm4b:s4+s20], $0x80, s25, s20, $0xb8;
	[tilespmem:$0x1F880] =	vst v63  }
0x3d: {  	_ =	swait.ge [sflag:s28], $0x2800  }
0x3e: {  	[sflag:s28] =	ssyncset.done $0x0  }
0x3f: {  	[sflag:s28] =	ssyncadd.s32 $0xFFFFD800  }
0x40: {  	[spmem:s1] =	stream.indirect.scatter.add.f32 [tilespmem:s23], [sflag:$0x5], $0x80, s29, s20, $0xb8;
	[tilespmem:$0x1F880] =	vst v63  }
0x41: {  	_ = 	snop  }
0x42: {  	[tilespmem:s31], [sflag:$0x4] =	stream.indirect.gather [hbm4b:s4+s20], $0x80, s30, s20, $0xb8;
	[tilespmem:$0x1F880] =	vst v63  }
0x43: {  	_ =	swait.ge [sflag:s0], $0x2800  }
0x44: {  	[sflag:s0] =	ssyncset.done $0x0  }
0x45: {  	[sflag:s0] =	ssyncadd.s32 $0xFFFFD800  }
0x46: {  	[spmem:s1] =	stream.indirect.scatter.add.f32 [tilespmem:s26], [sflag:$0x5], $0x80, s2, s20, $0xb8;
	[tilespmem:$0x1F880] =	vst v63  }
0x47: {  	_ =	swait.ge [sflag:s5], $0x2800  }
0x48: {  	[sflag:s5] =	ssyncset.done $0x0  }
0x49: {  	[sflag:s5] =	ssyncadd.s32 $0xFFFFD800  }
0x4a: {  	[tilespmem:s21], [sflag:$0x1] =	stream.indirect.gather [hbm4b:s4+s20], $0x80, s7, s20, $0xb8;
	[tilespmem:$0x1F880] =	vst v63  }
0x4b: {  	_ =	swait.ge [sflag:s8], $0x2800  }
0x4c: {  	[sflag:s8] =	ssyncset.done $0x0  }
0x4d: {  	[sflag:s8] =	ssyncadd.s32 $0xFFFFD800  }
0x4e: {  	[spmem:s1] =	stream.indirect.scatter.add.f32 [tilespmem:s31], [sflag:$0x5], $0x80, s9, s20, $0xb8;
	[tilespmem:$0x1F880] =	vst v63  }
0x4f: {  	_ =	swait.ge [sflag:s5], $0x2800  }
0x50: {  	[sflag:s5] =	ssyncset.done $0x0  }
0x51: {  	[sflag:s5] =	ssyncadd.s32 $0xFFFFD800  }
0x52: {  	[tilespmem:s23], [sflag:$0x2] =	stream.indirect.gather [hbm4b:s4+s20], $0x80, s10, s20, $0xb8;
	[tilespmem:$0x1F880] =	vst v63  }
0x53: {  	_ =	swait.ge [sflag:s24], $0x2800  }
0x54: {  	[sflag:s24] =	ssyncset.done $0x0  }
0x55: {  	s15 =	simm.s32 $0x1200;
	[sflag:s24] =	ssyncadd.s32 $0xFFFFD800  }
0x56: {  	[spmem:s1] =	stream.indirect.scatter.add.f32 [tilespmem:s21], [sflag:$0x5], $0x80, s15, s20, $0xb8;
	[tilespmem:$0x1F880] =	vst v63  }
0x57: {  	_ =	swait.ge [sflag:s5], $0x2800  }
0x58: {  	[sflag:s5] =	ssyncset.done $0x0  }
0x59: {  	s13 =	simm.s32 $0x300;
	[sflag:s5] =	ssyncadd.s32 $0xFFFFD800  }
0x5a: {  	[tilespmem:s26], [sflag:$0x3] =	stream.indirect.gather [hbm4b:s4+s20], $0x80, s13, s20, $0xb8;
	[tilespmem:$0x1F880] =	vst v63  }
0x5b: {  	_ =	swait.ge [sflag:s28], $0x2800  }
0x5c: {  	[sflag:s28] =	ssyncset.done $0x0  }
0x5d: {  	s14 =	simm.s32 $0x1280;
	[sflag:s28] =	ssyncadd.s32 $0xFFFFD800  }
0x5e: {  	[spmem:s1] =	stream.indirect.scatter.add.f32 [tilespmem:s23], [sflag:$0x5], $0x80, s14, s20, $0xb8;
	[tilespmem:$0x1F880] =	vst v63  }
0x5f: {  	_ =	swait.ge [sflag:s5], $0x2800  }
0x60: {  	[sflag:s5] =	ssyncset.done $0x0  }
0x61: {  	s15 =	simm.s32 $0x380;
	[sflag:s5] =	ssyncadd.s32 $0xFFFFD800  }
0x62: {  	[tilespmem:s31], [sflag:$0x4] =	stream.indirect.gather [hbm4b:s4+s20], $0x80, s15, s20, $0xb8;
	[tilespmem:$0x1F880] =	vst v63  }
0x63: {  	_ =	swait.ge [sflag:s0], $0x2800  }
0x64: {  	[sflag:s0] =	ssyncset.done $0x0  }
0x65: {  	s13 =	simm.s32 $0x1300;
	[sflag:s0] =	ssyncadd.s32 $0xFFFFD800  }
0x66: {  	[spmem:s1] =	stream.indirect.scatter.add.f32 [tilespmem:s26], [sflag:$0x5], $0x80, s13, s20, $0xb8;
	[tilespmem:$0x1F880] =	vst v63  }
0x67: {  	_ =	swait.ge [sflag:s5], $0x2800  }
0x68: {  	[sflag:s5] =	ssyncset.done $0x0  }
0x69: {  	s14 =	simm.s32 $0x400;
	[sflag:s5] =	ssyncadd.s32 $0xFFFFD800  }
0x6a: {  	[tilespmem:s21], [sflag:$0x1] =	stream.indirect.gather [hbm4b:s4+s20], $0x80, s14, s20, $0xb8;
	[tilespmem:$0x1F880] =	vst v63  }
0x6b: {  	_ =	swait.ge [sflag:s8], $0x2800  }
0x6c: {  	[sflag:s8] =	ssyncset.done $0x0  }
0x6d: {  	s15 =	simm.s32 $0x1380;
	[sflag:s8] =	ssyncadd.s32 $0xFFFFD800  }
0x6e: {  	[spmem:s1] =	stream.indirect.scatter.add.f32 [tilespmem:s31], [sflag:$0x5], $0x80, s15, s20, $0xb8;
	[tilespmem:$0x1F880] =	vst v63  }
0x6f: {  	_ =	swait.ge [sflag:s5], $0x2800  }
0x70: {  	[sflag:s5] =	ssyncset.done $0x0  }
0x71: {  	s13 =	simm.s32 $0x480;
	[sflag:s5] =	ssyncadd.s32 $0xFFFFD800  }
0x72: {  	[tilespmem:s23], [sflag:$0x2] =	stream.indirect.gather [hbm4b:s4+s20], $0x80, s13, s20, $0xb8;
	[tilespmem:$0x1F880] =	vst v63  }
0x73: {  	_ =	swait.ge [sflag:s24], $0x2800  }
0x74: {  	[sflag:s24] =	ssyncset.done $0x0  }
0x75: {  	s14 =	simm.s32 $0x1400;
	[sflag:s24] =	ssyncadd.s32 $0xFFFFD800  }
0x76: {  	[spmem:s1] =	stream.indirect.scatter.add.f32 [tilespmem:s21], [sflag:$0x5], $0x80, s14, s20, $0xb8;
	[tilespmem:$0x1F880] =	vst v63  }
0x77: {  	_ =	swait.ge [sflag:s5], $0x2800  }
0x78: {  	[sflag:s5] =	ssyncset.done $0x0  }
0x79: {  	s15 =	simm.s32 $0x500;
	[sflag:s5] =	ssyncadd.s32 $0xFFFFD800  }
0x7a: {  	[tilespmem:s26], [sflag:$0x3] =	stream.indirect.gather [hbm4b:s4+s20], $0x80, s15, s20, $0xb8;
	[tilespmem:$0x1F880] =	vst v63  }
0x7b: {  	_ =	swait.ge [sflag:s28], $0x2800  }
0x7c: {  	[sflag:s28] =	ssyncset.done $0x0  }
0x7d: {  	s13 =	simm.s32 $0x1480;
	[sflag:s28] =	ssyncadd.s32 $0xFFFFD800  }
0x7e: {  	[spmem:s1] =	stream.indirect.scatter.add.f32 [tilespmem:s23], [sflag:$0x5], $0x80, s13, s20, $0xb8;
	[tilespmem:$0x1F880] =	vst v63  }
0x7f: {  	_ =	swait.ge [sflag:s5], $0x2800  }
0x80: {  	[sflag:s5] =	ssyncset.done $0x0  }
0x81: {  	s14 =	simm.s32 $0x580;
	[sflag:s5] =	ssyncadd.s32 $0xFFFFD800  }
0x82: {  	[tilespmem:s31], [sflag:$0x4] =	stream.indirect.gather [hbm4b:s4+s20], $0x80, s14, s20, $0xb8;
	[tilespmem:$0x1F880] =	vst v63  }
0x83: {  	_ =	swait.ge [sflag:s0], $0x2800  }
0x84: {  	[sflag:s0] =	ssyncset.done $0x0  }
0x85: {  	s15 =	simm.s32 $0x1500;
	[sflag:s0] =	ssyncadd.s32 $0xFFFFD800  }
0x86: {  	[spmem:s1] =	stream.indirect.scatter.add.f32 [tilespmem:s26], [sflag:$0x5], $0x80, s15, s20, $0xb8;
	[tilespmem:$0x1F880] =	vst v63  }
0x87: {  	_ =	swait.ge [sflag:s5], $0x2800  }
0x88: {  	[sflag:s5] =	ssyncset.done $0x0  }
0x89: {  	s13 =	simm.s32 $0x600;
	[sflag:s5] =	ssyncadd.s32 $0xFFFFD800  }
0x8a: {  	[tilespmem:s21], [sflag:$0x1] =	stream.indirect.gather [hbm4b:s4+s20], $0x80, s13, s20, $0xb8;
	[tilespmem:$0x1F880] =	vst v63  }
0x8b: {  	_ =	swait.ge [sflag:s8], $0x2800  }
0x8c: {  	[sflag:s8] =	ssyncset.done $0x0  }
0x8d: {  	s14 =	simm.s32 $0x1580;
	[sflag:s8] =	ssyncadd.s32 $0xFFFFD800  }
0x8e: {  	[spmem:s1] =	stream.indirect.scatter.add.f32 [tilespmem:s31], [sflag:$0x5], $0x80, s14, s20, $0xb8;
	[tilespmem:$0x1F880] =	vst v63  }
0x8f: {  	_ =	swait.ge [sflag:s5], $0x2800  }
0x90: {  	[sflag:s5] =	ssyncset.done $0x0  }
0x91: {  	s15 =	simm.s32 $0x680;
	[sflag:s5] =	ssyncadd.s32 $0xFFFFD800  }
0x92: {  	[tilespmem:s23], [sflag:$0x2] =	stream.indirect.gather [hbm4b:s4+s20], $0x80, s15, s20, $0xb8;
	[tilespmem:$0x1F880] =	vst v63  }
0x93: {  	_ =	swait.ge [sflag:s24], $0x2800  }
0x94: {  	[sflag:s24] =	ssyncset.done $0x0  }
0x95: {  	s13 =	simm.s32 $0x1600;
	[sflag:s24] =	ssyncadd.s32 $0xFFFFD800  }
0x96: {  	[spmem:s1] =	stream.indirect.scatter.add.f32 [tilespmem:s21], [sflag:$0x5], $0x80, s13, s20, $0xb8;
	[tilespmem:$0x1F880] =	vst v63  }
0x97: {  	_ =	swait.ge [sflag:s5], $0x2800  }
0x98: {  	[sflag:s5] =	ssyncset.done $0x0  }
0x99: {  	s14 =	simm.s32 $0x700;
	[sflag:s5] =	ssyncadd.s32 $0xFFFFD800  }
0x9a: {  	[tilespmem:s26], [sflag:$0x3] =	stream.indirect.gather [hbm4b:s4+s20], $0x80, s14, s20, $0xb8;
	[tilespmem:$0x1F880] =	vst v63  }
0x9b: {  	_ =	swait.ge [sflag:s28], $0x2800  }
0x9c: {  	[sflag:s28] =	ssyncset.done $0x0  }
0x9d: {  	s15 =	simm.s32 $0x1680;
	[sflag:s28] =	ssyncadd.s32 $0xFFFFD800  }
0x9e: {  	[spmem:s1] =	stream.indirect.scatter.add.f32 [tilespmem:s23], [sflag:$0x5], $0x80, s15, s20, $0xb8;
	[tilespmem:$0x1F880] =	vst v63  }
0x9f: {  	_ =	swait.ge [sflag:s5], $0x2800  }
0xa0: {  	[sflag:s5] =	ssyncset.done $0x0  }
0xa1: {  	s13 =	simm.s32 $0x780;
	[sflag:s5] =	ssyncadd.s32 $0xFFFFD800  }
0xa2: {  	[tilespmem:s31], [sflag:$0x4] =	stream.indirect.gather [hbm4b:s4+s20], $0x80, s13, s20, $0xb8;
	[tilespmem:$0x1F880] =	vst v63  }
0xa3: {  	_ =	swait.ge [sflag:s0], $0x2800  }
0xa4: {  	[sflag:s0] =	ssyncset.done $0x0  }
0xa5: {  	s14 =	simm.s32 $0x1700;
	[sflag:s0] =	ssyncadd.s32 $0xFFFFD800  }
0xa6: {  	[spmem:s1] =	stream.indirect.scatter.add.f32 [tilespmem:s26], [sflag:$0x5], $0x80, s14, s20, $0xb8;
	[tilespmem:$0x1F880] =	vst v63  }
0xa7: {  	_ =	swait.ge [sflag:s5], $0x2800  }
0xa8: {  	[sflag:s5] =	ssyncset.done $0x0  }
0xa9: {  	s15 =	simm.s32 $0x800;
	[sflag:s5] =	ssyncadd.s32 $0xFFFFD800  }
0xaa: {  	[tilespmem:s21], [sflag:$0x1] =	stream.indirect.gather [hbm4b:s4+s20], $0x80, s15, s20, $0xb8;
	[tilespmem:$0x1F880] =	vst v63  }
0xab: {  	_ =	swait.ge [sflag:s8], $0x2800  }
0xac: {  	[sflag:s8] =	ssyncset.done $0x0  }
0xad: {  	s13 =	simm.s32 $0x1780;
	[sflag:s8] =	ssyncadd.s32 $0xFFFFD800  }
0xae: {  	[spmem:s1] =	stream.indirect.scatter.add.f32 [tilespmem:s31], [sflag:$0x5], $0x80, s13, s20, $0xb8;
	[tilespmem:$0x1F880] =	vst v63  }
0xaf: {  	_ =	swait.ge [sflag:s5], $0x2800  }
0xb0: {  	[sflag:s5] =	ssyncset.done $0x0  }
0xb1: {  	s14 =	simm.s32 $0x880;
	[sflag:s5] =	ssyncadd.s32 $0xFFFFD800  }
0xb2: {  	[tilespmem:s23], [sflag:$0x2] =	stream.indirect.gather [hbm4b:s4+s20], $0x80, s14, s20, $0xb8;
	[tilespmem:$0x1F880] =	vst v63  }
0xb3: {  	_ =	swait.ge [sflag:s24], $0x2800  }
0xb4: {  	[sflag:s24] =	ssyncset.done $0x0  }
0xb5: {  	s15 =	simm.s32 $0x1800;
	[sflag:s24] =	ssyncadd.s32 $0xFFFFD800  }
0xb6: {  	[spmem:s1] =	stream.indirect.scatter.add.f32 [tilespmem:s21], [sflag:$0x5], $0x80, s15, s20, $0xb8;
	[tilespmem:$0x1F880] =	vst v63  }
0xb7: {  	_ =	swait.ge [sflag:s5], $0x2800  }
0xb8: {  	[sflag:s5] =	ssyncset.done $0x0  }
0xb9: {  	s13 =	simm.s32 $0x900;
	[sflag:s5] =	ssyncadd.s32 $0xFFFFD800  }
0xba: {  	[tilespmem:s26], [sflag:$0x3] =	stream.indirect.gather [hbm4b:s4+s20], $0x80, s13, s20, $0xb8;
	[tilespmem:$0x1F880] =	vst v63  }
0xbb: {  	_ =	swait.ge [sflag:s28], $0x2800  }
0xbc: {  	[sflag:s28] =	ssyncset.done $0x0  }
0xbd: {  	s14 =	simm.s32 $0x1880;
	[sflag:s28] =	ssyncadd.s32 $0xFFFFD800  }
0xbe: {  	[spmem:s1] =	stream.indirect.scatter.add.f32 [tilespmem:s23], [sflag:$0x5], $0x80, s14, s20, $0xb8;
	[tilespmem:$0x1F880] =	vst v63  }
0xbf: {  	_ =	swait.ge [sflag:s5], $0x2800  }
0xc0: {  	[sflag:s5] =	ssyncset.done $0x0  }
0xc1: {  	s15 =	simm.s32 $0x980;
	[sflag:s5] =	ssyncadd.s32 $0xFFFFD800  }
0xc2: {  	[tilespmem:s31], [sflag:$0x4] =	stream.indirect.gather [hbm4b:s4+s20], $0x80, s15, s20, $0xb8;
	[tilespmem:$0x1F880] =	vst v63  }
0xc3: {  	_ =	swait.ge [sflag:s0], $0x2800  }
0xc4: {  	[sflag:s0] =	ssyncset.done $0x0  }
0xc5: {  	s13 =	simm.s32 $0x1900;
	[sflag:s0] =	ssyncadd.s32 $0xFFFFD800  }
0xc6: {  	[spmem:s1] =	stream.indirect.scatter.add.f32 [tilespmem:s26], [sflag:$0x5], $0x80, s13, s20, $0xb8;
	[tilespmem:$0x1F880] =	vst v63  }
0xc7: {  	_ =	swait.ge [sflag:s5], $0x2800  }
0xc8: {  	[sflag:s5] =	ssyncset.done $0x0  }
0xc9: {  	s14 =	simm.s32 $0xA00;
	[sflag:s5] =	ssyncadd.s32 $0xFFFFD800  }
0xca: {  	[tilespmem:s21], [sflag:$0x1] =	stream.indirect.gather [hbm4b:s4+s20], $0x80, s14, s20, $0xb8;
	[tilespmem:$0x1F880] =	vst v63  }
0xcb: {  	_ =	swait.ge [sflag:s8], $0x2800  }
0xcc: {  	[sflag:s8] =	ssyncset.done $0x0  }
0xcd: {  	s15 =	simm.s32 $0x1980;
	[sflag:s8] =	ssyncadd.s32 $0xFFFFD800  }
0xce: {  	[spmem:s1] =	stream.indirect.scatter.add.f32 [tilespmem:s31], [sflag:$0x5], $0x80, s15, s20, $0xb8;
	[tilespmem:$0x1F880] =	vst v63  }
0xcf: {  	_ =	swait.ge [sflag:s5], $0x2800  }
0xd0: {  	[sflag:s5] =	ssyncset.done $0x0  }
0xd1: {  	s13 =	simm.s32 $0xA80;
	[sflag:s5] =	ssyncadd.s32 $0xFFFFD800  }
0xd2: {  	[tilespmem:s23], [sflag:$0x2] =	stream.indirect.gather [hbm4b:s4+s20], $0x80, s13, s20, $0xb8;
	[tilespmem:$0x1F880] =	vst v63  }
0xd3: {  	_ =	swait.ge [sflag:s24], $0x2800  }
0xd4: {  	[sflag:s24] =	ssyncset.done $0x0  }
0xd5: {  	s14 =	simm.s32 $0x1A00;
	[sflag:s24] =	ssyncadd.s32 $0xFFFFD800  }
0xd6: {  	[spmem:s1] =	stream.indirect.scatter.add.f32 [tilespmem:s21], [sflag:$0x5], $0x80, s14, s20, $0xb8;
	[tilespmem:$0x1F880] =	vst v63  }
0xd7: {  	_ =	swait.ge [sflag:s5], $0x2800  }
0xd8: {  	[sflag:s5] =	ssyncset.done $0x0  }
0xd9: {  	s15 =	simm.s32 $0xB00;
	[sflag:s5] =	ssyncadd.s32 $0xFFFFD800  }
0xda: {  	[tilespmem:s26], [sflag:$0x3] =	stream.indirect.gather [hbm4b:s4+s20], $0x80, s15, s20, $0xb8;
	[tilespmem:$0x1F880] =	vst v63  }
0xdb: {  	_ =	swait.ge [sflag:s28], $0x2800  }
0xdc: {  	[sflag:s28] =	ssyncset.done $0x0  }
0xdd: {  	s13 =	simm.s32 $0x1A80;
	[sflag:s28] =	ssyncadd.s32 $0xFFFFD800  }
0xde: {  	[spmem:s1] =	stream.indirect.scatter.add.f32 [tilespmem:s23], [sflag:$0x5], $0x80, s13, s20, $0xb8;
	[tilespmem:$0x1F880] =	vst v63  }
0xdf: {  	_ =	swait.ge [sflag:s5], $0x2800  }
0xe0: {  	[sflag:s5] =	ssyncset.done $0x0  }
0xe1: {  	s14 =	simm.s32 $0xB80;
	[sflag:s5] =	ssyncadd.s32 $0xFFFFD800  }
0xe2: {  	[tilespmem:s31], [sflag:$0x4] =	stream.indirect.gather [hbm4b:s4+s20], $0x80, s14, s20, $0xb8;
	[tilespmem:$0x1F880] =	vst v63  }
0xe3: {  	_ =	swait.ge [sflag:s0], $0x2800  }
0xe4: {  	[sflag:s0] =	ssyncset.done $0x0  }
0xe5: {  	s15 =	simm.s32 $0x1B00;
	[sflag:s0] =	ssyncadd.s32 $0xFFFFD800  }
0xe6: {  	[spmem:s1] =	stream.indirect.scatter.add.f32 [tilespmem:s26], [sflag:$0x5], $0x80, s15, s20, $0xb8;
	[tilespmem:$0x1F880] =	vst v63  }
0xe7: {  	_ =	swait.ge [sflag:s5], $0x2800  }
0xe8: {  	[sflag:s5] =	ssyncset.done $0x0  }
0xe9: {  	s13 =	simm.s32 $0xC00;
	[sflag:s5] =	ssyncadd.s32 $0xFFFFD800  }
0xea: {  	[tilespmem:s21], [sflag:$0x1] =	stream.indirect.gather [hbm4b:s4+s20], $0x80, s13, s20, $0xb8;
	[tilespmem:$0x1F880] =	vst v63  }
0xeb: {  	_ =	swait.ge [sflag:s8], $0x2800  }
0xec: {  	[sflag:s8] =	ssyncset.done $0x0  }
0xed: {  	s14 =	simm.s32 $0x1B80;
	[sflag:s8] =	ssyncadd.s32 $0xFFFFD800  }
0xee: {  	[spmem:s1] =	stream.indirect.scatter.add.f32 [tilespmem:s31], [sflag:$0x5], $0x80, s14, s20, $0xb8;
	[tilespmem:$0x1F880] =	vst v63  }
0xef: {  	_ =	swait.ge [sflag:s5], $0x2800  }
0xf0: {  	[sflag:s5] =	ssyncset.done $0x0  }
0xf1: {  	s15 =	simm.s32 $0xC80;
	[sflag:s5] =	ssyncadd.s32 $0xFFFFD800  }
0xf2: {  	[tilespmem:s23], [sflag:$0x2] =	stream.indirect.gather [hbm4b:s4+s20], $0x80, s15, s20, $0xb8;
	[tilespmem:$0x1F880] =	vst v63  }
0xf3: {  	_ =	swait.ge [sflag:s24], $0x2800  }
0xf4: {  	[sflag:s24] =	ssyncset.done $0x0  }
0xf5: {  	s13 =	simm.s32 $0x1C00;
	[sflag:s24] =	ssyncadd.s32 $0xFFFFD800  }
0xf6: {  	[spmem:s1] =	stream.indirect.scatter.add.f32 [tilespmem:s21], [sflag:$0x5], $0x80, s13, s20, $0xb8;
	[tilespmem:$0x1F880] =	vst v63  }
0xf7: {  	_ =	swait.ge [sflag:s5], $0x2800  }
0xf8: {  	[sflag:s5] =	ssyncset.done $0x0  }
0xf9: {  	s14 =	simm.s32 $0xD00;
	[sflag:s5] =	ssyncadd.s32 $0xFFFFD800  }
0xfa: {  	[tilespmem:s26], [sflag:$0x3] =	stream.indirect.gather [hbm4b:s4+s20], $0x80, s14, s20, $0xb8;
	[tilespmem:$0x1F880] =	vst v63  }
0xfb: {  	_ =	swait.ge [sflag:s28], $0x2800  }
0xfc: {  	[sflag:s28] =	ssyncset.done $0x0  }
0xfd: {  	s15 =	simm.s32 $0x1C80;
	[sflag:s28] =	ssyncadd.s32 $0xFFFFD800  }
0xfe: {  	[spmem:s1] =	stream.indirect.scatter.add.f32 [tilespmem:s23], [sflag:$0x5], $0x80, s15, s20, $0xb8;
	[tilespmem:$0x1F880] =	vst v63  }
0xff: {  	_ =	swait.ge [sflag:s5], $0x2800  }
0x100: {  	[sflag:s5] =	ssyncset.done $0x0  }
0x101: {  	s13 =	simm.s32 $0xD80;
	[sflag:s5] =	ssyncadd.s32 $0xFFFFD800  }
0x102: {  	[tilespmem:s31], [sflag:$0x4] =	stream.indirect.gather [hbm4b:s4+s20], $0x80, s13, s20, $0xb8;
	[tilespmem:$0x1F880] =	vst v63  }
0x103: {  	_ =	swait.ge [sflag:s0], $0x2800  }
0x104: {  	[sflag:s0] =	ssyncset.done $0x0  }
0x105: {  	s14 =	simm.s32 $0x1D00;
	[sflag:s0] =	ssyncadd.s32 $0xFFFFD800  }
0x106: {  	[spmem:s1] =	stream.indirect.scatter.add.f32 [tilespmem:s26], [sflag:$0x5], $0x80, s14, s20, $0xb8;
	[tilespmem:$0x1F880] =	vst v63  }
0x107: {  	_ =	swait.ge [sflag:s5], $0x2800  }
0x108: {  	[sflag:s5] =	ssyncset.done $0x0  }
0x109: {  	s15 =	simm.s32 $0xE00;
	[sflag:s5] =	ssyncadd.s32 $0xFFFFD800  }
0x10a: {  	[tilespmem:s21], [sflag:$0x1] =	stream.indirect.gather [hbm4b:s4+s20], $0x80, s15, s20, $0xb8;
	[tilespmem:$0x1F880] =	vst v63  }
0x10b: {  	_ =	swait.ge [sflag:s8], $0x2800  }
0x10c: {  	[sflag:s8] =	ssyncset.done $0x0  }
0x10d: {  	s13 =	simm.s32 $0x1D80;
	[sflag:s8] =	ssyncadd.s32 $0xFFFFD800  }
0x10e: {  	[spmem:s1] =	stream.indirect.scatter.add.f32 [tilespmem:s31], [sflag:$0x5], $0x80, s13, s20, $0xb8;
	[tilespmem:$0x1F880] =	vst v63  }
0x10f: {  	_ =	swait.ge [sflag:s24], $0x2800  }
0x110: {  	[sflag:s24] =	ssyncset.done $0x0  }
0x111: {  	s14 =	simm.s32 $0x1E00;
	[sflag:s24] =	ssyncadd.s32 $0xFFFFD800  }
0x112: {  	[spmem:s1] =	stream.indirect.scatter.add.f32 [tilespmem:s21], [sflag:$0x5], $0x80, s14, s20, $0xb8;
	[tilespmem:$0x1F880] =	vst v63  }
0x113: {  	_ =	swait.ge [sflag:s5], $0x2800  }
0x114: {  	[sflag:s5] =	ssyncset.done $0x0  }
0x115: {  	[sflag:s5] =	ssyncadd.s32 $0xFFFFD800  }
0x116: {  	_ =	swait.ge [sflag:s5], $0x2800  }
0x117: {  	[sflag:s5] =	ssyncset.done $0x0  }
0x118: {  	[sflag:s5] =	ssyncadd.s32 $0xFFFFD800  }
0x119: {  	_ =	swait.ge [sflag:s5], $0x2800  }
0x11a: {  	[sflag:s5] =	ssyncset.done $0x0  }
0x11b: {  	[sflag:s5] =	ssyncadd.s32 $0xFFFFD800  }
0x11c: {  	_ =	swait.ge [sflag:s5], $0x2800  }
0x11d: {  	[sflag:s5] =	ssyncset.done $0x0  }
0x11e: {  	s11 =	sadd.s32 $0x1, s11;
	[sflag:s5] =	ssyncadd.s32 $0xFFFFD800  }
0x11f: {  	p0 =	sne.s32 s11, s16;
	[bflag:$0x0] =	sbarrier.arrive $0xFFFF  }
.Ltmp1:
0x120: {  	s15 =	rddreg [dreg:$0xd];
	(pc) =	sbr.rel @!p0 .LBB2_11-.Ltmp1, $4  }
0x121: {  	[hbm:s15], [sflag:s6] =	dma.local [spmem:s17], $0x2710  }
0x122: {  	_ =	swait.ge [sflag:s18], $0x2710  }
0x123: {  	[sflag:s18] =	ssyncset.done $0x0  }
0x124: {  	[sflag:s18] =	ssyncadd.s32 $0xFFFFD8F0  }
.LBB2_1:
0x125: {  	s12 =	rddreg [dreg:$0x4]  }
0x126: {  	[spmem:s17], [sflag:s6] =	dma.local [hbm:s12], $0x2710  }
0x127: {  	_ =	swait.ge [sflag:s18], $0x2710  }
0x128: {  	[sflag:s18] =	ssyncset.done $0x0  }
0x129: {  	[sflag:s18] =	ssyncadd.s32 $0xFFFFD8F0  }
0x12a: {  	[bflag:$0x0] =	sbarrier.arrive $0xFFFF  }
0x12b: {  	s14 =	rddreg [dreg:$0x5]  }
0x12c: {  	[tilespmem:s3], [sflag:$0x6] =	stream.linear.gather [hbm4b:s14+s3], $0x1000, $0x38;
	[tilespmem:$0x1F880] =	vst v63  }
0x12d: {  	_ =	swait.ge [sflag:s18], $0x1000  }
0x12e: {  	[sflag:s18] =	ssyncset.done $0x0  }
0x12f: {  	s15 =	rddreg [dreg:$0x6];
	[sflag:s18] =	ssyncadd.s32 $0xFFFFF000  }
0x130: {  	[tilespmem:s19], [sflag:$0x6] =	stream.linear.gather [hbm4b:s15+s3], $0x1000, $0x38;
	[tilespmem:$0x1F880] =	vst v63  }
0x131: {  	_ =	swait.ge [sflag:s18], $0x1000  }
0x132: {  	[sflag:s18] =	ssyncset.done $0x0  }
0x133: {  	[sflag:s18] =	ssyncadd.s32 $0xFFFFF000  }
0x134: {  	[tilespmem:s21], [sflag:$0x1] =	stream.indirect.gather [hbm4b:s4+s20], $0x80, s3, s20, $0xb8;
	[tilespmem:$0x1F880] =	vst v63  }
0x135: {  	_ = 	snop  }
0x136: {  	[tilespmem:s23], [sflag:$0x2] =	stream.indirect.gather [hbm4b:s4+s20], $0x80, s22, s20, $0xb8;
	[tilespmem:$0x1F880] =	vst v63  }
0x137: {  	_ =	swait.ge [sflag:s24], $0x2800  }
0x138: {  	[sflag:s24] =	ssyncset.done $0x0  }
0x139: {  	[sflag:s24] =	ssyncadd.s32 $0xFFFFD800  }
0x13a: {  	[spmem:s1] =	stream.indirect.scatter.add.f32 [tilespmem:s21], [sflag:$0x5], $0x80, s19, s20, $0xb8;
	[tilespmem:$0x1F880] =	vst v63  }
0x13b: {  	_ = 	snop  }
0x13c: {  	[tilespmem:s26], [sflag:$0x3] =	stream.indirect.gather [hbm4b:s4+s20], $0x80, s25, s20, $0xb8;
	[tilespmem:$0x1F880] =	vst v63  }
0x13d: {  	_ =	swait.ge [sflag:s28], $0x2800  }
0x13e: {  	[sflag:s28] =	ssyncset.done $0x0  }
0x13f: {  	[sflag:s28] =	ssyncadd.s32 $0xFFFFD800  }
0x140: {  	[spmem:s1] =	stream.indirect.scatter.add.f32 [tilespmem:s23], [sflag:$0x5], $0x80, s29, s20, $0xb8;
	[tilespmem:$0x1F880] =	vst v63  }
0x141: {  	_ = 	snop  }
0x142: {  	[tilespmem:s31], [sflag:$0x4] =	stream.indirect.gather [hbm4b:s4+s20], $0x80, s30, s20, $0xb8;
	[tilespmem:$0x1F880] =	vst v63  }
0x143: {  	_ =	swait.ge [sflag:s0], $0x2800  }
0x144: {  	[sflag:s0] =	ssyncset.done $0x0  }
0x145: {  	[sflag:s0] =	ssyncadd.s32 $0xFFFFD800  }
0x146: {  	[spmem:s1] =	stream.indirect.scatter.add.f32 [tilespmem:s26], [sflag:$0x5], $0x80, s2, s20, $0xb8;
	[tilespmem:$0x1F880] =	vst v63  }
0x147: {  	_ =	swait.ge [sflag:s5], $0x2800  }
0x148: {  	[sflag:s5] =	ssyncset.done $0x0  }
0x149: {  	[sflag:s5] =	ssyncadd.s32 $0xFFFFD800  }
0x14a: {  	[tilespmem:s21], [sflag:$0x1] =	stream.indirect.gather [hbm4b:s4+s20], $0x80, s7, s20, $0xb8;
	[tilespmem:$0x1F880] =	vst v63  }
0x14b: {  	_ =	swait.ge [sflag:s8], $0x2800  }
0x14c: {  	[sflag:s8] =	ssyncset.done $0x0  }
0x14d: {  	[sflag:s8] =	ssyncadd.s32 $0xFFFFD800  }
0x14e: {  	[spmem:s1] =	stream.indirect.scatter.add.f32 [tilespmem:s31], [sflag:$0x5], $0x80, s9, s20, $0xb8;
	[tilespmem:$0x1F880] =	vst v63  }
0x14f: {  	_ =	swait.ge [sflag:s5], $0x2800  }
0x150: {  	[sflag:s5] =	ssyncset.done $0x0  }
0x151: {  	s12 =	simm.s32 $0x0;
	[sflag:s5] =	ssyncadd.s32 $0xFFFFD800  }
0x152: {  	[tilespmem:s23], [sflag:$0x2] =	stream.indirect.gather [hbm4b:s4+s20], $0x80, s10, s20, $0xb8;
	[tilespmem:$0x1F880] =	vst v63  }
.LBB2_2:
0x153: {  	_ =	swait.ge [sflag:s24], $0x2800  }
0x154: {  	s13 =	sshra.s32 s12, $0x2;
	[sflag:s24] =	ssyncset.done $0x0  }
0x155: {  	s14 =	sadd.s32 $0x1200, s13;
	[sflag:s24] =	ssyncadd.s32 $0xFFFFD800  }
0x156: {  	[spmem:s1] =	stream.indirect.scatter.add.f32 [tilespmem:s21], [sflag:$0x5], $0x80, s14, s20, $0xb8;
	[tilespmem:$0x1F880] =	vst v63  }
0x157: {  	_ =	swait.ge [sflag:s5], $0x2800  }
0x158: {  	[sflag:s5] =	ssyncset.done $0x0  }
0x159: {  	s15 =	sadd.s32 $0x300, s13;
	[sflag:s5] =	ssyncadd.s32 $0xFFFFD800  }
0x15a: {  	[tilespmem:s26], [sflag:$0x3] =	stream.indirect.gather [hbm4b:s4+s20], $0x80, s15, s20, $0xb8;
	[tilespmem:$0x1F880] =	vst v63  }
0x15b: {  	_ =	swait.ge [sflag:s28], $0x2800  }
0x15c: {  	[sflag:s28] =	ssyncset.done $0x0  }
0x15d: {  	s15 =	sadd.s32 $0x1280, s13;
	[sflag:s28] =	ssyncadd.s32 $0xFFFFD800  }
0x15e: {  	[spmem:s1] =	stream.indirect.scatter.add.f32 [tilespmem:s23], [sflag:$0x5], $0x80, s15, s20, $0xb8;
	[tilespmem:$0x1F880] =	vst v63  }
0x15f: {  	_ =	swait.ge [sflag:s5], $0x2800  }
0x160: {  	[sflag:s5] =	ssyncset.done $0x0  }
0x161: {  	p0 =	seq.s32 s12, $0x3000;
	s15 =	sadd.s32 $0x380, s13;
	[sflag:s5] =	ssyncadd.s32 $0xFFFFD800  }
0x162: {  	[tilespmem:s31], [sflag:$0x4] =	stream.indirect.gather [hbm4b:s4+s20], $0x80, s15, s20, $0xb8;
	[tilespmem:$0x1F880] =	vst v63  }
.Ltmp2:
0x163: {  	_ = 	snop;
	(pc) =	sbr.rel @p0 .LBB2_4-.Ltmp2, $4  }
0x164: {  	_ =	swait.ge [sflag:s0], $0x2800  }
0x165: {  	[sflag:s0] =	ssyncset.done $0x0  }
0x166: {  	s14 =	sadd.s32 $0x1380, s13;
	s15 =	sadd.s32 $0x1300, s13;
	[sflag:s0] =	ssyncadd.s32 $0xFFFFD800  }
0x167: {  	[spmem:s1] =	stream.indirect.scatter.add.f32 [tilespmem:s26], [sflag:$0x5], $0x80, s15, s20, $0xb8;
	[tilespmem:$0x1F880] =	vst v63  }
0x168: {  	_ =	swait.ge [sflag:s5], $0x2800  }
0x169: {  	[sflag:s5] =	ssyncset.done $0x0  }
0x16a: {  	s15 =	sadd.s32 $0x400, s13;
	[sflag:s5] =	ssyncadd.s32 $0xFFFFD800  }
0x16b: {  	[tilespmem:s21], [sflag:$0x1] =	stream.indirect.gather [hbm4b:s4+s20], $0x80, s15, s20, $0xb8;
	[tilespmem:$0x1F880] =	vst v63  }
0x16c: {  	_ =	swait.ge [sflag:s8], $0x2800  }
0x16d: {  	[sflag:s8] =	ssyncset.done $0x0  }
0x16e: {  	[sflag:s8] =	ssyncadd.s32 $0xFFFFD800  }
0x16f: {  	[spmem:s1] =	stream.indirect.scatter.add.f32 [tilespmem:s31], [sflag:$0x5], $0x80, s14, s20, $0xb8;
	[tilespmem:$0x1F880] =	vst v63  }
.Ltmp3:
0x170: {  	_ = 	snop;
	(pc) =	sbr.rel .LBB2_2-.Ltmp3, $4  }
0x171: {  	_ =	swait.ge [sflag:s5], $0x2800  }
0x172: {  	[sflag:s5] =	ssyncset.done $0x0  }
0x173: {  	s12 =	sadd.s32 $0x800, s12;
	s15 =	sadd.s32 $0x480, s13;
	[sflag:s5] =	ssyncadd.s32 $0xFFFFD800  }
0x174: {  	[tilespmem:s23], [sflag:$0x2] =	stream.indirect.gather [hbm4b:s4+s20], $0x80, s15, s20, $0xb8;
	[tilespmem:$0x1F880] =	vst v63  }
.LBB2_4:
0x175: {  	_ =	swait.ge [sflag:s8], $0x2800  }
0x176: {  	[sflag:s8] =	ssyncset.done $0x0  }
0x177: {  	[sflag:s8] =	ssyncadd.s32 $0xFFFFD800  }
0x178: {  	[spmem:s1] =	stream.indirect.scatter.add.f32 [tilespmem:s31], [sflag:$0x5], $0x80, s14, s20, $0xb8;
	[tilespmem:$0x1F880] =	vst v63  }
0x179: {  	_ =	swait.ge [sflag:s5], $0x2800  }
0x17a: {  	[sflag:s5] =	ssyncset.done $0x0  }
0x17b: {  	[sflag:s5] =	ssyncadd.s32 $0xFFFFD800  }
0x17c: {  	_ =	swait.ge [sflag:s5], $0x2800  }
0x17d: {  	[sflag:s5] =	ssyncset.done $0x0  }
0x17e: {  	[sflag:s5] =	ssyncadd.s32 $0xFFFFD800  }
0x17f: {  	_ =	swait.ge [sflag:s5], $0x2800  }
0x180: {  	[sflag:s5] =	ssyncset.done $0x0  }
0x181: {  	[sflag:s5] =	ssyncadd.s32 $0xFFFFD800  }
0x182: {  	_ =	swait.ge [sflag:s5], $0x2800  }
0x183: {  	[sflag:s5] =	ssyncset.done $0x0  }
0x184: {  	s12 =	simm.s32 $0x0;
	s13 =	rddreg [dreg:$0x7];
	[sflag:s5] =	ssyncadd.s32 $0xFFFFD800  }
0x185: {  	[tilespmem:s12], [sflag:$0x6] =	stream.linear.gather [hbm4b:s13+s12], $0x1000, $0x38;
	[tilespmem:$0x1F880] =	vst v63  }
0x186: {  	_ =	swait.ge [sflag:s18], $0x1000  }
0x187: {  	[sflag:s18] =	ssyncset.done $0x0  }
0x188: {  	s15 =	rddreg [dreg:$0x8];
	[sflag:s18] =	ssyncadd.s32 $0xFFFFF000  }
0x189: {  	[tilespmem:s19], [sflag:$0x6] =	stream.linear.gather [hbm4b:s15+s12], $0x1000, $0x38;
	[tilespmem:$0x1F880] =	vst v63  }
0x18a: {  	_ =	swait.ge [sflag:s18], $0x1000  }
0x18b: {  	[sflag:s18] =	ssyncset.done $0x0  }
0x18c: {  	[sflag:s18] =	ssyncadd.s32 $0xFFFFF000  }
0x18d: {  	[tilespmem:s21], [sflag:$0x1] =	stream.indirect.gather [hbm4b:s4+s20], $0x80, s12, s20, $0xb8;
	[tilespmem:$0x1F880] =	vst v63  }
0x18e: {  	_ = 	snop  }
0x18f: {  	[tilespmem:s23], [sflag:$0x2] =	stream.indirect.gather [hbm4b:s4+s20], $0x80, s22, s20, $0xb8;
	[tilespmem:$0x1F880] =	vst v63  }
0x190: {  	_ =	swait.ge [sflag:s24], $0x2800  }
0x191: {  	[sflag:s24] =	ssyncset.done $0x0  }
0x192: {  	[sflag:s24] =	ssyncadd.s32 $0xFFFFD800  }
0x193: {  	[spmem:s1] =	stream.indirect.scatter.add.f32 [tilespmem:s21], [sflag:$0x5], $0x80, s19, s20, $0xb8;
	[tilespmem:$0x1F880] =	vst v63  }
0x194: {  	_ = 	snop  }
0x195: {  	[tilespmem:s26], [sflag:$0x3] =	stream.indirect.gather [hbm4b:s4+s20], $0x80, s25, s20, $0xb8;
	[tilespmem:$0x1F880] =	vst v63  }
0x196: {  	_ =	swait.ge [sflag:s28], $0x2800  }
0x197: {  	[sflag:s28] =	ssyncset.done $0x0  }
0x198: {  	[sflag:s28] =	ssyncadd.s32 $0xFFFFD800  }
0x199: {  	[spmem:s1] =	stream.indirect.scatter.add.f32 [tilespmem:s23], [sflag:$0x5], $0x80, s29, s20, $0xb8;
	[tilespmem:$0x1F880] =	vst v63  }
0x19a: {  	_ = 	snop  }
0x19b: {  	[tilespmem:s31], [sflag:$0x4] =	stream.indirect.gather [hbm4b:s4+s20], $0x80, s30, s20, $0xb8;
	[tilespmem:$0x1F880] =	vst v63  }
0x19c: {  	_ =	swait.ge [sflag:s0], $0x2800  }
0x19d: {  	[sflag:s0] =	ssyncset.done $0x0  }
0x19e: {  	[sflag:s0] =	ssyncadd.s32 $0xFFFFD800  }
0x19f: {  	[spmem:s1] =	stream.indirect.scatter.add.f32 [tilespmem:s26], [sflag:$0x5], $0x80, s2, s20, $0xb8;
	[tilespmem:$0x1F880] =	vst v63  }
0x1a0: {  	_ =	swait.ge [sflag:s5], $0x2800  }
0x1a1: {  	[sflag:s5] =	ssyncset.done $0x0  }
0x1a2: {  	[sflag:s5] =	ssyncadd.s32 $0xFFFFD800  }
0x1a3: {  	[tilespmem:s21], [sflag:$0x1] =	stream.indirect.gather [hbm4b:s4+s20], $0x80, s7, s20, $0xb8;
	[tilespmem:$0x1F880] =	vst v63  }
0x1a4: {  	_ =	swait.ge [sflag:s8], $0x2800  }
0x1a5: {  	[sflag:s8] =	ssyncset.done $0x0  }
0x1a6: {  	[sflag:s8] =	ssyncadd.s32 $0xFFFFD800  }
0x1a7: {  	[spmem:s1] =	stream.indirect.scatter.add.f32 [tilespmem:s31], [sflag:$0x5], $0x80, s9, s20, $0xb8;
	[tilespmem:$0x1F880] =	vst v63  }
0x1a8: {  	_ =	swait.ge [sflag:s5], $0x2800  }
0x1a9: {  	[sflag:s5] =	ssyncset.done $0x0  }
0x1aa: {  	[sflag:s5] =	ssyncadd.s32 $0xFFFFD800  }
0x1ab: {  	[tilespmem:s23], [sflag:$0x2] =	stream.indirect.gather [hbm4b:s4+s20], $0x80, s10, s20, $0xb8;
	[tilespmem:$0x1F880] =	vst v63  }
.LBB2_5:
0x1ac: {  	_ =	swait.ge [sflag:s24], $0x2800  }
0x1ad: {  	s13 =	sshra.s32 s12, $0x2;
	[sflag:s24] =	ssyncset.done $0x0  }
0x1ae: {  	s14 =	sadd.s32 $0x1200, s13;
	[sflag:s24] =	ssyncadd.s32 $0xFFFFD800  }
0x1af: {  	[spmem:s1] =	stream.indirect.scatter.add.f32 [tilespmem:s21], [sflag:$0x5], $0x80, s14, s20, $0xb8;
	[tilespmem:$0x1F880] =	vst v63  }
0x1b0: {  	_ =	swait.ge [sflag:s5], $0x2800  }
0x1b1: {  	[sflag:s5] =	ssyncset.done $0x0  }
0x1b2: {  	s15 =	sadd.s32 $0x300, s13;
	[sflag:s5] =	ssyncadd.s32 $0xFFFFD800  }
0x1b3: {  	[tilespmem:s26], [sflag:$0x3] =	stream.indirect.gather [hbm4b:s4+s20], $0x80, s15, s20, $0xb8;
	[tilespmem:$0x1F880] =	vst v63  }
0x1b4: {  	_ =	swait.ge [sflag:s28], $0x2800  }
0x1b5: {  	[sflag:s28] =	ssyncset.done $0x0  }
0x1b6: {  	s15 =	sadd.s32 $0x1280, s13;
	[sflag:s28] =	ssyncadd.s32 $0xFFFFD800  }
0x1b7: {  	[spmem:s1] =	stream.indirect.scatter.add.f32 [tilespmem:s23], [sflag:$0x5], $0x80, s15, s20, $0xb8;
	[tilespmem:$0x1F880] =	vst v63  }
0x1b8: {  	_ =	swait.ge [sflag:s5], $0x2800  }
0x1b9: {  	[sflag:s5] =	ssyncset.done $0x0  }
0x1ba: {  	p0 =	seq.s32 s12, $0x3000;
	s15 =	sadd.s32 $0x380, s13;
	[sflag:s5] =	ssyncadd.s32 $0xFFFFD800  }
0x1bb: {  	[tilespmem:s31], [sflag:$0x4] =	stream.indirect.gather [hbm4b:s4+s20], $0x80, s15, s20, $0xb8;
	[tilespmem:$0x1F880] =	vst v63  }
.Ltmp4:
0x1bc: {  	_ = 	snop;
	(pc) =	sbr.rel @p0 .LBB2_7-.Ltmp4, $4  }
0x1bd: {  	_ =	swait.ge [sflag:s0], $0x2800  }
0x1be: {  	[sflag:s0] =	ssyncset.done $0x0  }
0x1bf: {  	s14 =	sadd.s32 $0x1380, s13;
	s15 =	sadd.s32 $0x1300, s13;
	[sflag:s0] =	ssyncadd.s32 $0xFFFFD800  }
0x1c0: {  	[spmem:s1] =	stream.indirect.scatter.add.f32 [tilespmem:s26], [sflag:$0x5], $0x80, s15, s20, $0xb8;
	[tilespmem:$0x1F880] =	vst v63  }
0x1c1: {  	_ =	swait.ge [sflag:s5], $0x2800  }
0x1c2: {  	[sflag:s5] =	ssyncset.done $0x0  }
0x1c3: {  	s15 =	sadd.s32 $0x400, s13;
	[sflag:s5] =	ssyncadd.s32 $0xFFFFD800  }
0x1c4: {  	[tilespmem:s21], [sflag:$0x1] =	stream.indirect.gather [hbm4b:s4+s20], $0x80, s15, s20, $0xb8;
	[tilespmem:$0x1F880] =	vst v63  }
0x1c5: {  	_ =	swait.ge [sflag:s8], $0x2800  }
0x1c6: {  	[sflag:s8] =	ssyncset.done $0x0  }
0x1c7: {  	[sflag:s8] =	ssyncadd.s32 $0xFFFFD800  }
0x1c8: {  	[spmem:s1] =	stream.indirect.scatter.add.f32 [tilespmem:s31], [sflag:$0x5], $0x80, s14, s20, $0xb8;
	[tilespmem:$0x1F880] =	vst v63  }
.Ltmp5:
0x1c9: {  	_ = 	snop;
	(pc) =	sbr.rel .LBB2_5-.Ltmp5, $4  }
0x1ca: {  	_ =	swait.ge [sflag:s5], $0x2800  }
0x1cb: {  	[sflag:s5] =	ssyncset.done $0x0  }
0x1cc: {  	s12 =	sadd.s32 $0x800, s12;
	s15 =	sadd.s32 $0x480, s13;
	[sflag:s5] =	ssyncadd.s32 $0xFFFFD800  }
0x1cd: {  	[tilespmem:s23], [sflag:$0x2] =	stream.indirect.gather [hbm4b:s4+s20], $0x80, s15, s20, $0xb8;
	[tilespmem:$0x1F880] =	vst v63  }
.LBB2_7:
0x1ce: {  	_ =	swait.ge [sflag:s8], $0x2800  }
0x1cf: {  	[sflag:s8] =	ssyncset.done $0x0  }
0x1d0: {  	[sflag:s8] =	ssyncadd.s32 $0xFFFFD800  }
0x1d1: {  	[spmem:s1] =	stream.indirect.scatter.add.f32 [tilespmem:s31], [sflag:$0x5], $0x80, s14, s20, $0xb8;
	[tilespmem:$0x1F880] =	vst v63  }
0x1d2: {  	_ =	swait.ge [sflag:s5], $0x2800  }
0x1d3: {  	[sflag:s5] =	ssyncset.done $0x0  }
0x1d4: {  	[sflag:s5] =	ssyncadd.s32 $0xFFFFD800  }
0x1d5: {  	_ =	swait.ge [sflag:s5], $0x2800  }
0x1d6: {  	[sflag:s5] =	ssyncset.done $0x0  }
0x1d7: {  	[sflag:s5] =	ssyncadd.s32 $0xFFFFD800  }
0x1d8: {  	_ =	swait.ge [sflag:s5], $0x2800  }
0x1d9: {  	[sflag:s5] =	ssyncset.done $0x0  }
0x1da: {  	[sflag:s5] =	ssyncadd.s32 $0xFFFFD800  }
0x1db: {  	_ =	swait.ge [sflag:s5], $0x2800  }
0x1dc: {  	[sflag:s5] =	ssyncset.done $0x0  }
0x1dd: {  	s12 =	simm.s32 $0x0;
	s13 =	rddreg [dreg:$0x9];
	[sflag:s5] =	ssyncadd.s32 $0xFFFFD800  }
0x1de: {  	[tilespmem:s12], [sflag:$0x6] =	stream.linear.gather [hbm4b:s13+s12], $0x1000, $0x38;
	[tilespmem:$0x1F880] =	vst v63  }
0x1df: {  	_ =	swait.ge [sflag:s18], $0x1000  }
0x1e0: {  	[sflag:s18] =	ssyncset.done $0x0  }
0x1e1: {  	s15 =	rddreg [dreg:$0xa];
	[sflag:s18] =	ssyncadd.s32 $0xFFFFF000  }
0x1e2: {  	[tilespmem:s19], [sflag:$0x6] =	stream.linear.gather [hbm4b:s15+s12], $0x1000, $0x38;
	[tilespmem:$0x1F880] =	vst v63  }
0x1e3: {  	_ =	swait.ge [sflag:s18], $0x1000  }
0x1e4: {  	[sflag:s18] =	ssyncset.done $0x0  }
0x1e5: {  	[sflag:s18] =	ssyncadd.s32 $0xFFFFF000  }
0x1e6: {  	[tilespmem:s21], [sflag:$0x1] =	stream.indirect.gather [hbm4b:s4+s20], $0x80, s12, s20, $0xb8;
	[tilespmem:$0x1F880] =	vst v63  }
0x1e7: {  	_ = 	snop  }
0x1e8: {  	[tilespmem:s23], [sflag:$0x2] =	stream.indirect.gather [hbm4b:s4+s20], $0x80, s22, s20, $0xb8;
	[tilespmem:$0x1F880] =	vst v63  }
0x1e9: {  	_ =	swait.ge [sflag:s24], $0x2800  }
0x1ea: {  	[sflag:s24] =	ssyncset.done $0x0  }
0x1eb: {  	[sflag:s24] =	ssyncadd.s32 $0xFFFFD800  }
0x1ec: {  	[spmem:s1] =	stream.indirect.scatter.add.f32 [tilespmem:s21], [sflag:$0x5], $0x80, s19, s20, $0xb8;
	[tilespmem:$0x1F880] =	vst v63  }
0x1ed: {  	_ = 	snop  }
0x1ee: {  	[tilespmem:s26], [sflag:$0x3] =	stream.indirect.gather [hbm4b:s4+s20], $0x80, s25, s20, $0xb8;
	[tilespmem:$0x1F880] =	vst v63  }
0x1ef: {  	_ =	swait.ge [sflag:s28], $0x2800  }
0x1f0: {  	[sflag:s28] =	ssyncset.done $0x0  }
0x1f1: {  	[sflag:s28] =	ssyncadd.s32 $0xFFFFD800  }
0x1f2: {  	[spmem:s1] =	stream.indirect.scatter.add.f32 [tilespmem:s23], [sflag:$0x5], $0x80, s29, s20, $0xb8;
	[tilespmem:$0x1F880] =	vst v63  }
0x1f3: {  	_ = 	snop  }
0x1f4: {  	[tilespmem:s31], [sflag:$0x4] =	stream.indirect.gather [hbm4b:s4+s20], $0x80, s30, s20, $0xb8;
	[tilespmem:$0x1F880] =	vst v63  }
0x1f5: {  	_ =	swait.ge [sflag:s0], $0x2800  }
0x1f6: {  	[sflag:s0] =	ssyncset.done $0x0  }
0x1f7: {  	[sflag:s0] =	ssyncadd.s32 $0xFFFFD800  }
0x1f8: {  	[spmem:s1] =	stream.indirect.scatter.add.f32 [tilespmem:s26], [sflag:$0x5], $0x80, s2, s20, $0xb8;
	[tilespmem:$0x1F880] =	vst v63  }
0x1f9: {  	_ =	swait.ge [sflag:s5], $0x2800  }
0x1fa: {  	[sflag:s5] =	ssyncset.done $0x0  }
0x1fb: {  	[sflag:s5] =	ssyncadd.s32 $0xFFFFD800  }
0x1fc: {  	[tilespmem:s21], [sflag:$0x1] =	stream.indirect.gather [hbm4b:s4+s20], $0x80, s7, s20, $0xb8;
	[tilespmem:$0x1F880] =	vst v63  }
0x1fd: {  	_ =	swait.ge [sflag:s8], $0x2800  }
0x1fe: {  	[sflag:s8] =	ssyncset.done $0x0  }
0x1ff: {  	[sflag:s8] =	ssyncadd.s32 $0xFFFFD800  }
0x200: {  	[spmem:s1] =	stream.indirect.scatter.add.f32 [tilespmem:s31], [sflag:$0x5], $0x80, s9, s20, $0xb8;
	[tilespmem:$0x1F880] =	vst v63  }
0x201: {  	_ =	swait.ge [sflag:s5], $0x2800  }
0x202: {  	[sflag:s5] =	ssyncset.done $0x0  }
0x203: {  	[sflag:s5] =	ssyncadd.s32 $0xFFFFD800  }
0x204: {  	[tilespmem:s23], [sflag:$0x2] =	stream.indirect.gather [hbm4b:s4+s20], $0x80, s10, s20, $0xb8;
	[tilespmem:$0x1F880] =	vst v63  }
.LBB2_8:
0x205: {  	_ =	swait.ge [sflag:s24], $0x2800  }
0x206: {  	s13 =	sshra.s32 s12, $0x2;
	[sflag:s24] =	ssyncset.done $0x0  }
0x207: {  	s14 =	sadd.s32 $0x1200, s13;
	[sflag:s24] =	ssyncadd.s32 $0xFFFFD800  }
0x208: {  	[spmem:s1] =	stream.indirect.scatter.add.f32 [tilespmem:s21], [sflag:$0x5], $0x80, s14, s20, $0xb8;
	[tilespmem:$0x1F880] =	vst v63  }
0x209: {  	_ =	swait.ge [sflag:s5], $0x2800  }
0x20a: {  	[sflag:s5] =	ssyncset.done $0x0  }
0x20b: {  	s15 =	sadd.s32 $0x300, s13;
	[sflag:s5] =	ssyncadd.s32 $0xFFFFD800  }
0x20c: {  	[tilespmem:s26], [sflag:$0x3] =	stream.indirect.gather [hbm4b:s4+s20], $0x80, s15, s20, $0xb8;
	[tilespmem:$0x1F880] =	vst v63  }
0x20d: {  	_ =	swait.ge [sflag:s28], $0x2800  }
0x20e: {  	[sflag:s28] =	ssyncset.done $0x0  }
0x20f: {  	s15 =	sadd.s32 $0x1280, s13;
	[sflag:s28] =	ssyncadd.s32 $0xFFFFD800  }
0x210: {  	[spmem:s1] =	stream.indirect.scatter.add.f32 [tilespmem:s23], [sflag:$0x5], $0x80, s15, s20, $0xb8;
	[tilespmem:$0x1F880] =	vst v63  }
0x211: {  	_ =	swait.ge [sflag:s5], $0x2800  }
0x212: {  	[sflag:s5] =	ssyncset.done $0x0  }
0x213: {  	p0 =	seq.s32 s12, $0x3000;
	s15 =	sadd.s32 $0x380, s13;
	[sflag:s5] =	ssyncadd.s32 $0xFFFFD800  }
0x214: {  	[tilespmem:s31], [sflag:$0x4] =	stream.indirect.gather [hbm4b:s4+s20], $0x80, s15, s20, $0xb8;
	[tilespmem:$0x1F880] =	vst v63  }
.Ltmp6:
0x215: {  	_ = 	snop;
	(pc) =	sbr.rel @p0 .LBB2_10-.Ltmp6, $4  }
0x216: {  	_ =	swait.ge [sflag:s0], $0x2800  }
0x217: {  	[sflag:s0] =	ssyncset.done $0x0  }
0x218: {  	s14 =	sadd.s32 $0x1380, s13;
	s15 =	sadd.s32 $0x1300, s13;
	[sflag:s0] =	ssyncadd.s32 $0xFFFFD800  }
0x219: {  	[spmem:s1] =	stream.indirect.scatter.add.f32 [tilespmem:s26], [sflag:$0x5], $0x80, s15, s20, $0xb8;
	[tilespmem:$0x1F880] =	vst v63  }
0x21a: {  	_ =	swait.ge [sflag:s5], $0x2800  }
0x21b: {  	[sflag:s5] =	ssyncset.done $0x0  }
0x21c: {  	s15 =	sadd.s32 $0x400, s13;
	[sflag:s5] =	ssyncadd.s32 $0xFFFFD800  }
0x21d: {  	[tilespmem:s21], [sflag:$0x1] =	stream.indirect.gather [hbm4b:s4+s20], $0x80, s15, s20, $0xb8;
	[tilespmem:$0x1F880] =	vst v63  }
0x21e: {  	_ =	swait.ge [sflag:s8], $0x2800  }
0x21f: {  	[sflag:s8] =	ssyncset.done $0x0  }
0x220: {  	[sflag:s8] =	ssyncadd.s32 $0xFFFFD800  }
0x221: {  	[spmem:s1] =	stream.indirect.scatter.add.f32 [tilespmem:s31], [sflag:$0x5], $0x80, s14, s20, $0xb8;
	[tilespmem:$0x1F880] =	vst v63  }
.Ltmp7:
0x222: {  	_ = 	snop;
	(pc) =	sbr.rel .LBB2_8-.Ltmp7, $4  }
0x223: {  	_ =	swait.ge [sflag:s5], $0x2800  }
0x224: {  	[sflag:s5] =	ssyncset.done $0x0  }
0x225: {  	s12 =	sadd.s32 $0x800, s12;
	s15 =	sadd.s32 $0x480, s13;
	[sflag:s5] =	ssyncadd.s32 $0xFFFFD800  }
0x226: {  	[tilespmem:s23], [sflag:$0x2] =	stream.indirect.gather [hbm4b:s4+s20], $0x80, s15, s20, $0xb8;
	[tilespmem:$0x1F880] =	vst v63  }
.LBB2_11:
0x227: {  	_ =	sfence.sel $0x180000  }
0x228: {  	[bflag:$0x0] =	sbarrier.arrive $0xFFFF  }
0x229: {  	_ =	strace $0x9000004A  }
0x22a: {  	s0 =	stileid.u32;
	[bflag:$0x2] =	sbarrier.arrive $0xFFFF  }
0x22b: {  	p0 =	sne.s32 s0, $0x0;
	s0 =	rddreg [dreg:$0x3]  }
0x22c: {  	s0 =	sadd.s32 @!p0 $0x100000, s0  }
0x22d: {  	[sflag:s0] =	ssyncadd.tile.s32 @!p0 $0x1;
	_ =	shalt  }
.Lfunc_end2:
_tile_overlayer_lowered:
.L_overlay_start_2:
0x22e: {  	(tag) =	ssettag $0x2  }
0x22f: {  	s0 =	rddreg [dreg:$0x0];
	s2 =	stileid.u32  }
0x230: {  	s1 =	rddreg [dreg:$0x1];
	p0 =	sne.s32 s2, $0x0  }
0x231: {  	s3 =	rddreg [dreg:$0x2];
	[bflag:$0x3] =	sbarrier.arrive $0xFFFF;
	s2 =	simm.s32 @!p0 $0x1C06  }
0x232: {  	[timem:s3], [sflag:s2] =	dma.local @!p0 [hbm:s0], s1  }
0x233: {  	s0 =	simm.s32 @!p0 $0x6  }
0x234: {  	_ =	swait.ge @!p0 [sflag:s0], s1  }
0x235: {  	s1 =	ssub.s32 @!p0 $0x0, s1;
	[sflag:s0] =	ssyncset.done @!p0 $0x0  }
0x236: {  	[sflag:s0] =	ssyncadd.s32 @!p0 s1  }
0x237: {  	[bflag:$0x3] =	sbarrier.arrive $0xFFFF  }
0x238: {  	_ =	shalt  }

// kernel: kernel.14.cloned.1.call-start
scs
__scs_entry_jumppad:
0x0: {  	(pc) =	sbr.rel $0x88, $3  }
0x1: {  	(tag) =	ssettag $0x0;
	lr =	simm.s32 $0x1  }
0x2: {  	[smem:$0x3F99] =	sst lr;
	_ =	strace $0xD0000000  }
0x3: {  	_ = 	snop  }
0x4: {  	_ = 	snop  }
0x5: {  	_ = 	snop  }
0x6: {  	_ = 	snop  }
0x7: {  	_ = 	snop  }
__scs_overlays_trampoline_lowered:
0x8: {  	[smem:$0x3FA8] =	sst s0  }
0x9: {  	[smem:$0x3FA9] =	sst s1  }
0xa: {  	[smem:$0x3FAA] =	sst s2  }
0xb: {  	[smem:$0x3FAB] =	sst s3  }
0xc: {  	[smem:$0x3FAC] =	sst s4  }
0xd: {  	[smem:$0x3FAD] =	sst s5  }
0xe: {  	[smem:$0x3FAE] =	sst s6  }
0xf: {  	[smem:$0x3FAF] =	sst s7  }
0x10: {  	[smem:$0x3FB0] =	sst s8  }
0x11: {  	[smem:$0x3FB1] =	sst s9;
	s0 =	simm.s32 @!p0 $0x0  }
0x12: {  	s1 =	sld [smem:$0x3F97];
	s0 =	simm.s32 @p0 $0x1  }
0x13: {  	[smem:$0x3FB2] =	sst s0;
	s0 =	simm.s32 @!p1 $0x0  }
0x14: {  	s2 =	sld [smem:$0x3F96];
	s0 =	simm.s32 @p1 $0x1  }
0x15: {  	[smem:$0x3FB3] =	sst s0;
	s0 =	simm.s32 @!p2 $0x0  }
0x16: {  	s3 =	sld [smem:$0x3FDB];
	s0 =	simm.s32 @p2 $0x1  }
0x17: {  	s4 =	simm.s32 $0x1BF5;
	[smem:$0x3FB5] =	sst s0  }
0x18: {  	s0 =	sld [smem:$0x3F98];
	_ =	swait.ge [sflag:s4], $0x0  }
0x19: {  	s7 =	sld [smem:$0x3F99]  }
0x1a: {  	s8 =	sadd.s32 $0xFFFFE003, lr  }
0x1b: {  	s9 =	sadd.s32 $0xFFFFFEF7, lr;
	s5 =	simm.s32 $0xFFFFFFFF;
	p2 =	slt.u32 s8, $0xFFFFF086  }
0x1c: {  	p1 =	slt.u32 s9, $0xF7A;
	s5 =	simm.s32 @!p2 $0x0  }
0x1d: {  	s5 =	simm.s32 @p1 $0x1;
	p0 =	seq.s32 s7, s2  }
0x1e: {  	s7 =	smul.u32 @!p0 $0xF7A, s2;
	p2 =	seq.s32 @!p0 s5, $0x0  }
0x1f: {  	s9 =	smul.u32 $0xF7A, s1;
	s8 =	simm.s32 @!p0 $0x1BF5;
	p2 =	por !p2, p0  }
0x20: {  	[sflag:s8] =	ssyncset.s32 @!p0 $0xFFFFF086;
	s6 =	sadd.s32 @!p0 s3, s7;
	s7 =	simm.s32 @!p0 $0x108  }
0x21: {  	s3 =	sadd.s32 s3, s9;
	s6 =	sadd.s32 @!p0 $0x88, s6;
	s7 =	simm.s32 @p2 $0x1082  }
0x22: {  	[simem:s7], [sflag:s8] =	dma.local @!p0 [hbm:s6], $0xF7A  }
0x23: {  	s9 =	sor.u32 $0xD0000000, s2;
	s6 =	simm.s32 $0x108;
	_ =	swait.ge @!p0 [sflag:s8], $0x0  }
0x24: {  	s3 =	sadd.s32 $0x88, s3;
	s6 =	simm.s32 @!p1 $0x1082;
	[sflag:s4] =	ssyncset.s32 $0xFFFFF086  }
0x25: {  	[simem:s6], [sflag:s4] =	dma.local [hbm:s3], $0xF7A  }
0x26: {  	[smem:$0x3F99] =	sst s1;
	(tag) =	ssettag s2;
	_ =	strace s9  }
0x27: {  	s1 =	sld [smem:$0x3FA9]  }
0x28: {  	s2 =	sld [smem:$0x3FAA]  }
0x29: {  	s4 =	sld [smem:$0x3FAC]  }
0x2a: {  	p0 =	seq.s32 s5, $0x0;
	s5 =	sld [smem:$0x3FAD]  }
0x2b: {  	s6 =	sld [smem:$0x3FAE]  }
0x2c: {  	s7 =	sld [smem:$0x3FAF]  }
0x2d: {  	s3 =	simm.s32 $0x108;
	s8 =	sld [smem:$0x3FB0]  }
0x2e: {  	s3 =	simm.s32 @!p0 $0x1082;
	s9 =	sld [smem:$0x3FB1]  }
0x2f: {  	lr =	sadd.s32 s0, s3;
	s0 =	sld [smem:$0x3FA8]  }
0x30: {  	s3 =	sld [smem:$0x3FAB]  }
0x31: {  	[smem:$0x3FB4] =	sst s10  }
0x32: {  	s10 =	sld [smem:$0x3FB2];
	_ =	sdelay $0x3  }
0x33: {  	p0 =	seq.s32 s10, $0x1;
	s10 =	sld [smem:$0x3FB4];
	_ =	sdelay $0x3  }
0x34: {  	[smem:$0x3FB4] =	sst s10  }
0x35: {  	s10 =	sld [smem:$0x3FB3];
	_ =	sdelay $0x3  }
0x36: {  	p1 =	seq.s32 s10, $0x1;
	s10 =	sld [smem:$0x3FB4];
	_ =	sdelay $0x3  }
0x37: {  	[smem:$0x3FB4] =	sst s10  }
0x38: {  	s10 =	sld [smem:$0x3FB5]  }
0x39: {  	_ = 	snop;
	(pc) =	sbr.ind lr, $3  }
0x3a: {  	_ = 	snop  }
0x3b: {  	_ = 	snop  }
0x3c: {  	p2 =	seq.s32 s10, $0x1;
	s10 =	sld [smem:$0x3FB4]  }
0x3d: {  	_ =	shalt  }
0x3e: {  	_ =	shalt  }
0x3f: {  	_ =	shalt  }
0x40: {  	_ =	shalt  }
0x41: {  	_ =	shalt  }
0x42: {  	_ =	shalt  }
0x43: {  	_ =	shalt  }
0x44: {  	_ =	shalt  }
0x45: {  	_ =	shalt  }
0x46: {  	_ =	shalt  }
0x47: {  	_ =	shalt  }
0x48: {  	_ =	shalt  }
0x49: {  	_ =	shalt  }
0x4a: {  	_ =	shalt  }
0x4b: {  	_ =	shalt  }
0x4c: {  	_ =	shalt  }
0x4d: {  	_ =	shalt  }
0x4e: {  	_ =	shalt  }
0x4f: {  	_ =	shalt  }
0x50: {  	_ =	shalt  }
0x51: {  	_ =	shalt  }
0x52: {  	_ =	shalt  }
0x53: {  	_ =	shalt  }
0x54: {  	_ =	shalt  }
0x55: {  	_ =	shalt  }
0x56: {  	_ =	shalt  }
0x57: {  	_ =	shalt  }
0x58: {  	_ =	shalt  }
0x59: {  	_ =	shalt  }
0x5a: {  	_ =	shalt  }
0x5b: {  	_ =	shalt  }
0x5c: {  	_ =	shalt  }
0x5d: {  	_ =	shalt  }
0x5e: {  	_ =	shalt  }
0x5f: {  	_ =	shalt  }
0x60: {  	_ =	shalt  }
0x61: {  	_ =	shalt  }
0x62: {  	_ =	shalt  }
0x63: {  	_ =	shalt  }
0x64: {  	_ =	shalt  }
0x65: {  	_ =	shalt  }
0x66: {  	_ =	shalt  }
0x67: {  	_ =	shalt  }
0x68: {  	_ =	shalt  }
0x69: {  	_ =	shalt  }
0x6a: {  	_ =	shalt  }
0x6b: {  	_ =	shalt  }
0x6c: {  	_ =	shalt  }
0x6d: {  	_ =	shalt  }
0x6e: {  	_ =	shalt  }
0x6f: {  	_ =	shalt  }
0x70: {  	_ =	shalt  }
0x71: {  	_ =	shalt  }
0x72: {  	_ =	shalt  }
0x73: {  	_ =	shalt  }
0x74: {  	_ =	shalt  }
0x75: {  	_ =	shalt  }
0x76: {  	_ =	shalt  }
0x77: {  	_ =	shalt  }
0x78: {  	_ =	shalt  }
0x79: {  	_ =	shalt  }
0x7a: {  	_ =	shalt  }
0x7b: {  	_ =	shalt  }
0x7c: {  	_ =	shalt  }
0x7d: {  	_ =	shalt  }
0x7e: {  	_ =	shalt  }
0x7f: {  	_ =	shalt  }
0x80: {  	_ =	shalt  }
0x81: {  	_ =	shalt  }
0x82: {  	_ =	shalt  }
0x83: {  	_ =	shalt  }
0x84: {  	_ =	shalt  }
0x85: {  	_ =	shalt  }
0x86: {  	_ =	shalt  }
0x87: {  	_ =	shalt  }
.Lfunc_end0:
.L_simem_size_0:
called_computation.2_lowered:
.L_overlay_start_0:
0x88: {  	s2 =	sld [smem:$0x3FD9]  }
0x89: {  	s3 =	sld [smem:$0x3FFE];
	_ =	sdelay $0x1  }
0x8a: {  	s1 =	srdreg.scid  }
0x8b: {  	s0 =	sand.u32 $0x1, s1  }
0x8c: {  	s17 =	sshll.u32 s0, $0xA;
	s2 =	sadd.s32 s3, s2  }
0x8d: {  	s2 =	sadd.s32 s2, s17  }
0x8e: {  	[smem:$0x3FC0] =	sst s2  }
0x8f: {  	_ = 	snop  }
0x90: {  	s2 =	sld [smem:$0x3FD0];
	(tm) =	ssettm $0x1  }
0x91: {  	s18 =	sld [smem:$0x3FFB];
	_ =	sdelay $0x3  }
0x92: {  	_ =	strace s18  }
0x93: {  	s3 =	sld [smem:$0x3FFC];
	_ =	sdelay $0x3  }
0x94: {  	_ =	strace s3  }
0x95: {  	s3 =	sld [smem:$0x3FFD];
	_ =	sdelay $0x3  }
0x96: {  	_ =	strace s3  }
0x97: {  	_ =	strace $0x8FFFFFFF  }
0x98: {  	s19 =	sld [smem:$0x3FDB];
	_ =	sdelay $0x1  }
0x99: {  	s4 =	simm.s32 $_scs_section_size  }
0x9a: {  	s5 =	simm.s32 $_size__tile_overlayer_lowered;
	s6 =	simm.s32 $_tile_overlayer_lowered  }
0x9b: {  	s22 =	simm.s32 $0x1BFF;
	s21 =	sshll.u32 s6, $0x1;
	s3 =	sadd.s32 s4, s19  }
0x9c: {  	s7 =	simm.s32 $0x0;
	s20 =	sshll.u32 s5, $0x1;
	s5 =	sadd.s32 s21, s3  }
0x9d: {  	[timem:s7], [sflag:s22] =	dma.local [hbm:s5], s20  }
0x9e: {  	_ =	swait.ge [sflag:s22], s20  }
0x9f: {  	s4 =	ssub.s32 $0x0, s20;
	[sflag:s22] =	ssyncset.done $0x0  }
0xa0: {  	[sflag:s22] =	ssyncadd.s32 s4;
	_ =	sdelay $0x1  }
0xa1: {  	s23 =	simm.s32 $0x1B8B  }
0xa2: {  	_ =	swait.ge [sflag:s23], $0x1  }
0xa3: {  	[sflag:s23] =	ssyncset.done $0x0  }
0xa4: {  	s25 =	simm.s32 $0x1B8E;
	s24 =	sld [smem:$0x3FFE];
	[sflag:s23] =	ssyncadd.s32 $0xFFFFFFFF  }
0xa5: {  	s26 =	simm.s32 $execute0_lowered;
	[smem:$0x3FD2] =	sst s25  }
0xa6: {  	s5 =	sshll.u32 s26, $0x1;
	_ =	strace $0x8000004C;
	[dreg:$0x1] =	wrdreg $0xFFFFFFFF  }
0xa7: {  	s28 =	simm.s32 $_size_execute0_lowered;
	s3 =	sadd.s32 s3, s5;
	[dreg:$0x0] =	wrdreg $0x0  }
0xa8: {  	s5 =	sshll.u32 s28, $0x1;
	[dreg:$0x2] =	wrdreg s3  }
0xa9: {  	[dreg:$0x3] =	wrdreg s5  }
0xaa: {  	[dreg:$0x4] =	wrdreg $0xC0  }
0xab: {  	_ =	task [dreg:s7], $0x5FFFF  }
0xac: {  	[dreg:$0x1] =	wrdreg $0xFFFFFFFF  }
0xad: {  	[dreg:$0x0] =	wrdreg $0x60  }
0xae: {  	[dreg:$0x2] =	wrdreg s24  }
0xaf: {  	[dreg:$0x3] =	wrdreg s2  }
0xb0: {  	[dreg:$0x4] =	wrdreg $0xC0000  }
0xb1: {  	[dreg:$0x5] =	wrdreg $0x9  }
0xb2: {  	_ =	task.clear_ibuf [dreg:s7], $0x6FFFF;
	_ =	strace $0x9000004C  }
0xb3: {  	s29 =	simm.s32 $0x9;
	_ =	strace $0x8000004E  }
0xb4: {  	_ =	swait.ge [sflag:s29], $0x1  }
0xb5: {  	[sflag:s29] =	ssyncadd.s32 $0xFFFFFFFF  }
0xb6: {  	_ =	strace $0x9000004E  }
0xb7: {  	_ =	sfence  }
0xb8: {  	s30 =	sld [smem:$0x0];
	_ =	sdelay $0x2  }
0xb9: {  	s31 =	sshll.u32 s1, $0xD;
	s1 =	sshrl.u32 s1, $0x2  }
0xba: {  	s3 =	sand.u32 $0x4000, s31;
	s1 =	sadd.s32 s1, s30  }
0xbb: {  	s0 =	sor.u32 s3, s0;
	s1 =	sshll.u32 s1, $0x11  }
0xbc: {  	s0 =	sor.u32 s1, s0  }
0xbd: {  	s0 =	sadd.s32 $0x8F2B, s0  }
0xbe: {  	[sflag:s0] =	ssyncadd.remote.s32 $0x1  }
0xbf: {  	_ =	sfence.sel $0xFFFF  }
0xc0: {  	[dreg:$0x0] =	wrdreg $0xFFFFFFFF;
	(pc) =	sbr.abs _section_cstart, $3  }
0xc1: {  	[dreg:$0x1] =	wrdreg $0xFFFFFFFF  }
0xc2: {  	_ =	task.clear_ibuf [dreg:s7], $0x2FFFF;
	_ =	strace $0x9FFFFFFF  }
0xc3: {  	(tm) =	ssettm $0x7FFFFFFF  }
tec
execute0_lowered:
.L_overlay_start_1:
0x0: {  	(tag) =	ssettag $0x1  }
0x1: {  	s0 =	rddreg [dreg:$0x0]  }
0x2: {  	s2 =	rddreg [dreg:$0x1]  }
0x3: {  	s1 =	rddreg [dreg:$0x2]  }
0x4: {  	s3 =	srdreg.scid;
	s11 =	stileid.u32  }
0x5: {  	s28 =	simm.s32 $0x2;
	s29 =	simm.s32 $0x1080;
	s30 =	simm.s32 $0x180  }
0x6: {  	s31 =	simm.s32 $0x9800;
	s5 =	sand.u32 $0x1, s3;
	s3 =	simm.s32 $0x0  }
0x7: {  	s7 =	smul.u32 $0x13C00, s11;
	s4 =	sadd.s32 $0x64600, s0;
	s8 =	sadd.s32 $0x54600, s0  }
0x8: {  	s10 =	smul.u32 $0x4E200, s11;
	s12 =	sadd.s32 $0x2800, s0;
	s19 =	sshll.u32 s11, $0xB  }
0x9: {  	s20 =	sshll.u32 s11, $0x6;
	s11 =	simm.s32 $0x0;
	s6 =	smul.u32 $0x13C000, s5  }
0xa: {  	[smem:$0x7FF] =	sst s3;
	s17 =	ssub.s32 $0x2, s5;
	s5 =	sshll.u32 s5, $0xF  }
0xb: {  	_ =	strace $0x8000004D;
	s9 =	sshrl.u32 s17, $0x1;
	[dreg:$0x4] =	wrdreg s12  }
0xc: {  	s18 =	sshrl.u32 s10, $0x2;
	s5 =	sor.u32 s19, s5;
	s19 =	simm.s32 $0x1000  }
0xd: {  	s6 =	sadd.s32 s7, s6;
	s7 =	ssub.s32 s17, s9;
	s10 =	sadd.s32 s18, s1  }
0xe: {  	s9 =	sadd.s32 s8, s5;
	s21 =	sor.u32 $0x200, s5;
	s22 =	sadd.s32 s2, s5  }
0xf: {  	s24 =	sor.u32 $0x400, s5;
	s5 =	sor.u32 $0x600, s5;
	[dreg:$0x5] =	wrdreg s9  }
0x10: {  	s18 =	simm.s32 $0x6;
	s6 =	sshrl.u32 s6, $0x3;
	[dreg:$0x6] =	wrdreg s22  }
0x11: {  	s23 =	sadd.s32 s8, s21;
	s9 =	sadd.s32 s2, s21;
	s25 =	sadd.s32 s8, s24  }
0x12: {  	s26 =	sadd.s32 s2, s24;
	s8 =	sadd.s32 s8, s5;
	s2 =	sadd.s32 s2, s5  }
0x13: {  	s16 =	smax.u32 s7, $0x1;
	s17 =	sshrl.u32 s10, $0x3;
	[dreg:$0x7] =	wrdreg s23  }
0x14: {  	s21 =	simm.s32 $0x2000;
	s22 =	simm.s32 $0x80;
	[dreg:$0x8] =	wrdreg s9  }
0x15: {  	s24 =	simm.s32 $0x1;
	s5 =	simm.s32 $0x5;
	[dreg:$0x9] =	wrdreg s25  }
0x16: {  	s7 =	simm.s32 $0x200;
	s10 =	simm.s32 $0x280;
	[dreg:$0xa] =	wrdreg s26  }
.Ltmp0:
0x17: {  	s0 =	sadd.s32 s6, s0;
	[dreg:$0xb] =	wrdreg s8;
	(pc) =	sbr.rel .LBB2_1-.Ltmp0, $4  }
0x18: {  	s6 =	sor.u32 $0x1C06, s20;
	[dreg:$0xc] =	wrdreg s2;
	s20 =	simm.s32 $0x50  }
0x19: {  	s23 =	simm.s32 $0x4800;
	s25 =	simm.s32 $0x100;
	s26 =	simm.s32 $0x7000  }
0x1a: {  	s2 =	simm.s32 $0x1100;
	s8 =	simm.s32 $0x4;
	s0 =	sadd.s32 $0x8B800, s0  }
0x1b: {  	s9 =	simm.s32 $0x1180;
	[dreg:$0xd] =	wrdreg s0;
	s0 =	simm.s32 $0x3  }
.LBB2_10:
0x1c: {  	_ =	swait.ge [sflag:s8], $0x2800  }
0x1d: {  	[sflag:s8] =	ssyncset.done $0x0  }
0x1e: {  	[sflag:s8] =	ssyncadd.s32 $0xFFFFD800  }
0x1f: {  	[spmem:s1] =	stream.indirect.scatter.add.f32 [tilespmem:s31], [sflag:$0x5], $0x80, s14, s20, $0xb8;
	[tilespmem:$0x1F880] =	vst v63  }
0x20: {  	_ =	swait.ge [sflag:s5], $0x2800  }
0x21: {  	[sflag:s5] =	ssyncset.done $0x0  }
0x22: {  	[sflag:s5] =	ssyncadd.s32 $0xFFFFD800  }
0x23: {  	_ =	swait.ge [sflag:s5], $0x2800  }
0x24: {  	[sflag:s5] =	ssyncset.done $0x0  }
0x25: {  	[sflag:s5] =	ssyncadd.s32 $0xFFFFD800  }
0x26: {  	_ =	swait.ge [sflag:s5], $0x2800  }
0x27: {  	[sflag:s5] =	ssyncset.done $0x0  }
0x28: {  	[sflag:s5] =	ssyncadd.s32 $0xFFFFD800  }
0x29: {  	_ =	swait.ge [sflag:s5], $0x2800  }
0x2a: {  	[sflag:s5] =	ssyncset.done $0x0  }
0x2b: {  	s12 =	rddreg [dreg:$0xb];
	[sflag:s5] =	ssyncadd.s32 $0xFFFFD800  }
0x2c: {  	[tilespmem:s3], [sflag:$0x6] =	stream.linear.gather [hbm4b:s12+s3], $0xE80, $0x38;
	[tilespmem:$0x1F880] =	vst v63  }
0x2d: {  	_ =	swait.ge [sflag:s18], $0xE80  }
0x2e: {  	[sflag:s18] =	ssyncset.done $0x0  }
0x2f: {  	s14 =	rddreg [dreg:$0xc];
	[sflag:s18] =	ssyncadd.s32 $0xFFFFF180  }
0x30: {  	[tilespmem:s19], [sflag:$0x6] =	stream.linear.gather [hbm4b:s14+s3], $0xE80, $0x38;
	[tilespmem:$0x1F880] =	vst v63  }
0x31: {  	_ =	swait.ge [sflag:s18], $0xE80  }
0x32: {  	[sflag:s18] =	ssyncset.done $0x0  }
0x33: {  	[sflag:s18] =	ssyncadd.s32 $0xFFFFF180  }
0x34: {  	[tilespmem:s21], [sflag:$0x1] =	stream.indirect.gather [hbm4b:s4+s20], $0x80, s3, s20, $0xb8;
	[tilespmem:$0x1F880] =	vst v63  }
0x35: {  	_ = 	snop  }
0x36: {  	[tilespmem:s23], [sflag:$0x2] =	stream.indirect.gather [hbm4b:s4+s20], $0x80, s22, s20, $0xb8;
	[tilespmem:$0x1F880] =	vst v63  }
0x37: {  	_ =	swait.ge [sflag:s24], $0x2800  }
0x38: {  	[sflag:s24] =	ssyncset.done $0x0  }
0x39: {  	[sflag:s24] =	ssyncadd.s32 $0xFFFFD800  }
0x3a: {  	[spmem:s1] =	stream.indirect.scatter.add.f32 [tilespmem:s21], [sflag:$0x5], $0x80, s19, s20, $0xb8;
	[tilespmem:$0x1F880] =	vst v63  }
0x3b: {  	_ = 	snop  }
0x3c: {  	[tilespmem:s26], [sflag:$0x3] =	stream.indirect.gather [hbm4b:s4+s20], $0x80, s25, s20, $0xb8;
	[tilespmem:$0x1F880] =	vst v63  }
0x3d: {  	_ =	swait.ge [sflag:s28], $0x2800  }
0x3e: {  	[sflag:s28] =	ssyncset.done $0x0  }
0x3f: {  	[sflag:s28] =	ssyncadd.s32 $0xFFFFD800  }
0x40: {  	[spmem:s1] =	stream.indirect.scatter.add.f32 [tilespmem:s23], [sflag:$0x5], $0x80, s29, s20, $0xb8;
	[tilespmem:$0x1F880] =	vst v63  }
0x41: {  	_ = 	snop  }
0x42: {  	[tilespmem:s31], [sflag:$0x4] =	stream.indirect.gather [hbm4b:s4+s20], $0x80, s30, s20, $0xb8;
	[tilespmem:$0x1F880] =	vst v63  }
0x43: {  	_ =	swait.ge [sflag:s0], $0x2800  }
0x44: {  	[sflag:s0] =	ssyncset.done $0x0  }
0x45: {  	[sflag:s0] =	ssyncadd.s32 $0xFFFFD800  }
0x46: {  	[spmem:s1] =	stream.indirect.scatter.add.f32 [tilespmem:s26], [sflag:$0x5], $0x80, s2, s20, $0xb8;
	[tilespmem:$0x1F880] =	vst v63  }
0x47: {  	_ =	swait.ge [sflag:s5], $0x2800  }
0x48: {  	[sflag:s5] =	ssyncset.done $0x0  }
0x49: {  	[sflag:s5] =	ssyncadd.s32 $0xFFFFD800  }
0x4a: {  	[tilespmem:s21], [sflag:$0x1] =	stream.indirect.gather [hbm4b:s4+s20], $0x80, s7, s20, $0xb8;
	[tilespmem:$0x1F880] =	vst v63  }
0x4b: {  	_ =	swait.ge [sflag:s8], $0x2800  }
0x4c: {  	[sflag:s8] =	ssyncset.done $0x0  }
0x4d: {  	[sflag:s8] =	ssyncadd.s32 $0xFFFFD800  }
0x4e: {  	[spmem:s1] =	stream.indirect.scatter.add.f32 [tilespmem:s31], [sflag:$0x5], $0x80, s9, s20, $0xb8;
	[tilespmem:$0x1F880] =	vst v63  }
0x4f: {  	_ =	swait.ge [sflag:s5], $0x2800  }
0x50: {  	[sflag:s5] =	ssyncset.done $0x0  }
0x51: {  	[sflag:s5] =	ssyncadd.s32 $0xFFFFD800  }
0x52: {  	[tilespmem:s23], [sflag:$0x2] =	stream.indirect.gather [hbm4b:s4+s20], $0x80, s10, s20, $0xb8;
	[tilespmem:$0x1F880] =	vst v63  }
0x53: {  	_ =	swait.ge [sflag:s24], $0x2800  }
0x54: {  	[sflag:s24] =	ssyncset.done $0x0  }
0x55: {  	s15 =	simm.s32 $0x1200;
	[sflag:s24] =	ssyncadd.s32 $0xFFFFD800  }
0x56: {  	[spmem:s1] =	stream.indirect.scatter.add.f32 [tilespmem:s21], [sflag:$0x5], $0x80, s15, s20, $0xb8;
	[tilespmem:$0x1F880] =	vst v63  }
0x57: {  	_ =	swait.ge [sflag:s5], $0x2800  }
0x58: {  	[sflag:s5] =	ssyncset.done $0x0  }
0x59: {  	s13 =	simm.s32 $0x300;
	[sflag:s5] =	ssyncadd.s32 $0xFFFFD800  }
0x5a: {  	[tilespmem:s26], [sflag:$0x3] =	stream.indirect.gather [hbm4b:s4+s20], $0x80, s13, s20, $0xb8;
	[tilespmem:$0x1F880] =	vst v63  }
0x5b: {  	_ =	swait.ge [sflag:s28], $0x2800  }
0x5c: {  	[sflag:s28] =	ssyncset.done $0x0  }
0x5d: {  	s14 =	simm.s32 $0x1280;
	[sflag:s28] =	ssyncadd.s32 $0xFFFFD800  }
0x5e: {  	[spmem:s1] =	stream.indirect.scatter.add.f32 [tilespmem:s23], [sflag:$0x5], $0x80, s14, s20, $0xb8;
	[tilespmem:$0x1F880] =	vst v63  }
0x5f: {  	_ =	swait.ge [sflag:s5], $0x2800  }
0x60: {  	[sflag:s5] =	ssyncset.done $0x0  }
0x61: {  	s15 =	simm.s32 $0x380;
	[sflag:s5] =	ssyncadd.s32 $0xFFFFD800  }
0x62: {  	[tilespmem:s31], [sflag:$0x4] =	stream.indirect.gather [hbm4b:s4+s20], $0x80, s15, s20, $0xb8;
	[tilespmem:$0x1F880] =	vst v63  }
0x63: {  	_ =	swait.ge [sflag:s0], $0x2800  }
0x64: {  	[sflag:s0] =	ssyncset.done $0x0  }
0x65: {  	s13 =	simm.s32 $0x1300;
	[sflag:s0] =	ssyncadd.s32 $0xFFFFD800  }
0x66: {  	[spmem:s1] =	stream.indirect.scatter.add.f32 [tilespmem:s26], [sflag:$0x5], $0x80, s13, s20, $0xb8;
	[tilespmem:$0x1F880] =	vst v63  }
0x67: {  	_ =	swait.ge [sflag:s5], $0x2800  }
0x68: {  	[sflag:s5] =	ssyncset.done $0x0  }
0x69: {  	s14 =	simm.s32 $0x400;
	[sflag:s5] =	ssyncadd.s32 $0xFFFFD800  }
0x6a: {  	[tilespmem:s21], [sflag:$0x1] =	stream.indirect.gather [hbm4b:s4+s20], $0x80, s14, s20, $0xb8;
	[tilespmem:$0x1F880] =	vst v63  }
0x6b: {  	_ =	swait.ge [sflag:s8], $0x2800  }
0x6c: {  	[sflag:s8] =	ssyncset.done $0x0  }
0x6d: {  	s15 =	simm.s32 $0x1380;
	[sflag:s8] =	ssyncadd.s32 $0xFFFFD800  }
0x6e: {  	[spmem:s1] =	stream.indirect.scatter.add.f32 [tilespmem:s31], [sflag:$0x5], $0x80, s15, s20, $0xb8;
	[tilespmem:$0x1F880] =	vst v63  }
0x6f: {  	_ =	swait.ge [sflag:s5], $0x2800  }
0x70: {  	[sflag:s5] =	ssyncset.done $0x0  }
0x71: {  	s13 =	simm.s32 $0x480;
	[sflag:s5] =	ssyncadd.s32 $0xFFFFD800  }
0x72: {  	[tilespmem:s23], [sflag:$0x2] =	stream.indirect.gather [hbm4b:s4+s20], $0x80, s13, s20, $0xb8;
	[tilespmem:$0x1F880] =	vst v63  }
0x73: {  	_ =	swait.ge [sflag:s24], $0x2800  }
0x74: {  	[sflag:s24] =	ssyncset.done $0x0  }
0x75: {  	s14 =	simm.s32 $0x1400;
	[sflag:s24] =	ssyncadd.s32 $0xFFFFD800  }
0x76: {  	[spmem:s1] =	stream.indirect.scatter.add.f32 [tilespmem:s21], [sflag:$0x5], $0x80, s14, s20, $0xb8;
	[tilespmem:$0x1F880] =	vst v63  }
0x77: {  	_ =	swait.ge [sflag:s5], $0x2800  }
0x78: {  	[sflag:s5] =	ssyncset.done $0x0  }
0x79: {  	s15 =	simm.s32 $0x500;
	[sflag:s5] =	ssyncadd.s32 $0xFFFFD800  }
0x7a: {  	[tilespmem:s26], [sflag:$0x3] =	stream.indirect.gather [hbm4b:s4+s20], $0x80, s15, s20, $0xb8;
	[tilespmem:$0x1F880] =	vst v63  }
0x7b: {  	_ =	swait.ge [sflag:s28], $0x2800  }
0x7c: {  	[sflag:s28] =	ssyncset.done $0x0  }
0x7d: {  	s13 =	simm.s32 $0x1480;
	[sflag:s28] =	ssyncadd.s32 $0xFFFFD800  }
0x7e: {  	[spmem:s1] =	stream.indirect.scatter.add.f32 [tilespmem:s23], [sflag:$0x5], $0x80, s13, s20, $0xb8;
	[tilespmem:$0x1F880] =	vst v63  }
0x7f: {  	_ =	swait.ge [sflag:s5], $0x2800  }
0x80: {  	[sflag:s5] =	ssyncset.done $0x0  }
0x81: {  	s14 =	simm.s32 $0x580;
	[sflag:s5] =	ssyncadd.s32 $0xFFFFD800  }
0x82: {  	[tilespmem:s31], [sflag:$0x4] =	stream.indirect.gather [hbm4b:s4+s20], $0x80, s14, s20, $0xb8;
	[tilespmem:$0x1F880] =	vst v63  }
0x83: {  	_ =	swait.ge [sflag:s0], $0x2800  }
0x84: {  	[sflag:s0] =	ssyncset.done $0x0  }
0x85: {  	s15 =	simm.s32 $0x1500;
	[sflag:s0] =	ssyncadd.s32 $0xFFFFD800  }
0x86: {  	[spmem:s1] =	stream.indirect.scatter.add.f32 [tilespmem:s26], [sflag:$0x5], $0x80, s15, s20, $0xb8;
	[tilespmem:$0x1F880] =	vst v63  }
0x87: {  	_ =	swait.ge [sflag:s5], $0x2800  }
0x88: {  	[sflag:s5] =	ssyncset.done $0x0  }
0x89: {  	s13 =	simm.s32 $0x600;
	[sflag:s5] =	ssyncadd.s32 $0xFFFFD800  }
0x8a: {  	[tilespmem:s21], [sflag:$0x1] =	stream.indirect.gather [hbm4b:s4+s20], $0x80, s13, s20, $0xb8;
	[tilespmem:$0x1F880] =	vst v63  }
0x8b: {  	_ =	swait.ge [sflag:s8], $0x2800  }
0x8c: {  	[sflag:s8] =	ssyncset.done $0x0  }
0x8d: {  	s14 =	simm.s32 $0x1580;
	[sflag:s8] =	ssyncadd.s32 $0xFFFFD800  }
0x8e: {  	[spmem:s1] =	stream.indirect.scatter.add.f32 [tilespmem:s31], [sflag:$0x5], $0x80, s14, s20, $0xb8;
	[tilespmem:$0x1F880] =	vst v63  }
0x8f: {  	_ =	swait.ge [sflag:s5], $0x2800  }
0x90: {  	[sflag:s5] =	ssyncset.done $0x0  }
0x91: {  	s15 =	simm.s32 $0x680;
	[sflag:s5] =	ssyncadd.s32 $0xFFFFD800  }
0x92: {  	[tilespmem:s23], [sflag:$0x2] =	stream.indirect.gather [hbm4b:s4+s20], $0x80, s15, s20, $0xb8;
	[tilespmem:$0x1F880] =	vst v63  }
0x93: {  	_ =	swait.ge [sflag:s24], $0x2800  }
0x94: {  	[sflag:s24] =	ssyncset.done $0x0  }
0x95: {  	s13 =	simm.s32 $0x1600;
	[sflag:s24] =	ssyncadd.s32 $0xFFFFD800  }
0x96: {  	[spmem:s1] =	stream.indirect.scatter.add.f32 [tilespmem:s21], [sflag:$0x5], $0x80, s13, s20, $0xb8;
	[tilespmem:$0x1F880] =	vst v63  }
0x97: {  	_ =	swait.ge [sflag:s5], $0x2800  }
0x98: {  	[sflag:s5] =	ssyncset.done $0x0  }
0x99: {  	s14 =	simm.s32 $0x700;
	[sflag:s5] =	ssyncadd.s32 $0xFFFFD800  }
0x9a: {  	[tilespmem:s26], [sflag:$0x3] =	stream.indirect.gather [hbm4b:s4+s20], $0x80, s14, s20, $0xb8;
	[tilespmem:$0x1F880] =	vst v63  }
0x9b: {  	_ =	swait.ge [sflag:s28], $0x2800  }
0x9c: {  	[sflag:s28] =	ssyncset.done $0x0  }
0x9d: {  	s15 =	simm.s32 $0x1680;
	[sflag:s28] =	ssyncadd.s32 $0xFFFFD800  }
0x9e: {  	[spmem:s1] =	stream.indirect.scatter.add.f32 [tilespmem:s23], [sflag:$0x5], $0x80, s15, s20, $0xb8;
	[tilespmem:$0x1F880] =	vst v63  }
0x9f: {  	_ =	swait.ge [sflag:s5], $0x2800  }
0xa0: {  	[sflag:s5] =	ssyncset.done $0x0  }
0xa1: {  	s13 =	simm.s32 $0x780;
	[sflag:s5] =	ssyncadd.s32 $0xFFFFD800  }
0xa2: {  	[tilespmem:s31], [sflag:$0x4] =	stream.indirect.gather [hbm4b:s4+s20], $0x80, s13, s20, $0xb8;
	[tilespmem:$0x1F880] =	vst v63  }
0xa3: {  	_ =	swait.ge [sflag:s0], $0x2800  }
0xa4: {  	[sflag:s0] =	ssyncset.done $0x0  }
0xa5: {  	s14 =	simm.s32 $0x1700;
	[sflag:s0] =	ssyncadd.s32 $0xFFFFD800  }
0xa6: {  	[spmem:s1] =	stream.indirect.scatter.add.f32 [tilespmem:s26], [sflag:$0x5], $0x80, s14, s20, $0xb8;
	[tilespmem:$0x1F880] =	vst v63  }
0xa7: {  	_ =	swait.ge [sflag:s5], $0x2800  }
0xa8: {  	[sflag:s5] =	ssyncset.done $0x0  }
0xa9: {  	s15 =	simm.s32 $0x800;
	[sflag:s5] =	ssyncadd.s32 $0xFFFFD800  }
0xaa: {  	[tilespmem:s21], [sflag:$0x1] =	stream.indirect.gather [hbm4b:s4+s20], $0x80, s15, s20, $0xb8;
	[tilespmem:$0x1F880] =	vst v63  }
0xab: {  	_ =	swait.ge [sflag:s8], $0x2800  }
0xac: {  	[sflag:s8] =	ssyncset.done $0x0  }
0xad: {  	s13 =	simm.s32 $0x1780;
	[sflag:s8] =	ssyncadd.s32 $0xFFFFD800  }
0xae: {  	[spmem:s1] =	stream.indirect.scatter.add.f32 [tilespmem:s31], [sflag:$0x5], $0x80, s13, s20, $0xb8;
	[tilespmem:$0x1F880] =	vst v63  }
0xaf: {  	_ =	swait.ge [sflag:s5], $0x2800  }
0xb0: {  	[sflag:s5] =	ssyncset.done $0x0  }
0xb1: {  	s14 =	simm.s32 $0x880;
	[sflag:s5] =	ssyncadd.s32 $0xFFFFD800  }
0xb2: {  	[tilespmem:s23], [sflag:$0x2] =	stream.indirect.gather [hbm4b:s4+s20], $0x80, s14, s20, $0xb8;
	[tilespmem:$0x1F880] =	vst v63  }
0xb3: {  	_ =	swait.ge [sflag:s24], $0x2800  }
0xb4: {  	[sflag:s24] =	ssyncset.done $0x0  }
0xb5: {  	s15 =	simm.s32 $0x1800;
	[sflag:s24] =	ssyncadd.s32 $0xFFFFD800  }
0xb6: {  	[spmem:s1] =	stream.indirect.scatter.add.f32 [tilespmem:s21], [sflag:$0x5], $0x80, s15, s20, $0xb8;
	[tilespmem:$0x1F880] =	vst v63  }
0xb7: {  	_ =	swait.ge [sflag:s5], $0x2800  }
0xb8: {  	[sflag:s5] =	ssyncset.done $0x0  }
0xb9: {  	s13 =	simm.s32 $0x900;
	[sflag:s5] =	ssyncadd.s32 $0xFFFFD800  }
0xba: {  	[tilespmem:s26], [sflag:$0x3] =	stream.indirect.gather [hbm4b:s4+s20], $0x80, s13, s20, $0xb8;
	[tilespmem:$0x1F880] =	vst v63  }
0xbb: {  	_ =	swait.ge [sflag:s28], $0x2800  }
0xbc: {  	[sflag:s28] =	ssyncset.done $0x0  }
0xbd: {  	s14 =	simm.s32 $0x1880;
	[sflag:s28] =	ssyncadd.s32 $0xFFFFD800  }
0xbe: {  	[spmem:s1] =	stream.indirect.scatter.add.f32 [tilespmem:s23], [sflag:$0x5], $0x80, s14, s20, $0xb8;
	[tilespmem:$0x1F880] =	vst v63  }
0xbf: {  	_ =	swait.ge [sflag:s5], $0x2800  }
0xc0: {  	[sflag:s5] =	ssyncset.done $0x0  }
0xc1: {  	s15 =	simm.s32 $0x980;
	[sflag:s5] =	ssyncadd.s32 $0xFFFFD800  }
0xc2: {  	[tilespmem:s31], [sflag:$0x4] =	stream.indirect.gather [hbm4b:s4+s20], $0x80, s15, s20, $0xb8;
	[tilespmem:$0x1F880] =	vst v63  }
0xc3: {  	_ =	swait.ge [sflag:s0], $0x2800  }
0xc4: {  	[sflag:s0] =	ssyncset.done $0x0  }
0xc5: {  	s13 =	simm.s32 $0x1900;
	[sflag:s0] =	ssyncadd.s32 $0xFFFFD800  }
0xc6: {  	[spmem:s1] =	stream.indirect.scatter.add.f32 [tilespmem:s26], [sflag:$0x5], $0x80, s13, s20, $0xb8;
	[tilespmem:$0x1F880] =	vst v63  }
0xc7: {  	_ =	swait.ge [sflag:s5], $0x2800  }
0xc8: {  	[sflag:s5] =	ssyncset.done $0x0  }
0xc9: {  	s14 =	simm.s32 $0xA00;
	[sflag:s5] =	ssyncadd.s32 $0xFFFFD800  }
0xca: {  	[tilespmem:s21], [sflag:$0x1] =	stream.indirect.gather [hbm4b:s4+s20], $0x80, s14, s20, $0xb8;
	[tilespmem:$0x1F880] =	vst v63  }
0xcb: {  	_ =	swait.ge [sflag:s8], $0x2800  }
0xcc: {  	[sflag:s8] =	ssyncset.done $0x0  }
0xcd: {  	s15 =	simm.s32 $0x1980;
	[sflag:s8] =	ssyncadd.s32 $0xFFFFD800  }
0xce: {  	[spmem:s1] =	stream.indirect.scatter.add.f32 [tilespmem:s31], [sflag:$0x5], $0x80, s15, s20, $0xb8;
	[tilespmem:$0x1F880] =	vst v63  }
0xcf: {  	_ =	swait.ge [sflag:s5], $0x2800  }
0xd0: {  	[sflag:s5] =	ssyncset.done $0x0  }
0xd1: {  	s13 =	simm.s32 $0xA80;
	[sflag:s5] =	ssyncadd.s32 $0xFFFFD800  }
0xd2: {  	[tilespmem:s23], [sflag:$0x2] =	stream.indirect.gather [hbm4b:s4+s20], $0x80, s13, s20, $0xb8;
	[tilespmem:$0x1F880] =	vst v63  }
0xd3: {  	_ =	swait.ge [sflag:s24], $0x2800  }
0xd4: {  	[sflag:s24] =	ssyncset.done $0x0  }
0xd5: {  	s14 =	simm.s32 $0x1A00;
	[sflag:s24] =	ssyncadd.s32 $0xFFFFD800  }
0xd6: {  	[spmem:s1] =	stream.indirect.scatter.add.f32 [tilespmem:s21], [sflag:$0x5], $0x80, s14, s20, $0xb8;
	[tilespmem:$0x1F880] =	vst v63  }
0xd7: {  	_ =	swait.ge [sflag:s5], $0x2800  }
0xd8: {  	[sflag:s5] =	ssyncset.done $0x0  }
0xd9: {  	s15 =	simm.s32 $0xB00;
	[sflag:s5] =	ssyncadd.s32 $0xFFFFD800  }
0xda: {  	[tilespmem:s26], [sflag:$0x3] =	stream.indirect.gather [hbm4b:s4+s20], $0x80, s15, s20, $0xb8;
	[tilespmem:$0x1F880] =	vst v63  }
0xdb: {  	_ =	swait.ge [sflag:s28], $0x2800  }
0xdc: {  	[sflag:s28] =	ssyncset.done $0x0  }
0xdd: {  	s13 =	simm.s32 $0x1A80;
	[sflag:s28] =	ssyncadd.s32 $0xFFFFD800  }
0xde: {  	[spmem:s1] =	stream.indirect.scatter.add.f32 [tilespmem:s23], [sflag:$0x5], $0x80, s13, s20, $0xb8;
	[tilespmem:$0x1F880] =	vst v63  }
0xdf: {  	_ =	swait.ge [sflag:s5], $0x2800  }
0xe0: {  	[sflag:s5] =	ssyncset.done $0x0  }
0xe1: {  	s14 =	simm.s32 $0xB80;
	[sflag:s5] =	ssyncadd.s32 $0xFFFFD800  }
0xe2: {  	[tilespmem:s31], [sflag:$0x4] =	stream.indirect.gather [hbm4b:s4+s20], $0x80, s14, s20, $0xb8;
	[tilespmem:$0x1F880] =	vst v63  }
0xe3: {  	_ =	swait.ge [sflag:s0], $0x2800  }
0xe4: {  	[sflag:s0] =	ssyncset.done $0x0  }
0xe5: {  	s15 =	simm.s32 $0x1B00;
	[sflag:s0] =	ssyncadd.s32 $0xFFFFD800  }
0xe6: {  	[spmem:s1] =	stream.indirect.scatter.add.f32 [tilespmem:s26], [sflag:$0x5], $0x80, s15, s20, $0xb8;
	[tilespmem:$0x1F880] =	vst v63  }
0xe7: {  	_ =	swait.ge [sflag:s5], $0x2800  }
0xe8: {  	[sflag:s5] =	ssyncset.done $0x0  }
0xe9: {  	s13 =	simm.s32 $0xC00;
	[sflag:s5] =	ssyncadd.s32 $0xFFFFD800  }
0xea: {  	[tilespmem:s21], [sflag:$0x1] =	stream.indirect.gather [hbm4b:s4+s20], $0x80, s13, s20, $0xb8;
	[tilespmem:$0x1F880] =	vst v63  }
0xeb: {  	_ =	swait.ge [sflag:s8], $0x2800  }
0xec: {  	[sflag:s8] =	ssyncset.done $0x0  }
0xed: {  	s14 =	simm.s32 $0x1B80;
	[sflag:s8] =	ssyncadd.s32 $0xFFFFD800  }
0xee: {  	[spmem:s1] =	stream.indirect.scatter.add.f32 [tilespmem:s31], [sflag:$0x5], $0x80, s14, s20, $0xb8;
	[tilespmem:$0x1F880] =	vst v63  }
0xef: {  	_ =	swait.ge [sflag:s5], $0x2800  }
0xf0: {  	[sflag:s5] =	ssyncset.done $0x0  }
0xf1: {  	s15 =	simm.s32 $0xC80;
	[sflag:s5] =	ssyncadd.s32 $0xFFFFD800  }
0xf2: {  	[tilespmem:s23], [sflag:$0x2] =	stream.indirect.gather [hbm4b:s4+s20], $0x80, s15, s20, $0xb8;
	[tilespmem:$0x1F880] =	vst v63  }
0xf3: {  	_ =	swait.ge [sflag:s24], $0x2800  }
0xf4: {  	[sflag:s24] =	ssyncset.done $0x0  }
0xf5: {  	s13 =	simm.s32 $0x1C00;
	[sflag:s24] =	ssyncadd.s32 $0xFFFFD800  }
0xf6: {  	[spmem:s1] =	stream.indirect.scatter.add.f32 [tilespmem:s21], [sflag:$0x5], $0x80, s13, s20, $0xb8;
	[tilespmem:$0x1F880] =	vst v63  }
0xf7: {  	_ =	swait.ge [sflag:s5], $0x2800  }
0xf8: {  	[sflag:s5] =	ssyncset.done $0x0  }
0xf9: {  	s14 =	simm.s32 $0xD00;
	[sflag:s5] =	ssyncadd.s32 $0xFFFFD800  }
0xfa: {  	[tilespmem:s26], [sflag:$0x3] =	stream.indirect.gather [hbm4b:s4+s20], $0x80, s14, s20, $0xb8;
	[tilespmem:$0x1F880] =	vst v63  }
0xfb: {  	_ =	swait.ge [sflag:s28], $0x2800  }
0xfc: {  	[sflag:s28] =	ssyncset.done $0x0  }
0xfd: {  	s15 =	simm.s32 $0x1C80;
	[sflag:s28] =	ssyncadd.s32 $0xFFFFD800  }
0xfe: {  	[spmem:s1] =	stream.indirect.scatter.add.f32 [tilespmem:s23], [sflag:$0x5], $0x80, s15, s20, $0xb8;
	[tilespmem:$0x1F880] =	vst v63  }
0xff: {  	_ =	swait.ge [sflag:s5], $0x2800  }
0x100: {  	[sflag:s5] =	ssyncset.done $0x0  }
0x101: {  	s13 =	simm.s32 $0xD80;
	[sflag:s5] =	ssyncadd.s32 $0xFFFFD800  }
0x102: {  	[tilespmem:s31], [sflag:$0x4] =	stream.indirect.gather [hbm4b:s4+s20], $0x80, s13, s20, $0xb8;
	[tilespmem:$0x1F880] =	vst v63  }
0x103: {  	_ =	swait.ge [sflag:s0], $0x2800  }
0x104: {  	[sflag:s0] =	ssyncset.done $0x0  }
0x105: {  	s14 =	simm.s32 $0x1D00;
	[sflag:s0] =	ssyncadd.s32 $0xFFFFD800  }
0x106: {  	[spmem:s1] =	stream.indirect.scatter.add.f32 [tilespmem:s26], [sflag:$0x5], $0x80, s14, s20, $0xb8;
	[tilespmem:$0x1F880] =	vst v63  }
0x107: {  	_ =	swait.ge [sflag:s5], $0x2800  }
0x108: {  	[sflag:s5] =	ssyncset.done $0x0  }
0x109: {  	s15 =	simm.s32 $0xE00;
	[sflag:s5] =	ssyncadd.s32 $0xFFFFD800  }
0x10a: {  	[tilespmem:s21], [sflag:$0x1] =	stream.indirect.gather [hbm4b:s4+s20], $0x80, s15, s20, $0xb8;
	[tilespmem:$0x1F880] =	vst v63  }
0x10b: {  	_ =	swait.ge [sflag:s8], $0x2800  }
0x10c: {  	[sflag:s8] =	ssyncset.done $0x0  }
0x10d: {  	s13 =	simm.s32 $0x1D80;
	[sflag:s8] =	ssyncadd.s32 $0xFFFFD800  }
0x10e: {  	[spmem:s1] =	stream.indirect.scatter.add.f32 [tilespmem:s31], [sflag:$0x5], $0x80, s13, s20, $0xb8;
	[tilespmem:$0x1F880] =	vst v63  }
0x10f: {  	_ =	swait.ge [sflag:s24], $0x2800  }
0x110: {  	[sflag:s24] =	ssyncset.done $0x0  }
0x111: {  	s14 =	simm.s32 $0x1E00;
	[sflag:s24] =	ssyncadd.s32 $0xFFFFD800  }
0x112: {  	[spmem:s1] =	stream.indirect.scatter.add.f32 [tilespmem:s21], [sflag:$0x5], $0x80, s14, s20, $0xb8;
	[tilespmem:$0x1F880] =	vst v63  }
0x113: {  	_ =	swait.ge [sflag:s5], $0x2800  }
0x114: {  	[sflag:s5] =	ssyncset.done $0x0  }
0x115: {  	[sflag:s5] =	ssyncadd.s32 $0xFFFFD800  }
0x116: {  	_ =	swait.ge [sflag:s5], $0x2800  }
0x117: {  	[sflag:s5] =	ssyncset.done $0x0  }
0x118: {  	[sflag:s5] =	ssyncadd.s32 $0xFFFFD800  }
0x119: {  	_ =	swait.ge [sflag:s5], $0x2800  }
0x11a: {  	[sflag:s5] =	ssyncset.done $0x0  }
0x11b: {  	[sflag:s5] =	ssyncadd.s32 $0xFFFFD800  }
0x11c: {  	_ =	swait.ge [sflag:s5], $0x2800  }
0x11d: {  	[sflag:s5] =	ssyncset.done $0x0  }
0x11e: {  	s11 =	sadd.s32 $0x1, s11;
	[sflag:s5] =	ssyncadd.s32 $0xFFFFD800  }
0x11f: {  	p0 =	sne.s32 s11, s16;
	[bflag:$0x0] =	sbarrier.arrive $0xFFFF  }
.Ltmp1:
0x120: {  	s15 =	rddreg [dreg:$0xd];
	(pc) =	sbr.rel @!p0 .LBB2_11-.Ltmp1, $4  }
0x121: {  	[hbm:s15], [sflag:s6] =	dma.local [spmem:s17], $0x2710  }
0x122: {  	_ =	swait.ge [sflag:s18], $0x2710  }
0x123: {  	[sflag:s18] =	ssyncset.done $0x0  }
0x124: {  	[sflag:s18] =	ssyncadd.s32 $0xFFFFD8F0  }
.LBB2_1:
0x125: {  	s12 =	rddreg [dreg:$0x4]  }
0x126: {  	[spmem:s17], [sflag:s6] =	dma.local [hbm:s12], $0x2710  }
0x127: {  	_ =	swait.ge [sflag:s18], $0x2710  }
0x128: {  	[sflag:s18] =	ssyncset.done $0x0  }
0x129: {  	[sflag:s18] =	ssyncadd.s32 $0xFFFFD8F0  }
0x12a: {  	[bflag:$0x0] =	sbarrier.arrive $0xFFFF  }
0x12b: {  	s14 =	rddreg [dreg:$0x5]  }
0x12c: {  	[tilespmem:s3], [sflag:$0x6] =	stream.linear.gather [hbm4b:s14+s3], $0x1000, $0x38;
	[tilespmem:$0x1F880] =	vst v63  }
0x12d: {  	_ =	swait.ge [sflag:s18], $0x1000  }
0x12e: {  	[sflag:s18] =	ssyncset.done $0x0  }
0x12f: {  	s15 =	rddreg [dreg:$0x6];
	[sflag:s18] =	ssyncadd.s32 $0xFFFFF000  }
0x130: {  	[tilespmem:s19], [sflag:$0x6] =	stream.linear.gather [hbm4b:s15+s3], $0x1000, $0x38;
	[tilespmem:$0x1F880] =	vst v63  }
0x131: {  	_ =	swait.ge [sflag:s18], $0x1000  }
0x132: {  	[sflag:s18] =	ssyncset.done $0x0  }
0x133: {  	[sflag:s18] =	ssyncadd.s32 $0xFFFFF000  }
0x134: {  	[tilespmem:s21], [sflag:$0x1] =	stream.indirect.gather [hbm4b:s4+s20], $0x80, s3, s20, $0xb8;
	[tilespmem:$0x1F880] =	vst v63  }
0x135: {  	_ = 	snop  }
0x136: {  	[tilespmem:s23], [sflag:$0x2] =	stream.indirect.gather [hbm4b:s4+s20], $0x80, s22, s20, $0xb8;
	[tilespmem:$0x1F880] =	vst v63  }
0x137: {  	_ =	swait.ge [sflag:s24], $0x2800  }
0x138: {  	[sflag:s24] =	ssyncset.done $0x0  }
0x139: {  	[sflag:s24] =	ssyncadd.s32 $0xFFFFD800  }
0x13a: {  	[spmem:s1] =	stream.indirect.scatter.add.f32 [tilespmem:s21], [sflag:$0x5], $0x80, s19, s20, $0xb8;
	[tilespmem:$0x1F880] =	vst v63  }
0x13b: {  	_ = 	snop  }
0x13c: {  	[tilespmem:s26], [sflag:$0x3] =	stream.indirect.gather [hbm4b:s4+s20], $0x80, s25, s20, $0xb8;
	[tilespmem:$0x1F880] =	vst v63  }
0x13d: {  	_ =	swait.ge [sflag:s28], $0x2800  }
0x13e: {  	[sflag:s28] =	ssyncset.done $0x0  }
0x13f: {  	[sflag:s28] =	ssyncadd.s32 $0xFFFFD800  }
0x140: {  	[spmem:s1] =	stream.indirect.scatter.add.f32 [tilespmem:s23], [sflag:$0x5], $0x80, s29, s20, $0xb8;
	[tilespmem:$0x1F880] =	vst v63  }
0x141: {  	_ = 	snop  }
0x142: {  	[tilespmem:s31], [sflag:$0x4] =	stream.indirect.gather [hbm4b:s4+s20], $0x80, s30, s20, $0xb8;
	[tilespmem:$0x1F880] =	vst v63  }
0x143: {  	_ =	swait.ge [sflag:s0], $0x2800  }
0x144: {  	[sflag:s0] =	ssyncset.done $0x0  }
0x145: {  	[sflag:s0] =	ssyncadd.s32 $0xFFFFD800  }
0x146: {  	[spmem:s1] =	stream.indirect.scatter.add.f32 [tilespmem:s26], [sflag:$0x5], $0x80, s2, s20, $0xb8;
	[tilespmem:$0x1F880] =	vst v63  }
0x147: {  	_ =	swait.ge [sflag:s5], $0x2800  }
0x148: {  	[sflag:s5] =	ssyncset.done $0x0  }
0x149: {  	[sflag:s5] =	ssyncadd.s32 $0xFFFFD800  }
0x14a: {  	[tilespmem:s21], [sflag:$0x1] =	stream.indirect.gather [hbm4b:s4+s20], $0x80, s7, s20, $0xb8;
	[tilespmem:$0x1F880] =	vst v63  }
0x14b: {  	_ =	swait.ge [sflag:s8], $0x2800  }
0x14c: {  	[sflag:s8] =	ssyncset.done $0x0  }
0x14d: {  	[sflag:s8] =	ssyncadd.s32 $0xFFFFD800  }
0x14e: {  	[spmem:s1] =	stream.indirect.scatter.add.f32 [tilespmem:s31], [sflag:$0x5], $0x80, s9, s20, $0xb8;
	[tilespmem:$0x1F880] =	vst v63  }
0x14f: {  	_ =	swait.ge [sflag:s5], $0x2800  }
0x150: {  	[sflag:s5] =	ssyncset.done $0x0  }
0x151: {  	s12 =	simm.s32 $0x0;
	[sflag:s5] =	ssyncadd.s32 $0xFFFFD800  }
0x152: {  	[tilespmem:s23], [sflag:$0x2] =	stream.indirect.gather [hbm4b:s4+s20], $0x80, s10, s20, $0xb8;
	[tilespmem:$0x1F880] =	vst v63  }
.LBB2_2:
0x153: {  	_ =	swait.ge [sflag:s24], $0x2800  }
0x154: {  	s13 =	sshra.s32 s12, $0x2;
	[sflag:s24] =	ssyncset.done $0x0  }
0x155: {  	s14 =	sadd.s32 $0x1200, s13;
	[sflag:s24] =	ssyncadd.s32 $0xFFFFD800  }
0x156: {  	[spmem:s1] =	stream.indirect.scatter.add.f32 [tilespmem:s21], [sflag:$0x5], $0x80, s14, s20, $0xb8;
	[tilespmem:$0x1F880] =	vst v63  }
0x157: {  	_ =	swait.ge [sflag:s5], $0x2800  }
0x158: {  	[sflag:s5] =	ssyncset.done $0x0  }
0x159: {  	s15 =	sadd.s32 $0x300, s13;
	[sflag:s5] =	ssyncadd.s32 $0xFFFFD800  }
0x15a: {  	[tilespmem:s26], [sflag:$0x3] =	stream.indirect.gather [hbm4b:s4+s20], $0x80, s15, s20, $0xb8;
	[tilespmem:$0x1F880] =	vst v63  }
0x15b: {  	_ =	swait.ge [sflag:s28], $0x2800  }
0x15c: {  	[sflag:s28] =	ssyncset.done $0x0  }
0x15d: {  	s15 =	sadd.s32 $0x1280, s13;
	[sflag:s28] =	ssyncadd.s32 $0xFFFFD800  }
0x15e: {  	[spmem:s1] =	stream.indirect.scatter.add.f32 [tilespmem:s23], [sflag:$0x5], $0x80, s15, s20, $0xb8;
	[tilespmem:$0x1F880] =	vst v63  }
0x15f: {  	_ =	swait.ge [sflag:s5], $0x2800  }
0x160: {  	[sflag:s5] =	ssyncset.done $0x0  }
0x161: {  	p0 =	seq.s32 s12, $0x3000;
	s15 =	sadd.s32 $0x380, s13;
	[sflag:s5] =	ssyncadd.s32 $0xFFFFD800  }
0x162: {  	[tilespmem:s31], [sflag:$0x4] =	stream.indirect.gather [hbm4b:s4+s20], $0x80, s15, s20, $0xb8;
	[tilespmem:$0x1F880] =	vst v63  }
.Ltmp2:
0x163: {  	_ = 	snop;
	(pc) =	sbr.rel @p0 .LBB2_4-.Ltmp2, $4  }
0x164: {  	_ =	swait.ge [sflag:s0], $0x2800  }
0x165: {  	[sflag:s0] =	ssyncset.done $0x0  }
0x166: {  	s14 =	sadd.s32 $0x1380, s13;
	s15 =	sadd.s32 $0x1300, s13;
	[sflag:s0] =	ssyncadd.s32 $0xFFFFD800  }
0x167: {  	[spmem:s1] =	stream.indirect.scatter.add.f32 [tilespmem:s26], [sflag:$0x5], $0x80, s15, s20, $0xb8;
	[tilespmem:$0x1F880] =	vst v63  }
0x168: {  	_ =	swait.ge [sflag:s5], $0x2800  }
0x169: {  	[sflag:s5] =	ssyncset.done $0x0  }
0x16a: {  	s15 =	sadd.s32 $0x400, s13;
	[sflag:s5] =	ssyncadd.s32 $0xFFFFD800  }
0x16b: {  	[tilespmem:s21], [sflag:$0x1] =	stream.indirect.gather [hbm4b:s4+s20], $0x80, s15, s20, $0xb8;
	[tilespmem:$0x1F880] =	vst v63  }
0x16c: {  	_ =	swait.ge [sflag:s8], $0x2800  }
0x16d: {  	[sflag:s8] =	ssyncset.done $0x0  }
0x16e: {  	[sflag:s8] =	ssyncadd.s32 $0xFFFFD800  }
0x16f: {  	[spmem:s1] =	stream.indirect.scatter.add.f32 [tilespmem:s31], [sflag:$0x5], $0x80, s14, s20, $0xb8;
	[tilespmem:$0x1F880] =	vst v63  }
.Ltmp3:
0x170: {  	_ = 	snop;
	(pc) =	sbr.rel .LBB2_2-.Ltmp3, $4  }
0x171: {  	_ =	swait.ge [sflag:s5], $0x2800  }
0x172: {  	[sflag:s5] =	ssyncset.done $0x0  }
0x173: {  	s12 =	sadd.s32 $0x800, s12;
	s15 =	sadd.s32 $0x480, s13;
	[sflag:s5] =	ssyncadd.s32 $0xFFFFD800  }
0x174: {  	[tilespmem:s23], [sflag:$0x2] =	stream.indirect.gather [hbm4b:s4+s20], $0x80, s15, s20, $0xb8;
	[tilespmem:$0x1F880] =	vst v63  }
.LBB2_4:
0x175: {  	_ =	swait.ge [sflag:s8], $0x2800  }
0x176: {  	[sflag:s8] =	ssyncset.done $0x0  }
0x177: {  	[sflag:s8] =	ssyncadd.s32 $0xFFFFD800  }
0x178: {  	[spmem:s1] =	stream.indirect.scatter.add.f32 [tilespmem:s31], [sflag:$0x5], $0x80, s14, s20, $0xb8;
	[tilespmem:$0x1F880] =	vst v63  }
0x179: {  	_ =	swait.ge [sflag:s5], $0x2800  }
0x17a: {  	[sflag:s5] =	ssyncset.done $0x0  }
0x17b: {  	[sflag:s5] =	ssyncadd.s32 $0xFFFFD800  }
0x17c: {  	_ =	swait.ge [sflag:s5], $0x2800  }
0x17d: {  	[sflag:s5] =	ssyncset.done $0x0  }
0x17e: {  	[sflag:s5] =	ssyncadd.s32 $0xFFFFD800  }
0x17f: {  	_ =	swait.ge [sflag:s5], $0x2800  }
0x180: {  	[sflag:s5] =	ssyncset.done $0x0  }
0x181: {  	[sflag:s5] =	ssyncadd.s32 $0xFFFFD800  }
0x182: {  	_ =	swait.ge [sflag:s5], $0x2800  }
0x183: {  	[sflag:s5] =	ssyncset.done $0x0  }
0x184: {  	s12 =	simm.s32 $0x0;
	s13 =	rddreg [dreg:$0x7];
	[sflag:s5] =	ssyncadd.s32 $0xFFFFD800  }
0x185: {  	[tilespmem:s12], [sflag:$0x6] =	stream.linear.gather [hbm4b:s13+s12], $0x1000, $0x38;
	[tilespmem:$0x1F880] =	vst v63  }
0x186: {  	_ =	swait.ge [sflag:s18], $0x1000  }
0x187: {  	[sflag:s18] =	ssyncset.done $0x0  }
0x188: {  	s15 =	rddreg [dreg:$0x8];
	[sflag:s18] =	ssyncadd.s32 $0xFFFFF000  }
0x189: {  	[tilespmem:s19], [sflag:$0x6] =	stream.linear.gather [hbm4b:s15+s12], $0x1000, $0x38;
	[tilespmem:$0x1F880] =	vst v63  }
0x18a: {  	_ =	swait.ge [sflag:s18], $0x1000  }
0x18b: {  	[sflag:s18] =	ssyncset.done $0x0  }
0x18c: {  	[sflag:s18] =	ssyncadd.s32 $0xFFFFF000  }
0x18d: {  	[tilespmem:s21], [sflag:$0x1] =	stream.indirect.gather [hbm4b:s4+s20], $0x80, s12, s20, $0xb8;
	[tilespmem:$0x1F880] =	vst v63  }
0x18e: {  	_ = 	snop  }
0x18f: {  	[tilespmem:s23], [sflag:$0x2] =	stream.indirect.gather [hbm4b:s4+s20], $0x80, s22, s20, $0xb8;
	[tilespmem:$0x1F880] =	vst v63  }
0x190: {  	_ =	swait.ge [sflag:s24], $0x2800  }
0x191: {  	[sflag:s24] =	ssyncset.done $0x0  }
0x192: {  	[sflag:s24] =	ssyncadd.s32 $0xFFFFD800  }
0x193: {  	[spmem:s1] =	stream.indirect.scatter.add.f32 [tilespmem:s21], [sflag:$0x5], $0x80, s19, s20, $0xb8;
	[tilespmem:$0x1F880] =	vst v63  }
0x194: {  	_ = 	snop  }
0x195: {  	[tilespmem:s26], [sflag:$0x3] =	stream.indirect.gather [hbm4b:s4+s20], $0x80, s25, s20, $0xb8;
	[tilespmem:$0x1F880] =	vst v63  }
0x196: {  	_ =	swait.ge [sflag:s28], $0x2800  }
0x197: {  	[sflag:s28] =	ssyncset.done $0x0  }
0x198: {  	[sflag:s28] =	ssyncadd.s32 $0xFFFFD800  }
0x199: {  	[spmem:s1] =	stream.indirect.scatter.add.f32 [tilespmem:s23], [sflag:$0x5], $0x80, s29, s20, $0xb8;
	[tilespmem:$0x1F880] =	vst v63  }
0x19a: {  	_ = 	snop  }
0x19b: {  	[tilespmem:s31], [sflag:$0x4] =	stream.indirect.gather [hbm4b:s4+s20], $0x80, s30, s20, $0xb8;
	[tilespmem:$0x1F880] =	vst v63  }
0x19c: {  	_ =	swait.ge [sflag:s0], $0x2800  }
0x19d: {  	[sflag:s0] =	ssyncset.done $0x0  }
0x19e: {  	[sflag:s0] =	ssyncadd.s32 $0xFFFFD800  }
0x19f: {  	[spmem:s1] =	stream.indirect.scatter.add.f32 [tilespmem:s26], [sflag:$0x5], $0x80, s2, s20, $0xb8;
	[tilespmem:$0x1F880] =	vst v63  }
0x1a0: {  	_ =	swait.ge [sflag:s5], $0x2800  }
0x1a1: {  	[sflag:s5] =	ssyncset.done $0x0  }
0x1a2: {  	[sflag:s5] =	ssyncadd.s32 $0xFFFFD800  }
0x1a3: {  	[tilespmem:s21], [sflag:$0x1] =	stream.indirect.gather [hbm4b:s4+s20], $0x80, s7, s20, $0xb8;
	[tilespmem:$0x1F880] =	vst v63  }
0x1a4: {  	_ =	swait.ge [sflag:s8], $0x2800  }
0x1a5: {  	[sflag:s8] =	ssyncset.done $0x0  }
0x1a6: {  	[sflag:s8] =	ssyncadd.s32 $0xFFFFD800  }
0x1a7: {  	[spmem:s1] =	stream.indirect.scatter.add.f32 [tilespmem:s31], [sflag:$0x5], $0x80, s9, s20, $0xb8;
	[tilespmem:$0x1F880] =	vst v63  }
0x1a8: {  	_ =	swait.ge [sflag:s5], $0x2800  }
0x1a9: {  	[sflag:s5] =	ssyncset.done $0x0  }
0x1aa: {  	[sflag:s5] =	ssyncadd.s32 $0xFFFFD800  }
0x1ab: {  	[tilespmem:s23], [sflag:$0x2] =	stream.indirect.gather [hbm4b:s4+s20], $0x80, s10, s20, $0xb8;
	[tilespmem:$0x1F880] =	vst v63  }
.LBB2_5:
0x1ac: {  	_ =	swait.ge [sflag:s24], $0x2800  }
0x1ad: {  	s13 =	sshra.s32 s12, $0x2;
	[sflag:s24] =	ssyncset.done $0x0  }
0x1ae: {  	s14 =	sadd.s32 $0x1200, s13;
	[sflag:s24] =	ssyncadd.s32 $0xFFFFD800  }
0x1af: {  	[spmem:s1] =	stream.indirect.scatter.add.f32 [tilespmem:s21], [sflag:$0x5], $0x80, s14, s20, $0xb8;
	[tilespmem:$0x1F880] =	vst v63  }
0x1b0: {  	_ =	swait.ge [sflag:s5], $0x2800  }
0x1b1: {  	[sflag:s5] =	ssyncset.done $0x0  }
0x1b2: {  	s15 =	sadd.s32 $0x300, s13;
	[sflag:s5] =	ssyncadd.s32 $0xFFFFD800  }
0x1b3: {  	[tilespmem:s26], [sflag:$0x3] =	stream.indirect.gather [hbm4b:s4+s20], $0x80, s15, s20, $0xb8;
	[tilespmem:$0x1F880] =	vst v63  }
0x1b4: {  	_ =	swait.ge [sflag:s28], $0x2800  }
0x1b5: {  	[sflag:s28] =	ssyncset.done $0x0  }
0x1b6: {  	s15 =	sadd.s32 $0x1280, s13;
	[sflag:s28] =	ssyncadd.s32 $0xFFFFD800  }
0x1b7: {  	[spmem:s1] =	stream.indirect.scatter.add.f32 [tilespmem:s23], [sflag:$0x5], $0x80, s15, s20, $0xb8;
	[tilespmem:$0x1F880] =	vst v63  }
0x1b8: {  	_ =	swait.ge [sflag:s5], $0x2800  }
0x1b9: {  	[sflag:s5] =	ssyncset.done $0x0  }
0x1ba: {  	p0 =	seq.s32 s12, $0x3000;
	s15 =	sadd.s32 $0x380, s13;
	[sflag:s5] =	ssyncadd.s32 $0xFFFFD800  }
0x1bb: {  	[tilespmem:s31], [sflag:$0x4] =	stream.indirect.gather [hbm4b:s4+s20], $0x80, s15, s20, $0xb8;
	[tilespmem:$0x1F880] =	vst v63  }
.Ltmp4:
0x1bc: {  	_ = 	snop;
	(pc) =	sbr.rel @p0 .LBB2_7-.Ltmp4, $4  }
0x1bd: {  	_ =	swait.ge [sflag:s0], $0x2800  }
0x1be: {  	[sflag:s0] =	ssyncset.done $0x0  }
0x1bf: {  	s14 =	sadd.s32 $0x1380, s13;
	s15 =	sadd.s32 $0x1300, s13;
	[sflag:s0] =	ssyncadd.s32 $0xFFFFD800  }
0x1c0: {  	[spmem:s1] =	stream.indirect.scatter.add.f32 [tilespmem:s26], [sflag:$0x5], $0x80, s15, s20, $0xb8;
	[tilespmem:$0x1F880] =	vst v63  }
0x1c1: {  	_ =	swait.ge [sflag:s5], $0x2800  }
0x1c2: {  	[sflag:s5] =	ssyncset.done $0x0  }
0x1c3: {  	s15 =	sadd.s32 $0x400, s13;
	[sflag:s5] =	ssyncadd.s32 $0xFFFFD800  }
0x1c4: {  	[tilespmem:s21], [sflag:$0x1] =	stream.indirect.gather [hbm4b:s4+s20], $0x80, s15, s20, $0xb8;
	[tilespmem:$0x1F880] =	vst v63  }
0x1c5: {  	_ =	swait.ge [sflag:s8], $0x2800  }
0x1c6: {  	[sflag:s8] =	ssyncset.done $0x0  }
0x1c7: {  	[sflag:s8] =	ssyncadd.s32 $0xFFFFD800  }
0x1c8: {  	[spmem:s1] =	stream.indirect.scatter.add.f32 [tilespmem:s31], [sflag:$0x5], $0x80, s14, s20, $0xb8;
	[tilespmem:$0x1F880] =	vst v63  }
.Ltmp5:
0x1c9: {  	_ = 	snop;
	(pc) =	sbr.rel .LBB2_5-.Ltmp5, $4  }
0x1ca: {  	_ =	swait.ge [sflag:s5], $0x2800  }
0x1cb: {  	[sflag:s5] =	ssyncset.done $0x0  }
0x1cc: {  	s12 =	sadd.s32 $0x800, s12;
	s15 =	sadd.s32 $0x480, s13;
	[sflag:s5] =	ssyncadd.s32 $0xFFFFD800  }
0x1cd: {  	[tilespmem:s23], [sflag:$0x2] =	stream.indirect.gather [hbm4b:s4+s20], $0x80, s15, s20, $0xb8;
	[tilespmem:$0x1F880] =	vst v63  }
.LBB2_7:
0x1ce: {  	_ =	swait.ge [sflag:s8], $0x2800  }
0x1cf: {  	[sflag:s8] =	ssyncset.done $0x0  }
0x1d0: {  	[sflag:s8] =	ssyncadd.s32 $0xFFFFD800  }
0x1d1: {  	[spmem:s1] =	stream.indirect.scatter.add.f32 [tilespmem:s31], [sflag:$0x5], $0x80, s14, s20, $0xb8;
	[tilespmem:$0x1F880] =	vst v63  }
0x1d2: {  	_ =	swait.ge [sflag:s5], $0x2800  }
0x1d3: {  	[sflag:s5] =	ssyncset.done $0x0  }
0x1d4: {  	[sflag:s5] =	ssyncadd.s32 $0xFFFFD800  }
0x1d5: {  	_ =	swait.ge [sflag:s5], $0x2800  }
0x1d6: {  	[sflag:s5] =	ssyncset.done $0x0  }
0x1d7: {  	[sflag:s5] =	ssyncadd.s32 $0xFFFFD800  }
0x1d8: {  	_ =	swait.ge [sflag:s5], $0x2800  }
0x1d9: {  	[sflag:s5] =	ssyncset.done $0x0  }
0x1da: {  	[sflag:s5] =	ssyncadd.s32 $0xFFFFD800  }
0x1db: {  	_ =	swait.ge [sflag:s5], $0x2800  }
0x1dc: {  	[sflag:s5] =	ssyncset.done $0x0  }
0x1dd: {  	s12 =	simm.s32 $0x0;
	s13 =	rddreg [dreg:$0x9];
	[sflag:s5] =	ssyncadd.s32 $0xFFFFD800  }
0x1de: {  	[tilespmem:s12], [sflag:$0x6] =	stream.linear.gather [hbm4b:s13+s12], $0x1000, $0x38;
	[tilespmem:$0x1F880] =	vst v63  }
0x1df: {  	_ =	swait.ge [sflag:s18], $0x1000  }
0x1e0: {  	[sflag:s18] =	ssyncset.done $0x0  }
0x1e1: {  	s15 =	rddreg [dreg:$0xa];
	[sflag:s18] =	ssyncadd.s32 $0xFFFFF000  }
0x1e2: {  	[tilespmem:s19], [sflag:$0x6] =	stream.linear.gather [hbm4b:s15+s12], $0x1000, $0x38;
	[tilespmem:$0x1F880] =	vst v63  }
0x1e3: {  	_ =	swait.ge [sflag:s18], $0x1000  }
0x1e4: {  	[sflag:s18] =	ssyncset.done $0x0  }
0x1e5: {  	[sflag:s18] =	ssyncadd.s32 $0xFFFFF000  }
0x1e6: {  	[tilespmem:s21], [sflag:$0x1] =	stream.indirect.gather [hbm4b:s4+s20], $0x80, s12, s20, $0xb8;
	[tilespmem:$0x1F880] =	vst v63  }
0x1e7: {  	_ = 	snop  }
0x1e8: {  	[tilespmem:s23], [sflag:$0x2] =	stream.indirect.gather [hbm4b:s4+s20], $0x80, s22, s20, $0xb8;
	[tilespmem:$0x1F880] =	vst v63  }
0x1e9: {  	_ =	swait.ge [sflag:s24], $0x2800  }
0x1ea: {  	[sflag:s24] =	ssyncset.done $0x0  }
0x1eb: {  	[sflag:s24] =	ssyncadd.s32 $0xFFFFD800  }
0x1ec: {  	[spmem:s1] =	stream.indirect.scatter.add.f32 [tilespmem:s21], [sflag:$0x5], $0x80, s19, s20, $0xb8;
	[tilespmem:$0x1F880] =	vst v63  }
0x1ed: {  	_ = 	snop  }
0x1ee: {  	[tilespmem:s26], [sflag:$0x3] =	stream.indirect.gather [hbm4b:s4+s20], $0x80, s25, s20, $0xb8;
	[tilespmem:$0x1F880] =	vst v63  }
0x1ef: {  	_ =	swait.ge [sflag:s28], $0x2800  }
0x1f0: {  	[sflag:s28] =	ssyncset.done $0x0  }
0x1f1: {  	[sflag:s28] =	ssyncadd.s32 $0xFFFFD800  }
0x1f2: {  	[spmem:s1] =	stream.indirect.scatter.add.f32 [tilespmem:s23], [sflag:$0x5], $0x80, s29, s20, $0xb8;
	[tilespmem:$0x1F880] =	vst v63  }
0x1f3: {  	_ = 	snop  }
0x1f4: {  	[tilespmem:s31], [sflag:$0x4] =	stream.indirect.gather [hbm4b:s4+s20], $0x80, s30, s20, $0xb8;
	[tilespmem:$0x1F880] =	vst v63  }
0x1f5: {  	_ =	swait.ge [sflag:s0], $0x2800  }
0x1f6: {  	[sflag:s0] =	ssyncset.done $0x0  }
0x1f7: {  	[sflag:s0] =	ssyncadd.s32 $0xFFFFD800  }
0x1f8: {  	[spmem:s1] =	stream.indirect.scatter.add.f32 [tilespmem:s26], [sflag:$0x5], $0x80, s2, s20, $0xb8;
	[tilespmem:$0x1F880] =	vst v63  }
0x1f9: {  	_ =	swait.ge [sflag:s5], $0x2800  }
0x1fa: {  	[sflag:s5] =	ssyncset.done $0x0  }
0x1fb: {  	[sflag:s5] =	ssyncadd.s32 $0xFFFFD800  }
0x1fc: {  	[tilespmem:s21], [sflag:$0x1] =	stream.indirect.gather [hbm4b:s4+s20], $0x80, s7, s20, $0xb8;
	[tilespmem:$0x1F880] =	vst v63  }
0x1fd: {  	_ =	swait.ge [sflag:s8], $0x2800  }
0x1fe: {  	[sflag:s8] =	ssyncset.done $0x0  }
0x1ff: {  	[sflag:s8] =	ssyncadd.s32 $0xFFFFD800  }
0x200: {  	[spmem:s1] =	stream.indirect.scatter.add.f32 [tilespmem:s31], [sflag:$0x5], $0x80, s9, s20, $0xb8;
	[tilespmem:$0x1F880] =	vst v63  }
0x201: {  	_ =	swait.ge [sflag:s5], $0x2800  }
0x202: {  	[sflag:s5] =	ssyncset.done $0x0  }
0x203: {  	[sflag:s5] =	ssyncadd.s32 $0xFFFFD800  }
0x204: {  	[tilespmem:s23], [sflag:$0x2] =	stream.indirect.gather [hbm4b:s4+s20], $0x80, s10, s20, $0xb8;
	[tilespmem:$0x1F880] =	vst v63  }
.LBB2_8:
0x205: {  	_ =	swait.ge [sflag:s24], $0x2800  }
0x206: {  	s13 =	sshra.s32 s12, $0x2;
	[sflag:s24] =	ssyncset.done $0x0  }
0x207: {  	s14 =	sadd.s32 $0x1200, s13;
	[sflag:s24] =	ssyncadd.s32 $0xFFFFD800  }
0x208: {  	[spmem:s1] =	stream.indirect.scatter.add.f32 [tilespmem:s21], [sflag:$0x5], $0x80, s14, s20, $0xb8;
	[tilespmem:$0x1F880] =	vst v63  }
0x209: {  	_ =	swait.ge [sflag:s5], $0x2800  }
0x20a: {  	[sflag:s5] =	ssyncset.done $0x0  }
0x20b: {  	s15 =	sadd.s32 $0x300, s13;
	[sflag:s5] =	ssyncadd.s32 $0xFFFFD800  }
0x20c: {  	[tilespmem:s26], [sflag:$0x3] =	stream.indirect.gather [hbm4b:s4+s20], $0x80, s15, s20, $0xb8;
	[tilespmem:$0x1F880] =	vst v63  }
0x20d: {  	_ =	swait.ge [sflag:s28], $0x2800  }
0x20e: {  	[sflag:s28] =	ssyncset.done $0x0  }
0x20f: {  	s15 =	sadd.s32 $0x1280, s13;
	[sflag:s28] =	ssyncadd.s32 $0xFFFFD800  }
0x210: {  	[spmem:s1] =	stream.indirect.scatter.add.f32 [tilespmem:s23], [sflag:$0x5], $0x80, s15, s20, $0xb8;
	[tilespmem:$0x1F880] =	vst v63  }
0x211: {  	_ =	swait.ge [sflag:s5], $0x2800  }
0x212: {  	[sflag:s5] =	ssyncset.done $0x0  }
0x213: {  	p0 =	seq.s32 s12, $0x3000;
	s15 =	sadd.s32 $0x380, s13;
	[sflag:s5] =	ssyncadd.s32 $0xFFFFD800  }
0x214: {  	[tilespmem:s31], [sflag:$0x4] =	stream.indirect.gather [hbm4b:s4+s20], $0x80, s15, s20, $0xb8;
	[tilespmem:$0x1F880] =	vst v63  }
.Ltmp6:
0x215: {  	_ = 	snop;
	(pc) =	sbr.rel @p0 .LBB2_10-.Ltmp6, $4  }
0x216: {  	_ =	swait.ge [sflag:s0], $0x2800  }
0x217: {  	[sflag:s0] =	ssyncset.done $0x0  }
0x218: {  	s14 =	sadd.s32 $0x1380, s13;
	s15 =	sadd.s32 $0x1300, s13;
	[sflag:s0] =	ssyncadd.s32 $0xFFFFD800  }
0x219: {  	[spmem:s1] =	stream.indirect.scatter.add.f32 [tilespmem:s26], [sflag:$0x5], $0x80, s15, s20, $0xb8;
	[tilespmem:$0x1F880] =	vst v63  }
0x21a: {  	_ =	swait.ge [sflag:s5], $0x2800  }
0x21b: {  	[sflag:s5] =	ssyncset.done $0x0  }
0x21c: {  	s15 =	sadd.s32 $0x400, s13;
	[sflag:s5] =	ssyncadd.s32 $0xFFFFD800  }
0x21d: {  	[tilespmem:s21], [sflag:$0x1] =	stream.indirect.gather [hbm4b:s4+s20], $0x80, s15, s20, $0xb8;
	[tilespmem:$0x1F880] =	vst v63  }
0x21e: {  	_ =	swait.ge [sflag:s8], $0x2800  }
0x21f: {  	[sflag:s8] =	ssyncset.done $0x0  }
0x220: {  	[sflag:s8] =	ssyncadd.s32 $0xFFFFD800  }
0x221: {  	[spmem:s1] =	stream.indirect.scatter.add.f32 [tilespmem:s31], [sflag:$0x5], $0x80, s14, s20, $0xb8;
	[tilespmem:$0x1F880] =	vst v63  }
.Ltmp7:
0x222: {  	_ = 	snop;
	(pc) =	sbr.rel .LBB2_8-.Ltmp7, $4  }
0x223: {  	_ =	swait.ge [sflag:s5], $0x2800  }
0x224: {  	[sflag:s5] =	ssyncset.done $0x0  }
0x225: {  	s12 =	sadd.s32 $0x800, s12;
	s15 =	sadd.s32 $0x480, s13;
	[sflag:s5] =	ssyncadd.s32 $0xFFFFD800  }
0x226: {  	[tilespmem:s23], [sflag:$0x2] =	stream.indirect.gather [hbm4b:s4+s20], $0x80, s15, s20, $0xb8;
	[tilespmem:$0x1F880] =	vst v63  }
.LBB2_11:
0x227: {  	_ =	sfence.sel $0x180000  }
0x228: {  	[bflag:$0x0] =	sbarrier.arrive $0xFFFF  }
0x229: {  	_ =	strace $0x9000004D  }
0x22a: {  	s0 =	stileid.u32;
	[bflag:$0x2] =	sbarrier.arrive $0xFFFF  }
0x22b: {  	p0 =	sne.s32 s0, $0x0;
	s0 =	rddreg [dreg:$0x3]  }
0x22c: {  	s0 =	sadd.s32 @!p0 $0x100000, s0  }
0x22d: {  	[sflag:s0] =	ssyncadd.tile.s32 @!p0 $0x1;
	_ =	shalt  }
.Lfunc_end2:
_tile_overlayer_lowered:
.L_overlay_start_2:
0x22e: {  	(tag) =	ssettag $0x2  }
0x22f: {  	s0 =	rddreg [dreg:$0x0];
	s2 =	stileid.u32  }
0x230: {  	s1 =	rddreg [dreg:$0x1];
	p0 =	sne.s32 s2, $0x0  }
0x231: {  	s3 =	rddreg [dreg:$0x2];
	[bflag:$0x3] =	sbarrier.arrive $0xFFFF;
	s2 =	simm.s32 @!p0 $0x1C06  }
0x232: {  	[timem:s3], [sflag:s2] =	dma.local @!p0 [hbm:s0], s1  }
0x233: {  	s0 =	simm.s32 @!p0 $0x6  }
0x234: {  	_ =	swait.ge @!p0 [sflag:s0], s1  }
0x235: {  	s1 =	ssub.s32 @!p0 $0x0, s1;
	[sflag:s0] =	ssyncset.done @!p0 $0x0  }
0x236: {  	[sflag:s0] =	ssyncadd.s32 @!p0 s1  }
0x237: {  	[bflag:$0x3] =	sbarrier.arrive $0xFFFF  }
0x238: {  	_ =	shalt  }

// kernel: kernel.8.cloned.1.call-start
scs
__scs_entry_jumppad:
0x0: {  	(pc) =	sbr.rel $0x88, $3  }
0x1: {  	(tag) =	ssettag $0x0;
	lr =	simm.s32 $0x1  }
0x2: {  	[smem:$0x3F99] =	sst lr;
	_ =	strace $0xD0000000  }
0x3: {  	_ = 	snop  }
0x4: {  	_ = 	snop  }
0x5: {  	_ = 	snop  }
0x6: {  	_ = 	snop  }
0x7: {  	_ = 	snop  }
__scs_overlays_trampoline_lowered:
0x8: {  	[smem:$0x3FA8] =	sst s0  }
0x9: {  	[smem:$0x3FA9] =	sst s1  }
0xa: {  	[smem:$0x3FAA] =	sst s2  }
0xb: {  	[smem:$0x3FAB] =	sst s3  }
0xc: {  	[smem:$0x3FAC] =	sst s4  }
0xd: {  	[smem:$0x3FAD] =	sst s5  }
0xe: {  	[smem:$0x3FAE] =	sst s6  }
0xf: {  	[smem:$0x3FAF] =	sst s7  }
0x10: {  	[smem:$0x3FB0] =	sst s8  }
0x11: {  	[smem:$0x3FB1] =	sst s9;
	s0 =	simm.s32 @!p0 $0x0  }
0x12: {  	s1 =	sld [smem:$0x3F97];
	s0 =	simm.s32 @p0 $0x1  }
0x13: {  	[smem:$0x3FB2] =	sst s0;
	s0 =	simm.s32 @!p1 $0x0  }
0x14: {  	s2 =	sld [smem:$0x3F96];
	s0 =	simm.s32 @p1 $0x1  }
0x15: {  	[smem:$0x3FB3] =	sst s0;
	s0 =	simm.s32 @!p2 $0x0  }
0x16: {  	s3 =	sld [smem:$0x3FDB];
	s0 =	simm.s32 @p2 $0x1  }
0x17: {  	s4 =	simm.s32 $0x1BF5;
	[smem:$0x3FB5] =	sst s0  }
0x18: {  	s0 =	sld [smem:$0x3F98];
	_ =	swait.ge [sflag:s4], $0x0  }
0x19: {  	s7 =	sld [smem:$0x3F99]  }
0x1a: {  	s8 =	sadd.s32 $0xFFFFE003, lr  }
0x1b: {  	s9 =	sadd.s32 $0xFFFFFEF7, lr;
	s5 =	simm.s32 $0xFFFFFFFF;
	p2 =	slt.u32 s8, $0xFFFFF086  }
0x1c: {  	p1 =	slt.u32 s9, $0xF7A;
	s5 =	simm.s32 @!p2 $0x0  }
0x1d: {  	s5 =	simm.s32 @p1 $0x1;
	p0 =	seq.s32 s7, s2  }
0x1e: {  	s7 =	smul.u32 @!p0 $0xF7A, s2;
	p2 =	seq.s32 @!p0 s5, $0x0  }
0x1f: {  	s9 =	smul.u32 $0xF7A, s1;
	s8 =	simm.s32 @!p0 $0x1BF5;
	p2 =	por !p2, p0  }
0x20: {  	[sflag:s8] =	ssyncset.s32 @!p0 $0xFFFFF086;
	s6 =	sadd.s32 @!p0 s3, s7;
	s7 =	simm.s32 @!p0 $0x108  }
0x21: {  	s3 =	sadd.s32 s3, s9;
	s6 =	sadd.s32 @!p0 $0x88, s6;
	s7 =	simm.s32 @p2 $0x1082  }
0x22: {  	[simem:s7], [sflag:s8] =	dma.local @!p0 [hbm:s6], $0xF7A  }
0x23: {  	s9 =	sor.u32 $0xD0000000, s2;
	s6 =	simm.s32 $0x108;
	_ =	swait.ge @!p0 [sflag:s8], $0x0  }
0x24: {  	s3 =	sadd.s32 $0x88, s3;
	s6 =	simm.s32 @!p1 $0x1082;
	[sflag:s4] =	ssyncset.s32 $0xFFFFF086  }
0x25: {  	[simem:s6], [sflag:s4] =	dma.local [hbm:s3], $0xF7A  }
0x26: {  	[smem:$0x3F99] =	sst s1;
	(tag) =	ssettag s2;
	_ =	strace s9  }
0x27: {  	s1 =	sld [smem:$0x3FA9]  }
0x28: {  	s2 =	sld [smem:$0x3FAA]  }
0x29: {  	s4 =	sld [smem:$0x3FAC]  }
0x2a: {  	p0 =	seq.s32 s5, $0x0;
	s5 =	sld [smem:$0x3FAD]  }
0x2b: {  	s6 =	sld [smem:$0x3FAE]  }
0x2c: {  	s7 =	sld [smem:$0x3FAF]  }
0x2d: {  	s3 =	simm.s32 $0x108;
	s8 =	sld [smem:$0x3FB0]  }
0x2e: {  	s3 =	simm.s32 @!p0 $0x1082;
	s9 =	sld [smem:$0x3FB1]  }
0x2f: {  	lr =	sadd.s32 s0, s3;
	s0 =	sld [smem:$0x3FA8]  }
0x30: {  	s3 =	sld [smem:$0x3FAB]  }
0x31: {  	[smem:$0x3FB4] =	sst s10  }
0x32: {  	s10 =	sld [smem:$0x3FB2];
	_ =	sdelay $0x3  }
0x33: {  	p0 =	seq.s32 s10, $0x1;
	s10 =	sld [smem:$0x3FB4];
	_ =	sdelay $0x3  }
0x34: {  	[smem:$0x3FB4] =	sst s10  }
0x35: {  	s10 =	sld [smem:$0x3FB3];
	_ =	sdelay $0x3  }
0x36: {  	p1 =	seq.s32 s10, $0x1;
	s10 =	sld [smem:$0x3FB4];
	_ =	sdelay $0x3  }
0x37: {  	[smem:$0x3FB4] =	sst s10  }
0x38: {  	s10 =	sld [smem:$0x3FB5]  }
0x39: {  	_ = 	snop;
	(pc) =	sbr.ind lr, $3  }
0x3a: {  	_ = 	snop  }
0x3b: {  	_ = 	snop  }
0x3c: {  	p2 =	seq.s32 s10, $0x1;
	s10 =	sld [smem:$0x3FB4]  }
0x3d: {  	_ =	shalt  }
0x3e: {  	_ =	shalt  }
0x3f: {  	_ =	shalt  }
0x40: {  	_ =	shalt  }
0x41: {  	_ =	shalt  }
0x42: {  	_ =	shalt  }
0x43: {  	_ =	shalt  }
0x44: {  	_ =	shalt  }
0x45: {  	_ =	shalt  }
0x46: {  	_ =	shalt  }
0x47: {  	_ =	shalt  }
0x48: {  	_ =	shalt  }
0x49: {  	_ =	shalt  }
0x4a: {  	_ =	shalt  }
0x4b: {  	_ =	shalt  }
0x4c: {  	_ =	shalt  }
0x4d: {  	_ =	shalt  }
0x4e: {  	_ =	shalt  }
0x4f: {  	_ =	shalt  }
0x50: {  	_ =	shalt  }
0x51: {  	_ =	shalt  }
0x52: {  	_ =	shalt  }
0x53: {  	_ =	shalt  }
0x54: {  	_ =	shalt  }
0x55: {  	_ =	shalt  }
0x56: {  	_ =	shalt  }
0x57: {  	_ =	shalt  }
0x58: {  	_ =	shalt  }
0x59: {  	_ =	shalt  }
0x5a: {  	_ =	shalt  }
0x5b: {  	_ =	shalt  }
0x5c: {  	_ =	shalt  }
0x5d: {  	_ =	shalt  }
0x5e: {  	_ =	shalt  }
0x5f: {  	_ =	shalt  }
0x60: {  	_ =	shalt  }
0x61: {  	_ =	shalt  }
0x62: {  	_ =	shalt  }
0x63: {  	_ =	shalt  }
0x64: {  	_ =	shalt  }
0x65: {  	_ =	shalt  }
0x66: {  	_ =	shalt  }
0x67: {  	_ =	shalt  }
0x68: {  	_ =	shalt  }
0x69: {  	_ =	shalt  }
0x6a: {  	_ =	shalt  }
0x6b: {  	_ =	shalt  }
0x6c: {  	_ =	shalt  }
0x6d: {  	_ =	shalt  }
0x6e: {  	_ =	shalt  }
0x6f: {  	_ =	shalt  }
0x70: {  	_ =	shalt  }
0x71: {  	_ =	shalt  }
0x72: {  	_ =	shalt  }
0x73: {  	_ =	shalt  }
0x74: {  	_ =	shalt  }
0x75: {  	_ =	shalt  }
0x76: {  	_ =	shalt  }
0x77: {  	_ =	shalt  }
0x78: {  	_ =	shalt  }
0x79: {  	_ =	shalt  }
0x7a: {  	_ =	shalt  }
0x7b: {  	_ =	shalt  }
0x7c: {  	_ =	shalt  }
0x7d: {  	_ =	shalt  }
0x7e: {  	_ =	shalt  }
0x7f: {  	_ =	shalt  }
0x80: {  	_ =	shalt  }
0x81: {  	_ =	shalt  }
0x82: {  	_ =	shalt  }
0x83: {  	_ =	shalt  }
0x84: {  	_ =	shalt  }
0x85: {  	_ =	shalt  }
0x86: {  	_ =	shalt  }
0x87: {  	_ =	shalt  }
.Lfunc_end0:
.L_simem_size_0:
called_computation_lowered:
.L_overlay_start_0:
0x88: {  	s2 =	sld [smem:$0x3FD9]  }
0x89: {  	s3 =	sld [smem:$0x3FFE];
	_ =	sdelay $0x1  }
0x8a: {  	s1 =	srdreg.scid  }
0x8b: {  	s0 =	sand.u32 $0x1, s1  }
0x8c: {  	s17 =	sshll.u32 s0, $0xA;
	s2 =	sadd.s32 s3, s2  }
0x8d: {  	s2 =	sadd.s32 s2, s17  }
0x8e: {  	[smem:$0x3FC0] =	sst s2  }
0x8f: {  	_ = 	snop  }
0x90: {  	s2 =	sld [smem:$0x3FD0];
	(tm) =	ssettm $0x1  }
0x91: {  	s18 =	sld [smem:$0x3FFB];
	_ =	sdelay $0x3  }
0x92: {  	_ =	strace s18  }
0x93: {  	s3 =	sld [smem:$0x3FFC];
	_ =	sdelay $0x3  }
0x94: {  	_ =	strace s3  }
0x95: {  	s3 =	sld [smem:$0x3FFD];
	_ =	sdelay $0x3  }
0x96: {  	_ =	strace s3  }
0x97: {  	_ =	strace $0x8FFFFFFF  }
0x98: {  	s19 =	sld [smem:$0x3FDB];
	_ =	sdelay $0x1  }
0x99: {  	s4 =	simm.s32 $_scs_section_size  }
0x9a: {  	s5 =	simm.s32 $_size__tile_overlayer_lowered;
	s6 =	simm.s32 $_tile_overlayer_lowered  }
0x9b: {  	s22 =	simm.s32 $0x1BFF;
	s21 =	sshll.u32 s6, $0x1;
	s3 =	sadd.s32 s4, s19  }
0x9c: {  	s7 =	simm.s32 $0x0;
	s20 =	sshll.u32 s5, $0x1;
	s5 =	sadd.s32 s21, s3  }
0x9d: {  	[timem:s7], [sflag:s22] =	dma.local [hbm:s5], s20  }
0x9e: {  	_ =	swait.ge [sflag:s22], s20  }
0x9f: {  	s4 =	ssub.s32 $0x0, s20;
	[sflag:s22] =	ssyncset.done $0x0  }
0xa0: {  	[sflag:s22] =	ssyncadd.s32 s4;
	_ =	sdelay $0x1  }
0xa1: {  	s23 =	simm.s32 $0x1B8B  }
0xa2: {  	_ =	swait.ge [sflag:s23], $0x1  }
0xa3: {  	[sflag:s23] =	ssyncset.done $0x0  }
0xa4: {  	s25 =	simm.s32 $0x1B8E;
	s24 =	sld [smem:$0x3FFE];
	[sflag:s23] =	ssyncadd.s32 $0xFFFFFFFF  }
0xa5: {  	s26 =	simm.s32 $execute0_lowered;
	[smem:$0x3FD2] =	sst s25  }
0xa6: {  	s5 =	sshll.u32 s26, $0x1;
	_ =	strace $0x80000046;
	[dreg:$0x1] =	wrdreg $0xFFFFFFFF  }
0xa7: {  	s28 =	simm.s32 $_size_execute0_lowered;
	s3 =	sadd.s32 s3, s5;
	[dreg:$0x0] =	wrdreg $0x0  }
0xa8: {  	s5 =	sshll.u32 s28, $0x1;
	[dreg:$0x2] =	wrdreg s3  }
0xa9: {  	[dreg:$0x3] =	wrdreg s5  }
0xaa: {  	[dreg:$0x4] =	wrdreg $0xC0  }
0xab: {  	_ =	task [dreg:s7], $0x5FFFF  }
0xac: {  	[dreg:$0x1] =	wrdreg $0xFFFFFFFF  }
0xad: {  	[dreg:$0x0] =	wrdreg $0x60  }
0xae: {  	[dreg:$0x2] =	wrdreg s2  }
0xaf: {  	[dreg:$0x3] =	wrdreg s24  }
0xb0: {  	[dreg:$0x4] =	wrdreg $0x68000  }
0xb1: {  	[dreg:$0x5] =	wrdreg $0x9  }
0xb2: {  	_ =	task.clear_ibuf [dreg:s7], $0x6FFFF;
	_ =	strace $0x90000046  }
0xb3: {  	s29 =	simm.s32 $0x9;
	_ =	strace $0x80000048  }
0xb4: {  	_ =	swait.ge [sflag:s29], $0x1  }
0xb5: {  	[sflag:s29] =	ssyncadd.s32 $0xFFFFFFFF  }
0xb6: {  	_ =	strace $0x90000048  }
0xb7: {  	_ =	sfence  }
0xb8: {  	s30 =	sld [smem:$0x0];
	_ =	sdelay $0x2  }
0xb9: {  	s31 =	sshll.u32 s1, $0xD;
	s1 =	sshrl.u32 s1, $0x2  }
0xba: {  	s3 =	sand.u32 $0x4000, s31;
	s1 =	sadd.s32 s1, s30  }
0xbb: {  	s0 =	sor.u32 s3, s0;
	s1 =	sshll.u32 s1, $0x11  }
0xbc: {  	s0 =	sor.u32 s1, s0  }
0xbd: {  	s0 =	sadd.s32 $0x8F2B, s0  }
0xbe: {  	[sflag:s0] =	ssyncadd.remote.s32 $0x1  }
0xbf: {  	_ =	sfence.sel $0xFFFF  }
0xc0: {  	[dreg:$0x0] =	wrdreg $0xFFFFFFFF;
	(pc) =	sbr.abs _section_cstart, $3  }
0xc1: {  	[dreg:$0x1] =	wrdreg $0xFFFFFFFF  }
0xc2: {  	_ =	task.clear_ibuf [dreg:s7], $0x2FFFF;
	_ =	strace $0x9FFFFFFF  }
0xc3: {  	(tm) =	ssettm $0x7FFFFFFF  }
tec
execute0_lowered:
.L_overlay_start_1:
0x0: {  	(tag) =	ssettag $0x1  }
0x1: {  	s7 =	rddreg [dreg:$0x0]  }
0x2: {  	s6 =	rddreg [dreg:$0x1]  }
0x3: {  	s1 =	rddreg [dreg:$0x2];
	s2 =	srdreg.scid  }
0x4: {  	s0 =	rddreg [dreg:$0x3];
	s3 =	simm.s32 $0x0;
	s13 =	simm.s32 $0x50  }
0x5: {  	s14 =	simm.s32 $0x1;
	s8 =	sand.u32 $0x1, s2;
	s2 =	stileid.u32  }
0x6: {  	s15 =	simm.s32 $0x0;
	[smem:$0x7FF] =	sst s3;
	s5 =	smul.u32 $0x13C000, s8  }
0x7: {  	s4 =	sadd.s32 $0x5000, s6;
	s9 =	smul.u32 $0x13C00, s2;
	_ =	strace $0x80000047  }
0x8: {  	s10 =	ssub.s32 $0x2, s8;
	s11 =	smul.u32 $0x4E200, s2;
	s30 =	sshll.u32 s2, $0x6  }
0x9: {  	s31 =	sshll.u32 s2, $0xB;
	s8 =	sshll.u32 s8, $0xF;
	s12 =	sshrl.u32 s10, $0x1  }
0xa: {  	s7 =	sadd.s32 s7, s31;
	s9 =	sadd.s32 s9, s5;
	s5 =	sadd.s32 $0x2800, s6  }
0xb: {  	s10 =	ssub.s32 s10, s12;
	s29 =	sshrl.u32 s11, $0x2;
	s9 =	sshrl.u32 s9, $0x3  }
0xc: {  	s7 =	sadd.s32 s8, s7;
	s12 =	simm.s32 $0x4000;
	s9 =	sadd.s32 s9, s6  }
0xd: {  	s11 =	sadd.s32 s29, s1;
	s6 =	sor.u32 $0x1C02, s30;
	s8 =	sadd.s32 $0x5600, s9  }
0xe: {  	s9 =	smax.u32 s10, $0x1;
	s10 =	sshrl.u32 s11, $0x3;
	s11 =	simm.s32 $0x2  }
.LBB2_1:
0xf: {  	[spmem:s10], [sflag:s6] =	dma.local [hbm:s5], $0x2710  }
0x10: {  	_ =	swait.ge [sflag:s11], $0x2710  }
0x11: {  	[sflag:s11] =	ssyncset.done $0x0  }
0x12: {  	[sflag:s11] =	ssyncadd.s32 $0xFFFFD8F0  }
0x13: {  	[tilespmem:s3], [sflag:$0x2] =	stream.linear.gather [hbm4b:s7+s3], $0x3E80, $0x38;
	[tilespmem:$0x1A080] =	vst v63  }
0x14: {  	_ =	swait.ge [sflag:s11], $0x3E80  }
0x15: {  	[sflag:s11] =	ssyncset.done $0x0  }
0x16: {  	[sflag:s11] =	ssyncadd.s32 $0xFFFFC180  }
0x17: {  	[tilespmem:s12], [sflag:$0x2] =	stream.linear.gather [hbm4b:s4+s3], $0x2800, $0x38;
	[tilespmem:$0x1A080] =	vst v63  }
0x18: {  	_ =	swait.ge [sflag:s11], $0x2800  }
0x19: {  	[sflag:s11] =	ssyncset.done $0x0  }
0x1a: {  	[sflag:s11] =	ssyncadd.s32 $0xFFFFD800  }
0x1b: {  	s16 =	simm.s32 $0x0;
	[bflag:$0x0] =	sbarrier.arrive $0xFFFF  }
.LBB2_2:
0x1c: {  	p0 =	sne.s32 s16, $0xF800  }
.Ltmp0:
0x1d: {  	_ = 	snop;
	(pc) =	sbr.rel @p0 .LBB2_2-.Ltmp0, $3  }
0x1e: {  	_ =	sdelay $0x1  }
0x1f: {  	s17 =	sshra.s32 s16, $0x2;
	s16 =	sadd.s32 $0x200, s16  }
0x20: {  	[spmem:s1] =	stream.indirect.scatter.add.f32 [tilespmem:s12], [sflag:$0x1], $0x80, s17, s13, $0xb8;
	[tilespmem:$0x1A080] =	vst v63  }
0x21: {  	_ =	swait.ge [sflag:s14], $0x2800  }
0x22: {  	s16 =	simm.s32 $0x7C;
	[sflag:s14] =	ssyncset.done $0x0  }
.LBB2_4:
0x23: {  	p0 =	sne.s32 s16, $0x1;
	s16 =	sadd.s32 $0xFFFFFFFF, s16;
	[sflag:s14] =	ssyncadd.s32 $0xFFFFD800  }
.Ltmp1:
0x24: {  	(pc) =	sbr.rel @p0 .LBB2_4-.Ltmp1, $3  }
0x25: {  	_ =	sdelay $0x1  }
0x26: {  	_ =	swait.ge [sflag:s14], $0x2800  }
0x27: {  	[sflag:s14] =	ssyncset.done $0x0  }
0x28: {  	s15 =	sadd.s32 $0x1, s15  }
0x29: {  	[sflag:s14] =	ssyncadd.s32 $0xFFFFD800;
	p0 =	sne.s32 s15, s9  }
.Ltmp2:
0x2a: {  	[bflag:$0x0] =	sbarrier.arrive $0xFFFF;
	(pc) =	sbr.rel @p0 .LBB2_1-.Ltmp2, $4  }
0x2b: {  	[hbm:s8], [sflag:s6] =	dma.local [spmem:s10], $0x2710  }
0x2c: {  	_ =	swait.ge [sflag:s11], $0x2710  }
0x2d: {  	[sflag:s11] =	ssyncset.done $0x0  }
0x2e: {  	[sflag:s11] =	ssyncadd.s32 $0xFFFFD8F0  }
0x2f: {  	_ =	sfence.sel $0x180000  }
0x30: {  	[bflag:$0x0] =	sbarrier.arrive $0xFFFF  }
0x31: {  	p0 =	sne.s32 s2, $0x0;
	_ =	strace $0x90000047  }
0x32: {  	s0 =	sadd.s32 @!p0 $0x100000, s0;
	[bflag:$0x2] =	sbarrier.arrive $0xFFFF  }
0x33: {  	[sflag:s0] =	ssyncadd.tile.s32 @!p0 $0x1;
	_ =	shalt  }
.Lfunc_end2:
_tile_overlayer_lowered:
.L_overlay_start_2:
0x34: {  	(tag) =	ssettag $0x2  }
0x35: {  	s0 =	rddreg [dreg:$0x0];
	s2 =	stileid.u32  }
0x36: {  	s1 =	rddreg [dreg:$0x1];
	p0 =	sne.s32 s2, $0x0  }
0x37: {  	s3 =	rddreg [dreg:$0x2];
	[bflag:$0x3] =	sbarrier.arrive $0xFFFF;
	s2 =	simm.s32 @!p0 $0x1C02  }
0x38: {  	[timem:s3], [sflag:s2] =	dma.local @!p0 [hbm:s0], s1  }
0x39: {  	s0 =	simm.s32 @!p0 $0x2  }
0x3a: {  	_ =	swait.ge @!p0 [sflag:s0], s1  }
0x3b: {  	s1 =	ssub.s32 @!p0 $0x0, s1;
	[sflag:s0] =	ssyncset.done @!p0 $0x0  }
0x3c: {  	[sflag:s0] =	ssyncadd.s32 @!p0 s1  }
0x3d: {  	[bflag:$0x3] =	sbarrier.arrive $0xFFFF  }
0x3e: {  	_ =	shalt  }

</sc_bundles>
